<compile_context>
chip_gen: v7x
topology: tpu7x:2x2x1
jax: 0.10.2.dev20260603
libtpu: 0.0.44.dev20260713+nightly
codegen_flags: <defaults>
</compile_context>

<pallas_src>
import jax
import jax.numpy as jnp
from jax import lax
from jax.experimental import pallas as pl
from jax.experimental.pallas import tpu as pltpu
from jax.experimental.pallas import tpu_sc as plsc

N = 10000
E = 320000
D_IN = 128
D_HID = 256
D_OUT = 64
HALF = D_HID // 2

NC = 2
NS = 16
NP = 10112
RPT = NP // NS
EB = 128
GB = 8
EPAD = 327680
NBAT = EPAD // EB
CORE0_GROUPS = 15

_MESH = dict(core_axis_name="c", subcore_axis_name="s")


def _edge_loop(ngroups, batch0, srcp, dstp, g_hbm, slab, srcv, dstv, rows, sems):
    HB = 2 * GB

    def group(g, carry):
        hb0 = pl.multiple_of((batch0 + g * GB) * 2, 16)
        pltpu.sync_copy(srcp.at[pl.ds(hb0, HB)], srcv)
        pltpu.sync_copy(dstp.at[pl.ds(hb0, HB)], dstv)
        descs = [pltpu.async_copy(g_hbm.at[srcv.at[h]], rows[h], sems[h])
                 for h in range(4)]
        for h in range(HB):
            r = h % 4
            descs[r].wait()
            pltpu.sync_copy(rows[r], slab.at[dstv.at[h]], add=True)
            if h < HB - 4:
                descs[r] = pltpu.async_copy(
                    g_hbm.at[srcv.at[h + 4]], rows[r], sems[r])
        return carry
    lax.fori_loop(0, ngroups, group, 0)



def _deg_body(dstp, ones_hbm, zrows_hbm, deg2, onesv, dstv, slab):
    c = lax.axis_index("c")
    s = lax.axis_index("s")
    r0 = s * RPT
    pltpu.sync_copy(zrows_hbm, slab.at[pl.ds(r0, RPT)])
    pltpu.sync_copy(ones_hbm, onesv)
    plsc.subcore_barrier()
    batch0 = (c * NS + s) * (NBAT // (NC * NS))
    ngroups = NBAT // (NC * NS * GB)

    def group(g, carry):
        gb0 = pl.multiple_of(batch0 + g * GB, 8)
        pltpu.sync_copy(dstp.at[pl.ds(gb0, GB)], dstv)
        for b in range(GB):
            pltpu.sync_copy(onesv, slab.at[dstv.at[b]], add=True)
        return carry
    lax.fori_loop(0, ngroups, group, 0)
    plsc.subcore_barrier()
    w0 = pl.multiple_of(c * NP + r0, 8)
    pltpu.sync_copy(slab.at[pl.ds(r0, RPT)], deg2.at[pl.ds(w0, RPT)])


def _deg(dstp):
    f = pl.kernel(
        _deg_body,
        mesh=plsc.VectorSubcoreMesh(**_MESH),
        out_type=jax.ShapeDtypeStruct((2 * NP, HALF), jnp.float32),
        scratch_types=[
            pltpu.VMEM((EB, HALF), jnp.float32),
            pltpu.VMEM((GB, EB), jnp.int32),
            pltpu.VMEM_SHARED((NP, HALF), jnp.float32),
        ],
    )
    ones = jnp.ones((EB, HALF), jnp.float32)
    zrows = jnp.zeros((RPT, HALF), jnp.float32)
    deg2 = f(dstp, ones, zrows)
    return deg2[:NP], deg2[NP:]



def _c2_body(g2, srcp, dstp, zrows, sA, sB, srcv, dstv,
             rows0, rows1, rows2, rows3, slab, sem0, sem1, sem2, sem3):
    c = lax.axis_index("c")
    s = lax.axis_index("s")
    r0 = s * RPT
    rows = [rows0, rows1, rows2, rows3]
    sems = [sem0, sem1, sem2, sem3]
    pltpu.sync_copy(zrows, slab.at[pl.ds(r0, RPT)])
    plsc.subcore_barrier()
    tpg = NBAT // (NS * GB)
    a = CORE0_GROUPS
    batch0 = s * (NBAT // NS) + c * (a * GB)
    ngroups = jnp.where(c == 0, a, tpg - a)
    _edge_loop(ngroups, batch0, srcp, dstp, g2, slab, srcv, dstv, rows, sems)
    plsc.subcore_barrier()

    @pl.when(c == 0)
    def _():
        pltpu.sync_copy(slab.at[pl.ds(r0, RPT)], sA.at[pl.ds(r0, RPT)])

    @pl.when(c == 1)
    def _():
        pltpu.sync_copy(slab.at[pl.ds(r0, RPT)], sB.at[pl.ds(r0, RPT)])


def _c2(g2, srcp, dstp):
    f = pl.kernel(
        _c2_body,
        mesh=plsc.VectorSubcoreMesh(**_MESH),
        out_type=[jax.ShapeDtypeStruct((NP, HALF), jnp.float32)] * 2,
        scratch_types=[
            pltpu.VMEM((2 * GB, EB // 2), jnp.int32),
            pltpu.VMEM((2 * GB, EB // 2), jnp.int32),
            pltpu.VMEM((EB // 2, HALF), jnp.float32),
            pltpu.VMEM((EB // 2, HALF), jnp.float32),
            pltpu.VMEM((EB // 2, HALF), jnp.float32),
            pltpu.VMEM((EB // 2, HALF), jnp.float32),
            pltpu.VMEM_SHARED((NP, HALF), jnp.float32),
            pltpu.SemaphoreType.DMA,
            pltpu.SemaphoreType.DMA,
            pltpu.SemaphoreType.DMA,
            pltpu.SemaphoreType.DMA,
        ],
    )
    zrows = jnp.zeros((RPT, HALF), jnp.float32)
    return f(g2, srcp, dstp, zrows)



BM = 1000


def _b0_body(x_ref, da_ref, db_ref, xs_ref, dinv_ref):
    deg = da_ref[:, :1] + db_ref[:, :1] + 1.0
    dinv = lax.rsqrt(deg)
    xs_ref[:] = x_ref[:] * dinv
    dinv_ref[:] = dinv


def _b0(x, degA, degB):
    return pl.pallas_call(
        _b0_body,
        grid=(N // BM,),
        in_specs=[
            pl.BlockSpec((BM, D_IN), lambda i: (i, 0)),
            pl.BlockSpec((BM, HALF), lambda i: (i, 0)),
            pl.BlockSpec((BM, HALF), lambda i: (i, 0)),
        ],
        out_specs=[
            pl.BlockSpec((BM, D_IN), lambda i: (i, 0)),
            pl.BlockSpec((BM, 1), lambda i: (i, 0)),
        ],
        out_shape=[
            jax.ShapeDtypeStruct((N, D_IN), jnp.float32),
            jax.ShapeDtypeStruct((N, 1), jnp.float32),
        ],
    )(x, degA, degB)


def _b1_body(pa_ref, pb_ref, xs_ref, dinv_ref, b_ref, w1_ref, w2_ref, g2_ref):
    dinv = dinv_ref[:]
    t = (pa_ref[:, :D_IN] + pb_ref[:, :D_IN] + xs_ref[:]) * dinv
    h1 = jnp.dot(t, w1_ref[:], preferred_element_type=jnp.float32) + b_ref[:]
    a = jnp.maximum(h1, 0.0)
    h2 = jnp.dot(a, w2_ref[:], preferred_element_type=jnp.float32)
    g2_ref[:] = jnp.concatenate(
        [h2 * dinv, jnp.zeros((BM, HALF - D_OUT), jnp.float32)], axis=1)


def _b1(pA, pB, xs, dinv, b1, W1, W2):
    return pl.pallas_call(
        _b1_body,
        grid=(N // BM,),
        in_specs=[
            pl.BlockSpec((BM, HALF), lambda i: (i, 0)),
            pl.BlockSpec((BM, HALF), lambda i: (i, 0)),
            pl.BlockSpec((BM, D_IN), lambda i: (i, 0)),
            pl.BlockSpec((BM, 1), lambda i: (i, 0)),
            pl.BlockSpec((1, D_HID), lambda i: (0, 0)),
            pl.BlockSpec((D_IN, D_HID), lambda i: (0, 0)),
            pl.BlockSpec((D_HID, D_OUT), lambda i: (0, 0)),
        ],
        out_specs=pl.BlockSpec((BM, HALF), lambda i: (i, 0)),
        out_shape=jax.ShapeDtypeStruct((N, HALF), jnp.float32),
    )(pA, pB, xs, dinv, b1, W1, W2)


def _b3_body(sa_ref, sb_ref, g2_ref, dinv_ref, b_ref, out_ref):
    tot = sa_ref[:, :D_OUT] + sb_ref[:, :D_OUT] + g2_ref[:, :D_OUT]
    out_ref[:] = tot * dinv_ref[:] + b_ref[:]


def _b3(sA, sB, g2, dinv, b2):
    return pl.pallas_call(
        _b3_body,
        grid=(N // BM,),
        in_specs=[
            pl.BlockSpec((BM, HALF), lambda i: (i, 0)),
            pl.BlockSpec((BM, HALF), lambda i: (i, 0)),
            pl.BlockSpec((BM, HALF), lambda i: (i, 0)),
            pl.BlockSpec((BM, 1), lambda i: (i, 0)),
            pl.BlockSpec((1, D_OUT), lambda i: (0, 0)),
        ],
        out_specs=pl.BlockSpec((BM, D_OUT), lambda i: (i, 0)),
        out_shape=jax.ShapeDtypeStruct((N, D_OUT), jnp.float32),
    )(sA, sB, g2, dinv, b2)


def kernel(features, indices, W1, b1, W2, b2):
    pad = EPAD - E
    dump = N + jax.lax.rem(jnp.arange(pad, dtype=jnp.int32),
                           jnp.int32(NP - N))
    srcf = jnp.concatenate([indices[0], jnp.zeros((pad,), jnp.int32)])
    dstf = jnp.concatenate([indices[1], dump])
    dstp = dstf.reshape(NBAT, EB)
    srcp = srcf.reshape(2 * NBAT, EB // 2)
    dstp2 = dstf.reshape(2 * NBAT, EB // 2)
    degA, degB = _deg(dstp)
    xs, dinv = _b0(features, degA, degB)
    pA, pB = _c2(xs, srcp, dstp2)
    g2 = _b1(pA, pB, xs, dinv, b1.reshape(1, D_HID), W1, W2)
    sA, sB = _c2(g2, srcp, dstp2)
    return _b3(sA, sB, g2, dinv, b2.reshape(1, D_OUT))

# --- scband reference (transcript-rebuilt; emitter-appended) ---
"""Pipeline reference for scband-gcn-60086592471430 (READ-ONLY COPY).

The authoritative reference and input builder live on the scoring server;
editing this copy changes nothing except your own understanding.
"""

import jax, jax.numpy as jnp
import numpy as np

N_NODES = 10000
N_EDGES = 320000
D_IN = 128
D_HID = 256
D_OUT = 64


def gcn_conv(x, edge_index, W, b, num_nodes):
    # Linear transform first (PyG GCNConv applies lin then propagate)
    h = x @ W
    src = edge_index[0]
    dst = edge_index[1]
    # add self-loops
    loop = jnp.arange(num_nodes, dtype=edge_index.dtype)
    src = jnp.concatenate([src, loop])
    dst = jnp.concatenate([dst, loop])
    # symmetric normalization D^{-1/2} (A+I) D^{-1/2}
    deg = jnp.zeros((num_nodes,), dtype=h.dtype).at[dst].add(1.0)
    dinv = jnp.where(deg > 0, jax.lax.rsqrt(deg), 0.0)
    norm = dinv[src] * dinv[dst]
    msg = h[src] * norm[:, None]
    out = jnp.zeros((num_nodes, h.shape[1]), dtype=h.dtype).at[dst].add(msg)
    return out + b


def setup_inputs(seed: int = 0) -> dict:
    key = jax.random.key(seed)
    ks = jax.random.split(key, 6)
    features = jax.random.normal(ks[0], (N_NODES, D_IN), dtype=jnp.float32)
    indices = jax.random.randint(ks[1], (2, N_EDGES), 0, N_NODES, dtype=jnp.int32)
    s1 = 1.0 / np.sqrt(D_IN)
    s2 = 1.0 / np.sqrt(D_HID)
    W1 = jax.random.uniform(ks[2], (D_IN, D_HID), dtype=jnp.float32, minval=-s1, maxval=s1)
    b1 = jnp.zeros((D_HID,), dtype=jnp.float32)
    W2 = jax.random.uniform(ks[3], (D_HID, D_OUT), dtype=jnp.float32, minval=-s2, maxval=s2)
    b2 = jnp.zeros((D_OUT,), dtype=jnp.float32)
    return {"features": features, "indices": indices, "W1": W1, "b1": b1, "W2": W2, "b2": b2}


def reference(features, indices, W1, b1, W2, b2):
    h1 = gcn_conv(features, indices, W1, b1, N_NODES)
    h2 = jax.nn.relu(h1)
    # dropout is identity in eval mode
    out = gcn_conv(h2, indices, W2, b2, N_NODES)
    return out

if __name__ == "__main__":
    import jax
    _d = setup_inputs()
    print(jax.jit(kernel)(*tuple(_d.values())))

</pallas_src>

<mosaic_0001>
#map = affine_map<(d0, d1) -> (0, 0)>
module attributes {stable_mosaic.version = 14 : i64} {
  func.func @_deg_body(%arg0: i32, %arg1: i32, %arg2: memref<2560x128xi32, #tpu.memory_space<hbm>>, %arg3: memref<128x128xf32, #tpu.memory_space<hbm>>, %arg4: memref<632x128xf32, #tpu.memory_space<hbm>>, %arg5: memref<20224x128xf32, #tpu.memory_space<hbm>>, %arg6: memref<128x128xf32, #tpu.memory_space<vmem>>, %arg7: memref<8x128xi32, #tpu.memory_space<vmem>>, %arg8: memref<10112x128xf32, #tpu.memory_space<vmem_shared>>) attributes {dimension_semantics = [#tpu.dimension_semantics<core_parallel>, #tpu.dimension_semantics<subcore_parallel>], iteration_bounds = array<i64: 2, 16>, scalar_prefetch = 0 : i64, scratch_operands = 3 : i64, tpu.core_type = #tpu.core_type<sc_vector_subcore>, window_params = [{transform_indices = #map}, {transform_indices = #map}, {transform_indices = #map}, {transform_indices = #map}]} {
    %mul3A = arith.constant 632 : i32
    %mul3A_0 = arith.muli %arg1, %mul3A : i32
    "tpu.region"() ({
      %run_scoped3A = tpu.sem_alloc : memref<!tpu.dma_semaphore, #tpu.memory_space<semaphore_mem>>
      %dma_start3A = arith.constant 0 : i32
      %dma_start3A_14 = tpu.memref_slice %arg8[%mul3A_0, %dma_start3A] : memref<10112x128xf32, #tpu.memory_space<vmem_shared>> -> memref<632x128xf32, #tpu.memory_space<vmem_shared>>
      tpu.enqueue_dma source(%arg4 : memref<632x128xf32, #tpu.memory_space<hbm>>) target(%dma_start3A_14 : memref<632x128xf32, #tpu.memory_space<vmem_shared>>) target_semaphore(%run_scoped3A : memref<!tpu.dma_semaphore, #tpu.memory_space<semaphore_mem>>)
      %dma_wait3A = arith.constant 0 : i32
      %dma_wait3A_15 = tpu.memref_slice %arg8[%mul3A_0, %dma_wait3A] : memref<10112x128xf32, #tpu.memory_space<vmem_shared>> -> memref<632x128xf32, #tpu.memory_space<vmem_shared>>
      tpu.wait_dma2 semaphore(%run_scoped3A : memref<!tpu.dma_semaphore, #tpu.memory_space<semaphore_mem>>) src(%arg4 : memref<632x128xf32, #tpu.memory_space<hbm>>) dst(%dma_wait3A_15 : memref<632x128xf32, #tpu.memory_space<vmem_shared>>)
      tpu.yield
    }) : () -> ()
    "tpu.region"() ({
      %run_scoped3A = tpu.sem_alloc : memref<!tpu.dma_semaphore, #tpu.memory_space<semaphore_mem>>
      tpu.enqueue_dma source(%arg3 : memref<128x128xf32, #tpu.memory_space<hbm>>) target(%arg6 : memref<128x128xf32, #tpu.memory_space<vmem>>) target_semaphore(%run_scoped3A : memref<!tpu.dma_semaphore, #tpu.memory_space<semaphore_mem>>)
      tpu.wait_dma2 semaphore(%run_scoped3A : memref<!tpu.dma_semaphore, #tpu.memory_space<semaphore_mem>>) src(%arg3 : memref<128x128xf32, #tpu.memory_space<hbm>>) dst(%arg6 : memref<128x128xf32, #tpu.memory_space<vmem>>)
      tpu.yield
    }) : () -> ()
    %barrier3A = arith.constant 0 : index
    tpu.barrier barrier_id(%barrier3A)
    %mul3A_1 = arith.constant 16 : i32
    %mul3A_2 = arith.muli %arg0, %mul3A_1 : i32
    %add3A = arith.addi %mul3A_2, %arg1 : i32
    %mul3A_3 = arith.constant 80 : i32
    %mul3A_4 = arith.muli %add3A, %mul3A_3 : i32
    %scan3A = arith.constant 0 : i32
    %scan3A_5 = arith.constant 0 : i32
    %scan3A_6 = arith.constant 10 : i32
    %scan3A_7 = arith.addi %scan3A_5, %scan3A_6 : i32
    %scan3A_8 = arith.constant 1 : i32
    scf.for %scan3A_14 = %scan3A_5 to %scan3A_7 step %scan3A_8  : i32 {
      %mul3A_15 = arith.constant 8 : i32
      %mul3A_16 = arith.muli %scan3A_14, %mul3A_15 : i32
      %add3A_17 = arith.addi %mul3A_4, %mul3A_16 : i32
      %multiple_of3A_18 = tpu.assume_multiple %add3A_17, 8 : i32
      "tpu.region"() ({
        %run_scoped3A_26 = tpu.sem_alloc : memref<!tpu.dma_semaphore, #tpu.memory_space<semaphore_mem>>
        %dma_start3A = arith.constant 0 : i32
        %dma_start3A_27 = tpu.memref_slice %arg2[%multiple_of3A_18, %dma_start3A] : memref<2560x128xi32, #tpu.memory_space<hbm>> -> memref<8x128xi32, #tpu.memory_space<hbm>>
        %dma_start3A_28 = arith.constant 0 : i32
        %dma_start3A_29 = tpu.memref_slice %arg2[%multiple_of3A_18, %dma_start3A_28] : memref<2560x128xi32, #tpu.memory_space<hbm>> -> memref<8x128xi32, #tpu.memory_space<hbm>>
        tpu.enqueue_dma source(%dma_start3A_29 : memref<8x128xi32, #tpu.memory_space<hbm>>) target(%arg7 : memref<8x128xi32, #tpu.memory_space<vmem>>) target_semaphore(%run_scoped3A_26 : memref<!tpu.dma_semaphore, #tpu.memory_space<semaphore_mem>>)
        %dma_wait3A = arith.constant 0 : i32
        %dma_wait3A_30 = tpu.memref_slice %arg2[%multiple_of3A_18, %dma_wait3A] : memref<2560x128xi32, #tpu.memory_space<hbm>> -> memref<8x128xi32, #tpu.memory_space<hbm>>
        %dma_wait3A_31 = arith.constant 0 : i32
        %dma_wait3A_32 = tpu.memref_slice %arg2[%multiple_of3A_18, %dma_wait3A_31] : memref<2560x128xi32, #tpu.memory_space<hbm>> -> memref<8x128xi32, #tpu.memory_space<hbm>>
        tpu.wait_dma2 semaphore(%run_scoped3A_26 : memref<!tpu.dma_semaphore, #tpu.memory_space<semaphore_mem>>) src(%dma_wait3A_32 : memref<8x128xi32, #tpu.memory_space<hbm>>) dst(%arg7 : memref<8x128xi32, #tpu.memory_space<vmem>>)
        tpu.yield
      }) : () -> ()
      %run_scoped3A = arith.constant 0 : i32
      "tpu.region"() ({
        %run_scoped3A_26 = tpu.sem_alloc : memref<!tpu.dma_semaphore, #tpu.memory_space<semaphore_mem>>
        %dma_start3A = arith.constant 0 : i32
        %dma_start3A_27 = tpu.memref_slice %arg7[%run_scoped3A, %dma_start3A] : memref<8x128xi32, #tpu.memory_space<vmem>> -> memref<1x128xi32, #tpu.memory_space<vmem>>
        %dma_start3A_28 = tpu.memref_squeeze %dma_start3A_27 : memref<1x128xi32, #tpu.memory_space<vmem>> -> memref<128xi32, #tpu.memory_space<vmem>>
        %dma_start3A_29 = arith.constant 0 : i32
        %dma_start3A_30 = arith.constant 0 : i32
        %dma_start3A_31 = tpu.memref_slice %arg8[%dma_start3A_29, %dma_start3A_30] : memref<10112x128xf32, #tpu.memory_space<vmem_shared>> -> memref<10112x128xf32, #tpu.memory_space<vmem_shared>>
        tpu.enqueue_indirect_dma source(%arg6 : memref<128x128xf32, #tpu.memory_space<vmem>>) target(%dma_start3A_31 : memref<10112x128xf32, #tpu.memory_space<vmem_shared>>) offsets(%dma_start3A_28 : memref<128xi32, #tpu.memory_space<vmem>>) semaphore(%run_scoped3A_26 : memref<!tpu.dma_semaphore, #tpu.memory_space<semaphore_mem>>) {add = true}
        %dma_wait3A = arith.constant 0 : i32
        %dma_wait3A_32 = tpu.memref_slice %arg7[%run_scoped3A, %dma_wait3A] : memref<8x128xi32, #tpu.memory_space<vmem>> -> memref<1x128xi32, #tpu.memory_space<vmem>>
        %dma_wait3A_33 = tpu.memref_squeeze %dma_wait3A_32 : memref<1x128xi32, #tpu.memory_space<vmem>> -> memref<128xi32, #tpu.memory_space<vmem>>
        %dma_wait3A_34 = arith.constant 0 : i32
        %dma_wait3A_35 = arith.constant 0 : i32
        %dma_wait3A_36 = tpu.memref_slice %arg8[%dma_wait3A_34, %dma_wait3A_35] : memref<10112x128xf32, #tpu.memory_space<vmem_shared>> -> memref<10112x128xf32, #tpu.memory_space<vmem_shared>>
        tpu.wait_indirect_dma semaphore(%run_scoped3A_26 : memref<!tpu.dma_semaphore, #tpu.memory_space<semaphore_mem>>) src(%arg6 : memref<128x128xf32, #tpu.memory_space<vmem>>) dst(%dma_wait3A_36 : memref<10112x128xf32, #tpu.memory_space<vmem_shared>>)
        tpu.yield
      }) : () -> ()
      %run_scoped3A_19 = arith.constant 1 : i32
      "tpu.region"() ({
        %run_scoped3A_26 = tpu.sem_alloc : memref<!tpu.dma_semaphore, #tpu.memory_space<semaphore_mem>>
        %dma_start3A = arith.constant 0 : i32
        %dma_start3A_27 = tpu.memref_slice %arg7[%run_scoped3A_19, %dma_start3A] : memref<8x128xi32, #tpu.memory_space<vmem>> -> memref<1x128xi32, #tpu.memory_space<vmem>>
        %dma_start3A_28 = tpu.memref_squeeze %dma_start3A_27 : memref<1x128xi32, #tpu.memory_space<vmem>> -> memref<128xi32, #tpu.memory_space<vmem>>
        %dma_start3A_29 = arith.constant 0 : i32
        %dma_start3A_30 = arith.constant 0 : i32
        %dma_start3A_31 = tpu.memref_slice %arg8[%dma_start3A_29, %dma_start3A_30] : memref<10112x128xf32, #tpu.memory_space<vmem_shared>> -> memref<10112x128xf32, #tpu.memory_space<vmem_shared>>
        tpu.enqueue_indirect_dma source(%arg6 : memref<128x128xf32, #tpu.memory_space<vmem>>) target(%dma_start3A_31 : memref<10112x128xf32, #tpu.memory_space<vmem_shared>>) offsets(%dma_start3A_28 : memref<128xi32, #tpu.memory_space<vmem>>) semaphore(%run_scoped3A_26 : memref<!tpu.dma_semaphore, #tpu.memory_space<semaphore_mem>>) {add = true}
        %dma_wait3A = arith.constant 0 : i32
        %dma_wait3A_32 = tpu.memref_slice %arg7[%run_scoped3A_19, %dma_wait3A] : memref<8x128xi32, #tpu.memory_space<vmem>> -> memref<1x128xi32, #tpu.memory_space<vmem>>
        %dma_wait3A_33 = tpu.memref_squeeze %dma_wait3A_32 : memref<1x128xi32, #tpu.memory_space<vmem>> -> memref<128xi32, #tpu.memory_space<vmem>>
        %dma_wait3A_34 = arith.constant 0 : i32
        %dma_wait3A_35 = arith.constant 0 : i32
        %dma_wait3A_36 = tpu.memref_slice %arg8[%dma_wait3A_34, %dma_wait3A_35] : memref<10112x128xf32, #tpu.memory_space<vmem_shared>> -> memref<10112x128xf32, #tpu.memory_space<vmem_shared>>
        tpu.wait_indirect_dma semaphore(%run_scoped3A_26 : memref<!tpu.dma_semaphore, #tpu.memory_space<semaphore_mem>>) src(%arg6 : memref<128x128xf32, #tpu.memory_space<vmem>>) dst(%dma_wait3A_36 : memref<10112x128xf32, #tpu.memory_space<vmem_shared>>)
        tpu.yield
      }) : () -> ()
      %run_scoped3A_20 = arith.constant 2 : i32
      "tpu.region"() ({
        %run_scoped3A_26 = tpu.sem_alloc : memref<!tpu.dma_semaphore, #tpu.memory_space<semaphore_mem>>
        %dma_start3A = arith.constant 0 : i32
        %dma_start3A_27 = tpu.memref_slice %arg7[%run_scoped3A_20, %dma_start3A] : memref<8x128xi32, #tpu.memory_space<vmem>> -> memref<1x128xi32, #tpu.memory_space<vmem>>
        %dma_start3A_28 = tpu.memref_squeeze %dma_start3A_27 : memref<1x128xi32, #tpu.memory_space<vmem>> -> memref<128xi32, #tpu.memory_space<vmem>>
        %dma_start3A_29 = arith.constant 0 : i32
        %dma_start3A_30 = arith.constant 0 : i32
        %dma_start3A_31 = tpu.memref_slice %arg8[%dma_start3A_29, %dma_start3A_30] : memref<10112x128xf32, #tpu.memory_space<vmem_shared>> -> memref<10112x128xf32, #tpu.memory_space<vmem_shared>>
        tpu.enqueue_indirect_dma source(%arg6 : memref<128x128xf32, #tpu.memory_space<vmem>>) target(%dma_start3A_31 : memref<10112x128xf32, #tpu.memory_space<vmem_shared>>) offsets(%dma_start3A_28 : memref<128xi32, #tpu.memory_space<vmem>>) semaphore(%run_scoped3A_26 : memref<!tpu.dma_semaphore, #tpu.memory_space<semaphore_mem>>) {add = true}
        %dma_wait3A = arith.constant 0 : i32
        %dma_wait3A_32 = tpu.memref_slice %arg7[%run_scoped3A_20, %dma_wait3A] : memref<8x128xi32, #tpu.memory_space<vmem>> -> memref<1x128xi32, #tpu.memory_space<vmem>>
        %dma_wait3A_33 = tpu.memref_squeeze %dma_wait3A_32 : memref<1x128xi32, #tpu.memory_space<vmem>> -> memref<128xi32, #tpu.memory_space<vmem>>
        %dma_wait3A_34 = arith.constant 0 : i32
        %dma_wait3A_35 = arith.constant 0 : i32
        %dma_wait3A_36 = tpu.memref_slice %arg8[%dma_wait3A_34, %dma_wait3A_35] : memref<10112x128xf32, #tpu.memory_space<vmem_shared>> -> memref<10112x128xf32, #tpu.memory_space<vmem_shared>>
        tpu.wait_indirect_dma semaphore(%run_scoped3A_26 : memref<!tpu.dma_semaphore, #tpu.memory_space<semaphore_mem>>) src(%arg6 : memref<128x128xf32, #tpu.memory_space<vmem>>) dst(%dma_wait3A_36 : memref<10112x128xf32, #tpu.memory_space<vmem_shared>>)
        tpu.yield
      }) : () -> ()
      %run_scoped3A_21 = arith.constant 3 : i32
      "tpu.region"() ({
        %run_scoped3A_26 = tpu.sem_alloc : memref<!tpu.dma_semaphore, #tpu.memory_space<semaphore_mem>>
        %dma_start3A = arith.constant 0 : i32
        %dma_start3A_27 = tpu.memref_slice %arg7[%run_scoped3A_21, %dma_start3A] : memref<8x128xi32, #tpu.memory_space<vmem>> -> memref<1x128xi32, #tpu.memory_space<vmem>>
        %dma_start3A_28 = tpu.memref_squeeze %dma_start3A_27 : memref<1x128xi32, #tpu.memory_space<vmem>> -> memref<128xi32, #tpu.memory_space<vmem>>
        %dma_start3A_29 = arith.constant 0 : i32
        %dma_start3A_30 = arith.constant 0 : i32
        %dma_start3A_31 = tpu.memref_slice %arg8[%dma_start3A_29, %dma_start3A_30] : memref<10112x128xf32, #tpu.memory_space<vmem_shared>> -> memref<10112x128xf32, #tpu.memory_space<vmem_shared>>
        tpu.enqueue_indirect_dma source(%arg6 : memref<128x128xf32, #tpu.memory_space<vmem>>) target(%dma_start3A_31 : memref<10112x128xf32, #tpu.memory_space<vmem_shared>>) offsets(%dma_start3A_28 : memref<128xi32, #tpu.memory_space<vmem>>) semaphore(%run_scoped3A_26 : memref<!tpu.dma_semaphore, #tpu.memory_space<semaphore_mem>>) {add = true}
        %dma_wait3A = arith.constant 0 : i32
        %dma_wait3A_32 = tpu.memref_slice %arg7[%run_scoped3A_21, %dma_wait3A] : memref<8x128xi32, #tpu.memory_space<vmem>> -> memref<1x128xi32, #tpu.memory_space<vmem>>
        %dma_wait3A_33 = tpu.memref_squeeze %dma_wait3A_32 : memref<1x128xi32, #tpu.memory_space<vmem>> -> memref<128xi32, #tpu.memory_space<vmem>>
        %dma_wait3A_34 = arith.constant 0 : i32
        %dma_wait3A_35 = arith.constant 0 : i32
        %dma_wait3A_36 = tpu.memref_slice %arg8[%dma_wait3A_34, %dma_wait3A_35] : memref<10112x128xf32, #tpu.memory_space<vmem_shared>> -> memref<10112x128xf32, #tpu.memory_space<vmem_shared>>
        tpu.wait_indirect_dma semaphore(%run_scoped3A_26 : memref<!tpu.dma_semaphore, #tpu.memory_space<semaphore_mem>>) src(%arg6 : memref<128x128xf32, #tpu.memory_space<vmem>>) dst(%dma_wait3A_36 : memref<10112x128xf32, #tpu.memory_space<vmem_shared>>)
        tpu.yield
      }) : () -> ()
      %run_scoped3A_22 = arith.constant 4 : i32
      "tpu.region"() ({
        %run_scoped3A_26 = tpu.sem_alloc : memref<!tpu.dma_semaphore, #tpu.memory_space<semaphore_mem>>
        %dma_start3A = arith.constant 0 : i32
        %dma_start3A_27 = tpu.memref_slice %arg7[%run_scoped3A_22, %dma_start3A] : memref<8x128xi32, #tpu.memory_space<vmem>> -> memref<1x128xi32, #tpu.memory_space<vmem>>
        %dma_start3A_28 = tpu.memref_squeeze %dma_start3A_27 : memref<1x128xi32, #tpu.memory_space<vmem>> -> memref<128xi32, #tpu.memory_space<vmem>>
        %dma_start3A_29 = arith.constant 0 : i32
        %dma_start3A_30 = arith.constant 0 : i32
        %dma_start3A_31 = tpu.memref_slice %arg8[%dma_start3A_29, %dma_start3A_30] : memref<10112x128xf32, #tpu.memory_space<vmem_shared>> -> memref<10112x128xf32, #tpu.memory_space<vmem_shared>>
        tpu.enqueue_indirect_dma source(%arg6 : memref<128x128xf32, #tpu.memory_space<vmem>>) target(%dma_start3A_31 : memref<10112x128xf32, #tpu.memory_space<vmem_shared>>) offsets(%dma_start3A_28 : memref<128xi32, #tpu.memory_space<vmem>>) semaphore(%run_scoped3A_26 : memref<!tpu.dma_semaphore, #tpu.memory_space<semaphore_mem>>) {add = true}
        %dma_wait3A = arith.constant 0 : i32
        %dma_wait3A_32 = tpu.memref_slice %arg7[%run_scoped3A_22, %dma_wait3A] : memref<8x128xi32, #tpu.memory_space<vmem>> -> memref<1x128xi32, #tpu.memory_space<vmem>>
        %dma_wait3A_33 = tpu.memref_squeeze %dma_wait3A_32 : memref<1x128xi32, #tpu.memory_space<vmem>> -> memref<128xi32, #tpu.memory_space<vmem>>
        %dma_wait3A_34 = arith.constant 0 : i32
        %dma_wait3A_35 = arith.constant 0 : i32
        %dma_wait3A_36 = tpu.memref_slice %arg8[%dma_wait3A_34, %dma_wait3A_35] : memref<10112x128xf32, #tpu.memory_space<vmem_shared>> -> memref<10112x128xf32, #tpu.memory_space<vmem_shared>>
        tpu.wait_indirect_dma semaphore(%run_scoped3A_26 : memref<!tpu.dma_semaphore, #tpu.memory_space<semaphore_mem>>) src(%arg6 : memref<128x128xf32, #tpu.memory_space<vmem>>) dst(%dma_wait3A_36 : memref<10112x128xf32, #tpu.memory_space<vmem_shared>>)
        tpu.yield
      }) : () -> ()
      %run_scoped3A_23 = arith.constant 5 : i32
      "tpu.region"() ({
        %run_scoped3A_26 = tpu.sem_alloc : memref<!tpu.dma_semaphore, #tpu.memory_space<semaphore_mem>>
        %dma_start3A = arith.constant 0 : i32
        %dma_start3A_27 = tpu.memref_slice %arg7[%run_scoped3A_23, %dma_start3A] : memref<8x128xi32, #tpu.memory_space<vmem>> -> memref<1x128xi32, #tpu.memory_space<vmem>>
        %dma_start3A_28 = tpu.memref_squeeze %dma_start3A_27 : memref<1x128xi32, #tpu.memory_space<vmem>> -> memref<128xi32, #tpu.memory_space<vmem>>
        %dma_start3A_29 = arith.constant 0 : i32
        %dma_start3A_30 = arith.constant 0 : i32
        %dma_start3A_31 = tpu.memref_slice %arg8[%dma_start3A_29, %dma_start3A_30] : memref<10112x128xf32, #tpu.memory_space<vmem_shared>> -> memref<10112x128xf32, #tpu.memory_space<vmem_shared>>
        tpu.enqueue_indirect_dma source(%arg6 : memref<128x128xf32, #tpu.memory_space<vmem>>) target(%dma_start3A_31 : memref<10112x128xf32, #tpu.memory_space<vmem_shared>>) offsets(%dma_start3A_28 : memref<128xi32, #tpu.memory_space<vmem>>) semaphore(%run_scoped3A_26 : memref<!tpu.dma_semaphore, #tpu.memory_space<semaphore_mem>>) {add = true}
        %dma_wait3A = arith.constant 0 : i32
        %dma_wait3A_32 = tpu.memref_slice %arg7[%run_scoped3A_23, %dma_wait3A] : memref<8x128xi32, #tpu.memory_space<vmem>> -> memref<1x128xi32, #tpu.memory_space<vmem>>
        %dma_wait3A_33 = tpu.memref_squeeze %dma_wait3A_32 : memref<1x128xi32, #tpu.memory_space<vmem>> -> memref<128xi32, #tpu.memory_space<vmem>>
        %dma_wait3A_34 = arith.constant 0 : i32
        %dma_wait3A_35 = arith.constant 0 : i32
        %dma_wait3A_36 = tpu.memref_slice %arg8[%dma_wait3A_34, %dma_wait3A_35] : memref<10112x128xf32, #tpu.memory_space<vmem_shared>> -> memref<10112x128xf32, #tpu.memory_space<vmem_shared>>
        tpu.wait_indirect_dma semaphore(%run_scoped3A_26 : memref<!tpu.dma_semaphore, #tpu.memory_space<semaphore_mem>>) src(%arg6 : memref<128x128xf32, #tpu.memory_space<vmem>>) dst(%dma_wait3A_36 : memref<10112x128xf32, #tpu.memory_space<vmem_shared>>)
        tpu.yield
      }) : () -> ()
      %run_scoped3A_24 = arith.constant 6 : i32
      "tpu.region"() ({
        %run_scoped3A_26 = tpu.sem_alloc : memref<!tpu.dma_semaphore, #tpu.memory_space<semaphore_mem>>
        %dma_start3A = arith.constant 0 : i32
        %dma_start3A_27 = tpu.memref_slice %arg7[%run_scoped3A_24, %dma_start3A] : memref<8x128xi32, #tpu.memory_space<vmem>> -> memref<1x128xi32, #tpu.memory_space<vmem>>
        %dma_start3A_28 = tpu.memref_squeeze %dma_start3A_27 : memref<1x128xi32, #tpu.memory_space<vmem>> -> memref<128xi32, #tpu.memory_space<vmem>>
        %dma_start3A_29 = arith.constant 0 : i32
        %dma_start3A_30 = arith.constant 0 : i32
        %dma_start3A_31 = tpu.memref_slice %arg8[%dma_start3A_29, %dma_start3A_30] : memref<10112x128xf32, #tpu.memory_space<vmem_shared>> -> memref<10112x128xf32, #tpu.memory_space<vmem_shared>>
        tpu.enqueue_indirect_dma source(%arg6 : memref<128x128xf32, #tpu.memory_space<vmem>>) target(%dma_start3A_31 : memref<10112x128xf32, #tpu.memory_space<vmem_shared>>) offsets(%dma_start3A_28 : memref<128xi32, #tpu.memory_space<vmem>>) semaphore(%run_scoped3A_26 : memref<!tpu.dma_semaphore, #tpu.memory_space<semaphore_mem>>) {add = true}
        %dma_wait3A = arith.constant 0 : i32
        %dma_wait3A_32 = tpu.memref_slice %arg7[%run_scoped3A_24, %dma_wait3A] : memref<8x128xi32, #tpu.memory_space<vmem>> -> memref<1x128xi32, #tpu.memory_space<vmem>>
        %dma_wait3A_33 = tpu.memref_squeeze %dma_wait3A_32 : memref<1x128xi32, #tpu.memory_space<vmem>> -> memref<128xi32, #tpu.memory_space<vmem>>
        %dma_wait3A_34 = arith.constant 0 : i32
        %dma_wait3A_35 = arith.constant 0 : i32
        %dma_wait3A_36 = tpu.memref_slice %arg8[%dma_wait3A_34, %dma_wait3A_35] : memref<10112x128xf32, #tpu.memory_space<vmem_shared>> -> memref<10112x128xf32, #tpu.memory_space<vmem_shared>>
        tpu.wait_indirect_dma semaphore(%run_scoped3A_26 : memref<!tpu.dma_semaphore, #tpu.memory_space<semaphore_mem>>) src(%arg6 : memref<128x128xf32, #tpu.memory_space<vmem>>) dst(%dma_wait3A_36 : memref<10112x128xf32, #tpu.memory_space<vmem_shared>>)
        tpu.yield
      }) : () -> ()
      %run_scoped3A_25 = arith.constant 7 : i32
      "tpu.region"() ({
        %run_scoped3A_26 = tpu.sem_alloc : memref<!tpu.dma_semaphore, #tpu.memory_space<semaphore_mem>>
        %dma_start3A = arith.constant 0 : i32
        %dma_start3A_27 = tpu.memref_slice %arg7[%run_scoped3A_25, %dma_start3A] : memref<8x128xi32, #tpu.memory_space<vmem>> -> memref<1x128xi32, #tpu.memory_space<vmem>>
        %dma_start3A_28 = tpu.memref_squeeze %dma_start3A_27 : memref<1x128xi32, #tpu.memory_space<vmem>> -> memref<128xi32, #tpu.memory_space<vmem>>
        %dma_start3A_29 = arith.constant 0 : i32
        %dma_start3A_30 = arith.constant 0 : i32
        %dma_start3A_31 = tpu.memref_slice %arg8[%dma_start3A_29, %dma_start3A_30] : memref<10112x128xf32, #tpu.memory_space<vmem_shared>> -> memref<10112x128xf32, #tpu.memory_space<vmem_shared>>
        tpu.enqueue_indirect_dma source(%arg6 : memref<128x128xf32, #tpu.memory_space<vmem>>) target(%dma_start3A_31 : memref<10112x128xf32, #tpu.memory_space<vmem_shared>>) offsets(%dma_start3A_28 : memref<128xi32, #tpu.memory_space<vmem>>) semaphore(%run_scoped3A_26 : memref<!tpu.dma_semaphore, #tpu.memory_space<semaphore_mem>>) {add = true}
        %dma_wait3A = arith.constant 0 : i32
        %dma_wait3A_32 = tpu.memref_slice %arg7[%run_scoped3A_25, %dma_wait3A] : memref<8x128xi32, #tpu.memory_space<vmem>> -> memref<1x128xi32, #tpu.memory_space<vmem>>
        %dma_wait3A_33 = tpu.memref_squeeze %dma_wait3A_32 : memref<1x128xi32, #tpu.memory_space<vmem>> -> memref<128xi32, #tpu.memory_space<vmem>>
        %dma_wait3A_34 = arith.constant 0 : i32
        %dma_wait3A_35 = arith.constant 0 : i32
        %dma_wait3A_36 = tpu.memref_slice %arg8[%dma_wait3A_34, %dma_wait3A_35] : memref<10112x128xf32, #tpu.memory_space<vmem_shared>> -> memref<10112x128xf32, #tpu.memory_space<vmem_shared>>
        tpu.wait_indirect_dma semaphore(%run_scoped3A_26 : memref<!tpu.dma_semaphore, #tpu.memory_space<semaphore_mem>>) src(%arg6 : memref<128x128xf32, #tpu.memory_space<vmem>>) dst(%dma_wait3A_36 : memref<10112x128xf32, #tpu.memory_space<vmem_shared>>)
        tpu.yield
      }) : () -> ()
    }
    %scan3A_9 = arith.constant 10 : i32
    %barrier3A_10 = arith.constant 0 : index
    tpu.barrier barrier_id(%barrier3A_10)
    %mul3A_11 = arith.constant 10112 : i32
    %mul3A_12 = arith.muli %arg0, %mul3A_11 : i32
    %add3A_13 = arith.addi %mul3A_12, %mul3A_0 : i32
    %multiple_of3A = tpu.assume_multiple %add3A_13, 8 : i32
    "tpu.region"() ({
      %run_scoped3A = tpu.sem_alloc : memref<!tpu.dma_semaphore, #tpu.memory_space<semaphore_mem>>
      %dma_start3A = arith.constant 0 : i32
      %dma_start3A_14 = tpu.memref_slice %arg5[%multiple_of3A, %dma_start3A] : memref<20224x128xf32, #tpu.memory_space<hbm>> -> memref<632x128xf32, #tpu.memory_space<hbm>>
      %dma_start3A_15 = arith.constant 0 : i32
      %dma_start3A_16 = tpu.memref_slice %arg8[%mul3A_0, %dma_start3A_15] : memref<10112x128xf32, #tpu.memory_space<vmem_shared>> -> memref<632x128xf32, #tpu.memory_space<vmem_shared>>
      tpu.enqueue_dma source(%dma_start3A_16 : memref<632x128xf32, #tpu.memory_space<vmem_shared>>) target(%dma_start3A_14 : memref<632x128xf32, #tpu.memory_space<hbm>>) target_semaphore(%run_scoped3A : memref<!tpu.dma_semaphore, #tpu.memory_space<semaphore_mem>>)
      %dma_wait3A = arith.constant 0 : i32
      %dma_wait3A_17 = tpu.memref_slice %arg5[%multiple_of3A, %dma_wait3A] : memref<20224x128xf32, #tpu.memory_space<hbm>> -> memref<632x128xf32, #tpu.memory_space<hbm>>
      %dma_wait3A_18 = arith.constant 0 : i32
      %dma_wait3A_19 = tpu.memref_slice %arg8[%mul3A_0, %dma_wait3A_18] : memref<10112x128xf32, #tpu.memory_space<vmem_shared>> -> memref<632x128xf32, #tpu.memory_space<vmem_shared>>
      tpu.wait_dma2 semaphore(%run_scoped3A : memref<!tpu.dma_semaphore, #tpu.memory_space<semaphore_mem>>) src(%dma_wait3A_19 : memref<632x128xf32, #tpu.memory_space<vmem_shared>>) dst(%dma_wait3A_17 : memref<632x128xf32, #tpu.memory_space<hbm>>)
      tpu.yield
    }) : () -> ()
    return
  }
}

#map = affine_map<(d0, d1) -> (0, 0)>
module attributes {stable_mosaic.version = 14 : i64} {
  func.func @_c2_body(%arg0: i32, %arg1: i32, %arg2: memref<10000x128xf32, #tpu.memory_space<hbm>>, %arg3: memref<5120x64xi32, #tpu.memory_space<hbm>>, %arg4: memref<5120x64xi32, #tpu.memory_space<hbm>>, %arg5: memref<632x128xf32, #tpu.memory_space<hbm>>, %arg6: memref<10112x128xf32, #tpu.memory_space<hbm>>, %arg7: memref<10112x128xf32, #tpu.memory_space<hbm>>, %arg8: memref<16x64xi32, #tpu.memory_space<vmem>>, %arg9: memref<16x64xi32, #tpu.memory_space<vmem>>, %arg10: memref<64x128xf32, #tpu.memory_space<vmem>>, %arg11: memref<64x128xf32, #tpu.memory_space<vmem>>, %arg12: memref<64x128xf32, #tpu.memory_space<vmem>>, %arg13: memref<64x128xf32, #tpu.memory_space<vmem>>, %arg14: memref<10112x128xf32, #tpu.memory_space<vmem_shared>>, %arg15: memref<!tpu.dma_semaphore, #tpu.memory_space<semaphore_mem>>, %arg16: memref<!tpu.dma_semaphore, #tpu.memory_space<semaphore_mem>>, %arg17: memref<!tpu.dma_semaphore, #tpu.memory_space<semaphore_mem>>, %arg18: memref<!tpu.dma_semaphore, #tpu.memory_space<semaphore_mem>>) attributes {dimension_semantics = [#tpu.dimension_semantics<core_parallel>, #tpu.dimension_semantics<subcore_parallel>], iteration_bounds = array<i64: 2, 16>, scalar_prefetch = 0 : i64, scratch_operands = 11 : i64, tpu.core_type = #tpu.core_type<sc_vector_subcore>, window_params = [{transform_indices = #map}, {transform_indices = #map}, {transform_indices = #map}, {transform_indices = #map}, {transform_indices = #map}, {transform_indices = #map}]} {
    %mul3A = arith.constant 632 : i32
    %mul3A_0 = arith.muli %arg1, %mul3A : i32
    "tpu.region"() ({
      %run_scoped3A = tpu.sem_alloc : memref<!tpu.dma_semaphore, #tpu.memory_space<semaphore_mem>>
      %dma_start3A = arith.constant 0 : i32
      %dma_start3A_25 = tpu.memref_slice %arg14[%mul3A_0, %dma_start3A] : memref<10112x128xf32, #tpu.memory_space<vmem_shared>> -> memref<632x128xf32, #tpu.memory_space<vmem_shared>>
      tpu.enqueue_dma source(%arg5 : memref<632x128xf32, #tpu.memory_space<hbm>>) target(%dma_start3A_25 : memref<632x128xf32, #tpu.memory_space<vmem_shared>>) target_semaphore(%run_scoped3A : memref<!tpu.dma_semaphore, #tpu.memory_space<semaphore_mem>>)
      %dma_wait3A = arith.constant 0 : i32
      %dma_wait3A_26 = tpu.memref_slice %arg14[%mul3A_0, %dma_wait3A] : memref<10112x128xf32, #tpu.memory_space<vmem_shared>> -> memref<632x128xf32, #tpu.memory_space<vmem_shared>>
      tpu.wait_dma2 semaphore(%run_scoped3A : memref<!tpu.dma_semaphore, #tpu.memory_space<semaphore_mem>>) src(%arg5 : memref<632x128xf32, #tpu.memory_space<hbm>>) dst(%dma_wait3A_26 : memref<632x128xf32, #tpu.memory_space<vmem_shared>>)
      tpu.yield
    }) : () -> ()
    %barrier3A = arith.constant 0 : index
    tpu.barrier barrier_id(%barrier3A)
    %mul3A_1 = arith.constant 160 : i32
    %mul3A_2 = arith.muli %arg1, %mul3A_1 : i32
    %mul3A_3 = arith.constant 120 : i32
    %mul3A_4 = arith.muli %arg0, %mul3A_3 : i32
    %add3A = arith.addi %mul3A_2, %mul3A_4 : i32
    %eq3A = arith.constant 0 : i32
    %eq3A_5 = arith.cmpi eq, %arg0, %eq3A : i32
    %jit3A = arith.constant 15 : i32
    %jit3A_6 = arith.constant 5 : i32
    %select_n3A = arith.select %eq3A_5, %jit3A, %jit3A_6 : i32
    %while3A = arith.constant 0 : i32
    %while3A_7 = arith.constant 0 : i32
    %while3A_8 = arith.subi %select_n3A, %while3A_7 : i32
    %while3A_9 = arith.addi %while3A_7, %while3A_8 : i32
    %while3A_10 = arith.constant 1 : i32
    %while3A_11 = arith.divsi %while3A_8, %while3A_10 : i32
    %while3A_12 = arith.muli %while3A_11, %while3A_10 : i32
    %while3A_13 = arith.addi %while3A_7, %while3A_12 : i32
    %while3A_14 = arith.constant 1 : i32
    scf.for %while3A_25 = %while3A_7 to %while3A_13 step %while3A_14  : i32 {
      %mul3A_26 = arith.constant 8 : i32
      %mul3A_27 = arith.muli %while3A_25, %mul3A_26 : i32
      %add3A_28 = arith.addi %add3A, %mul3A_27 : i32
      %mul3A_29 = arith.constant 2 : i32
      %mul3A_30 = arith.muli %add3A_28, %mul3A_29 : i32
      %multiple_of3A = tpu.assume_multiple %mul3A_30, 16 : i32
      "tpu.region"() ({
        %run_scoped3A_268 = tpu.sem_alloc : memref<!tpu.dma_semaphore, #tpu.memory_space<semaphore_mem>>
        %dma_start3A_269 = arith.constant 0 : i32
        %dma_start3A_270 = tpu.memref_slice %arg3[%multiple_of3A, %dma_start3A_269] : memref<5120x64xi32, #tpu.memory_space<hbm>> -> memref<16x64xi32, #tpu.memory_space<hbm>>
        %dma_start3A_271 = arith.constant 0 : i32
        %dma_start3A_272 = tpu.memref_slice %arg3[%multiple_of3A, %dma_start3A_271] : memref<5120x64xi32, #tpu.memory_space<hbm>> -> memref<16x64xi32, #tpu.memory_space<hbm>>
        tpu.enqueue_dma source(%dma_start3A_272 : memref<16x64xi32, #tpu.memory_space<hbm>>) target(%arg8 : memref<16x64xi32, #tpu.memory_space<vmem>>) target_semaphore(%run_scoped3A_268 : memref<!tpu.dma_semaphore, #tpu.memory_space<semaphore_mem>>)
        %dma_wait3A_273 = arith.constant 0 : i32
        %dma_wait3A_274 = tpu.memref_slice %arg3[%multiple_of3A, %dma_wait3A_273] : memref<5120x64xi32, #tpu.memory_space<hbm>> -> memref<16x64xi32, #tpu.memory_space<hbm>>
        %dma_wait3A_275 = arith.constant 0 : i32
        %dma_wait3A_276 = tpu.memref_slice %arg3[%multiple_of3A, %dma_wait3A_275] : memref<5120x64xi32, #tpu.memory_space<hbm>> -> memref<16x64xi32, #tpu.memory_space<hbm>>
        tpu.wait_dma2 semaphore(%run_scoped3A_268 : memref<!tpu.dma_semaphore, #tpu.memory_space<semaphore_mem>>) src(%dma_wait3A_276 : memref<16x64xi32, #tpu.memory_space<hbm>>) dst(%arg8 : memref<16x64xi32, #tpu.memory_space<vmem>>)
        tpu.yield
      }) : () -> ()
      "tpu.region"() ({
        %run_scoped3A_268 = tpu.sem_alloc : memref<!tpu.dma_semaphore, #tpu.memory_space<semaphore_mem>>
        %dma_start3A_269 = arith.constant 0 : i32
        %dma_start3A_270 = tpu.memref_slice %arg4[%multiple_of3A, %dma_start3A_269] : memref<5120x64xi32, #tpu.memory_space<hbm>> -> memref<16x64xi32, #tpu.memory_space<hbm>>
        %dma_start3A_271 = arith.constant 0 : i32
        %dma_start3A_272 = tpu.memref_slice %arg4[%multiple_of3A, %dma_start3A_271] : memref<5120x64xi32, #tpu.memory_space<hbm>> -> memref<16x64xi32, #tpu.memory_space<hbm>>
        tpu.enqueue_dma source(%dma_start3A_272 : memref<16x64xi32, #tpu.memory_space<hbm>>) target(%arg9 : memref<16x64xi32, #tpu.memory_space<vmem>>) target_semaphore(%run_scoped3A_268 : memref<!tpu.dma_semaphore, #tpu.memory_space<semaphore_mem>>)
        %dma_wait3A_273 = arith.constant 0 : i32
        %dma_wait3A_274 = tpu.memref_slice %arg4[%multiple_of3A, %dma_wait3A_273] : memref<5120x64xi32, #tpu.memory_space<hbm>> -> memref<16x64xi32, #tpu.memory_space<hbm>>
        %dma_wait3A_275 = arith.constant 0 : i32
        %dma_wait3A_276 = tpu.memref_slice %arg4[%multiple_of3A, %dma_wait3A_275] : memref<5120x64xi32, #tpu.memory_space<hbm>> -> memref<16x64xi32, #tpu.memory_space<hbm>>
        tpu.wait_dma2 semaphore(%run_scoped3A_268 : memref<!tpu.dma_semaphore, #tpu.memory_space<semaphore_mem>>) src(%dma_wait3A_276 : memref<16x64xi32, #tpu.memory_space<hbm>>) dst(%arg9 : memref<16x64xi32, #tpu.memory_space<vmem>>)
        tpu.yield
      }) : () -> ()
      %dma_start3A = arith.constant 0 : i32
      %dma_start3A_31 = arith.constant 0 : i32
      %dma_start3A_32 = tpu.memref_slice %arg8[%dma_start3A, %dma_start3A_31] : memref<16x64xi32, #tpu.memory_space<vmem>> -> memref<1x64xi32, #tpu.memory_space<vmem>>
      %dma_start3A_33 = tpu.memref_squeeze %dma_start3A_32 : memref<1x64xi32, #tpu.memory_space<vmem>> -> memref<64xi32, #tpu.memory_space<vmem>>
      %dma_start3A_34 = arith.constant 0 : i32
      %dma_start3A_35 = arith.constant 0 : i32
      %dma_start3A_36 = tpu.memref_slice %arg2[%dma_start3A_34, %dma_start3A_35] : memref<10000x128xf32, #tpu.memory_space<hbm>> -> memref<10000x128xf32, #tpu.memory_space<hbm>>
      tpu.enqueue_indirect_dma source(%dma_start3A_36 : memref<10000x128xf32, #tpu.memory_space<hbm>>) target(%arg10 : memref<64x128xf32, #tpu.memory_space<vmem>>) offsets(%dma_start3A_33 : memref<64xi32, #tpu.memory_space<vmem>>) semaphore(%arg15 : memref<!tpu.dma_semaphore, #tpu.memory_space<semaphore_mem>>)
      %dma_start3A_37 = arith.constant 1 : i32
      %dma_start3A_38 = arith.constant 0 : i32
      %dma_start3A_39 = tpu.memref_slice %arg8[%dma_start3A_37, %dma_start3A_38] : memref<16x64xi32, #tpu.memory_space<vmem>> -> memref<1x64xi32, #tpu.memory_space<vmem>>
      %dma_start3A_40 = tpu.memref_squeeze %dma_start3A_39 : memref<1x64xi32, #tpu.memory_space<vmem>> -> memref<64xi32, #tpu.memory_space<vmem>>
      %dma_start3A_41 = arith.constant 0 : i32
      %dma_start3A_42 = arith.constant 0 : i32
      %dma_start3A_43 = tpu.memref_slice %arg2[%dma_start3A_41, %dma_start3A_42] : memref<10000x128xf32, #tpu.memory_space<hbm>> -> memref<10000x128xf32, #tpu.memory_space<hbm>>
      tpu.enqueue_indirect_dma source(%dma_start3A_43 : memref<10000x128xf32, #tpu.memory_space<hbm>>) target(%arg11 : memref<64x128xf32, #tpu.memory_space<vmem>>) offsets(%dma_start3A_40 : memref<64xi32, #tpu.memory_space<vmem>>) semaphore(%arg16 : memref<!tpu.dma_semaphore, #tpu.memory_space<semaphore_mem>>)
      %dma_start3A_44 = arith.constant 2 : i32
      %dma_start3A_45 = arith.constant 0 : i32
      %dma_start3A_46 = tpu.memref_slice %arg8[%dma_start3A_44, %dma_start3A_45] : memref<16x64xi32, #tpu.memory_space<vmem>> -> memref<1x64xi32, #tpu.memory_space<vmem>>
      %dma_start3A_47 = tpu.memref_squeeze %dma_start3A_46 : memref<1x64xi32, #tpu.memory_space<vmem>> -> memref<64xi32, #tpu.memory_space<vmem>>
      %dma_start3A_48 = arith.constant 0 : i32
      %dma_start3A_49 = arith.constant 0 : i32
      %dma_start3A_50 = tpu.memref_slice %arg2[%dma_start3A_48, %dma_start3A_49] : memref<10000x128xf32, #tpu.memory_space<hbm>> -> memref<10000x128xf32, #tpu.memory_space<hbm>>
      tpu.enqueue_indirect_dma source(%dma_start3A_50 : memref<10000x128xf32, #tpu.memory_space<hbm>>) target(%arg12 : memref<64x128xf32, #tpu.memory_space<vmem>>) offsets(%dma_start3A_47 : memref<64xi32, #tpu.memory_space<vmem>>) semaphore(%arg17 : memref<!tpu.dma_semaphore, #tpu.memory_space<semaphore_mem>>)
      %dma_start3A_51 = arith.constant 3 : i32
      %dma_start3A_52 = arith.constant 0 : i32
      %dma_start3A_53 = tpu.memref_slice %arg8[%dma_start3A_51, %dma_start3A_52] : memref<16x64xi32, #tpu.memory_space<vmem>> -> memref<1x64xi32, #tpu.memory_space<vmem>>
      %dma_start3A_54 = tpu.memref_squeeze %dma_start3A_53 : memref<1x64xi32, #tpu.memory_space<vmem>> -> memref<64xi32, #tpu.memory_space<vmem>>
      %dma_start3A_55 = arith.constant 0 : i32
      %dma_start3A_56 = arith.constant 0 : i32
      %dma_start3A_57 = tpu.memref_slice %arg2[%dma_start3A_55, %dma_start3A_56] : memref<10000x128xf32, #tpu.memory_space<hbm>> -> memref<10000x128xf32, #tpu.memory_space<hbm>>
      tpu.enqueue_indirect_dma source(%dma_start3A_57 : memref<10000x128xf32, #tpu.memory_space<hbm>>) target(%arg13 : memref<64x128xf32, #tpu.memory_space<vmem>>) offsets(%dma_start3A_54 : memref<64xi32, #tpu.memory_space<vmem>>) semaphore(%arg18 : memref<!tpu.dma_semaphore, #tpu.memory_space<semaphore_mem>>)
      %dma_wait3A = arith.constant 0 : i32
      %dma_wait3A_58 = arith.constant 0 : i32
      %dma_wait3A_59 = tpu.memref_slice %arg8[%dma_wait3A, %dma_wait3A_58] : memref<16x64xi32, #tpu.memory_space<vmem>> -> memref<1x64xi32, #tpu.memory_space<vmem>>
      %dma_wait3A_60 = tpu.memref_squeeze %dma_wait3A_59 : memref<1x64xi32, #tpu.memory_space<vmem>> -> memref<64xi32, #tpu.memory_space<vmem>>
      %dma_wait3A_61 = arith.constant 0 : i32
      %dma_wait3A_62 = arith.constant 0 : i32
      %dma_wait3A_63 = tpu.memref_slice %arg2[%dma_wait3A_61, %dma_wait3A_62] : memref<10000x128xf32, #tpu.memory_space<hbm>> -> memref<10000x128xf32, #tpu.memory_space<hbm>>
      tpu.wait_indirect_dma semaphore(%arg15 : memref<!tpu.dma_semaphore, #tpu.memory_space<semaphore_mem>>) src(%dma_wait3A_63 : memref<10000x128xf32, #tpu.memory_space<hbm>>) dst(%arg10 : memref<64x128xf32, #tpu.memory_space<vmem>>)
      %run_scoped3A = arith.constant 0 : i32
      "tpu.region"() ({
        %run_scoped3A_268 = tpu.sem_alloc : memref<!tpu.dma_semaphore, #tpu.memory_space<semaphore_mem>>
        %dma_start3A_269 = arith.constant 0 : i32
        %dma_start3A_270 = tpu.memref_slice %arg9[%run_scoped3A, %dma_start3A_269] : memref<16x64xi32, #tpu.memory_space<vmem>> -> memref<1x64xi32, #tpu.memory_space<vmem>>
        %dma_start3A_271 = tpu.memref_squeeze %dma_start3A_270 : memref<1x64xi32, #tpu.memory_space<vmem>> -> memref<64xi32, #tpu.memory_space<vmem>>
        %dma_start3A_272 = arith.constant 0 : i32
        %dma_start3A_273 = arith.constant 0 : i32
        %dma_start3A_274 = tpu.memref_slice %arg14[%dma_start3A_272, %dma_start3A_273] : memref<10112x128xf32, #tpu.memory_space<vmem_shared>> -> memref<10112x128xf32, #tpu.memory_space<vmem_shared>>
        tpu.enqueue_indirect_dma source(%arg10 : memref<64x128xf32, #tpu.memory_space<vmem>>) target(%dma_start3A_274 : memref<10112x128xf32, #tpu.memory_space<vmem_shared>>) offsets(%dma_start3A_271 : memref<64xi32, #tpu.memory_space<vmem>>) semaphore(%run_scoped3A_268 : memref<!tpu.dma_semaphore, #tpu.memory_space<semaphore_mem>>) {add = true}
        %dma_wait3A_275 = arith.constant 0 : i32
        %dma_wait3A_276 = tpu.memref_slice %arg9[%run_scoped3A, %dma_wait3A_275] : memref<16x64xi32, #tpu.memory_space<vmem>> -> memref<1x64xi32, #tpu.memory_space<vmem>>
        %dma_wait3A_277 = tpu.memref_squeeze %dma_wait3A_276 : memref<1x64xi32, #tpu.memory_space<vmem>> -> memref<64xi32, #tpu.memory_space<vmem>>
        %dma_wait3A_278 = arith.constant 0 : i32
        %dma_wait3A_279 = arith.constant 0 : i32
        %dma_wait3A_280 = tpu.memref_slice %arg14[%dma_wait3A_278, %dma_wait3A_279] : memref<10112x128xf32, #tpu.memory_space<vmem_shared>> -> memref<10112x128xf32, #tpu.memory_space<vmem_shared>>
        tpu.wait_indirect_dma semaphore(%run_scoped3A_268 : memref<!tpu.dma_semaphore, #tpu.memory_space<semaphore_mem>>) src(%arg10 : memref<64x128xf32, #tpu.memory_space<vmem>>) dst(%dma_wait3A_280 : memref<10112x128xf32, #tpu.memory_space<vmem_shared>>)
        tpu.yield
      }) : () -> ()
      %dma_start3A_64 = arith.constant 4 : i32
      %dma_start3A_65 = arith.constant 0 : i32
      %dma_start3A_66 = tpu.memref_slice %arg8[%dma_start3A_64, %dma_start3A_65] : memref<16x64xi32, #tpu.memory_space<vmem>> -> memref<1x64xi32, #tpu.memory_space<vmem>>
      %dma_start3A_67 = tpu.memref_squeeze %dma_start3A_66 : memref<1x64xi32, #tpu.memory_space<vmem>> -> memref<64xi32, #tpu.memory_space<vmem>>
      %dma_start3A_68 = arith.constant 0 : i32
      %dma_start3A_69 = arith.constant 0 : i32
      %dma_start3A_70 = tpu.memref_slice %arg2[%dma_start3A_68, %dma_start3A_69] : memref<10000x128xf32, #tpu.memory_space<hbm>> -> memref<10000x128xf32, #tpu.memory_space<hbm>>
      tpu.enqueue_indirect_dma source(%dma_start3A_70 : memref<10000x128xf32, #tpu.memory_space<hbm>>) target(%arg10 : memref<64x128xf32, #tpu.memory_space<vmem>>) offsets(%dma_start3A_67 : memref<64xi32, #tpu.memory_space<vmem>>) semaphore(%arg15 : memref<!tpu.dma_semaphore, #tpu.memory_space<semaphore_mem>>)
      %dma_wait3A_71 = arith.constant 1 : i32
      %dma_wait3A_72 = arith.constant 0 : i32
      %dma_wait3A_73 = tpu.memref_slice %arg8[%dma_wait3A_71, %dma_wait3A_72] : memref<16x64xi32, #tpu.memory_space<vmem>> -> memref<1x64xi32, #tpu.memory_space<vmem>>
      %dma_wait3A_74 = tpu.memref_squeeze %dma_wait3A_73 : memref<1x64xi32, #tpu.memory_space<vmem>> -> memref<64xi32, #tpu.memory_space<vmem>>
      %dma_wait3A_75 = arith.constant 0 : i32
      %dma_wait3A_76 = arith.constant 0 : i32
      %dma_wait3A_77 = tpu.memref_slice %arg2[%dma_wait3A_75, %dma_wait3A_76] : memref<10000x128xf32, #tpu.memory_space<hbm>> -> memref<10000x128xf32, #tpu.memory_space<hbm>>
      tpu.wait_indirect_dma semaphore(%arg16 : memref<!tpu.dma_semaphore, #tpu.memory_space<semaphore_mem>>) src(%dma_wait3A_77 : memref<10000x128xf32, #tpu.memory_space<hbm>>) dst(%arg11 : memref<64x128xf32, #tpu.memory_space<vmem>>)
      %run_scoped3A_78 = arith.constant 1 : i32
      "tpu.region"() ({
        %run_scoped3A_268 = tpu.sem_alloc : memref<!tpu.dma_semaphore, #tpu.memory_space<semaphore_mem>>
        %dma_start3A_269 = arith.constant 0 : i32
        %dma_start3A_270 = tpu.memref_slice %arg9[%run_scoped3A_78, %dma_start3A_269] : memref<16x64xi32, #tpu.memory_space<vmem>> -> memref<1x64xi32, #tpu.memory_space<vmem>>
        %dma_start3A_271 = tpu.memref_squeeze %dma_start3A_270 : memref<1x64xi32, #tpu.memory_space<vmem>> -> memref<64xi32, #tpu.memory_space<vmem>>
        %dma_start3A_272 = arith.constant 0 : i32
        %dma_start3A_273 = arith.constant 0 : i32
        %dma_start3A_274 = tpu.memref_slice %arg14[%dma_start3A_272, %dma_start3A_273] : memref<10112x128xf32, #tpu.memory_space<vmem_shared>> -> memref<10112x128xf32, #tpu.memory_space<vmem_shared>>
        tpu.enqueue_indirect_dma source(%arg11 : memref<64x128xf32, #tpu.memory_space<vmem>>) target(%dma_start3A_274 : memref<10112x128xf32, #tpu.memory_space<vmem_shared>>) offsets(%dma_start3A_271 : memref<64xi32, #tpu.memory_space<vmem>>) semaphore(%run_scoped3A_268 : memref<!tpu.dma_semaphore, #tpu.memory_space<semaphore_mem>>) {add = true}
        %dma_wait3A_275 = arith.constant 0 : i32
        %dma_wait3A_276 = tpu.memref_slice %arg9[%run_scoped3A_78, %dma_wait3A_275] : memref<16x64xi32, #tpu.memory_space<vmem>> -> memref<1x64xi32, #tpu.memory_space<vmem>>
        %dma_wait3A_277 = tpu.memref_squeeze %dma_wait3A_276 : memref<1x64xi32, #tpu.memory_space<vmem>> -> memref<64xi32, #tpu.memory_space<vmem>>
        %dma_wait3A_278 = arith.constant 0 : i32
        %dma_wait3A_279 = arith.constant 0 : i32
        %dma_wait3A_280 = tpu.memref_slice %arg14[%dma_wait3A_278, %dma_wait3A_279] : memref<10112x128xf32, #tpu.memory_space<vmem_shared>> -> memref<10112x128xf32, #tpu.memory_space<vmem_shared>>
        tpu.wait_indirect_dma semaphore(%run_scoped3A_268 : memref<!tpu.dma_semaphore, #tpu.memory_space<semaphore_mem>>) src(%arg11 : memref<64x128xf32, #tpu.memory_space<vmem>>) dst(%dma_wait3A_280 : memref<10112x128xf32, #tpu.memory_space<vmem_shared>>)
        tpu.yield
      }) : () -> ()
      %dma_start3A_79 = arith.constant 5 : i32
      %dma_start3A_80 = arith.constant 0 : i32
      %dma_start3A_81 = tpu.memref_slice %arg8[%dma_start3A_79, %dma_start3A_80] : memref<16x64xi32, #tpu.memory_space<vmem>> -> memref<1x64xi32, #tpu.memory_space<vmem>>
      %dma_start3A_82 = tpu.memref_squeeze %dma_start3A_81 : memref<1x64xi32, #tpu.memory_space<vmem>> -> memref<64xi32, #tpu.memory_space<vmem>>
      %dma_start3A_83 = arith.constant 0 : i32
      %dma_start3A_84 = arith.constant 0 : i32
      %dma_start3A_85 = tpu.memref_slice %arg2[%dma_start3A_83, %dma_start3A_84] : memref<10000x128xf32, #tpu.memory_space<hbm>> -> memref<10000x128xf32, #tpu.memory_space<hbm>>
      tpu.enqueue_indirect_dma source(%dma_start3A_85 : memref<10000x128xf32, #tpu.memory_space<hbm>>) target(%arg11 : memref<64x128xf32, #tpu.memory_space<vmem>>) offsets(%dma_start3A_82 : memref<64xi32, #tpu.memory_space<vmem>>) semaphore(%arg16 : memref<!tpu.dma_semaphore, #tpu.memory_space<semaphore_mem>>)
      %dma_wait3A_86 = arith.constant 2 : i32
      %dma_wait3A_87 = arith.constant 0 : i32
      %dma_wait3A_88 = tpu.memref_slice %arg8[%dma_wait3A_86, %dma_wait3A_87] : memref<16x64xi32, #tpu.memory_space<vmem>> -> memref<1x64xi32, #tpu.memory_space<vmem>>
      %dma_wait3A_89 = tpu.memref_squeeze %dma_wait3A_88 : memref<1x64xi32, #tpu.memory_space<vmem>> -> memref<64xi32, #tpu.memory_space<vmem>>
      %dma_wait3A_90 = arith.constant 0 : i32
      %dma_wait3A_91 = arith.constant 0 : i32
      %dma_wait3A_92 = tpu.memref_slice %arg2[%dma_wait3A_90, %dma_wait3A_91] : memref<10000x128xf32, #tpu.memory_space<hbm>> -> memref<10000x128xf32, #tpu.memory_space<hbm>>
      tpu.wait_indirect_dma semaphore(%arg17 : memref<!tpu.dma_semaphore, #tpu.memory_space<semaphore_mem>>) src(%dma_wait3A_92 : memref<10000x128xf32, #tpu.memory_space<hbm>>) dst(%arg12 : memref<64x128xf32, #tpu.memory_space<vmem>>)
      %run_scoped3A_93 = arith.constant 2 : i32
      "tpu.region"() ({
        %run_scoped3A_268 = tpu.sem_alloc : memref<!tpu.dma_semaphore, #tpu.memory_space<semaphore_mem>>
        %dma_start3A_269 = arith.constant 0 : i32
        %dma_start3A_270 = tpu.memref_slice %arg9[%run_scoped3A_93, %dma_start3A_269] : memref<16x64xi32, #tpu.memory_space<vmem>> -> memref<1x64xi32, #tpu.memory_space<vmem>>
        %dma_start3A_271 = tpu.memref_squeeze %dma_start3A_270 : memref<1x64xi32, #tpu.memory_space<vmem>> -> memref<64xi32, #tpu.memory_space<vmem>>
        %dma_start3A_272 = arith.constant 0 : i32
        %dma_start3A_273 = arith.constant 0 : i32
        %dma_start3A_274 = tpu.memref_slice %arg14[%dma_start3A_272, %dma_start3A_273] : memref<10112x128xf32, #tpu.memory_space<vmem_shared>> -> memref<10112x128xf32, #tpu.memory_space<vmem_shared>>
        tpu.enqueue_indirect_dma source(%arg12 : memref<64x128xf32, #tpu.memory_space<vmem>>) target(%dma_start3A_274 : memref<10112x128xf32, #tpu.memory_space<vmem_shared>>) offsets(%dma_start3A_271 : memref<64xi32, #tpu.memory_space<vmem>>) semaphore(%run_scoped3A_268 : memref<!tpu.dma_semaphore, #tpu.memory_space<semaphore_mem>>) {add = true}
        %dma_wait3A_275 = arith.constant 0 : i32
        %dma_wait3A_276 = tpu.memref_slice %arg9[%run_scoped3A_93, %dma_wait3A_275] : memref<16x64xi32, #tpu.memory_space<vmem>> -> memref<1x64xi32, #tpu.memory_space<vmem>>
        %dma_wait3A_277 = tpu.memref_squeeze %dma_wait3A_276 : memref<1x64xi32, #tpu.memory_space<vmem>> -> memref<64xi32, #tpu.memory_space<vmem>>
        %dma_wait3A_278 = arith.constant 0 : i32
        %dma_wait3A_279 = arith.constant 0 : i32
        %dma_wait3A_280 = tpu.memref_slice %arg14[%dma_wait3A_278, %dma_wait3A_279] : memref<10112x128xf32, #tpu.memory_space<vmem_shared>> -> memref<10112x128xf32, #tpu.memory_space<vmem_shared>>
        tpu.wait_indirect_dma semaphore(%run_scoped3A_268 : memref<!tpu.dma_semaphore, #tpu.memory_space<semaphore_mem>>) src(%arg12 : memref<64x128xf32, #tpu.memory_space<vmem>>) dst(%dma_wait3A_280 : memref<10112x128xf32, #tpu.memory_space<vmem_shared>>)
        tpu.yield
      }) : () -> ()
      %dma_start3A_94 = arith.constant 6 : i32
      %dma_start3A_95 = arith.constant 0 : i32
      %dma_start3A_96 = tpu.memref_slice %arg8[%dma_start3A_94, %dma_start3A_95] : memref<16x64xi32, #tpu.memory_space<vmem>> -> memref<1x64xi32, #tpu.memory_space<vmem>>
      %dma_start3A_97 = tpu.memref_squeeze %dma_start3A_96 : memref<1x64xi32, #tpu.memory_space<vmem>> -> memref<64xi32, #tpu.memory_space<vmem>>
      %dma_start3A_98 = arith.constant 0 : i32
      %dma_start3A_99 = arith.constant 0 : i32
      %dma_start3A_100 = tpu.memref_slice %arg2[%dma_start3A_98, %dma_start3A_99] : memref<10000x128xf32, #tpu.memory_space<hbm>> -> memref<10000x128xf32, #tpu.memory_space<hbm>>
      tpu.enqueue_indirect_dma source(%dma_start3A_100 : memref<10000x128xf32, #tpu.memory_space<hbm>>) target(%arg12 : memref<64x128xf32, #tpu.memory_space<vmem>>) offsets(%dma_start3A_97 : memref<64xi32, #tpu.memory_space<vmem>>) semaphore(%arg17 : memref<!tpu.dma_semaphore, #tpu.memory_space<semaphore_mem>>)
      %dma_wait3A_101 = arith.constant 3 : i32
      %dma_wait3A_102 = arith.constant 0 : i32
      %dma_wait3A_103 = tpu.memref_slice %arg8[%dma_wait3A_101, %dma_wait3A_102] : memref<16x64xi32, #tpu.memory_space<vmem>> -> memref<1x64xi32, #tpu.memory_space<vmem>>
      %dma_wait3A_104 = tpu.memref_squeeze %dma_wait3A_103 : memref<1x64xi32, #tpu.memory_space<vmem>> -> memref<64xi32, #tpu.memory_space<vmem>>
      %dma_wait3A_105 = arith.constant 0 : i32
      %dma_wait3A_106 = arith.constant 0 : i32
      %dma_wait3A_107 = tpu.memref_slice %arg2[%dma_wait3A_105, %dma_wait3A_106] : memref<10000x128xf32, #tpu.memory_space<hbm>> -> memref<10000x128xf32, #tpu.memory_space<hbm>>
      tpu.wait_indirect_dma semaphore(%arg18 : memref<!tpu.dma_semaphore, #tpu.memory_space<semaphore_mem>>) src(%dma_wait3A_107 : memref<10000x128xf32, #tpu.memory_space<hbm>>) dst(%arg13 : memref<64x128xf32, #tpu.memory_space<vmem>>)
      %run_scoped3A_108 = arith.constant 3 : i32
      "tpu.region"() ({
        %run_scoped3A_268 = tpu.sem_alloc : memref<!tpu.dma_semaphore, #tpu.memory_space<semaphore_mem>>
        %dma_start3A_269 = arith.constant 0 : i32
        %dma_start3A_270 = tpu.memref_slice %arg9[%run_scoped3A_108, %dma_start3A_269] : memref<16x64xi32, #tpu.memory_space<vmem>> -> memref<1x64xi32, #tpu.memory_space<vmem>>
        %dma_start3A_271 = tpu.memref_squeeze %dma_start3A_270 : memref<1x64xi32, #tpu.memory_space<vmem>> -> memref<64xi32, #tpu.memory_space<vmem>>
        %dma_start3A_272 = arith.constant 0 : i32
        %dma_start3A_273 = arith.constant 0 : i32
        %dma_start3A_274 = tpu.memref_slice %arg14[%dma_start3A_272, %dma_start3A_273] : memref<10112x128xf32, #tpu.memory_space<vmem_shared>> -> memref<10112x128xf32, #tpu.memory_space<vmem_shared>>
        tpu.enqueue_indirect_dma source(%arg13 : memref<64x128xf32, #tpu.memory_space<vmem>>) target(%dma_start3A_274 : memref<10112x128xf32, #tpu.memory_space<vmem_shared>>) offsets(%dma_start3A_271 : memref<64xi32, #tpu.memory_space<vmem>>) semaphore(%run_scoped3A_268 : memref<!tpu.dma_semaphore, #tpu.memory_space<semaphore_mem>>) {add = true}
        %dma_wait3A_275 = arith.constant 0 : i32
        %dma_wait3A_276 = tpu.memref_slice %arg9[%run_scoped3A_108, %dma_wait3A_275] : memref<16x64xi32, #tpu.memory_space<vmem>> -> memref<1x64xi32, #tpu.memory_space<vmem>>
        %dma_wait3A_277 = tpu.memref_squeeze %dma_wait3A_276 : memref<1x64xi32, #tpu.memory_space<vmem>> -> memref<64xi32, #tpu.memory_space<vmem>>
        %dma_wait3A_278 = arith.constant 0 : i32
        %dma_wait3A_279 = arith.constant 0 : i32
        %dma_wait3A_280 = tpu.memref_slice %arg14[%dma_wait3A_278, %dma_wait3A_279] : memref<10112x128xf32, #tpu.memory_space<vmem_shared>> -> memref<10112x128xf32, #tpu.memory_space<vmem_shared>>
        tpu.wait_indirect_dma semaphore(%run_scoped3A_268 : memref<!tpu.dma_semaphore, #tpu.memory_space<semaphore_mem>>) src(%arg13 : memref<64x128xf32, #tpu.memory_space<vmem>>) dst(%dma_wait3A_280 : memref<10112x128xf32, #tpu.memory_space<vmem_shared>>)
        tpu.yield
      }) : () -> ()
      %dma_start3A_109 = arith.constant 7 : i32
      %dma_start3A_110 = arith.constant 0 : i32
      %dma_start3A_111 = tpu.memref_slice %arg8[%dma_start3A_109, %dma_start3A_110] : memref<16x64xi32, #tpu.memory_space<vmem>> -> memref<1x64xi32, #tpu.memory_space<vmem>>
      %dma_start3A_112 = tpu.memref_squeeze %dma_start3A_111 : memref<1x64xi32, #tpu.memory_space<vmem>> -> memref<64xi32, #tpu.memory_space<vmem>>
      %dma_start3A_113 = arith.constant 0 : i32
      %dma_start3A_114 = arith.constant 0 : i32
      %dma_start3A_115 = tpu.memref_slice %arg2[%dma_start3A_113, %dma_start3A_114] : memref<10000x128xf32, #tpu.memory_space<hbm>> -> memref<10000x128xf32, #tpu.memory_space<hbm>>
      tpu.enqueue_indirect_dma source(%dma_start3A_115 : memref<10000x128xf32, #tpu.memory_space<hbm>>) target(%arg13 : memref<64x128xf32, #tpu.memory_space<vmem>>) offsets(%dma_start3A_112 : memref<64xi32, #tpu.memory_space<vmem>>) semaphore(%arg18 : memref<!tpu.dma_semaphore, #tpu.memory_space<semaphore_mem>>)
      %dma_wait3A_116 = arith.constant 4 : i32
      %dma_wait3A_117 = arith.constant 0 : i32
      %dma_wait3A_118 = tpu.memref_slice %arg8[%dma_wait3A_116, %dma_wait3A_117] : memref<16x64xi32, #tpu.memory_space<vmem>> -> memref<1x64xi32, #tpu.memory_space<vmem>>
      %dma_wait3A_119 = tpu.memref_squeeze %dma_wait3A_118 : memref<1x64xi32, #tpu.memory_space<vmem>> -> memref<64xi32, #tpu.memory_space<vmem>>
      %dma_wait3A_120 = arith.constant 0 : i32
      %dma_wait3A_121 = arith.constant 0 : i32
      %dma_wait3A_122 = tpu.memref_slice %arg2[%dma_wait3A_120, %dma_wait3A_121] : memref<10000x128xf32, #tpu.memory_space<hbm>> -> memref<10000x128xf32, #tpu.memory_space<hbm>>
      tpu.wait_indirect_dma semaphore(%arg15 : memref<!tpu.dma_semaphore, #tpu.memory_space<semaphore_mem>>) src(%dma_wait3A_122 : memref<10000x128xf32, #tpu.memory_space<hbm>>) dst(%arg10 : memref<64x128xf32, #tpu.memory_space<vmem>>)
      %run_scoped3A_123 = arith.constant 4 : i32
      "tpu.region"() ({
        %run_scoped3A_268 = tpu.sem_alloc : memref<!tpu.dma_semaphore, #tpu.memory_space<semaphore_mem>>
        %dma_start3A_269 = arith.constant 0 : i32
        %dma_start3A_270 = tpu.memref_slice %arg9[%run_scoped3A_123, %dma_start3A_269] : memref<16x64xi32, #tpu.memory_space<vmem>> -> memref<1x64xi32, #tpu.memory_space<vmem>>
        %dma_start3A_271 = tpu.memref_squeeze %dma_start3A_270 : memref<1x64xi32, #tpu.memory_space<vmem>> -> memref<64xi32, #tpu.memory_space<vmem>>
        %dma_start3A_272 = arith.constant 0 : i32
        %dma_start3A_273 = arith.constant 0 : i32
        %dma_start3A_274 = tpu.memref_slice %arg14[%dma_start3A_272, %dma_start3A_273] : memref<10112x128xf32, #tpu.memory_space<vmem_shared>> -> memref<10112x128xf32, #tpu.memory_space<vmem_shared>>
        tpu.enqueue_indirect_dma source(%arg10 : memref<64x128xf32, #tpu.memory_space<vmem>>) target(%dma_start3A_274 : memref<10112x128xf32, #tpu.memory_space<vmem_shared>>) offsets(%dma_start3A_271 : memref<64xi32, #tpu.memory_space<vmem>>) semaphore(%run_scoped3A_268 : memref<!tpu.dma_semaphore, #tpu.memory_space<semaphore_mem>>) {add = true}
        %dma_wait3A_275 = arith.constant 0 : i32
        %dma_wait3A_276 = tpu.memref_slice %arg9[%run_scoped3A_123, %dma_wait3A_275] : memref<16x64xi32, #tpu.memory_space<vmem>> -> memref<1x64xi32, #tpu.memory_space<vmem>>
        %dma_wait3A_277 = tpu.memref_squeeze %dma_wait3A_276 : memref<1x64xi32, #tpu.memory_space<vmem>> -> memref<64xi32, #tpu.memory_space<vmem>>
        %dma_wait3A_278 = arith.constant 0 : i32
        %dma_wait3A_279 = arith.constant 0 : i32
        %dma_wait3A_280 = tpu.memref_slice %arg14[%dma_wait3A_278, %dma_wait3A_279] : memref<10112x128xf32, #tpu.memory_space<vmem_shared>> -> memref<10112x128xf32, #tpu.memory_space<vmem_shared>>
        tpu.wait_indirect_dma semaphore(%run_scoped3A_268 : memref<!tpu.dma_semaphore, #tpu.memory_space<semaphore_mem>>) src(%arg10 : memref<64x128xf32, #tpu.memory_space<vmem>>) dst(%dma_wait3A_280 : memref<10112x128xf32, #tpu.memory_space<vmem_shared>>)
        tpu.yield
      }) : () -> ()
      %dma_start3A_124 = arith.constant 8 : i32
      %dma_start3A_125 = arith.constant 0 : i32
      %dma_start3A_126 = tpu.memref_slice %arg8[%dma_start3A_124, %dma_start3A_125] : memref<16x64xi32, #tpu.memory_space<vmem>> -> memref<1x64xi32, #tpu.memory_space<vmem>>
      %dma_start3A_127 = tpu.memref_squeeze %dma_start3A_126 : memref<1x64xi32, #tpu.memory_space<vmem>> -> memref<64xi32, #tpu.memory_space<vmem>>
      %dma_start3A_128 = arith.constant 0 : i32
      %dma_start3A_129 = arith.constant 0 : i32
      %dma_start3A_130 = tpu.memref_slice %arg2[%dma_start3A_128, %dma_start3A_129] : memref<10000x128xf32, #tpu.memory_space<hbm>> -> memref<10000x128xf32, #tpu.memory_space<hbm>>
      tpu.enqueue_indirect_dma source(%dma_start3A_130 : memref<10000x128xf32, #tpu.memory_space<hbm>>) target(%arg10 : memref<64x128xf32, #tpu.memory_space<vmem>>) offsets(%dma_start3A_127 : memref<64xi32, #tpu.memory_space<vmem>>) semaphore(%arg15 : memref<!tpu.dma_semaphore, #tpu.memory_space<semaphore_mem>>)
      %dma_wait3A_131 = arith.constant 5 : i32
      %dma_wait3A_132 = arith.constant 0 : i32
      %dma_wait3A_133 = tpu.memref_slice %arg8[%dma_wait3A_131, %dma_wait3A_132] : memref<16x64xi32, #tpu.memory_space<vmem>> -> memref<1x64xi32, #tpu.memory_space<vmem>>
      %dma_wait3A_134 = tpu.memref_squeeze %dma_wait3A_133 : memref<1x64xi32, #tpu.memory_space<vmem>> -> memref<64xi32, #tpu.memory_space<vmem>>
      %dma_wait3A_135 = arith.constant 0 : i32
      %dma_wait3A_136 = arith.constant 0 : i32
      %dma_wait3A_137 = tpu.memref_slice %arg2[%dma_wait3A_135, %dma_wait3A_136] : memref<10000x128xf32, #tpu.memory_space<hbm>> -> memref<10000x128xf32, #tpu.memory_space<hbm>>
      tpu.wait_indirect_dma semaphore(%arg16 : memref<!tpu.dma_semaphore, #tpu.memory_space<semaphore_mem>>) src(%dma_wait3A_137 : memref<10000x128xf32, #tpu.memory_space<hbm>>) dst(%arg11 : memref<64x128xf32, #tpu.memory_space<vmem>>)
      %run_scoped3A_138 = arith.constant 5 : i32
      "tpu.region"() ({
        %run_scoped3A_268 = tpu.sem_alloc : memref<!tpu.dma_semaphore, #tpu.memory_space<semaphore_mem>>
        %dma_start3A_269 = arith.constant 0 : i32
        %dma_start3A_270 = tpu.memref_slice %arg9[%run_scoped3A_138, %dma_start3A_269] : memref<16x64xi32, #tpu.memory_space<vmem>> -> memref<1x64xi32, #tpu.memory_space<vmem>>
        %dma_start3A_271 = tpu.memref_squeeze %dma_start3A_270 : memref<1x64xi32, #tpu.memory_space<vmem>> -> memref<64xi32, #tpu.memory_space<vmem>>
        %dma_start3A_272 = arith.constant 0 : i32
        %dma_start3A_273 = arith.constant 0 : i32
        %dma_start3A_274 = tpu.memref_slice %arg14[%dma_start3A_272, %dma_start3A_273] : memref<10112x128xf32, #tpu.memory_space<vmem_shared>> -> memref<10112x128xf32, #tpu.memory_space<vmem_shared>>
        tpu.enqueue_indirect_dma source(%arg11 : memref<64x128xf32, #tpu.memory_space<vmem>>) target(%dma_start3A_274 : memref<10112x128xf32, #tpu.memory_space<vmem_shared>>) offsets(%dma_start3A_271 : memref<64xi32, #tpu.memory_space<vmem>>) semaphore(%run_scoped3A_268 : memref<!tpu.dma_semaphore, #tpu.memory_space<semaphore_mem>>) {add = true}
        %dma_wait3A_275 = arith.constant 0 : i32
        %dma_wait3A_276 = tpu.memref_slice %arg9[%run_scoped3A_138, %dma_wait3A_275] : memref<16x64xi32, #tpu.memory_space<vmem>> -> memref<1x64xi32, #tpu.memory_space<vmem>>
        %dma_wait3A_277 = tpu.memref_squeeze %dma_wait3A_276 : memref<1x64xi32, #tpu.memory_space<vmem>> -> memref<64xi32, #tpu.memory_space<vmem>>
        %dma_wait3A_278 = arith.constant 0 : i32
        %dma_wait3A_279 = arith.constant 0 : i32
        %dma_wait3A_280 = tpu.memref_slice %arg14[%dma_wait3A_278, %dma_wait3A_279] : memref<10112x128xf32, #tpu.memory_space<vmem_shared>> -> memref<10112x128xf32, #tpu.memory_space<vmem_shared>>
        tpu.wait_indirect_dma semaphore(%run_scoped3A_268 : memref<!tpu.dma_semaphore, #tpu.memory_space<semaphore_mem>>) src(%arg11 : memref<64x128xf32, #tpu.memory_space<vmem>>) dst(%dma_wait3A_280 : memref<10112x128xf32, #tpu.memory_space<vmem_shared>>)
        tpu.yield
      }) : () -> ()
      %dma_start3A_139 = arith.constant 9 : i32
      %dma_start3A_140 = arith.constant 0 : i32
      %dma_start3A_141 = tpu.memref_slice %arg8[%dma_start3A_139, %dma_start3A_140] : memref<16x64xi32, #tpu.memory_space<vmem>> -> memref<1x64xi32, #tpu.memory_space<vmem>>
      %dma_start3A_142 = tpu.memref_squeeze %dma_start3A_141 : memref<1x64xi32, #tpu.memory_space<vmem>> -> memref<64xi32, #tpu.memory_space<vmem>>
      %dma_start3A_143 = arith.constant 0 : i32
      %dma_start3A_144 = arith.constant 0 : i32
      %dma_start3A_145 = tpu.memref_slice %arg2[%dma_start3A_143, %dma_start3A_144] : memref<10000x128xf32, #tpu.memory_space<hbm>> -> memref<10000x128xf32, #tpu.memory_space<hbm>>
      tpu.enqueue_indirect_dma source(%dma_start3A_145 : memref<10000x128xf32, #tpu.memory_space<hbm>>) target(%arg11 : memref<64x128xf32, #tpu.memory_space<vmem>>) offsets(%dma_start3A_142 : memref<64xi32, #tpu.memory_space<vmem>>) semaphore(%arg16 : memref<!tpu.dma_semaphore, #tpu.memory_space<semaphore_mem>>)
      %dma_wait3A_146 = arith.constant 6 : i32
      %dma_wait3A_147 = arith.constant 0 : i32
      %dma_wait3A_148 = tpu.memref_slice %arg8[%dma_wait3A_146, %dma_wait3A_147] : memref<16x64xi32, #tpu.memory_space<vmem>> -> memref<1x64xi32, #tpu.memory_space<vmem>>
      %dma_wait3A_149 = tpu.memref_squeeze %dma_wait3A_148 : memref<1x64xi32, #tpu.memory_space<vmem>> -> memref<64xi32, #tpu.memory_space<vmem>>
      %dma_wait3A_150 = arith.constant 0 : i32
      %dma_wait3A_151 = arith.constant 0 : i32
      %dma_wait3A_152 = tpu.memref_slice %arg2[%dma_wait3A_150, %dma_wait3A_151] : memref<10000x128xf32, #tpu.memory_space<hbm>> -> memref<10000x128xf32, #tpu.memory_space<hbm>>
      tpu.wait_indirect_dma semaphore(%arg17 : memref<!tpu.dma_semaphore, #tpu.memory_space<semaphore_mem>>) src(%dma_wait3A_152 : memref<10000x128xf32, #tpu.memory_space<hbm>>) dst(%arg12 : memref<64x128xf32, #tpu.memory_space<vmem>>)
      %run_scoped3A_153 = arith.constant 6 : i32
      "tpu.region"() ({
        %run_scoped3A_268 = tpu.sem_alloc : memref<!tpu.dma_semaphore, #tpu.memory_space<semaphore_mem>>
        %dma_start3A_269 = arith.constant 0 : i32
        %dma_start3A_270 = tpu.memref_slice %arg9[%run_scoped3A_153, %dma_start3A_269] : memref<16x64xi32, #tpu.memory_space<vmem>> -> memref<1x64xi32, #tpu.memory_space<vmem>>
        %dma_start3A_271 = tpu.memref_squeeze %dma_start3A_270 : memref<1x64xi32, #tpu.memory_space<vmem>> -> memref<64xi32, #tpu.memory_space<vmem>>
        %dma_start3A_272 = arith.constant 0 : i32
        %dma_start3A_273 = arith.constant 0 : i32
        %dma_start3A_274 = tpu.memref_slice %arg14[%dma_start3A_272, %dma_start3A_273] : memref<10112x128xf32, #tpu.memory_space<vmem_shared>> -> memref<10112x128xf32, #tpu.memory_space<vmem_shared>>
        tpu.enqueue_indirect_dma source(%arg12 : memref<64x128xf32, #tpu.memory_space<vmem>>) target(%dma_start3A_274 : memref<10112x128xf32, #tpu.memory_space<vmem_shared>>) offsets(%dma_start3A_271 : memref<64xi32, #tpu.memory_space<vmem>>) semaphore(%run_scoped3A_268 : memref<!tpu.dma_semaphore, #tpu.memory_space<semaphore_mem>>) {add = true}
        %dma_wait3A_275 = arith.constant 0 : i32
        %dma_wait3A_276 = tpu.memref_slice %arg9[%run_scoped3A_153, %dma_wait3A_275] : memref<16x64xi32, #tpu.memory_space<vmem>> -> memref<1x64xi32, #tpu.memory_space<vmem>>
        %dma_wait3A_277 = tpu.memref_squeeze %dma_wait3A_276 : memref<1x64xi32, #tpu.memory_space<vmem>> -> memref<64xi32, #tpu.memory_space<vmem>>
        %dma_wait3A_278 = arith.constant 0 : i32
        %dma_wait3A_279 = arith.constant 0 : i32
        %dma_wait3A_280 = tpu.memref_slice %arg14[%dma_wait3A_278, %dma_wait3A_279] : memref<10112x128xf32, #tpu.memory_space<vmem_shared>> -> memref<10112x128xf32, #tpu.memory_space<vmem_shared>>
        tpu.wait_indirect_dma semaphore(%run_scoped3A_268 : memref<!tpu.dma_semaphore, #tpu.memory_space<semaphore_mem>>) src(%arg12 : memref<64x128xf32, #tpu.memory_space<vmem>>) dst(%dma_wait3A_280 : memref<10112x128xf32, #tpu.memory_space<vmem_shared>>)
        tpu.yield
      }) : () -> ()
      %dma_start3A_154 = arith.constant 10 : i32
      %dma_start3A_155 = arith.constant 0 : i32
      %dma_start3A_156 = tpu.memref_slice %arg8[%dma_start3A_154, %dma_start3A_155] : memref<16x64xi32, #tpu.memory_space<vmem>> -> memref<1x64xi32, #tpu.memory_space<vmem>>
      %dma_start3A_157 = tpu.memref_squeeze %dma_start3A_156 : memref<1x64xi32, #tpu.memory_space<vmem>> -> memref<64xi32, #tpu.memory_space<vmem>>
      %dma_start3A_158 = arith.constant 0 : i32
      %dma_start3A_159 = arith.constant 0 : i32
      %dma_start3A_160 = tpu.memref_slice %arg2[%dma_start3A_158, %dma_start3A_159] : memref<10000x128xf32, #tpu.memory_space<hbm>> -> memref<10000x128xf32, #tpu.memory_space<hbm>>
      tpu.enqueue_indirect_dma source(%dma_start3A_160 : memref<10000x128xf32, #tpu.memory_space<hbm>>) target(%arg12 : memref<64x128xf32, #tpu.memory_space<vmem>>) offsets(%dma_start3A_157 : memref<64xi32, #tpu.memory_space<vmem>>) semaphore(%arg17 : memref<!tpu.dma_semaphore, #tpu.memory_space<semaphore_mem>>)
      %dma_wait3A_161 = arith.constant 7 : i32
      %dma_wait3A_162 = arith.constant 0 : i32
      %dma_wait3A_163 = tpu.memref_slice %arg8[%dma_wait3A_161, %dma_wait3A_162] : memref<16x64xi32, #tpu.memory_space<vmem>> -> memref<1x64xi32, #tpu.memory_space<vmem>>
      %dma_wait3A_164 = tpu.memref_squeeze %dma_wait3A_163 : memref<1x64xi32, #tpu.memory_space<vmem>> -> memref<64xi32, #tpu.memory_space<vmem>>
      %dma_wait3A_165 = arith.constant 0 : i32
      %dma_wait3A_166 = arith.constant 0 : i32
      %dma_wait3A_167 = tpu.memref_slice %arg2[%dma_wait3A_165, %dma_wait3A_166] : memref<10000x128xf32, #tpu.memory_space<hbm>> -> memref<10000x128xf32, #tpu.memory_space<hbm>>
      tpu.wait_indirect_dma semaphore(%arg18 : memref<!tpu.dma_semaphore, #tpu.memory_space<semaphore_mem>>) src(%dma_wait3A_167 : memref<10000x128xf32, #tpu.memory_space<hbm>>) dst(%arg13 : memref<64x128xf32, #tpu.memory_space<vmem>>)
      %run_scoped3A_168 = arith.constant 7 : i32
      "tpu.region"() ({
        %run_scoped3A_268 = tpu.sem_alloc : memref<!tpu.dma_semaphore, #tpu.memory_space<semaphore_mem>>
        %dma_start3A_269 = arith.constant 0 : i32
        %dma_start3A_270 = tpu.memref_slice %arg9[%run_scoped3A_168, %dma_start3A_269] : memref<16x64xi32, #tpu.memory_space<vmem>> -> memref<1x64xi32, #tpu.memory_space<vmem>>
        %dma_start3A_271 = tpu.memref_squeeze %dma_start3A_270 : memref<1x64xi32, #tpu.memory_space<vmem>> -> memref<64xi32, #tpu.memory_space<vmem>>
        %dma_start3A_272 = arith.constant 0 : i32
        %dma_start3A_273 = arith.constant 0 : i32
        %dma_start3A_274 = tpu.memref_slice %arg14[%dma_start3A_272, %dma_start3A_273] : memref<10112x128xf32, #tpu.memory_space<vmem_shared>> -> memref<10112x128xf32, #tpu.memory_space<vmem_shared>>
        tpu.enqueue_indirect_dma source(%arg13 : memref<64x128xf32, #tpu.memory_space<vmem>>) target(%dma_start3A_274 : memref<10112x128xf32, #tpu.memory_space<vmem_shared>>) offsets(%dma_start3A_271 : memref<64xi32, #tpu.memory_space<vmem>>) semaphore(%run_scoped3A_268 : memref<!tpu.dma_semaphore, #tpu.memory_space<semaphore_mem>>) {add = true}
        %dma_wait3A_275 = arith.constant 0 : i32
        %dma_wait3A_276 = tpu.memref_slice %arg9[%run_scoped3A_168, %dma_wait3A_275] : memref<16x64xi32, #tpu.memory_space<vmem>> -> memref<1x64xi32, #tpu.memory_space<vmem>>
        %dma_wait3A_277 = tpu.memref_squeeze %dma_wait3A_276 : memref<1x64xi32, #tpu.memory_space<vmem>> -> memref<64xi32, #tpu.memory_space<vmem>>
        %dma_wait3A_278 = arith.constant 0 : i32
        %dma_wait3A_279 = arith.constant 0 : i32
        %dma_wait3A_280 = tpu.memref_slice %arg14[%dma_wait3A_278, %dma_wait3A_279] : memref<10112x128xf32, #tpu.memory_space<vmem_shared>> -> memref<10112x128xf32, #tpu.memory_space<vmem_shared>>
        tpu.wait_indirect_dma semaphore(%run_scoped3A_268 : memref<!tpu.dma_semaphore, #tpu.memory_space<semaphore_mem>>) src(%arg13 : memref<64x128xf32, #tpu.memory_space<vmem>>) dst(%dma_wait3A_280 : memref<10112x128xf32, #tpu.memory_space<vmem_shared>>)
        tpu.yield
      }) : () -> ()
      %dma_start3A_169 = arith.constant 11 : i32
      %dma_start3A_170 = arith.constant 0 : i32
      %dma_start3A_171 = tpu.memref_slice %arg8[%dma_start3A_169, %dma_start3A_170] : memref<16x64xi32, #tpu.memory_space<vmem>> -> memref<1x64xi32, #tpu.memory_space<vmem>>
      %dma_start3A_172 = tpu.memref_squeeze %dma_start3A_171 : memref<1x64xi32, #tpu.memory_space<vmem>> -> memref<64xi32, #tpu.memory_space<vmem>>
      %dma_start3A_173 = arith.constant 0 : i32
      %dma_start3A_174 = arith.constant 0 : i32
      %dma_start3A_175 = tpu.memref_slice %arg2[%dma_start3A_173, %dma_start3A_174] : memref<10000x128xf32, #tpu.memory_space<hbm>> -> memref<10000x128xf32, #tpu.memory_space<hbm>>
      tpu.enqueue_indirect_dma source(%dma_start3A_175 : memref<10000x128xf32, #tpu.memory_space<hbm>>) target(%arg13 : memref<64x128xf32, #tpu.memory_space<vmem>>) offsets(%dma_start3A_172 : memref<64xi32, #tpu.memory_space<vmem>>) semaphore(%arg18 : memref<!tpu.dma_semaphore, #tpu.memory_space<semaphore_mem>>)
      %dma_wait3A_176 = arith.constant 8 : i32
      %dma_wait3A_177 = arith.constant 0 : i32
      %dma_wait3A_178 = tpu.memref_slice %arg8[%dma_wait3A_176, %dma_wait3A_177] : memref<16x64xi32, #tpu.memory_space<vmem>> -> memref<1x64xi32, #tpu.memory_space<vmem>>
      %dma_wait3A_179 = tpu.memref_squeeze %dma_wait3A_178 : memref<1x64xi32, #tpu.memory_space<vmem>> -> memref<64xi32, #tpu.memory_space<vmem>>
      %dma_wait3A_180 = arith.constant 0 : i32
      %dma_wait3A_181 = arith.constant 0 : i32
      %dma_wait3A_182 = tpu.memref_slice %arg2[%dma_wait3A_180, %dma_wait3A_181] : memref<10000x128xf32, #tpu.memory_space<hbm>> -> memref<10000x128xf32, #tpu.memory_space<hbm>>
      tpu.wait_indirect_dma semaphore(%arg15 : memref<!tpu.dma_semaphore, #tpu.memory_space<semaphore_mem>>) src(%dma_wait3A_182 : memref<10000x128xf32, #tpu.memory_space<hbm>>) dst(%arg10 : memref<64x128xf32, #tpu.memory_space<vmem>>)
      %run_scoped3A_183 = arith.constant 8 : i32
      "tpu.region"() ({
        %run_scoped3A_268 = tpu.sem_alloc : memref<!tpu.dma_semaphore, #tpu.memory_space<semaphore_mem>>
        %dma_start3A_269 = arith.constant 0 : i32
        %dma_start3A_270 = tpu.memref_slice %arg9[%run_scoped3A_183, %dma_start3A_269] : memref<16x64xi32, #tpu.memory_space<vmem>> -> memref<1x64xi32, #tpu.memory_space<vmem>>
        %dma_start3A_271 = tpu.memref_squeeze %dma_start3A_270 : memref<1x64xi32, #tpu.memory_space<vmem>> -> memref<64xi32, #tpu.memory_space<vmem>>
        %dma_start3A_272 = arith.constant 0 : i32
        %dma_start3A_273 = arith.constant 0 : i32
        %dma_start3A_274 = tpu.memref_slice %arg14[%dma_start3A_272, %dma_start3A_273] : memref<10112x128xf32, #tpu.memory_space<vmem_shared>> -> memref<10112x128xf32, #tpu.memory_space<vmem_shared>>
        tpu.enqueue_indirect_dma source(%arg10 : memref<64x128xf32, #tpu.memory_space<vmem>>) target(%dma_start3A_274 : memref<10112x128xf32, #tpu.memory_space<vmem_shared>>) offsets(%dma_start3A_271 : memref<64xi32, #tpu.memory_space<vmem>>) semaphore(%run_scoped3A_268 : memref<!tpu.dma_semaphore, #tpu.memory_space<semaphore_mem>>) {add = true}
        %dma_wait3A_275 = arith.constant 0 : i32
        %dma_wait3A_276 = tpu.memref_slice %arg9[%run_scoped3A_183, %dma_wait3A_275] : memref<16x64xi32, #tpu.memory_space<vmem>> -> memref<1x64xi32, #tpu.memory_space<vmem>>
        %dma_wait3A_277 = tpu.memref_squeeze %dma_wait3A_276 : memref<1x64xi32, #tpu.memory_space<vmem>> -> memref<64xi32, #tpu.memory_space<vmem>>
        %dma_wait3A_278 = arith.constant 0 : i32
        %dma_wait3A_279 = arith.constant 0 : i32
        %dma_wait3A_280 = tpu.memref_slice %arg14[%dma_wait3A_278, %dma_wait3A_279] : memref<10112x128xf32, #tpu.memory_space<vmem_shared>> -> memref<10112x128xf32, #tpu.memory_space<vmem_shared>>
        tpu.wait_indirect_dma semaphore(%run_scoped3A_268 : memref<!tpu.dma_semaphore, #tpu.memory_space<semaphore_mem>>) src(%arg10 : memref<64x128xf32, #tpu.memory_space<vmem>>) dst(%dma_wait3A_280 : memref<10112x128xf32, #tpu.memory_space<vmem_shared>>)
        tpu.yield
      }) : () -> ()
      %dma_start3A_184 = arith.constant 12 : i32
      %dma_start3A_185 = arith.constant 0 : i32
      %dma_start3A_186 = tpu.memref_slice %arg8[%dma_start3A_184, %dma_start3A_185] : memref<16x64xi32, #tpu.memory_space<vmem>> -> memref<1x64xi32, #tpu.memory_space<vmem>>
      %dma_start3A_187 = tpu.memref_squeeze %dma_start3A_186 : memref<1x64xi32, #tpu.memory_space<vmem>> -> memref<64xi32, #tpu.memory_space<vmem>>
      %dma_start3A_188 = arith.constant 0 : i32
      %dma_start3A_189 = arith.constant 0 : i32
      %dma_start3A_190 = tpu.memref_slice %arg2[%dma_start3A_188, %dma_start3A_189] : memref<10000x128xf32, #tpu.memory_space<hbm>> -> memref<10000x128xf32, #tpu.memory_space<hbm>>
      tpu.enqueue_indirect_dma source(%dma_start3A_190 : memref<10000x128xf32, #tpu.memory_space<hbm>>) target(%arg10 : memref<64x128xf32, #tpu.memory_space<vmem>>) offsets(%dma_start3A_187 : memref<64xi32, #tpu.memory_space<vmem>>) semaphore(%arg15 : memref<!tpu.dma_semaphore, #tpu.memory_space<semaphore_mem>>)
      %dma_wait3A_191 = arith.constant 9 : i32
      %dma_wait3A_192 = arith.constant 0 : i32
      %dma_wait3A_193 = tpu.memref_slice %arg8[%dma_wait3A_191, %dma_wait3A_192] : memref<16x64xi32, #tpu.memory_space<vmem>> -> memref<1x64xi32, #tpu.memory_space<vmem>>
      %dma_wait3A_194 = tpu.memref_squeeze %dma_wait3A_193 : memref<1x64xi32, #tpu.memory_space<vmem>> -> memref<64xi32, #tpu.memory_space<vmem>>
      %dma_wait3A_195 = arith.constant 0 : i32
      %dma_wait3A_196 = arith.constant 0 : i32
      %dma_wait3A_197 = tpu.memref_slice %arg2[%dma_wait3A_195, %dma_wait3A_196] : memref<10000x128xf32, #tpu.memory_space<hbm>> -> memref<10000x128xf32, #tpu.memory_space<hbm>>
      tpu.wait_indirect_dma semaphore(%arg16 : memref<!tpu.dma_semaphore, #tpu.memory_space<semaphore_mem>>) src(%dma_wait3A_197 : memref<10000x128xf32, #tpu.memory_space<hbm>>) dst(%arg11 : memref<64x128xf32, #tpu.memory_space<vmem>>)
      %run_scoped3A_198 = arith.constant 9 : i32
      "tpu.region"() ({
        %run_scoped3A_268 = tpu.sem_alloc : memref<!tpu.dma_semaphore, #tpu.memory_space<semaphore_mem>>
        %dma_start3A_269 = arith.constant 0 : i32
        %dma_start3A_270 = tpu.memref_slice %arg9[%run_scoped3A_198, %dma_start3A_269] : memref<16x64xi32, #tpu.memory_space<vmem>> -> memref<1x64xi32, #tpu.memory_space<vmem>>
        %dma_start3A_271 = tpu.memref_squeeze %dma_start3A_270 : memref<1x64xi32, #tpu.memory_space<vmem>> -> memref<64xi32, #tpu.memory_space<vmem>>
        %dma_start3A_272 = arith.constant 0 : i32
        %dma_start3A_273 = arith.constant 0 : i32
        %dma_start3A_274 = tpu.memref_slice %arg14[%dma_start3A_272, %dma_start3A_273] : memref<10112x128xf32, #tpu.memory_space<vmem_shared>> -> memref<10112x128xf32, #tpu.memory_space<vmem_shared>>
        tpu.enqueue_indirect_dma source(%arg11 : memref<64x128xf32, #tpu.memory_space<vmem>>) target(%dma_start3A_274 : memref<10112x128xf32, #tpu.memory_space<vmem_shared>>) offsets(%dma_start3A_271 : memref<64xi32, #tpu.memory_space<vmem>>) semaphore(%run_scoped3A_268 : memref<!tpu.dma_semaphore, #tpu.memory_space<semaphore_mem>>) {add = true}
        %dma_wait3A_275 = arith.constant 0 : i32
        %dma_wait3A_276 = tpu.memref_slice %arg9[%run_scoped3A_198, %dma_wait3A_275] : memref<16x64xi32, #tpu.memory_space<vmem>> -> memref<1x64xi32, #tpu.memory_space<vmem>>
        %dma_wait3A_277 = tpu.memref_squeeze %dma_wait3A_276 : memref<1x64xi32, #tpu.memory_space<vmem>> -> memref<64xi32, #tpu.memory_space<vmem>>
        %dma_wait3A_278 = arith.constant 0 : i32
        %dma_wait3A_279 = arith.constant 0 : i32
        %dma_wait3A_280 = tpu.memref_slice %arg14[%dma_wait3A_278, %dma_wait3A_279] : memref<10112x128xf32, #tpu.memory_space<vmem_shared>> -> memref<10112x128xf32, #tpu.memory_space<vmem_shared>>
        tpu.wait_indirect_dma semaphore(%run_scoped3A_268 : memref<!tpu.dma_semaphore, #tpu.memory_space<semaphore_mem>>) src(%arg11 : memref<64x128xf32, #tpu.memory_space<vmem>>) dst(%dma_wait3A_280 : memref<10112x128xf32, #tpu.memory_space<vmem_shared>>)
        tpu.yield
      }) : () -> ()
      %dma_start3A_199 = arith.constant 13 : i32
      %dma_start3A_200 = arith.constant 0 : i32
      %dma_start3A_201 = tpu.memref_slice %arg8[%dma_start3A_199, %dma_start3A_200] : memref<16x64xi32, #tpu.memory_space<vmem>> -> memref<1x64xi32, #tpu.memory_space<vmem>>
      %dma_start3A_202 = tpu.memref_squeeze %dma_start3A_201 : memref<1x64xi32, #tpu.memory_space<vmem>> -> memref<64xi32, #tpu.memory_space<vmem>>
      %dma_start3A_203 = arith.constant 0 : i32
      %dma_start3A_204 = arith.constant 0 : i32
      %dma_start3A_205 = tpu.memref_slice %arg2[%dma_start3A_203, %dma_start3A_204] : memref<10000x128xf32, #tpu.memory_space<hbm>> -> memref<10000x128xf32, #tpu.memory_space<hbm>>
      tpu.enqueue_indirect_dma source(%dma_start3A_205 : memref<10000x128xf32, #tpu.memory_space<hbm>>) target(%arg11 : memref<64x128xf32, #tpu.memory_space<vmem>>) offsets(%dma_start3A_202 : memref<64xi32, #tpu.memory_space<vmem>>) semaphore(%arg16 : memref<!tpu.dma_semaphore, #tpu.memory_space<semaphore_mem>>)
      %dma_wait3A_206 = arith.constant 10 : i32
      %dma_wait3A_207 = arith.constant 0 : i32
      %dma_wait3A_208 = tpu.memref_slice %arg8[%dma_wait3A_206, %dma_wait3A_207] : memref<16x64xi32, #tpu.memory_space<vmem>> -> memref<1x64xi32, #tpu.memory_space<vmem>>
      %dma_wait3A_209 = tpu.memref_squeeze %dma_wait3A_208 : memref<1x64xi32, #tpu.memory_space<vmem>> -> memref<64xi32, #tpu.memory_space<vmem>>
      %dma_wait3A_210 = arith.constant 0 : i32
      %dma_wait3A_211 = arith.constant 0 : i32
      %dma_wait3A_212 = tpu.memref_slice %arg2[%dma_wait3A_210, %dma_wait3A_211] : memref<10000x128xf32, #tpu.memory_space<hbm>> -> memref<10000x128xf32, #tpu.memory_space<hbm>>
      tpu.wait_indirect_dma semaphore(%arg17 : memref<!tpu.dma_semaphore, #tpu.memory_space<semaphore_mem>>) src(%dma_wait3A_212 : memref<10000x128xf32, #tpu.memory_space<hbm>>) dst(%arg12 : memref<64x128xf32, #tpu.memory_space<vmem>>)
      %run_scoped3A_213 = arith.constant 10 : i32
      "tpu.region"() ({
        %run_scoped3A_268 = tpu.sem_alloc : memref<!tpu.dma_semaphore, #tpu.memory_space<semaphore_mem>>
        %dma_start3A_269 = arith.constant 0 : i32
        %dma_start3A_270 = tpu.memref_slice %arg9[%run_scoped3A_213, %dma_start3A_269] : memref<16x64xi32, #tpu.memory_space<vmem>> -> memref<1x64xi32, #tpu.memory_space<vmem>>
        %dma_start3A_271 = tpu.memref_squeeze %dma_start3A_270 : memref<1x64xi32, #tpu.memory_space<vmem>> -> memref<64xi32, #tpu.memory_space<vmem>>
        %dma_start3A_272 = arith.constant 0 : i32
        %dma_start3A_273 = arith.constant 0 : i32
        %dma_start3A_274 = tpu.memref_slice %arg14[%dma_start3A_272, %dma_start3A_273] : memref<10112x128xf32, #tpu.memory_space<vmem_shared>> -> memref<10112x128xf32, #tpu.memory_space<vmem_shared>>
        tpu.enqueue_indirect_dma source(%arg12 : memref<64x128xf32, #tpu.memory_space<vmem>>) target(%dma_start3A_274 : memref<10112x128xf32, #tpu.memory_space<vmem_shared>>) offsets(%dma_start3A_271 : memref<64xi32, #tpu.memory_space<vmem>>) semaphore(%run_scoped3A_268 : memref<!tpu.dma_semaphore, #tpu.memory_space<semaphore_mem>>) {add = true}
        %dma_wait3A_275 = arith.constant 0 : i32
        %dma_wait3A_276 = tpu.memref_slice %arg9[%run_scoped3A_213, %dma_wait3A_275] : memref<16x64xi32, #tpu.memory_space<vmem>> -> memref<1x64xi32, #tpu.memory_space<vmem>>
        %dma_wait3A_277 = tpu.memref_squeeze %dma_wait3A_276 : memref<1x64xi32, #tpu.memory_space<vmem>> -> memref<64xi32, #tpu.memory_space<vmem>>
        %dma_wait3A_278 = arith.constant 0 : i32
        %dma_wait3A_279 = arith.constant 0 : i32
        %dma_wait3A_280 = tpu.memref_slice %arg14[%dma_wait3A_278, %dma_wait3A_279] : memref<10112x128xf32, #tpu.memory_space<vmem_shared>> -> memref<10112x128xf32, #tpu.memory_space<vmem_shared>>
        tpu.wait_indirect_dma semaphore(%run_scoped3A_268 : memref<!tpu.dma_semaphore, #tpu.memory_space<semaphore_mem>>) src(%arg12 : memref<64x128xf32, #tpu.memory_space<vmem>>) dst(%dma_wait3A_280 : memref<10112x128xf32, #tpu.memory_space<vmem_shared>>)
        tpu.yield
      }) : () -> ()
      %dma_start3A_214 = arith.constant 14 : i32
      %dma_start3A_215 = arith.constant 0 : i32
      %dma_start3A_216 = tpu.memref_slice %arg8[%dma_start3A_214, %dma_start3A_215] : memref<16x64xi32, #tpu.memory_space<vmem>> -> memref<1x64xi32, #tpu.memory_space<vmem>>
      %dma_start3A_217 = tpu.memref_squeeze %dma_start3A_216 : memref<1x64xi32, #tpu.memory_space<vmem>> -> memref<64xi32, #tpu.memory_space<vmem>>
      %dma_start3A_218 = arith.constant 0 : i32
      %dma_start3A_219 = arith.constant 0 : i32
      %dma_start3A_220 = tpu.memref_slice %arg2[%dma_start3A_218, %dma_start3A_219] : memref<10000x128xf32, #tpu.memory_space<hbm>> -> memref<10000x128xf32, #tpu.memory_space<hbm>>
      tpu.enqueue_indirect_dma source(%dma_start3A_220 : memref<10000x128xf32, #tpu.memory_space<hbm>>) target(%arg12 : memref<64x128xf32, #tpu.memory_space<vmem>>) offsets(%dma_start3A_217 : memref<64xi32, #tpu.memory_space<vmem>>) semaphore(%arg17 : memref<!tpu.dma_semaphore, #tpu.memory_space<semaphore_mem>>)
      %dma_wait3A_221 = arith.constant 11 : i32
      %dma_wait3A_222 = arith.constant 0 : i32
      %dma_wait3A_223 = tpu.memref_slice %arg8[%dma_wait3A_221, %dma_wait3A_222] : memref<16x64xi32, #tpu.memory_space<vmem>> -> memref<1x64xi32, #tpu.memory_space<vmem>>
      %dma_wait3A_224 = tpu.memref_squeeze %dma_wait3A_223 : memref<1x64xi32, #tpu.memory_space<vmem>> -> memref<64xi32, #tpu.memory_space<vmem>>
      %dma_wait3A_225 = arith.constant 0 : i32
      %dma_wait3A_226 = arith.constant 0 : i32
      %dma_wait3A_227 = tpu.memref_slice %arg2[%dma_wait3A_225, %dma_wait3A_226] : memref<10000x128xf32, #tpu.memory_space<hbm>> -> memref<10000x128xf32, #tpu.memory_space<hbm>>
      tpu.wait_indirect_dma semaphore(%arg18 : memref<!tpu.dma_semaphore, #tpu.memory_space<semaphore_mem>>) src(%dma_wait3A_227 : memref<10000x128xf32, #tpu.memory_space<hbm>>) dst(%arg13 : memref<64x128xf32, #tpu.memory_space<vmem>>)
      %run_scoped3A_228 = arith.constant 11 : i32
      "tpu.region"() ({
        %run_scoped3A_268 = tpu.sem_alloc : memref<!tpu.dma_semaphore, #tpu.memory_space<semaphore_mem>>
        %dma_start3A_269 = arith.constant 0 : i32
        %dma_start3A_270 = tpu.memref_slice %arg9[%run_scoped3A_228, %dma_start3A_269] : memref<16x64xi32, #tpu.memory_space<vmem>> -> memref<1x64xi32, #tpu.memory_space<vmem>>
        %dma_start3A_271 = tpu.memref_squeeze %dma_start3A_270 : memref<1x64xi32, #tpu.memory_space<vmem>> -> memref<64xi32, #tpu.memory_space<vmem>>
        %dma_start3A_272 = arith.constant 0 : i32
        %dma_start3A_273 = arith.constant 0 : i32
        %dma_start3A_274 = tpu.memref_slice %arg14[%dma_start3A_272, %dma_start3A_273] : memref<10112x128xf32, #tpu.memory_space<vmem_shared>> -> memref<10112x128xf32, #tpu.memory_space<vmem_shared>>
        tpu.enqueue_indirect_dma source(%arg13 : memref<64x128xf32, #tpu.memory_space<vmem>>) target(%dma_start3A_274 : memref<10112x128xf32, #tpu.memory_space<vmem_shared>>) offsets(%dma_start3A_271 : memref<64xi32, #tpu.memory_space<vmem>>) semaphore(%run_scoped3A_268 : memref<!tpu.dma_semaphore, #tpu.memory_space<semaphore_mem>>) {add = true}
        %dma_wait3A_275 = arith.constant 0 : i32
        %dma_wait3A_276 = tpu.memref_slice %arg9[%run_scoped3A_228, %dma_wait3A_275] : memref<16x64xi32, #tpu.memory_space<vmem>> -> memref<1x64xi32, #tpu.memory_space<vmem>>
        %dma_wait3A_277 = tpu.memref_squeeze %dma_wait3A_276 : memref<1x64xi32, #tpu.memory_space<vmem>> -> memref<64xi32, #tpu.memory_space<vmem>>
        %dma_wait3A_278 = arith.constant 0 : i32
        %dma_wait3A_279 = arith.constant 0 : i32
        %dma_wait3A_280 = tpu.memref_slice %arg14[%dma_wait3A_278, %dma_wait3A_279] : memref<10112x128xf32, #tpu.memory_space<vmem_shared>> -> memref<10112x128xf32, #tpu.memory_space<vmem_shared>>
        tpu.wait_indirect_dma semaphore(%run_scoped3A_268 : memref<!tpu.dma_semaphore, #tpu.memory_space<semaphore_mem>>) src(%arg13 : memref<64x128xf32, #tpu.memory_space<vmem>>) dst(%dma_wait3A_280 : memref<10112x128xf32, #tpu.memory_space<vmem_shared>>)
        tpu.yield
      }) : () -> ()
      %dma_start3A_229 = arith.constant 15 : i32
      %dma_start3A_230 = arith.constant 0 : i32
      %dma_start3A_231 = tpu.memref_slice %arg8[%dma_start3A_229, %dma_start3A_230] : memref<16x64xi32, #tpu.memory_space<vmem>> -> memref<1x64xi32, #tpu.memory_space<vmem>>
      %dma_start3A_232 = tpu.memref_squeeze %dma_start3A_231 : memref<1x64xi32, #tpu.memory_space<vmem>> -> memref<64xi32, #tpu.memory_space<vmem>>
      %dma_start3A_233 = arith.constant 0 : i32
      %dma_start3A_234 = arith.constant 0 : i32
      %dma_start3A_235 = tpu.memref_slice %arg2[%dma_start3A_233, %dma_start3A_234] : memref<10000x128xf32, #tpu.memory_space<hbm>> -> memref<10000x128xf32, #tpu.memory_space<hbm>>
      tpu.enqueue_indirect_dma source(%dma_start3A_235 : memref<10000x128xf32, #tpu.memory_space<hbm>>) target(%arg13 : memref<64x128xf32, #tpu.memory_space<vmem>>) offsets(%dma_start3A_232 : memref<64xi32, #tpu.memory_space<vmem>>) semaphore(%arg18 : memref<!tpu.dma_semaphore, #tpu.memory_space<semaphore_mem>>)
      %dma_wait3A_236 = arith.constant 12 : i32
      %dma_wait3A_237 = arith.constant 0 : i32
      %dma_wait3A_238 = tpu.memref_slice %arg8[%dma_wait3A_236, %dma_wait3A_237] : memref<16x64xi32, #tpu.memory_space<vmem>> -> memref<1x64xi32, #tpu.memory_space<vmem>>
      %dma_wait3A_239 = tpu.memref_squeeze %dma_wait3A_238 : memref<1x64xi32, #tpu.memory_space<vmem>> -> memref<64xi32, #tpu.memory_space<vmem>>
      %dma_wait3A_240 = arith.constant 0 : i32
      %dma_wait3A_241 = arith.constant 0 : i32
      %dma_wait3A_242 = tpu.memref_slice %arg2[%dma_wait3A_240, %dma_wait3A_241] : memref<10000x128xf32, #tpu.memory_space<hbm>> -> memref<10000x128xf32, #tpu.memory_space<hbm>>
      tpu.wait_indirect_dma semaphore(%arg15 : memref<!tpu.dma_semaphore, #tpu.memory_space<semaphore_mem>>) src(%dma_wait3A_242 : memref<10000x128xf32, #tpu.memory_space<hbm>>) dst(%arg10 : memref<64x128xf32, #tpu.memory_space<vmem>>)
      %run_scoped3A_243 = arith.constant 12 : i32
      "tpu.region"() ({
        %run_scoped3A_268 = tpu.sem_alloc : memref<!tpu.dma_semaphore, #tpu.memory_space<semaphore_mem>>
        %dma_start3A_269 = arith.constant 0 : i32
        %dma_start3A_270 = tpu.memref_slice %arg9[%run_scoped3A_243, %dma_start3A_269] : memref<16x64xi32, #tpu.memory_space<vmem>> -> memref<1x64xi32, #tpu.memory_space<vmem>>
        %dma_start3A_271 = tpu.memref_squeeze %dma_start3A_270 : memref<1x64xi32, #tpu.memory_space<vmem>> -> memref<64xi32, #tpu.memory_space<vmem>>
        %dma_start3A_272 = arith.constant 0 : i32
        %dma_start3A_273 = arith.constant 0 : i32
        %dma_start3A_274 = tpu.memref_slice %arg14[%dma_start3A_272, %dma_start3A_273] : memref<10112x128xf32, #tpu.memory_space<vmem_shared>> -> memref<10112x128xf32, #tpu.memory_space<vmem_shared>>
        tpu.enqueue_indirect_dma source(%arg10 : memref<64x128xf32, #tpu.memory_space<vmem>>) target(%dma_start3A_274 : memref<10112x128xf32, #tpu.memory_space<vmem_shared>>) offsets(%dma_start3A_271 : memref<64xi32, #tpu.memory_space<vmem>>) semaphore(%run_scoped3A_268 : memref<!tpu.dma_semaphore, #tpu.memory_space<semaphore_mem>>) {add = true}
        %dma_wait3A_275 = arith.constant 0 : i32
        %dma_wait3A_276 = tpu.memref_slice %arg9[%run_scoped3A_243, %dma_wait3A_275] : memref<16x64xi32, #tpu.memory_space<vmem>> -> memref<1x64xi32, #tpu.memory_space<vmem>>
        %dma_wait3A_277 = tpu.memref_squeeze %dma_wait3A_276 : memref<1x64xi32, #tpu.memory_space<vmem>> -> memref<64xi32, #tpu.memory_space<vmem>>
        %dma_wait3A_278 = arith.constant 0 : i32
        %dma_wait3A_279 = arith.constant 0 : i32
        %dma_wait3A_280 = tpu.memref_slice %arg14[%dma_wait3A_278, %dma_wait3A_279] : memref<10112x128xf32, #tpu.memory_space<vmem_shared>> -> memref<10112x128xf32, #tpu.memory_space<vmem_shared>>
        tpu.wait_indirect_dma semaphore(%run_scoped3A_268 : memref<!tpu.dma_semaphore, #tpu.memory_space<semaphore_mem>>) src(%arg10 : memref<64x128xf32, #tpu.memory_space<vmem>>) dst(%dma_wait3A_280 : memref<10112x128xf32, #tpu.memory_space<vmem_shared>>)
        tpu.yield
      }) : () -> ()
      %dma_wait3A_244 = arith.constant 13 : i32
      %dma_wait3A_245 = arith.constant 0 : i32
      %dma_wait3A_246 = tpu.memref_slice %arg8[%dma_wait3A_244, %dma_wait3A_245] : memref<16x64xi32, #tpu.memory_space<vmem>> -> memref<1x64xi32, #tpu.memory_space<vmem>>
      %dma_wait3A_247 = tpu.memref_squeeze %dma_wait3A_246 : memref<1x64xi32, #tpu.memory_space<vmem>> -> memref<64xi32, #tpu.memory_space<vmem>>
      %dma_wait3A_248 = arith.constant 0 : i32
      %dma_wait3A_249 = arith.constant 0 : i32
      %dma_wait3A_250 = tpu.memref_slice %arg2[%dma_wait3A_248, %dma_wait3A_249] : memref<10000x128xf32, #tpu.memory_space<hbm>> -> memref<10000x128xf32, #tpu.memory_space<hbm>>
      tpu.wait_indirect_dma semaphore(%arg16 : memref<!tpu.dma_semaphore, #tpu.memory_space<semaphore_mem>>) src(%dma_wait3A_250 : memref<10000x128xf32, #tpu.memory_space<hbm>>) dst(%arg11 : memref<64x128xf32, #tpu.memory_space<vmem>>)
      %run_scoped3A_251 = arith.constant 13 : i32
      "tpu.region"() ({
        %run_scoped3A_268 = tpu.sem_alloc : memref<!tpu.dma_semaphore, #tpu.memory_space<semaphore_mem>>
        %dma_start3A_269 = arith.constant 0 : i32
        %dma_start3A_270 = tpu.memref_slice %arg9[%run_scoped3A_251, %dma_start3A_269] : memref<16x64xi32, #tpu.memory_space<vmem>> -> memref<1x64xi32, #tpu.memory_space<vmem>>
        %dma_start3A_271 = tpu.memref_squeeze %dma_start3A_270 : memref<1x64xi32, #tpu.memory_space<vmem>> -> memref<64xi32, #tpu.memory_space<vmem>>
        %dma_start3A_272 = arith.constant 0 : i32
        %dma_start3A_273 = arith.constant 0 : i32
        %dma_start3A_274 = tpu.memref_slice %arg14[%dma_start3A_272, %dma_start3A_273] : memref<10112x128xf32, #tpu.memory_space<vmem_shared>> -> memref<10112x128xf32, #tpu.memory_space<vmem_shared>>
        tpu.enqueue_indirect_dma source(%arg11 : memref<64x128xf32, #tpu.memory_space<vmem>>) target(%dma_start3A_274 : memref<10112x128xf32, #tpu.memory_space<vmem_shared>>) offsets(%dma_start3A_271 : memref<64xi32, #tpu.memory_space<vmem>>) semaphore(%run_scoped3A_268 : memref<!tpu.dma_semaphore, #tpu.memory_space<semaphore_mem>>) {add = true}
        %dma_wait3A_275 = arith.constant 0 : i32
        %dma_wait3A_276 = tpu.memref_slice %arg9[%run_scoped3A_251, %dma_wait3A_275] : memref<16x64xi32, #tpu.memory_space<vmem>> -> memref<1x64xi32, #tpu.memory_space<vmem>>
        %dma_wait3A_277 = tpu.memref_squeeze %dma_wait3A_276 : memref<1x64xi32, #tpu.memory_space<vmem>> -> memref<64xi32, #tpu.memory_space<vmem>>
        %dma_wait3A_278 = arith.constant 0 : i32
        %dma_wait3A_279 = arith.constant 0 : i32
        %dma_wait3A_280 = tpu.memref_slice %arg14[%dma_wait3A_278, %dma_wait3A_279] : memref<10112x128xf32, #tpu.memory_space<vmem_shared>> -> memref<10112x128xf32, #tpu.memory_space<vmem_shared>>
        tpu.wait_indirect_dma semaphore(%run_scoped3A_268 : memref<!tpu.dma_semaphore, #tpu.memory_space<semaphore_mem>>) src(%arg11 : memref<64x128xf32, #tpu.memory_space<vmem>>) dst(%dma_wait3A_280 : memref<10112x128xf32, #tpu.memory_space<vmem_shared>>)
        tpu.yield
      }) : () -> ()
      %dma_wait3A_252 = arith.constant 14 : i32
      %dma_wait3A_253 = arith.constant 0 : i32
      %dma_wait3A_254 = tpu.memref_slice %arg8[%dma_wait3A_252, %dma_wait3A_253] : memref<16x64xi32, #tpu.memory_space<vmem>> -> memref<1x64xi32, #tpu.memory_space<vmem>>
      %dma_wait3A_255 = tpu.memref_squeeze %dma_wait3A_254 : memref<1x64xi32, #tpu.memory_space<vmem>> -> memref<64xi32, #tpu.memory_space<vmem>>
      %dma_wait3A_256 = arith.constant 0 : i32
      %dma_wait3A_257 = arith.constant 0 : i32
      %dma_wait3A_258 = tpu.memref_slice %arg2[%dma_wait3A_256, %dma_wait3A_257] : memref<10000x128xf32, #tpu.memory_space<hbm>> -> memref<10000x128xf32, #tpu.memory_space<hbm>>
      tpu.wait_indirect_dma semaphore(%arg17 : memref<!tpu.dma_semaphore, #tpu.memory_space<semaphore_mem>>) src(%dma_wait3A_258 : memref<10000x128xf32, #tpu.memory_space<hbm>>) dst(%arg12 : memref<64x128xf32, #tpu.memory_space<vmem>>)
      %run_scoped3A_259 = arith.constant 14 : i32
      "tpu.region"() ({
        %run_scoped3A_268 = tpu.sem_alloc : memref<!tpu.dma_semaphore, #tpu.memory_space<semaphore_mem>>
        %dma_start3A_269 = arith.constant 0 : i32
        %dma_start3A_270 = tpu.memref_slice %arg9[%run_scoped3A_259, %dma_start3A_269] : memref<16x64xi32, #tpu.memory_space<vmem>> -> memref<1x64xi32, #tpu.memory_space<vmem>>
        %dma_start3A_271 = tpu.memref_squeeze %dma_start3A_270 : memref<1x64xi32, #tpu.memory_space<vmem>> -> memref<64xi32, #tpu.memory_space<vmem>>
        %dma_start3A_272 = arith.constant 0 : i32
        %dma_start3A_273 = arith.constant 0 : i32
        %dma_start3A_274 = tpu.memref_slice %arg14[%dma_start3A_272, %dma_start3A_273] : memref<10112x128xf32, #tpu.memory_space<vmem_shared>> -> memref<10112x128xf32, #tpu.memory_space<vmem_shared>>
        tpu.enqueue_indirect_dma source(%arg12 : memref<64x128xf32, #tpu.memory_space<vmem>>) target(%dma_start3A_274 : memref<10112x128xf32, #tpu.memory_space<vmem_shared>>) offsets(%dma_start3A_271 : memref<64xi32, #tpu.memory_space<vmem>>) semaphore(%run_scoped3A_268 : memref<!tpu.dma_semaphore, #tpu.memory_space<semaphore_mem>>) {add = true}
        %dma_wait3A_275 = arith.constant 0 : i32
        %dma_wait3A_276 = tpu.memref_slice %arg9[%run_scoped3A_259, %dma_wait3A_275] : memref<16x64xi32, #tpu.memory_space<vmem>> -> memref<1x64xi32, #tpu.memory_space<vmem>>
        %dma_wait3A_277 = tpu.memref_squeeze %dma_wait3A_276 : memref<1x64xi32, #tpu.memory_space<vmem>> -> memref<64xi32, #tpu.memory_space<vmem>>
        %dma_wait3A_278 = arith.constant 0 : i32
        %dma_wait3A_279 = arith.constant 0 : i32
        %dma_wait3A_280 = tpu.memref_slice %arg14[%dma_wait3A_278, %dma_wait3A_279] : memref<10112x128xf32, #tpu.memory_space<vmem_shared>> -> memref<10112x128xf32, #tpu.memory_space<vmem_shared>>
        tpu.wait_indirect_dma semaphore(%run_scoped3A_268 : memref<!tpu.dma_semaphore, #tpu.memory_space<semaphore_mem>>) src(%arg12 : memref<64x128xf32, #tpu.memory_space<vmem>>) dst(%dma_wait3A_280 : memref<10112x128xf32, #tpu.memory_space<vmem_shared>>)
        tpu.yield
      }) : () -> ()
      %dma_wait3A_260 = arith.constant 15 : i32
      %dma_wait3A_261 = arith.constant 0 : i32
      %dma_wait3A_262 = tpu.memref_slice %arg8[%dma_wait3A_260, %dma_wait3A_261] : memref<16x64xi32, #tpu.memory_space<vmem>> -> memref<1x64xi32, #tpu.memory_space<vmem>>
      %dma_wait3A_263 = tpu.memref_squeeze %dma_wait3A_262 : memref<1x64xi32, #tpu.memory_space<vmem>> -> memref<64xi32, #tpu.memory_space<vmem>>
      %dma_wait3A_264 = arith.constant 0 : i32
      %dma_wait3A_265 = arith.constant 0 : i32
      %dma_wait3A_266 = tpu.memref_slice %arg2[%dma_wait3A_264, %dma_wait3A_265] : memref<10000x128xf32, #tpu.memory_space<hbm>> -> memref<10000x128xf32, #tpu.memory_space<hbm>>
      tpu.wait_indirect_dma semaphore(%arg18 : memref<!tpu.dma_semaphore, #tpu.memory_space<semaphore_mem>>) src(%dma_wait3A_266 : memref<10000x128xf32, #tpu.memory_space<hbm>>) dst(%arg13 : memref<64x128xf32, #tpu.memory_space<vmem>>)
      %run_scoped3A_267 = arith.constant 15 : i32
      "tpu.region"() ({
        %run_scoped3A_268 = tpu.sem_alloc : memref<!tpu.dma_semaphore, #tpu.memory_space<semaphore_mem>>
        %dma_start3A_269 = arith.constant 0 : i32
        %dma_start3A_270 = tpu.memref_slice %arg9[%run_scoped3A_267, %dma_start3A_269] : memref<16x64xi32, #tpu.memory_space<vmem>> -> memref<1x64xi32, #tpu.memory_space<vmem>>
        %dma_start3A_271 = tpu.memref_squeeze %dma_start3A_270 : memref<1x64xi32, #tpu.memory_space<vmem>> -> memref<64xi32, #tpu.memory_space<vmem>>
        %dma_start3A_272 = arith.constant 0 : i32
        %dma_start3A_273 = arith.constant 0 : i32
        %dma_start3A_274 = tpu.memref_slice %arg14[%dma_start3A_272, %dma_start3A_273] : memref<10112x128xf32, #tpu.memory_space<vmem_shared>> -> memref<10112x128xf32, #tpu.memory_space<vmem_shared>>
        tpu.enqueue_indirect_dma source(%arg13 : memref<64x128xf32, #tpu.memory_space<vmem>>) target(%dma_start3A_274 : memref<10112x128xf32, #tpu.memory_space<vmem_shared>>) offsets(%dma_start3A_271 : memref<64xi32, #tpu.memory_space<vmem>>) semaphore(%run_scoped3A_268 : memref<!tpu.dma_semaphore, #tpu.memory_space<semaphore_mem>>) {add = true}
        %dma_wait3A_275 = arith.constant 0 : i32
        %dma_wait3A_276 = tpu.memref_slice %arg9[%run_scoped3A_267, %dma_wait3A_275] : memref<16x64xi32, #tpu.memory_space<vmem>> -> memref<1x64xi32, #tpu.memory_space<vmem>>
        %dma_wait3A_277 = tpu.memref_squeeze %dma_wait3A_276 : memref<1x64xi32, #tpu.memory_space<vmem>> -> memref<64xi32, #tpu.memory_space<vmem>>
        %dma_wait3A_278 = arith.constant 0 : i32
        %dma_wait3A_279 = arith.constant 0 : i32
        %dma_wait3A_280 = tpu.memref_slice %arg14[%dma_wait3A_278, %dma_wait3A_279] : memref<10112x128xf32, #tpu.memory_space<vmem_shared>> -> memref<10112x128xf32, #tpu.memory_space<vmem_shared>>
        tpu.wait_indirect_dma semaphore(%run_scoped3A_268 : memref<!tpu.dma_semaphore, #tpu.memory_space<semaphore_mem>>) src(%arg13 : memref<64x128xf32, #tpu.memory_space<vmem>>) dst(%dma_wait3A_280 : memref<10112x128xf32, #tpu.memory_space<vmem_shared>>)
        tpu.yield
      }) : () -> ()
    }
    %while3A_15 = arith.constant 1 : i32
    scf.for %while3A_25 = %while3A_13 to %while3A_9 step %while3A_15  : i32 {
      %mul3A_26 = arith.constant 8 : i32
      %mul3A_27 = arith.muli %while3A_25, %mul3A_26 : i32
      %add3A_28 = arith.addi %add3A, %mul3A_27 : i32
      %mul3A_29 = arith.constant 2 : i32
      %mul3A_30 = arith.muli %add3A_28, %mul3A_29 : i32
      %multiple_of3A = tpu.assume_multiple %mul3A_30, 16 : i32
      "tpu.region"() ({
        %run_scoped3A_268 = tpu.sem_alloc : memref<!tpu.dma_semaphore, #tpu.memory_space<semaphore_mem>>
        %dma_start3A_269 = arith.constant 0 : i32
        %dma_start3A_270 = tpu.memref_slice %arg3[%multiple_of3A, %dma_start3A_269] : memref<5120x64xi32, #tpu.memory_space<hbm>> -> memref<16x64xi32, #tpu.memory_space<hbm>>
        %dma_start3A_271 = arith.constant 0 : i32
        %dma_start3A_272 = tpu.memref_slice %arg3[%multiple_of3A, %dma_start3A_271] : memref<5120x64xi32, #tpu.memory_space<hbm>> -> memref<16x64xi32, #tpu.memory_space<hbm>>
        tpu.enqueue_dma source(%dma_start3A_272 : memref<16x64xi32, #tpu.memory_space<hbm>>) target(%arg8 : memref<16x64xi32, #tpu.memory_space<vmem>>) target_semaphore(%run_scoped3A_268 : memref<!tpu.dma_semaphore, #tpu.memory_space<semaphore_mem>>)
        %dma_wait3A_273 = arith.constant 0 : i32
        %dma_wait3A_274 = tpu.memref_slice %arg3[%multiple_of3A, %dma_wait3A_273] : memref<5120x64xi32, #tpu.memory_space<hbm>> -> memref<16x64xi32, #tpu.memory_space<hbm>>
        %dma_wait3A_275 = arith.constant 0 : i32
        %dma_wait3A_276 = tpu.memref_slice %arg3[%multiple_of3A, %dma_wait3A_275] : memref<5120x64xi32, #tpu.memory_space<hbm>> -> memref<16x64xi32, #tpu.memory_space<hbm>>
        tpu.wait_dma2 semaphore(%run_scoped3A_268 : memref<!tpu.dma_semaphore, #tpu.memory_space<semaphore_mem>>) src(%dma_wait3A_276 : memref<16x64xi32, #tpu.memory_space<hbm>>) dst(%arg8 : memref<16x64xi32, #tpu.memory_space<vmem>>)
        tpu.yield
      }) : () -> ()
      "tpu.region"() ({
        %run_scoped3A_268 = tpu.sem_alloc : memref<!tpu.dma_semaphore, #tpu.memory_space<semaphore_mem>>
        %dma_start3A_269 = arith.constant 0 : i32
        %dma_start3A_270 = tpu.memref_slice %arg4[%multiple_of3A, %dma_start3A_269] : memref<5120x64xi32, #tpu.memory_space<hbm>> -> memref<16x64xi32, #tpu.memory_space<hbm>>
        %dma_start3A_271 = arith.constant 0 : i32
        %dma_start3A_272 = tpu.memref_slice %arg4[%multiple_of3A, %dma_start3A_271] : memref<5120x64xi32, #tpu.memory_space<hbm>> -> memref<16x64xi32, #tpu.memory_space<hbm>>
        tpu.enqueue_dma source(%dma_start3A_272 : memref<16x64xi32, #tpu.memory_space<hbm>>) target(%arg9 : memref<16x64xi32, #tpu.memory_space<vmem>>) target_semaphore(%run_scoped3A_268 : memref<!tpu.dma_semaphore, #tpu.memory_space<semaphore_mem>>)
        %dma_wait3A_273 = arith.constant 0 : i32
        %dma_wait3A_274 = tpu.memref_slice %arg4[%multiple_of3A, %dma_wait3A_273] : memref<5120x64xi32, #tpu.memory_space<hbm>> -> memref<16x64xi32, #tpu.memory_space<hbm>>
        %dma_wait3A_275 = arith.constant 0 : i32
        %dma_wait3A_276 = tpu.memref_slice %arg4[%multiple_of3A, %dma_wait3A_275] : memref<5120x64xi32, #tpu.memory_space<hbm>> -> memref<16x64xi32, #tpu.memory_space<hbm>>
        tpu.wait_dma2 semaphore(%run_scoped3A_268 : memref<!tpu.dma_semaphore, #tpu.memory_space<semaphore_mem>>) src(%dma_wait3A_276 : memref<16x64xi32, #tpu.memory_space<hbm>>) dst(%arg9 : memref<16x64xi32, #tpu.memory_space<vmem>>)
        tpu.yield
      }) : () -> ()
      %dma_start3A = arith.constant 0 : i32
      %dma_start3A_31 = arith.constant 0 : i32
      %dma_start3A_32 = tpu.memref_slice %arg8[%dma_start3A, %dma_start3A_31] : memref<16x64xi32, #tpu.memory_space<vmem>> -> memref<1x64xi32, #tpu.memory_space<vmem>>
      %dma_start3A_33 = tpu.memref_squeeze %dma_start3A_32 : memref<1x64xi32, #tpu.memory_space<vmem>> -> memref<64xi32, #tpu.memory_space<vmem>>
      %dma_start3A_34 = arith.constant 0 : i32
      %dma_start3A_35 = arith.constant 0 : i32
      %dma_start3A_36 = tpu.memref_slice %arg2[%dma_start3A_34, %dma_start3A_35] : memref<10000x128xf32, #tpu.memory_space<hbm>> -> memref<10000x128xf32, #tpu.memory_space<hbm>>
      tpu.enqueue_indirect_dma source(%dma_start3A_36 : memref<10000x128xf32, #tpu.memory_space<hbm>>) target(%arg10 : memref<64x128xf32, #tpu.memory_space<vmem>>) offsets(%dma_start3A_33 : memref<64xi32, #tpu.memory_space<vmem>>) semaphore(%arg15 : memref<!tpu.dma_semaphore, #tpu.memory_space<semaphore_mem>>)
      %dma_start3A_37 = arith.constant 1 : i32
      %dma_start3A_38 = arith.constant 0 : i32
      %dma_start3A_39 = tpu.memref_slice %arg8[%dma_start3A_37, %dma_start3A_38] : memref<16x64xi32, #tpu.memory_space<vmem>> -> memref<1x64xi32, #tpu.memory_space<vmem>>
      %dma_start3A_40 = tpu.memref_squeeze %dma_start3A_39 : memref<1x64xi32, #tpu.memory_space<vmem>> -> memref<64xi32, #tpu.memory_space<vmem>>
      %dma_start3A_41 = arith.constant 0 : i32
      %dma_start3A_42 = arith.constant 0 : i32
      %dma_start3A_43 = tpu.memref_slice %arg2[%dma_start3A_41, %dma_start3A_42] : memref<10000x128xf32, #tpu.memory_space<hbm>> -> memref<10000x128xf32, #tpu.memory_space<hbm>>
      tpu.enqueue_indirect_dma source(%dma_start3A_43 : memref<10000x128xf32, #tpu.memory_space<hbm>>) target(%arg11 : memref<64x128xf32, #tpu.memory_space<vmem>>) offsets(%dma_start3A_40 : memref<64xi32, #tpu.memory_space<vmem>>) semaphore(%arg16 : memref<!tpu.dma_semaphore, #tpu.memory_space<semaphore_mem>>)
      %dma_start3A_44 = arith.constant 2 : i32
      %dma_start3A_45 = arith.constant 0 : i32
      %dma_start3A_46 = tpu.memref_slice %arg8[%dma_start3A_44, %dma_start3A_45] : memref<16x64xi32, #tpu.memory_space<vmem>> -> memref<1x64xi32, #tpu.memory_space<vmem>>
      %dma_start3A_47 = tpu.memref_squeeze %dma_start3A_46 : memref<1x64xi32, #tpu.memory_space<vmem>> -> memref<64xi32, #tpu.memory_space<vmem>>
      %dma_start3A_48 = arith.constant 0 : i32
      %dma_start3A_49 = arith.constant 0 : i32
      %dma_start3A_50 = tpu.memref_slice %arg2[%dma_start3A_48, %dma_start3A_49] : memref<10000x128xf32, #tpu.memory_space<hbm>> -> memref<10000x128xf32, #tpu.memory_space<hbm>>
      tpu.enqueue_indirect_dma source(%dma_start3A_50 : memref<10000x128xf32, #tpu.memory_space<hbm>>) target(%arg12 : memref<64x128xf32, #tpu.memory_space<vmem>>) offsets(%dma_start3A_47 : memref<64xi32, #tpu.memory_space<vmem>>) semaphore(%arg17 : memref<!tpu.dma_semaphore, #tpu.memory_space<semaphore_mem>>)
      %dma_start3A_51 = arith.constant 3 : i32
      %dma_start3A_52 = arith.constant 0 : i32
      %dma_start3A_53 = tpu.memref_slice %arg8[%dma_start3A_51, %dma_start3A_52] : memref<16x64xi32, #tpu.memory_space<vmem>> -> memref<1x64xi32, #tpu.memory_space<vmem>>
      %dma_start3A_54 = tpu.memref_squeeze %dma_start3A_53 : memref<1x64xi32, #tpu.memory_space<vmem>> -> memref<64xi32, #tpu.memory_space<vmem>>
      %dma_start3A_55 = arith.constant 0 : i32
      %dma_start3A_56 = arith.constant 0 : i32
      %dma_start3A_57 = tpu.memref_slice %arg2[%dma_start3A_55, %dma_start3A_56] : memref<10000x128xf32, #tpu.memory_space<hbm>> -> memref<10000x128xf32, #tpu.memory_space<hbm>>
      tpu.enqueue_indirect_dma source(%dma_start3A_57 : memref<10000x128xf32, #tpu.memory_space<hbm>>) target(%arg13 : memref<64x128xf32, #tpu.memory_space<vmem>>) offsets(%dma_start3A_54 : memref<64xi32, #tpu.memory_space<vmem>>) semaphore(%arg18 : memref<!tpu.dma_semaphore, #tpu.memory_space<semaphore_mem>>)
      %dma_wait3A = arith.constant 0 : i32
      %dma_wait3A_58 = arith.constant 0 : i32
      %dma_wait3A_59 = tpu.memref_slice %arg8[%dma_wait3A, %dma_wait3A_58] : memref<16x64xi32, #tpu.memory_space<vmem>> -> memref<1x64xi32, #tpu.memory_space<vmem>>
      %dma_wait3A_60 = tpu.memref_squeeze %dma_wait3A_59 : memref<1x64xi32, #tpu.memory_space<vmem>> -> memref<64xi32, #tpu.memory_space<vmem>>
      %dma_wait3A_61 = arith.constant 0 : i32
      %dma_wait3A_62 = arith.constant 0 : i32
      %dma_wait3A_63 = tpu.memref_slice %arg2[%dma_wait3A_61, %dma_wait3A_62] : memref<10000x128xf32, #tpu.memory_space<hbm>> -> memref<10000x128xf32, #tpu.memory_space<hbm>>
      tpu.wait_indirect_dma semaphore(%arg15 : memref<!tpu.dma_semaphore, #tpu.memory_space<semaphore_mem>>) src(%dma_wait3A_63 : memref<10000x128xf32, #tpu.memory_space<hbm>>) dst(%arg10 : memref<64x128xf32, #tpu.memory_space<vmem>>)
      %run_scoped3A = arith.constant 0 : i32
      "tpu.region"() ({
        %run_scoped3A_268 = tpu.sem_alloc : memref<!tpu.dma_semaphore, #tpu.memory_space<semaphore_mem>>
        %dma_start3A_269 = arith.constant 0 : i32
        %dma_start3A_270 = tpu.memref_slice %arg9[%run_scoped3A, %dma_start3A_269] : memref<16x64xi32, #tpu.memory_space<vmem>> -> memref<1x64xi32, #tpu.memory_space<vmem>>
        %dma_start3A_271 = tpu.memref_squeeze %dma_start3A_270 : memref<1x64xi32, #tpu.memory_space<vmem>> -> memref<64xi32, #tpu.memory_space<vmem>>
        %dma_start3A_272 = arith.constant 0 : i32
        %dma_start3A_273 = arith.constant 0 : i32
        %dma_start3A_274 = tpu.memref_slice %arg14[%dma_start3A_272, %dma_start3A_273] : memref<10112x128xf32, #tpu.memory_space<vmem_shared>> -> memref<10112x128xf32, #tpu.memory_space<vmem_shared>>
        tpu.enqueue_indirect_dma source(%arg10 : memref<64x128xf32, #tpu.memory_space<vmem>>) target(%dma_start3A_274 : memref<10112x128xf32, #tpu.memory_space<vmem_shared>>) offsets(%dma_start3A_271 : memref<64xi32, #tpu.memory_space<vmem>>) semaphore(%run_scoped3A_268 : memref<!tpu.dma_semaphore, #tpu.memory_space<semaphore_mem>>) {add = true}
        %dma_wait3A_275 = arith.constant 0 : i32
        %dma_wait3A_276 = tpu.memref_slice %arg9[%run_scoped3A, %dma_wait3A_275] : memref<16x64xi32, #tpu.memory_space<vmem>> -> memref<1x64xi32, #tpu.memory_space<vmem>>
        %dma_wait3A_277 = tpu.memref_squeeze %dma_wait3A_276 : memref<1x64xi32, #tpu.memory_space<vmem>> -> memref<64xi32, #tpu.memory_space<vmem>>
        %dma_wait3A_278 = arith.constant 0 : i32
        %dma_wait3A_279 = arith.constant 0 : i32
        %dma_wait3A_280 = tpu.memref_slice %arg14[%dma_wait3A_278, %dma_wait3A_279] : memref<10112x128xf32, #tpu.memory_space<vmem_shared>> -> memref<10112x128xf32, #tpu.memory_space<vmem_shared>>
        tpu.wait_indirect_dma semaphore(%run_scoped3A_268 : memref<!tpu.dma_semaphore, #tpu.memory_space<semaphore_mem>>) src(%arg10 : memref<64x128xf32, #tpu.memory_space<vmem>>) dst(%dma_wait3A_280 : memref<10112x128xf32, #tpu.memory_space<vmem_shared>>)
        tpu.yield
      }) : () -> ()
      %dma_start3A_64 = arith.constant 4 : i32
      %dma_start3A_65 = arith.constant 0 : i32
      %dma_start3A_66 = tpu.memref_slice %arg8[%dma_start3A_64, %dma_start3A_65] : memref<16x64xi32, #tpu.memory_space<vmem>> -> memref<1x64xi32, #tpu.memory_space<vmem>>
      %dma_start3A_67 = tpu.memref_squeeze %dma_start3A_66 : memref<1x64xi32, #tpu.memory_space<vmem>> -> memref<64xi32, #tpu.memory_space<vmem>>
      %dma_start3A_68 = arith.constant 0 : i32
      %dma_start3A_69 = arith.constant 0 : i32
      %dma_start3A_70 = tpu.memref_slice %arg2[%dma_start3A_68, %dma_start3A_69] : memref<10000x128xf32, #tpu.memory_space<hbm>> -> memref<10000x128xf32, #tpu.memory_space<hbm>>
      tpu.enqueue_indirect_dma source(%dma_start3A_70 : memref<10000x128xf32, #tpu.memory_space<hbm>>) target(%arg10 : memref<64x128xf32, #tpu.memory_space<vmem>>) offsets(%dma_start3A_67 : memref<64xi32, #tpu.memory_space<vmem>>) semaphore(%arg15 : memref<!tpu.dma_semaphore, #tpu.memory_space<semaphore_mem>>)
      %dma_wait3A_71 = arith.constant 1 : i32
      %dma_wait3A_72 = arith.constant 0 : i32
      %dma_wait3A_73 = tpu.memref_slice %arg8[%dma_wait3A_71, %dma_wait3A_72] : memref<16x64xi32, #tpu.memory_space<vmem>> -> memref<1x64xi32, #tpu.memory_space<vmem>>
      %dma_wait3A_74 = tpu.memref_squeeze %dma_wait3A_73 : memref<1x64xi32, #tpu.memory_space<vmem>> -> memref<64xi32, #tpu.memory_space<vmem>>
      %dma_wait3A_75 = arith.constant 0 : i32
      %dma_wait3A_76 = arith.constant 0 : i32
      %dma_wait3A_77 = tpu.memref_slice %arg2[%dma_wait3A_75, %dma_wait3A_76] : memref<10000x128xf32, #tpu.memory_space<hbm>> -> memref<10000x128xf32, #tpu.memory_space<hbm>>
      tpu.wait_indirect_dma semaphore(%arg16 : memref<!tpu.dma_semaphore, #tpu.memory_space<semaphore_mem>>) src(%dma_wait3A_77 : memref<10000x128xf32, #tpu.memory_space<hbm>>) dst(%arg11 : memref<64x128xf32, #tpu.memory_space<vmem>>)
      %run_scoped3A_78 = arith.constant 1 : i32
      "tpu.region"() ({
        %run_scoped3A_268 = tpu.sem_alloc : memref<!tpu.dma_semaphore, #tpu.memory_space<semaphore_mem>>
        %dma_start3A_269 = arith.constant 0 : i32
        %dma_start3A_270 = tpu.memref_slice %arg9[%run_scoped3A_78, %dma_start3A_269] : memref<16x64xi32, #tpu.memory_space<vmem>> -> memref<1x64xi32, #tpu.memory_space<vmem>>
        %dma_start3A_271 = tpu.memref_squeeze %dma_start3A_270 : memref<1x64xi32, #tpu.memory_space<vmem>> -> memref<64xi32, #tpu.memory_space<vmem>>
        %dma_start3A_272 = arith.constant 0 : i32
        %dma_start3A_273 = arith.constant 0 : i32
        %dma_start3A_274 = tpu.memref_slice %arg14[%dma_start3A_272, %dma_start3A_273] : memref<10112x128xf32, #tpu.memory_space<vmem_shared>> -> memref<10112x128xf32, #tpu.memory_space<vmem_shared>>
        tpu.enqueue_indirect_dma source(%arg11 : memref<64x128xf32, #tpu.memory_space<vmem>>) target(%dma_start3A_274 : memref<10112x128xf32, #tpu.memory_space<vmem_shared>>) offsets(%dma_start3A_271 : memref<64xi32, #tpu.memory_space<vmem>>) semaphore(%run_scoped3A_268 : memref<!tpu.dma_semaphore, #tpu.memory_space<semaphore_mem>>) {add = true}
        %dma_wait3A_275 = arith.constant 0 : i32
        %dma_wait3A_276 = tpu.memref_slice %arg9[%run_scoped3A_78, %dma_wait3A_275] : memref<16x64xi32, #tpu.memory_space<vmem>> -> memref<1x64xi32, #tpu.memory_space<vmem>>
        %dma_wait3A_277 = tpu.memref_squeeze %dma_wait3A_276 : memref<1x64xi32, #tpu.memory_space<vmem>> -> memref<64xi32, #tpu.memory_space<vmem>>
        %dma_wait3A_278 = arith.constant 0 : i32
        %dma_wait3A_279 = arith.constant 0 : i32
        %dma_wait3A_280 = tpu.memref_slice %arg14[%dma_wait3A_278, %dma_wait3A_279] : memref<10112x128xf32, #tpu.memory_space<vmem_shared>> -> memref<10112x128xf32, #tpu.memory_space<vmem_shared>>
        tpu.wait_indirect_dma semaphore(%run_scoped3A_268 : memref<!tpu.dma_semaphore, #tpu.memory_space<semaphore_mem>>) src(%arg11 : memref<64x128xf32, #tpu.memory_space<vmem>>) dst(%dma_wait3A_280 : memref<10112x128xf32, #tpu.memory_space<vmem_shared>>)
        tpu.yield
      }) : () -> ()
      %dma_start3A_79 = arith.constant 5 : i32
      %dma_start3A_80 = arith.constant 0 : i32
      %dma_start3A_81 = tpu.memref_slice %arg8[%dma_start3A_79, %dma_start3A_80] : memref<16x64xi32, #tpu.memory_space<vmem>> -> memref<1x64xi32, #tpu.memory_space<vmem>>
      %dma_start3A_82 = tpu.memref_squeeze %dma_start3A_81 : memref<1x64xi32, #tpu.memory_space<vmem>> -> memref<64xi32, #tpu.memory_space<vmem>>
      %dma_start3A_83 = arith.constant 0 : i32
      %dma_start3A_84 = arith.constant 0 : i32
      %dma_start3A_85 = tpu.memref_slice %arg2[%dma_start3A_83, %dma_start3A_84] : memref<10000x128xf32, #tpu.memory_space<hbm>> -> memref<10000x128xf32, #tpu.memory_space<hbm>>
      tpu.enqueue_indirect_dma source(%dma_start3A_85 : memref<10000x128xf32, #tpu.memory_space<hbm>>) target(%arg11 : memref<64x128xf32, #tpu.memory_space<vmem>>) offsets(%dma_start3A_82 : memref<64xi32, #tpu.memory_space<vmem>>) semaphore(%arg16 : memref<!tpu.dma_semaphore, #tpu.memory_space<semaphore_mem>>)
      %dma_wait3A_86 = arith.constant 2 : i32
      %dma_wait3A_87 = arith.constant 0 : i32
      %dma_wait3A_88 = tpu.memref_slice %arg8[%dma_wait3A_86, %dma_wait3A_87] : memref<16x64xi32, #tpu.memory_space<vmem>> -> memref<1x64xi32, #tpu.memory_space<vmem>>
      %dma_wait3A_89 = tpu.memref_squeeze %dma_wait3A_88 : memref<1x64xi32, #tpu.memory_space<vmem>> -> memref<64xi32, #tpu.memory_space<vmem>>
      %dma_wait3A_90 = arith.constant 0 : i32
      %dma_wait3A_91 = arith.constant 0 : i32
      %dma_wait3A_92 = tpu.memref_slice %arg2[%dma_wait3A_90, %dma_wait3A_91] : memref<10000x128xf32, #tpu.memory_space<hbm>> -> memref<10000x128xf32, #tpu.memory_space<hbm>>
      tpu.wait_indirect_dma semaphore(%arg17 : memref<!tpu.dma_semaphore, #tpu.memory_space<semaphore_mem>>) src(%dma_wait3A_92 : memref<10000x128xf32, #tpu.memory_space<hbm>>) dst(%arg12 : memref<64x128xf32, #tpu.memory_space<vmem>>)
      %run_scoped3A_93 = arith.constant 2 : i32
      "tpu.region"() ({
        %run_scoped3A_268 = tpu.sem_alloc : memref<!tpu.dma_semaphore, #tpu.memory_space<semaphore_mem>>
        %dma_start3A_269 = arith.constant 0 : i32
        %dma_start3A_270 = tpu.memref_slice %arg9[%run_scoped3A_93, %dma_start3A_269] : memref<16x64xi32, #tpu.memory_space<vmem>> -> memref<1x64xi32, #tpu.memory_space<vmem>>
        %dma_start3A_271 = tpu.memref_squeeze %dma_start3A_270 : memref<1x64xi32, #tpu.memory_space<vmem>> -> memref<64xi32, #tpu.memory_space<vmem>>
        %dma_start3A_272 = arith.constant 0 : i32
        %dma_start3A_273 = arith.constant 0 : i32
        %dma_start3A_274 = tpu.memref_slice %arg14[%dma_start3A_272, %dma_start3A_273] : memref<10112x128xf32, #tpu.memory_space<vmem_shared>> -> memref<10112x128xf32, #tpu.memory_space<vmem_shared>>
        tpu.enqueue_indirect_dma source(%arg12 : memref<64x128xf32, #tpu.memory_space<vmem>>) target(%dma_start3A_274 : memref<10112x128xf32, #tpu.memory_space<vmem_shared>>) offsets(%dma_start3A_271 : memref<64xi32, #tpu.memory_space<vmem>>) semaphore(%run_scoped3A_268 : memref<!tpu.dma_semaphore, #tpu.memory_space<semaphore_mem>>) {add = true}
        %dma_wait3A_275 = arith.constant 0 : i32
        %dma_wait3A_276 = tpu.memref_slice %arg9[%run_scoped3A_93, %dma_wait3A_275] : memref<16x64xi32, #tpu.memory_space<vmem>> -> memref<1x64xi32, #tpu.memory_space<vmem>>
        %dma_wait3A_277 = tpu.memref_squeeze %dma_wait3A_276 : memref<1x64xi32, #tpu.memory_space<vmem>> -> memref<64xi32, #tpu.memory_space<vmem>>
        %dma_wait3A_278 = arith.constant 0 : i32
        %dma_wait3A_279 = arith.constant 0 : i32
        %dma_wait3A_280 = tpu.memref_slice %arg14[%dma_wait3A_278, %dma_wait3A_279] : memref<10112x128xf32, #tpu.memory_space<vmem_shared>> -> memref<10112x128xf32, #tpu.memory_space<vmem_shared>>
        tpu.wait_indirect_dma semaphore(%run_scoped3A_268 : memref<!tpu.dma_semaphore, #tpu.memory_space<semaphore_mem>>) src(%arg12 : memref<64x128xf32, #tpu.memory_space<vmem>>) dst(%dma_wait3A_280 : memref<10112x128xf32, #tpu.memory_space<vmem_shared>>)
        tpu.yield
      }) : () -> ()
      %dma_start3A_94 = arith.constant 6 : i32
      %dma_start3A_95 = arith.constant 0 : i32
      %dma_start3A_96 = tpu.memref_slice %arg8[%dma_start3A_94, %dma_start3A_95] : memref<16x64xi32, #tpu.memory_space<vmem>> -> memref<1x64xi32, #tpu.memory_space<vmem>>
      %dma_start3A_97 = tpu.memref_squeeze %dma_start3A_96 : memref<1x64xi32, #tpu.memory_space<vmem>> -> memref<64xi32, #tpu.memory_space<vmem>>
      %dma_start3A_98 = arith.constant 0 : i32
      %dma_start3A_99 = arith.constant 0 : i32
      %dma_start3A_100 = tpu.memref_slice %arg2[%dma_start3A_98, %dma_start3A_99] : memref<10000x128xf32, #tpu.memory_space<hbm>> -> memref<10000x128xf32, #tpu.memory_space<hbm>>
      tpu.enqueue_indirect_dma source(%dma_start3A_100 : memref<10000x128xf32, #tpu.memory_space<hbm>>) target(%arg12 : memref<64x128xf32, #tpu.memory_space<vmem>>) offsets(%dma_start3A_97 : memref<64xi32, #tpu.memory_space<vmem>>) semaphore(%arg17 : memref<!tpu.dma_semaphore, #tpu.memory_space<semaphore_mem>>)
      %dma_wait3A_101 = arith.constant 3 : i32
      %dma_wait3A_102 = arith.constant 0 : i32
      %dma_wait3A_103 = tpu.memref_slice %arg8[%dma_wait3A_101, %dma_wait3A_102] : memref<16x64xi32, #tpu.memory_space<vmem>> -> memref<1x64xi32, #tpu.memory_space<vmem>>
      %dma_wait3A_104 = tpu.memref_squeeze %dma_wait3A_103 : memref<1x64xi32, #tpu.memory_space<vmem>> -> memref<64xi32, #tpu.memory_space<vmem>>
      %dma_wait3A_105 = arith.constant 0 : i32
      %dma_wait3A_106 = arith.constant 0 : i32
      %dma_wait3A_107 = tpu.memref_slice %arg2[%dma_wait3A_105, %dma_wait3A_106] : memref<10000x128xf32, #tpu.memory_space<hbm>> -> memref<10000x128xf32, #tpu.memory_space<hbm>>
      tpu.wait_indirect_dma semaphore(%arg18 : memref<!tpu.dma_semaphore, #tpu.memory_space<semaphore_mem>>) src(%dma_wait3A_107 : memref<10000x128xf32, #tpu.memory_space<hbm>>) dst(%arg13 : memref<64x128xf32, #tpu.memory_space<vmem>>)
      %run_scoped3A_108 = arith.constant 3 : i32
      "tpu.region"() ({
        %run_scoped3A_268 = tpu.sem_alloc : memref<!tpu.dma_semaphore, #tpu.memory_space<semaphore_mem>>
        %dma_start3A_269 = arith.constant 0 : i32
        %dma_start3A_270 = tpu.memref_slice %arg9[%run_scoped3A_108, %dma_start3A_269] : memref<16x64xi32, #tpu.memory_space<vmem>> -> memref<1x64xi32, #tpu.memory_space<vmem>>
        %dma_start3A_271 = tpu.memref_squeeze %dma_start3A_270 : memref<1x64xi32, #tpu.memory_space<vmem>> -> memref<64xi32, #tpu.memory_space<vmem>>
        %dma_start3A_272 = arith.constant 0 : i32
        %dma_start3A_273 = arith.constant 0 : i32
        %dma_start3A_274 = tpu.memref_slice %arg14[%dma_start3A_272, %dma_start3A_273] : memref<10112x128xf32, #tpu.memory_space<vmem_shared>> -> memref<10112x128xf32, #tpu.memory_space<vmem_shared>>
        tpu.enqueue_indirect_dma source(%arg13 : memref<64x128xf32, #tpu.memory_space<vmem>>) target(%dma_start3A_274 : memref<10112x128xf32, #tpu.memory_space<vmem_shared>>) offsets(%dma_start3A_271 : memref<64xi32, #tpu.memory_space<vmem>>) semaphore(%run_scoped3A_268 : memref<!tpu.dma_semaphore, #tpu.memory_space<semaphore_mem>>) {add = true}
        %dma_wait3A_275 = arith.constant 0 : i32
        %dma_wait3A_276 = tpu.memref_slice %arg9[%run_scoped3A_108, %dma_wait3A_275] : memref<16x64xi32, #tpu.memory_space<vmem>> -> memref<1x64xi32, #tpu.memory_space<vmem>>
        %dma_wait3A_277 = tpu.memref_squeeze %dma_wait3A_276 : memref<1x64xi32, #tpu.memory_space<vmem>> -> memref<64xi32, #tpu.memory_space<vmem>>
        %dma_wait3A_278 = arith.constant 0 : i32
        %dma_wait3A_279 = arith.constant 0 : i32
        %dma_wait3A_280 = tpu.memref_slice %arg14[%dma_wait3A_278, %dma_wait3A_279] : memref<10112x128xf32, #tpu.memory_space<vmem_shared>> -> memref<10112x128xf32, #tpu.memory_space<vmem_shared>>
        tpu.wait_indirect_dma semaphore(%run_scoped3A_268 : memref<!tpu.dma_semaphore, #tpu.memory_space<semaphore_mem>>) src(%arg13 : memref<64x128xf32, #tpu.memory_space<vmem>>) dst(%dma_wait3A_280 : memref<10112x128xf32, #tpu.memory_space<vmem_shared>>)
        tpu.yield
      }) : () -> ()
      %dma_start3A_109 = arith.constant 7 : i32
      %dma_start3A_110 = arith.constant 0 : i32
      %dma_start3A_111 = tpu.memref_slice %arg8[%dma_start3A_109, %dma_start3A_110] : memref<16x64xi32, #tpu.memory_space<vmem>> -> memref<1x64xi32, #tpu.memory_space<vmem>>
      %dma_start3A_112 = tpu.memref_squeeze %dma_start3A_111 : memref<1x64xi32, #tpu.memory_space<vmem>> -> memref<64xi32, #tpu.memory_space<vmem>>
      %dma_start3A_113 = arith.constant 0 : i32
      %dma_start3A_114 = arith.constant 0 : i32
      %dma_start3A_115 = tpu.memref_slice %arg2[%dma_start3A_113, %dma_start3A_114] : memref<10000x128xf32, #tpu.memory_space<hbm>> -> memref<10000x128xf32, #tpu.memory_space<hbm>>
      tpu.enqueue_indirect_dma source(%dma_start3A_115 : memref<10000x128xf32, #tpu.memory_space<hbm>>) target(%arg13 : memref<64x128xf32, #tpu.memory_space<vmem>>) offsets(%dma_start3A_112 : memref<64xi32, #tpu.memory_space<vmem>>) semaphore(%arg18 : memref<!tpu.dma_semaphore, #tpu.memory_space<semaphore_mem>>)
      %dma_wait3A_116 = arith.constant 4 : i32
      %dma_wait3A_117 = arith.constant 0 : i32
      %dma_wait3A_118 = tpu.memref_slice %arg8[%dma_wait3A_116, %dma_wait3A_117] : memref<16x64xi32, #tpu.memory_space<vmem>> -> memref<1x64xi32, #tpu.memory_space<vmem>>
      %dma_wait3A_119 = tpu.memref_squeeze %dma_wait3A_118 : memref<1x64xi32, #tpu.memory_space<vmem>> -> memref<64xi32, #tpu.memory_space<vmem>>
      %dma_wait3A_120 = arith.constant 0 : i32
      %dma_wait3A_121 = arith.constant 0 : i32
      %dma_wait3A_122 = tpu.memref_slice %arg2[%dma_wait3A_120, %dma_wait3A_121] : memref<10000x128xf32, #tpu.memory_space<hbm>> -> memref<10000x128xf32, #tpu.memory_space<hbm>>
      tpu.wait_indirect_dma semaphore(%arg15 : memref<!tpu.dma_semaphore, #tpu.memory_space<semaphore_mem>>) src(%dma_wait3A_122 : memref<10000x128xf32, #tpu.memory_space<hbm>>) dst(%arg10 : memref<64x128xf32, #tpu.memory_space<vmem>>)
      %run_scoped3A_123 = arith.constant 4 : i32
      "tpu.region"() ({
        %run_scoped3A_268 = tpu.sem_alloc : memref<!tpu.dma_semaphore, #tpu.memory_space<semaphore_mem>>
        %dma_start3A_269 = arith.constant 0 : i32
        %dma_start3A_270 = tpu.memref_slice %arg9[%run_scoped3A_123, %dma_start3A_269] : memref<16x64xi32, #tpu.memory_space<vmem>> -> memref<1x64xi32, #tpu.memory_space<vmem>>
        %dma_start3A_271 = tpu.memref_squeeze %dma_start3A_270 : memref<1x64xi32, #tpu.memory_space<vmem>> -> memref<64xi32, #tpu.memory_space<vmem>>
        %dma_start3A_272 = arith.constant 0 : i32
        %dma_start3A_273 = arith.constant 0 : i32
        %dma_start3A_274 = tpu.memref_slice %arg14[%dma_start3A_272, %dma_start3A_273] : memref<10112x128xf32, #tpu.memory_space<vmem_shared>> -> memref<10112x128xf32, #tpu.memory_space<vmem_shared>>
        tpu.enqueue_indirect_dma source(%arg10 : memref<64x128xf32, #tpu.memory_space<vmem>>) target(%dma_start3A_274 : memref<10112x128xf32, #tpu.memory_space<vmem_shared>>) offsets(%dma_start3A_271 : memref<64xi32, #tpu.memory_space<vmem>>) semaphore(%run_scoped3A_268 : memref<!tpu.dma_semaphore, #tpu.memory_space<semaphore_mem>>) {add = true}
        %dma_wait3A_275 = arith.constant 0 : i32
        %dma_wait3A_276 = tpu.memref_slice %arg9[%run_scoped3A_123, %dma_wait3A_275] : memref<16x64xi32, #tpu.memory_space<vmem>> -> memref<1x64xi32, #tpu.memory_space<vmem>>
        %dma_wait3A_277 = tpu.memref_squeeze %dma_wait3A_276 : memref<1x64xi32, #tpu.memory_space<vmem>> -> memref<64xi32, #tpu.memory_space<vmem>>
        %dma_wait3A_278 = arith.constant 0 : i32
        %dma_wait3A_279 = arith.constant 0 : i32
        %dma_wait3A_280 = tpu.memref_slice %arg14[%dma_wait3A_278, %dma_wait3A_279] : memref<10112x128xf32, #tpu.memory_space<vmem_shared>> -> memref<10112x128xf32, #tpu.memory_space<vmem_shared>>
        tpu.wait_indirect_dma semaphore(%run_scoped3A_268 : memref<!tpu.dma_semaphore, #tpu.memory_space<semaphore_mem>>) src(%arg10 : memref<64x128xf32, #tpu.memory_space<vmem>>) dst(%dma_wait3A_280 : memref<10112x128xf32, #tpu.memory_space<vmem_shared>>)
        tpu.yield
      }) : () -> ()
      %dma_start3A_124 = arith.constant 8 : i32
      %dma_start3A_125 = arith.constant 0 : i32
      %dma_start3A_126 = tpu.memref_slice %arg8[%dma_start3A_124, %dma_start3A_125] : memref<16x64xi32, #tpu.memory_space<vmem>> -> memref<1x64xi32, #tpu.memory_space<vmem>>
      %dma_start3A_127 = tpu.memref_squeeze %dma_start3A_126 : memref<1x64xi32, #tpu.memory_space<vmem>> -> memref<64xi32, #tpu.memory_space<vmem>>
      %dma_start3A_128 = arith.constant 0 : i32
      %dma_start3A_129 = arith.constant 0 : i32
      %dma_start3A_130 = tpu.memref_slice %arg2[%dma_start3A_128, %dma_start3A_129] : memref<10000x128xf32, #tpu.memory_space<hbm>> -> memref<10000x128xf32, #tpu.memory_space<hbm>>
      tpu.enqueue_indirect_dma source(%dma_start3A_130 : memref<10000x128xf32, #tpu.memory_space<hbm>>) target(%arg10 : memref<64x128xf32, #tpu.memory_space<vmem>>) offsets(%dma_start3A_127 : memref<64xi32, #tpu.memory_space<vmem>>) semaphore(%arg15 : memref<!tpu.dma_semaphore, #tpu.memory_space<semaphore_mem>>)
      %dma_wait3A_131 = arith.constant 5 : i32
      %dma_wait3A_132 = arith.constant 0 : i32
      %dma_wait3A_133 = tpu.memref_slice %arg8[%dma_wait3A_131, %dma_wait3A_132] : memref<16x64xi32, #tpu.memory_space<vmem>> -> memref<1x64xi32, #tpu.memory_space<vmem>>
      %dma_wait3A_134 = tpu.memref_squeeze %dma_wait3A_133 : memref<1x64xi32, #tpu.memory_space<vmem>> -> memref<64xi32, #tpu.memory_space<vmem>>
      %dma_wait3A_135 = arith.constant 0 : i32
      %dma_wait3A_136 = arith.constant 0 : i32
      %dma_wait3A_137 = tpu.memref_slice %arg2[%dma_wait3A_135, %dma_wait3A_136] : memref<10000x128xf32, #tpu.memory_space<hbm>> -> memref<10000x128xf32, #tpu.memory_space<hbm>>
      tpu.wait_indirect_dma semaphore(%arg16 : memref<!tpu.dma_semaphore, #tpu.memory_space<semaphore_mem>>) src(%dma_wait3A_137 : memref<10000x128xf32, #tpu.memory_space<hbm>>) dst(%arg11 : memref<64x128xf32, #tpu.memory_space<vmem>>)
      %run_scoped3A_138 = arith.constant 5 : i32
      "tpu.region"() ({
        %run_scoped3A_268 = tpu.sem_alloc : memref<!tpu.dma_semaphore, #tpu.memory_space<semaphore_mem>>
        %dma_start3A_269 = arith.constant 0 : i32
        %dma_start3A_270 = tpu.memref_slice %arg9[%run_scoped3A_138, %dma_start3A_269] : memref<16x64xi32, #tpu.memory_space<vmem>> -> memref<1x64xi32, #tpu.memory_space<vmem>>
        %dma_start3A_271 = tpu.memref_squeeze %dma_start3A_270 : memref<1x64xi32, #tpu.memory_space<vmem>> -> memref<64xi32, #tpu.memory_space<vmem>>
        %dma_start3A_272 = arith.constant 0 : i32
        %dma_start3A_273 = arith.constant 0 : i32
        %dma_start3A_274 = tpu.memref_slice %arg14[%dma_start3A_272, %dma_start3A_273] : memref<10112x128xf32, #tpu.memory_space<vmem_shared>> -> memref<10112x128xf32, #tpu.memory_space<vmem_shared>>
        tpu.enqueue_indirect_dma source(%arg11 : memref<64x128xf32, #tpu.memory_space<vmem>>) target(%dma_start3A_274 : memref<10112x128xf32, #tpu.memory_space<vmem_shared>>) offsets(%dma_start3A_271 : memref<64xi32, #tpu.memory_space<vmem>>) semaphore(%run_scoped3A_268 : memref<!tpu.dma_semaphore, #tpu.memory_space<semaphore_mem>>) {add = true}
        %dma_wait3A_275 = arith.constant 0 : i32
        %dma_wait3A_276 = tpu.memref_slice %arg9[%run_scoped3A_138, %dma_wait3A_275] : memref<16x64xi32, #tpu.memory_space<vmem>> -> memref<1x64xi32, #tpu.memory_space<vmem>>
        %dma_wait3A_277 = tpu.memref_squeeze %dma_wait3A_276 : memref<1x64xi32, #tpu.memory_space<vmem>> -> memref<64xi32, #tpu.memory_space<vmem>>
        %dma_wait3A_278 = arith.constant 0 : i32
        %dma_wait3A_279 = arith.constant 0 : i32
        %dma_wait3A_280 = tpu.memref_slice %arg14[%dma_wait3A_278, %dma_wait3A_279] : memref<10112x128xf32, #tpu.memory_space<vmem_shared>> -> memref<10112x128xf32, #tpu.memory_space<vmem_shared>>
        tpu.wait_indirect_dma semaphore(%run_scoped3A_268 : memref<!tpu.dma_semaphore, #tpu.memory_space<semaphore_mem>>) src(%arg11 : memref<64x128xf32, #tpu.memory_space<vmem>>) dst(%dma_wait3A_280 : memref<10112x128xf32, #tpu.memory_space<vmem_shared>>)
        tpu.yield
      }) : () -> ()
      %dma_start3A_139 = arith.constant 9 : i32
      %dma_start3A_140 = arith.constant 0 : i32
      %dma_start3A_141 = tpu.memref_slice %arg8[%dma_start3A_139, %dma_start3A_140] : memref<16x64xi32, #tpu.memory_space<vmem>> -> memref<1x64xi32, #tpu.memory_space<vmem>>
      %dma_start3A_142 = tpu.memref_squeeze %dma_start3A_141 : memref<1x64xi32, #tpu.memory_space<vmem>> -> memref<64xi32, #tpu.memory_space<vmem>>
      %dma_start3A_143 = arith.constant 0 : i32
      %dma_start3A_144 = arith.constant 0 : i32
      %dma_start3A_145 = tpu.memref_slice %arg2[%dma_start3A_143, %dma_start3A_144] : memref<10000x128xf32, #tpu.memory_space<hbm>> -> memref<10000x128xf32, #tpu.memory_space<hbm>>
      tpu.enqueue_indirect_dma source(%dma_start3A_145 : memref<10000x128xf32, #tpu.memory_space<hbm>>) target(%arg11 : memref<64x128xf32, #tpu.memory_space<vmem>>) offsets(%dma_start3A_142 : memref<64xi32, #tpu.memory_space<vmem>>) semaphore(%arg16 : memref<!tpu.dma_semaphore, #tpu.memory_space<semaphore_mem>>)
      %dma_wait3A_146 = arith.constant 6 : i32
      %dma_wait3A_147 = arith.constant 0 : i32
      %dma_wait3A_148 = tpu.memref_slice %arg8[%dma_wait3A_146, %dma_wait3A_147] : memref<16x64xi32, #tpu.memory_space<vmem>> -> memref<1x64xi32, #tpu.memory_space<vmem>>
      %dma_wait3A_149 = tpu.memref_squeeze %dma_wait3A_148 : memref<1x64xi32, #tpu.memory_space<vmem>> -> memref<64xi32, #tpu.memory_space<vmem>>
      %dma_wait3A_150 = arith.constant 0 : i32
      %dma_wait3A_151 = arith.constant 0 : i32
      %dma_wait3A_152 = tpu.memref_slice %arg2[%dma_wait3A_150, %dma_wait3A_151] : memref<10000x128xf32, #tpu.memory_space<hbm>> -> memref<10000x128xf32, #tpu.memory_space<hbm>>
      tpu.wait_indirect_dma semaphore(%arg17 : memref<!tpu.dma_semaphore, #tpu.memory_space<semaphore_mem>>) src(%dma_wait3A_152 : memref<10000x128xf32, #tpu.memory_space<hbm>>) dst(%arg12 : memref<64x128xf32, #tpu.memory_space<vmem>>)
      %run_scoped3A_153 = arith.constant 6 : i32
      "tpu.region"() ({
        %run_scoped3A_268 = tpu.sem_alloc : memref<!tpu.dma_semaphore, #tpu.memory_space<semaphore_mem>>
        %dma_start3A_269 = arith.constant 0 : i32
        %dma_start3A_270 = tpu.memref_slice %arg9[%run_scoped3A_153, %dma_start3A_269] : memref<16x64xi32, #tpu.memory_space<vmem>> -> memref<1x64xi32, #tpu.memory_space<vmem>>
        %dma_start3A_271 = tpu.memref_squeeze %dma_start3A_270 : memref<1x64xi32, #tpu.memory_space<vmem>> -> memref<64xi32, #tpu.memory_space<vmem>>
        %dma_start3A_272 = arith.constant 0 : i32
        %dma_start3A_273 = arith.constant 0 : i32
        %dma_start3A_274 = tpu.memref_slice %arg14[%dma_start3A_272, %dma_start3A_273] : memref<10112x128xf32, #tpu.memory_space<vmem_shared>> -> memref<10112x128xf32, #tpu.memory_space<vmem_shared>>
        tpu.enqueue_indirect_dma source(%arg12 : memref<64x128xf32, #tpu.memory_space<vmem>>) target(%dma_start3A_274 : memref<10112x128xf32, #tpu.memory_space<vmem_shared>>) offsets(%dma_start3A_271 : memref<64xi32, #tpu.memory_space<vmem>>) semaphore(%run_scoped3A_268 : memref<!tpu.dma_semaphore, #tpu.memory_space<semaphore_mem>>) {add = true}
        %dma_wait3A_275 = arith.constant 0 : i32
        %dma_wait3A_276 = tpu.memref_slice %arg9[%run_scoped3A_153, %dma_wait3A_275] : memref<16x64xi32, #tpu.memory_space<vmem>> -> memref<1x64xi32, #tpu.memory_space<vmem>>
        %dma_wait3A_277 = tpu.memref_squeeze %dma_wait3A_276 : memref<1x64xi32, #tpu.memory_space<vmem>> -> memref<64xi32, #tpu.memory_space<vmem>>
        %dma_wait3A_278 = arith.constant 0 : i32
        %dma_wait3A_279 = arith.constant 0 : i32
        %dma_wait3A_280 = tpu.memref_slice %arg14[%dma_wait3A_278, %dma_wait3A_279] : memref<10112x128xf32, #tpu.memory_space<vmem_shared>> -> memref<10112x128xf32, #tpu.memory_space<vmem_shared>>
        tpu.wait_indirect_dma semaphore(%run_scoped3A_268 : memref<!tpu.dma_semaphore, #tpu.memory_space<semaphore_mem>>) src(%arg12 : memref<64x128xf32, #tpu.memory_space<vmem>>) dst(%dma_wait3A_280 : memref<10112x128xf32, #tpu.memory_space<vmem_shared>>)
        tpu.yield
      }) : () -> ()
      %dma_start3A_154 = arith.constant 10 : i32
      %dma_start3A_155 = arith.constant 0 : i32
      %dma_start3A_156 = tpu.memref_slice %arg8[%dma_start3A_154, %dma_start3A_155] : memref<16x64xi32, #tpu.memory_space<vmem>> -> memref<1x64xi32, #tpu.memory_space<vmem>>
      %dma_start3A_157 = tpu.memref_squeeze %dma_start3A_156 : memref<1x64xi32, #tpu.memory_space<vmem>> -> memref<64xi32, #tpu.memory_space<vmem>>
      %dma_start3A_158 = arith.constant 0 : i32
      %dma_start3A_159 = arith.constant 0 : i32
      %dma_start3A_160 = tpu.memref_slice %arg2[%dma_start3A_158, %dma_start3A_159] : memref<10000x128xf32, #tpu.memory_space<hbm>> -> memref<10000x128xf32, #tpu.memory_space<hbm>>
      tpu.enqueue_indirect_dma source(%dma_start3A_160 : memref<10000x128xf32, #tpu.memory_space<hbm>>) target(%arg12 : memref<64x128xf32, #tpu.memory_space<vmem>>) offsets(%dma_start3A_157 : memref<64xi32, #tpu.memory_space<vmem>>) semaphore(%arg17 : memref<!tpu.dma_semaphore, #tpu.memory_space<semaphore_mem>>)
      %dma_wait3A_161 = arith.constant 7 : i32
      %dma_wait3A_162 = arith.constant 0 : i32
      %dma_wait3A_163 = tpu.memref_slice %arg8[%dma_wait3A_161, %dma_wait3A_162] : memref<16x64xi32, #tpu.memory_space<vmem>> -> memref<1x64xi32, #tpu.memory_space<vmem>>
      %dma_wait3A_164 = tpu.memref_squeeze %dma_wait3A_163 : memref<1x64xi32, #tpu.memory_space<vmem>> -> memref<64xi32, #tpu.memory_space<vmem>>
      %dma_wait3A_165 = arith.constant 0 : i32
      %dma_wait3A_166 = arith.constant 0 : i32
      %dma_wait3A_167 = tpu.memref_slice %arg2[%dma_wait3A_165, %dma_wait3A_166] : memref<10000x128xf32, #tpu.memory_space<hbm>> -> memref<10000x128xf32, #tpu.memory_space<hbm>>
      tpu.wait_indirect_dma semaphore(%arg18 : memref<!tpu.dma_semaphore, #tpu.memory_space<semaphore_mem>>) src(%dma_wait3A_167 : memref<10000x128xf32, #tpu.memory_space<hbm>>) dst(%arg13 : memref<64x128xf32, #tpu.memory_space<vmem>>)
      %run_scoped3A_168 = arith.constant 7 : i32
      "tpu.region"() ({
        %run_scoped3A_268 = tpu.sem_alloc : memref<!tpu.dma_semaphore, #tpu.memory_space<semaphore_mem>>
        %dma_start3A_269 = arith.constant 0 : i32
        %dma_start3A_270 = tpu.memref_slice %arg9[%run_scoped3A_168, %dma_start3A_269] : memref<16x64xi32, #tpu.memory_space<vmem>> -> memref<1x64xi32, #tpu.memory_space<vmem>>
        %dma_start3A_271 = tpu.memref_squeeze %dma_start3A_270 : memref<1x64xi32, #tpu.memory_space<vmem>> -> memref<64xi32, #tpu.memory_space<vmem>>
        %dma_start3A_272 = arith.constant 0 : i32
        %dma_start3A_273 = arith.constant 0 : i32
        %dma_start3A_274 = tpu.memref_slice %arg14[%dma_start3A_272, %dma_start3A_273] : memref<10112x128xf32, #tpu.memory_space<vmem_shared>> -> memref<10112x128xf32, #tpu.memory_space<vmem_shared>>
        tpu.enqueue_indirect_dma source(%arg13 : memref<64x128xf32, #tpu.memory_space<vmem>>) target(%dma_start3A_274 : memref<10112x128xf32, #tpu.memory_space<vmem_shared>>) offsets(%dma_start3A_271 : memref<64xi32, #tpu.memory_space<vmem>>) semaphore(%run_scoped3A_268 : memref<!tpu.dma_semaphore, #tpu.memory_space<semaphore_mem>>) {add = true}
        %dma_wait3A_275 = arith.constant 0 : i32
        %dma_wait3A_276 = tpu.memref_slice %arg9[%run_scoped3A_168, %dma_wait3A_275] : memref<16x64xi32, #tpu.memory_space<vmem>> -> memref<1x64xi32, #tpu.memory_space<vmem>>
        %dma_wait3A_277 = tpu.memref_squeeze %dma_wait3A_276 : memref<1x64xi32, #tpu.memory_space<vmem>> -> memref<64xi32, #tpu.memory_space<vmem>>
        %dma_wait3A_278 = arith.constant 0 : i32
        %dma_wait3A_279 = arith.constant 0 : i32
        %dma_wait3A_280 = tpu.memref_slice %arg14[%dma_wait3A_278, %dma_wait3A_279] : memref<10112x128xf32, #tpu.memory_space<vmem_shared>> -> memref<10112x128xf32, #tpu.memory_space<vmem_shared>>
        tpu.wait_indirect_dma semaphore(%run_scoped3A_268 : memref<!tpu.dma_semaphore, #tpu.memory_space<semaphore_mem>>) src(%arg13 : memref<64x128xf32, #tpu.memory_space<vmem>>) dst(%dma_wait3A_280 : memref<10112x128xf32, #tpu.memory_space<vmem_shared>>)
        tpu.yield
      }) : () -> ()
      %dma_start3A_169 = arith.constant 11 : i32
      %dma_start3A_170 = arith.constant 0 : i32
      %dma_start3A_171 = tpu.memref_slice %arg8[%dma_start3A_169, %dma_start3A_170] : memref<16x64xi32, #tpu.memory_space<vmem>> -> memref<1x64xi32, #tpu.memory_space<vmem>>
      %dma_start3A_172 = tpu.memref_squeeze %dma_start3A_171 : memref<1x64xi32, #tpu.memory_space<vmem>> -> memref<64xi32, #tpu.memory_space<vmem>>
      %dma_start3A_173 = arith.constant 0 : i32
      %dma_start3A_174 = arith.constant 0 : i32
      %dma_start3A_175 = tpu.memref_slice %arg2[%dma_start3A_173, %dma_start3A_174] : memref<10000x128xf32, #tpu.memory_space<hbm>> -> memref<10000x128xf32, #tpu.memory_space<hbm>>
      tpu.enqueue_indirect_dma source(%dma_start3A_175 : memref<10000x128xf32, #tpu.memory_space<hbm>>) target(%arg13 : memref<64x128xf32, #tpu.memory_space<vmem>>) offsets(%dma_start3A_172 : memref<64xi32, #tpu.memory_space<vmem>>) semaphore(%arg18 : memref<!tpu.dma_semaphore, #tpu.memory_space<semaphore_mem>>)
      %dma_wait3A_176 = arith.constant 8 : i32
      %dma_wait3A_177 = arith.constant 0 : i32
      %dma_wait3A_178 = tpu.memref_slice %arg8[%dma_wait3A_176, %dma_wait3A_177] : memref<16x64xi32, #tpu.memory_space<vmem>> -> memref<1x64xi32, #tpu.memory_space<vmem>>
      %dma_wait3A_179 = tpu.memref_squeeze %dma_wait3A_178 : memref<1x64xi32, #tpu.memory_space<vmem>> -> memref<64xi32, #tpu.memory_space<vmem>>
      %dma_wait3A_180 = arith.constant 0 : i32
      %dma_wait3A_181 = arith.constant 0 : i32
      %dma_wait3A_182 = tpu.memref_slice %arg2[%dma_wait3A_180, %dma_wait3A_181] : memref<10000x128xf32, #tpu.memory_space<hbm>> -> memref<10000x128xf32, #tpu.memory_space<hbm>>
      tpu.wait_indirect_dma semaphore(%arg15 : memref<!tpu.dma_semaphore, #tpu.memory_space<semaphore_mem>>) src(%dma_wait3A_182 : memref<10000x128xf32, #tpu.memory_space<hbm>>) dst(%arg10 : memref<64x128xf32, #tpu.memory_space<vmem>>)
      %run_scoped3A_183 = arith.constant 8 : i32
      "tpu.region"() ({
        %run_scoped3A_268 = tpu.sem_alloc : memref<!tpu.dma_semaphore, #tpu.memory_space<semaphore_mem>>
        %dma_start3A_269 = arith.constant 0 : i32
        %dma_start3A_270 = tpu.memref_slice %arg9[%run_scoped3A_183, %dma_start3A_269] : memref<16x64xi32, #tpu.memory_space<vmem>> -> memref<1x64xi32, #tpu.memory_space<vmem>>
        %dma_start3A_271 = tpu.memref_squeeze %dma_start3A_270 : memref<1x64xi32, #tpu.memory_space<vmem>> -> memref<64xi32, #tpu.memory_space<vmem>>
        %dma_start3A_272 = arith.constant 0 : i32
        %dma_start3A_273 = arith.constant 0 : i32
        %dma_start3A_274 = tpu.memref_slice %arg14[%dma_start3A_272, %dma_start3A_273] : memref<10112x128xf32, #tpu.memory_space<vmem_shared>> -> memref<10112x128xf32, #tpu.memory_space<vmem_shared>>
        tpu.enqueue_indirect_dma source(%arg10 : memref<64x128xf32, #tpu.memory_space<vmem>>) target(%dma_start3A_274 : memref<10112x128xf32, #tpu.memory_space<vmem_shared>>) offsets(%dma_start3A_271 : memref<64xi32, #tpu.memory_space<vmem>>) semaphore(%run_scoped3A_268 : memref<!tpu.dma_semaphore, #tpu.memory_space<semaphore_mem>>) {add = true}
        %dma_wait3A_275 = arith.constant 0 : i32
        %dma_wait3A_276 = tpu.memref_slice %arg9[%run_scoped3A_183, %dma_wait3A_275] : memref<16x64xi32, #tpu.memory_space<vmem>> -> memref<1x64xi32, #tpu.memory_space<vmem>>
        %dma_wait3A_277 = tpu.memref_squeeze %dma_wait3A_276 : memref<1x64xi32, #tpu.memory_space<vmem>> -> memref<64xi32, #tpu.memory_space<vmem>>
        %dma_wait3A_278 = arith.constant 0 : i32
        %dma_wait3A_279 = arith.constant 0 : i32
        %dma_wait3A_280 = tpu.memref_slice %arg14[%dma_wait3A_278, %dma_wait3A_279] : memref<10112x128xf32, #tpu.memory_space<vmem_shared>> -> memref<10112x128xf32, #tpu.memory_space<vmem_shared>>
        tpu.wait_indirect_dma semaphore(%run_scoped3A_268 : memref<!tpu.dma_semaphore, #tpu.memory_space<semaphore_mem>>) src(%arg10 : memref<64x128xf32, #tpu.memory_space<vmem>>) dst(%dma_wait3A_280 : memref<10112x128xf32, #tpu.memory_space<vmem_shared>>)
        tpu.yield
      }) : () -> ()
      %dma_start3A_184 = arith.constant 12 : i32
      %dma_start3A_185 = arith.constant 0 : i32
      %dma_start3A_186 = tpu.memref_slice %arg8[%dma_start3A_184, %dma_start3A_185] : memref<16x64xi32, #tpu.memory_space<vmem>> -> memref<1x64xi32, #tpu.memory_space<vmem>>
      %dma_start3A_187 = tpu.memref_squeeze %dma_start3A_186 : memref<1x64xi32, #tpu.memory_space<vmem>> -> memref<64xi32, #tpu.memory_space<vmem>>
      %dma_start3A_188 = arith.constant 0 : i32
      %dma_start3A_189 = arith.constant 0 : i32
      %dma_start3A_190 = tpu.memref_slice %arg2[%dma_start3A_188, %dma_start3A_189] : memref<10000x128xf32, #tpu.memory_space<hbm>> -> memref<10000x128xf32, #tpu.memory_space<hbm>>
      tpu.enqueue_indirect_dma source(%dma_start3A_190 : memref<10000x128xf32, #tpu.memory_space<hbm>>) target(%arg10 : memref<64x128xf32, #tpu.memory_space<vmem>>) offsets(%dma_start3A_187 : memref<64xi32, #tpu.memory_space<vmem>>) semaphore(%arg15 : memref<!tpu.dma_semaphore, #tpu.memory_space<semaphore_mem>>)
      %dma_wait3A_191 = arith.constant 9 : i32
      %dma_wait3A_192 = arith.constant 0 : i32
      %dma_wait3A_193 = tpu.memref_slice %arg8[%dma_wait3A_191, %dma_wait3A_192] : memref<16x64xi32, #tpu.memory_space<vmem>> -> memref<1x64xi32, #tpu.memory_space<vmem>>
      %dma_wait3A_194 = tpu.memref_squeeze %dma_wait3A_193 : memref<1x64xi32, #tpu.memory_space<vmem>> -> memref<64xi32, #tpu.memory_space<vmem>>
      %dma_wait3A_195 = arith.constant 0 : i32
      %dma_wait3A_196 = arith.constant 0 : i32
      %dma_wait3A_197 = tpu.memref_slice %arg2[%dma_wait3A_195, %dma_wait3A_196] : memref<10000x128xf32, #tpu.memory_space<hbm>> -> memref<10000x128xf32, #tpu.memory_space<hbm>>
      tpu.wait_indirect_dma semaphore(%arg16 : memref<!tpu.dma_semaphore, #tpu.memory_space<semaphore_mem>>) src(%dma_wait3A_197 : memref<10000x128xf32, #tpu.memory_space<hbm>>) dst(%arg11 : memref<64x128xf32, #tpu.memory_space<vmem>>)
      %run_scoped3A_198 = arith.constant 9 : i32
      "tpu.region"() ({
        %run_scoped3A_268 = tpu.sem_alloc : memref<!tpu.dma_semaphore, #tpu.memory_space<semaphore_mem>>
        %dma_start3A_269 = arith.constant 0 : i32
        %dma_start3A_270 = tpu.memref_slice %arg9[%run_scoped3A_198, %dma_start3A_269] : memref<16x64xi32, #tpu.memory_space<vmem>> -> memref<1x64xi32, #tpu.memory_space<vmem>>
        %dma_start3A_271 = tpu.memref_squeeze %dma_start3A_270 : memref<1x64xi32, #tpu.memory_space<vmem>> -> memref<64xi32, #tpu.memory_space<vmem>>
        %dma_start3A_272 = arith.constant 0 : i32
        %dma_start3A_273 = arith.constant 0 : i32
        %dma_start3A_274 = tpu.memref_slice %arg14[%dma_start3A_272, %dma_start3A_273] : memref<10112x128xf32, #tpu.memory_space<vmem_shared>> -> memref<10112x128xf32, #tpu.memory_space<vmem_shared>>
        tpu.enqueue_indirect_dma source(%arg11 : memref<64x128xf32, #tpu.memory_space<vmem>>) target(%dma_start3A_274 : memref<10112x128xf32, #tpu.memory_space<vmem_shared>>) offsets(%dma_start3A_271 : memref<64xi32, #tpu.memory_space<vmem>>) semaphore(%run_scoped3A_268 : memref<!tpu.dma_semaphore, #tpu.memory_space<semaphore_mem>>) {add = true}
        %dma_wait3A_275 = arith.constant 0 : i32
        %dma_wait3A_276 = tpu.memref_slice %arg9[%run_scoped3A_198, %dma_wait3A_275] : memref<16x64xi32, #tpu.memory_space<vmem>> -> memref<1x64xi32, #tpu.memory_space<vmem>>
        %dma_wait3A_277 = tpu.memref_squeeze %dma_wait3A_276 : memref<1x64xi32, #tpu.memory_space<vmem>> -> memref<64xi32, #tpu.memory_space<vmem>>
        %dma_wait3A_278 = arith.constant 0 : i32
        %dma_wait3A_279 = arith.constant 0 : i32
        %dma_wait3A_280 = tpu.memref_slice %arg14[%dma_wait3A_278, %dma_wait3A_279] : memref<10112x128xf32, #tpu.memory_space<vmem_shared>> -> memref<10112x128xf32, #tpu.memory_space<vmem_shared>>
        tpu.wait_indirect_dma semaphore(%run_scoped3A_268 : memref<!tpu.dma_semaphore, #tpu.memory_space<semaphore_mem>>) src(%arg11 : memref<64x128xf32, #tpu.memory_space<vmem>>) dst(%dma_wait3A_280 : memref<10112x128xf32, #tpu.memory_space<vmem_shared>>)
        tpu.yield
      }) : () -> ()
      %dma_start3A_199 = arith.constant 13 : i32
      %dma_start3A_200 = arith.constant 0 : i32
      %dma_start3A_201 = tpu.memref_slice %arg8[%dma_start3A_199, %dma_start3A_200] : memref<16x64xi32, #tpu.memory_space<vmem>> -> memref<1x64xi32, #tpu.memory_space<vmem>>
      %dma_start3A_202 = tpu.memref_squeeze %dma_start3A_201 : memref<1x64xi32, #tpu.memory_space<vmem>> -> memref<64xi32, #tpu.memory_space<vmem>>
      %dma_start3A_203 = arith.constant 0 : i32
      %dma_start3A_204 = arith.constant 0 : i32
      %dma_start3A_205 = tpu.memref_slice %arg2[%dma_start3A_203, %dma_start3A_204] : memref<10000x128xf32, #tpu.memory_space<hbm>> -> memref<10000x128xf32, #tpu.memory_space<hbm>>
      tpu.enqueue_indirect_dma source(%dma_start3A_205 : memref<10000x128xf32, #tpu.memory_space<hbm>>) target(%arg11 : memref<64x128xf32, #tpu.memory_space<vmem>>) offsets(%dma_start3A_202 : memref<64xi32, #tpu.memory_space<vmem>>) semaphore(%arg16 : memref<!tpu.dma_semaphore, #tpu.memory_space<semaphore_mem>>)
      %dma_wait3A_206 = arith.constant 10 : i32
      %dma_wait3A_207 = arith.constant 0 : i32
      %dma_wait3A_208 = tpu.memref_slice %arg8[%dma_wait3A_206, %dma_wait3A_207] : memref<16x64xi32, #tpu.memory_space<vmem>> -> memref<1x64xi32, #tpu.memory_space<vmem>>
      %dma_wait3A_209 = tpu.memref_squeeze %dma_wait3A_208 : memref<1x64xi32, #tpu.memory_space<vmem>> -> memref<64xi32, #tpu.memory_space<vmem>>
      %dma_wait3A_210 = arith.constant 0 : i32
      %dma_wait3A_211 = arith.constant 0 : i32
      %dma_wait3A_212 = tpu.memref_slice %arg2[%dma_wait3A_210, %dma_wait3A_211] : memref<10000x128xf32, #tpu.memory_space<hbm>> -> memref<10000x128xf32, #tpu.memory_space<hbm>>
      tpu.wait_indirect_dma semaphore(%arg17 : memref<!tpu.dma_semaphore, #tpu.memory_space<semaphore_mem>>) src(%dma_wait3A_212 : memref<10000x128xf32, #tpu.memory_space<hbm>>) dst(%arg12 : memref<64x128xf32, #tpu.memory_space<vmem>>)
      %run_scoped3A_213 = arith.constant 10 : i32
      "tpu.region"() ({
        %run_scoped3A_268 = tpu.sem_alloc : memref<!tpu.dma_semaphore, #tpu.memory_space<semaphore_mem>>
        %dma_start3A_269 = arith.constant 0 : i32
        %dma_start3A_270 = tpu.memref_slice %arg9[%run_scoped3A_213, %dma_start3A_269] : memref<16x64xi32, #tpu.memory_space<vmem>> -> memref<1x64xi32, #tpu.memory_space<vmem>>
        %dma_start3A_271 = tpu.memref_squeeze %dma_start3A_270 : memref<1x64xi32, #tpu.memory_space<vmem>> -> memref<64xi32, #tpu.memory_space<vmem>>
        %dma_start3A_272 = arith.constant 0 : i32
        %dma_start3A_273 = arith.constant 0 : i32
        %dma_start3A_274 = tpu.memref_slice %arg14[%dma_start3A_272, %dma_start3A_273] : memref<10112x128xf32, #tpu.memory_space<vmem_shared>> -> memref<10112x128xf32, #tpu.memory_space<vmem_shared>>
        tpu.enqueue_indirect_dma source(%arg12 : memref<64x128xf32, #tpu.memory_space<vmem>>) target(%dma_start3A_274 : memref<10112x128xf32, #tpu.memory_space<vmem_shared>>) offsets(%dma_start3A_271 : memref<64xi32, #tpu.memory_space<vmem>>) semaphore(%run_scoped3A_268 : memref<!tpu.dma_semaphore, #tpu.memory_space<semaphore_mem>>) {add = true}
        %dma_wait3A_275 = arith.constant 0 : i32
        %dma_wait3A_276 = tpu.memref_slice %arg9[%run_scoped3A_213, %dma_wait3A_275] : memref<16x64xi32, #tpu.memory_space<vmem>> -> memref<1x64xi32, #tpu.memory_space<vmem>>
        %dma_wait3A_277 = tpu.memref_squeeze %dma_wait3A_276 : memref<1x64xi32, #tpu.memory_space<vmem>> -> memref<64xi32, #tpu.memory_space<vmem>>
        %dma_wait3A_278 = arith.constant 0 : i32
        %dma_wait3A_279 = arith.constant 0 : i32
        %dma_wait3A_280 = tpu.memref_slice %arg14[%dma_wait3A_278, %dma_wait3A_279] : memref<10112x128xf32, #tpu.memory_space<vmem_shared>> -> memref<10112x128xf32, #tpu.memory_space<vmem_shared>>
        tpu.wait_indirect_dma semaphore(%run_scoped3A_268 : memref<!tpu.dma_semaphore, #tpu.memory_space<semaphore_mem>>) src(%arg12 : memref<64x128xf32, #tpu.memory_space<vmem>>) dst(%dma_wait3A_280 : memref<10112x128xf32, #tpu.memory_space<vmem_shared>>)
        tpu.yield
      }) : () -> ()
      %dma_start3A_214 = arith.constant 14 : i32
      %dma_start3A_215 = arith.constant 0 : i32
      %dma_start3A_216 = tpu.memref_slice %arg8[%dma_start3A_214, %dma_start3A_215] : memref<16x64xi32, #tpu.memory_space<vmem>> -> memref<1x64xi32, #tpu.memory_space<vmem>>
      %dma_start3A_217 = tpu.memref_squeeze %dma_start3A_216 : memref<1x64xi32, #tpu.memory_space<vmem>> -> memref<64xi32, #tpu.memory_space<vmem>>
      %dma_start3A_218 = arith.constant 0 : i32
      %dma_start3A_219 = arith.constant 0 : i32
      %dma_start3A_220 = tpu.memref_slice %arg2[%dma_start3A_218, %dma_start3A_219] : memref<10000x128xf32, #tpu.memory_space<hbm>> -> memref<10000x128xf32, #tpu.memory_space<hbm>>
      tpu.enqueue_indirect_dma source(%dma_start3A_220 : memref<10000x128xf32, #tpu.memory_space<hbm>>) target(%arg12 : memref<64x128xf32, #tpu.memory_space<vmem>>) offsets(%dma_start3A_217 : memref<64xi32, #tpu.memory_space<vmem>>) semaphore(%arg17 : memref<!tpu.dma_semaphore, #tpu.memory_space<semaphore_mem>>)
      %dma_wait3A_221 = arith.constant 11 : i32
      %dma_wait3A_222 = arith.constant 0 : i32
      %dma_wait3A_223 = tpu.memref_slice %arg8[%dma_wait3A_221, %dma_wait3A_222] : memref<16x64xi32, #tpu.memory_space<vmem>> -> memref<1x64xi32, #tpu.memory_space<vmem>>
      %dma_wait3A_224 = tpu.memref_squeeze %dma_wait3A_223 : memref<1x64xi32, #tpu.memory_space<vmem>> -> memref<64xi32, #tpu.memory_space<vmem>>
      %dma_wait3A_225 = arith.constant 0 : i32
      %dma_wait3A_226 = arith.constant 0 : i32
      %dma_wait3A_227 = tpu.memref_slice %arg2[%dma_wait3A_225, %dma_wait3A_226] : memref<10000x128xf32, #tpu.memory_space<hbm>> -> memref<10000x128xf32, #tpu.memory_space<hbm>>
      tpu.wait_indirect_dma semaphore(%arg18 : memref<!tpu.dma_semaphore, #tpu.memory_space<semaphore_mem>>) src(%dma_wait3A_227 : memref<10000x128xf32, #tpu.memory_space<hbm>>) dst(%arg13 : memref<64x128xf32, #tpu.memory_space<vmem>>)
      %run_scoped3A_228 = arith.constant 11 : i32
      "tpu.region"() ({
        %run_scoped3A_268 = tpu.sem_alloc : memref<!tpu.dma_semaphore, #tpu.memory_space<semaphore_mem>>
        %dma_start3A_269 = arith.constant 0 : i32
        %dma_start3A_270 = tpu.memref_slice %arg9[%run_scoped3A_228, %dma_start3A_269] : memref<16x64xi32, #tpu.memory_space<vmem>> -> memref<1x64xi32, #tpu.memory_space<vmem>>
        %dma_start3A_271 = tpu.memref_squeeze %dma_start3A_270 : memref<1x64xi32, #tpu.memory_space<vmem>> -> memref<64xi32, #tpu.memory_space<vmem>>
        %dma_start3A_272 = arith.constant 0 : i32
        %dma_start3A_273 = arith.constant 0 : i32
        %dma_start3A_274 = tpu.memref_slice %arg14[%dma_start3A_272, %dma_start3A_273] : memref<10112x128xf32, #tpu.memory_space<vmem_shared>> -> memref<10112x128xf32, #tpu.memory_space<vmem_shared>>
        tpu.enqueue_indirect_dma source(%arg13 : memref<64x128xf32, #tpu.memory_space<vmem>>) target(%dma_start3A_274 : memref<10112x128xf32, #tpu.memory_space<vmem_shared>>) offsets(%dma_start3A_271 : memref<64xi32, #tpu.memory_space<vmem>>) semaphore(%run_scoped3A_268 : memref<!tpu.dma_semaphore, #tpu.memory_space<semaphore_mem>>) {add = true}
        %dma_wait3A_275 = arith.constant 0 : i32
        %dma_wait3A_276 = tpu.memref_slice %arg9[%run_scoped3A_228, %dma_wait3A_275] : memref<16x64xi32, #tpu.memory_space<vmem>> -> memref<1x64xi32, #tpu.memory_space<vmem>>
        %dma_wait3A_277 = tpu.memref_squeeze %dma_wait3A_276 : memref<1x64xi32, #tpu.memory_space<vmem>> -> memref<64xi32, #tpu.memory_space<vmem>>
        %dma_wait3A_278 = arith.constant 0 : i32
        %dma_wait3A_279 = arith.constant 0 : i32
        %dma_wait3A_280 = tpu.memref_slice %arg14[%dma_wait3A_278, %dma_wait3A_279] : memref<10112x128xf32, #tpu.memory_space<vmem_shared>> -> memref<10112x128xf32, #tpu.memory_space<vmem_shared>>
        tpu.wait_indirect_dma semaphore(%run_scoped3A_268 : memref<!tpu.dma_semaphore, #tpu.memory_space<semaphore_mem>>) src(%arg13 : memref<64x128xf32, #tpu.memory_space<vmem>>) dst(%dma_wait3A_280 : memref<10112x128xf32, #tpu.memory_space<vmem_shared>>)
        tpu.yield
      }) : () -> ()
      %dma_start3A_229 = arith.constant 15 : i32
      %dma_start3A_230 = arith.constant 0 : i32
      %dma_start3A_231 = tpu.memref_slice %arg8[%dma_start3A_229, %dma_start3A_230] : memref<16x64xi32, #tpu.memory_space<vmem>> -> memref<1x64xi32, #tpu.memory_space<vmem>>
      %dma_start3A_232 = tpu.memref_squeeze %dma_start3A_231 : memref<1x64xi32, #tpu.memory_space<vmem>> -> memref<64xi32, #tpu.memory_space<vmem>>
      %dma_start3A_233 = arith.constant 0 : i32
      %dma_start3A_234 = arith.constant 0 : i32
      %dma_start3A_235 = tpu.memref_slice %arg2[%dma_start3A_233, %dma_start3A_234] : memref<10000x128xf32, #tpu.memory_space<hbm>> -> memref<10000x128xf32, #tpu.memory_space<hbm>>
      tpu.enqueue_indirect_dma source(%dma_start3A_235 : memref<10000x128xf32, #tpu.memory_space<hbm>>) target(%arg13 : memref<64x128xf32, #tpu.memory_space<vmem>>) offsets(%dma_start3A_232 : memref<64xi32, #tpu.memory_space<vmem>>) semaphore(%arg18 : memref<!tpu.dma_semaphore, #tpu.memory_space<semaphore_mem>>)
      %dma_wait3A_236 = arith.constant 12 : i32
      %dma_wait3A_237 = arith.constant 0 : i32
      %dma_wait3A_238 = tpu.memref_slice %arg8[%dma_wait3A_236, %dma_wait3A_237] : memref<16x64xi32, #tpu.memory_space<vmem>> -> memref<1x64xi32, #tpu.memory_space<vmem>>
      %dma_wait3A_239 = tpu.memref_squeeze %dma_wait3A_238 : memref<1x64xi32, #tpu.memory_space<vmem>> -> memref<64xi32, #tpu.memory_space<vmem>>
      %dma_wait3A_240 = arith.constant 0 : i32
      %dma_wait3A_241 = arith.constant 0 : i32
      %dma_wait3A_242 = tpu.memref_slice %arg2[%dma_wait3A_240, %dma_wait3A_241] : memref<10000x128xf32, #tpu.memory_space<hbm>> -> memref<10000x128xf32, #tpu.memory_space<hbm>>
      tpu.wait_indirect_dma semaphore(%arg15 : memref<!tpu.dma_semaphore, #tpu.memory_space<semaphore_mem>>) src(%dma_wait3A_242 : memref<10000x128xf32, #tpu.memory_space<hbm>>) dst(%arg10 : memref<64x128xf32, #tpu.memory_space<vmem>>)
      %run_scoped3A_243 = arith.constant 12 : i32
      "tpu.region"() ({
        %run_scoped3A_268 = tpu.sem_alloc : memref<!tpu.dma_semaphore, #tpu.memory_space<semaphore_mem>>
        %dma_start3A_269 = arith.constant 0 : i32
        %dma_start3A_270 = tpu.memref_slice %arg9[%run_scoped3A_243, %dma_start3A_269] : memref<16x64xi32, #tpu.memory_space<vmem>> -> memref<1x64xi32, #tpu.memory_space<vmem>>
        %dma_start3A_271 = tpu.memref_squeeze %dma_start3A_270 : memref<1x64xi32, #tpu.memory_space<vmem>> -> memref<64xi32, #tpu.memory_space<vmem>>
        %dma_start3A_272 = arith.constant 0 : i32
        %dma_start3A_273 = arith.constant 0 : i32
        %dma_start3A_274 = tpu.memref_slice %arg14[%dma_start3A_272, %dma_start3A_273] : memref<10112x128xf32, #tpu.memory_space<vmem_shared>> -> memref<10112x128xf32, #tpu.memory_space<vmem_shared>>
        tpu.enqueue_indirect_dma source(%arg10 : memref<64x128xf32, #tpu.memory_space<vmem>>) target(%dma_start3A_274 : memref<10112x128xf32, #tpu.memory_space<vmem_shared>>) offsets(%dma_start3A_271 : memref<64xi32, #tpu.memory_space<vmem>>) semaphore(%run_scoped3A_268 : memref<!tpu.dma_semaphore, #tpu.memory_space<semaphore_mem>>) {add = true}
        %dma_wait3A_275 = arith.constant 0 : i32
        %dma_wait3A_276 = tpu.memref_slice %arg9[%run_scoped3A_243, %dma_wait3A_275] : memref<16x64xi32, #tpu.memory_space<vmem>> -> memref<1x64xi32, #tpu.memory_space<vmem>>
        %dma_wait3A_277 = tpu.memref_squeeze %dma_wait3A_276 : memref<1x64xi32, #tpu.memory_space<vmem>> -> memref<64xi32, #tpu.memory_space<vmem>>
        %dma_wait3A_278 = arith.constant 0 : i32
        %dma_wait3A_279 = arith.constant 0 : i32
        %dma_wait3A_280 = tpu.memref_slice %arg14[%dma_wait3A_278, %dma_wait3A_279] : memref<10112x128xf32, #tpu.memory_space<vmem_shared>> -> memref<10112x128xf32, #tpu.memory_space<vmem_shared>>
        tpu.wait_indirect_dma semaphore(%run_scoped3A_268 : memref<!tpu.dma_semaphore, #tpu.memory_space<semaphore_mem>>) src(%arg10 : memref<64x128xf32, #tpu.memory_space<vmem>>) dst(%dma_wait3A_280 : memref<10112x128xf32, #tpu.memory_space<vmem_shared>>)
        tpu.yield
      }) : () -> ()
      %dma_wait3A_244 = arith.constant 13 : i32
      %dma_wait3A_245 = arith.constant 0 : i32
      %dma_wait3A_246 = tpu.memref_slice %arg8[%dma_wait3A_244, %dma_wait3A_245] : memref<16x64xi32, #tpu.memory_space<vmem>> -> memref<1x64xi32, #tpu.memory_space<vmem>>
      %dma_wait3A_247 = tpu.memref_squeeze %dma_wait3A_246 : memref<1x64xi32, #tpu.memory_space<vmem>> -> memref<64xi32, #tpu.memory_space<vmem>>
      %dma_wait3A_248 = arith.constant 0 : i32
      %dma_wait3A_249 = arith.constant 0 : i32
      %dma_wait3A_250 = tpu.memref_slice %arg2[%dma_wait3A_248, %dma_wait3A_249] : memref<10000x128xf32, #tpu.memory_space<hbm>> -> memref<10000x128xf32, #tpu.memory_space<hbm>>
      tpu.wait_indirect_dma semaphore(%arg16 : memref<!tpu.dma_semaphore, #tpu.memory_space<semaphore_mem>>) src(%dma_wait3A_250 : memref<10000x128xf32, #tpu.memory_space<hbm>>) dst(%arg11 : memref<64x128xf32, #tpu.memory_space<vmem>>)
      %run_scoped3A_251 = arith.constant 13 : i32
      "tpu.region"() ({
        %run_scoped3A_268 = tpu.sem_alloc : memref<!tpu.dma_semaphore, #tpu.memory_space<semaphore_mem>>
        %dma_start3A_269 = arith.constant 0 : i32
        %dma_start3A_270 = tpu.memref_slice %arg9[%run_scoped3A_251, %dma_start3A_269] : memref<16x64xi32, #tpu.memory_space<vmem>> -> memref<1x64xi32, #tpu.memory_space<vmem>>
        %dma_start3A_271 = tpu.memref_squeeze %dma_start3A_270 : memref<1x64xi32, #tpu.memory_space<vmem>> -> memref<64xi32, #tpu.memory_space<vmem>>
        %dma_start3A_272 = arith.constant 0 : i32
        %dma_start3A_273 = arith.constant 0 : i32
        %dma_start3A_274 = tpu.memref_slice %arg14[%dma_start3A_272, %dma_start3A_273] : memref<10112x128xf32, #tpu.memory_space<vmem_shared>> -> memref<10112x128xf32, #tpu.memory_space<vmem_shared>>
        tpu.enqueue_indirect_dma source(%arg11 : memref<64x128xf32, #tpu.memory_space<vmem>>) target(%dma_start3A_274 : memref<10112x128xf32, #tpu.memory_space<vmem_shared>>) offsets(%dma_start3A_271 : memref<64xi32, #tpu.memory_space<vmem>>) semaphore(%run_scoped3A_268 : memref<!tpu.dma_semaphore, #tpu.memory_space<semaphore_mem>>) {add = true}
        %dma_wait3A_275 = arith.constant 0 : i32
        %dma_wait3A_276 = tpu.memref_slice %arg9[%run_scoped3A_251, %dma_wait3A_275] : memref<16x64xi32, #tpu.memory_space<vmem>> -> memref<1x64xi32, #tpu.memory_space<vmem>>
        %dma_wait3A_277 = tpu.memref_squeeze %dma_wait3A_276 : memref<1x64xi32, #tpu.memory_space<vmem>> -> memref<64xi32, #tpu.memory_space<vmem>>
        %dma_wait3A_278 = arith.constant 0 : i32
        %dma_wait3A_279 = arith.constant 0 : i32
        %dma_wait3A_280 = tpu.memref_slice %arg14[%dma_wait3A_278, %dma_wait3A_279] : memref<10112x128xf32, #tpu.memory_space<vmem_shared>> -> memref<10112x128xf32, #tpu.memory_space<vmem_shared>>
        tpu.wait_indirect_dma semaphore(%run_scoped3A_268 : memref<!tpu.dma_semaphore, #tpu.memory_space<semaphore_mem>>) src(%arg11 : memref<64x128xf32, #tpu.memory_space<vmem>>) dst(%dma_wait3A_280 : memref<10112x128xf32, #tpu.memory_space<vmem_shared>>)
        tpu.yield
      }) : () -> ()
      %dma_wait3A_252 = arith.constant 14 : i32
      %dma_wait3A_253 = arith.constant 0 : i32
      %dma_wait3A_254 = tpu.memref_slice %arg8[%dma_wait3A_252, %dma_wait3A_253] : memref<16x64xi32, #tpu.memory_space<vmem>> -> memref<1x64xi32, #tpu.memory_space<vmem>>
      %dma_wait3A_255 = tpu.memref_squeeze %dma_wait3A_254 : memref<1x64xi32, #tpu.memory_space<vmem>> -> memref<64xi32, #tpu.memory_space<vmem>>
      %dma_wait3A_256 = arith.constant 0 : i32
      %dma_wait3A_257 = arith.constant 0 : i32
      %dma_wait3A_258 = tpu.memref_slice %arg2[%dma_wait3A_256, %dma_wait3A_257] : memref<10000x128xf32, #tpu.memory_space<hbm>> -> memref<10000x128xf32, #tpu.memory_space<hbm>>
      tpu.wait_indirect_dma semaphore(%arg17 : memref<!tpu.dma_semaphore, #tpu.memory_space<semaphore_mem>>) src(%dma_wait3A_258 : memref<10000x128xf32, #tpu.memory_space<hbm>>) dst(%arg12 : memref<64x128xf32, #tpu.memory_space<vmem>>)
      %run_scoped3A_259 = arith.constant 14 : i32
      "tpu.region"() ({
        %run_scoped3A_268 = tpu.sem_alloc : memref<!tpu.dma_semaphore, #tpu.memory_space<semaphore_mem>>
        %dma_start3A_269 = arith.constant 0 : i32
        %dma_start3A_270 = tpu.memref_slice %arg9[%run_scoped3A_259, %dma_start3A_269] : memref<16x64xi32, #tpu.memory_space<vmem>> -> memref<1x64xi32, #tpu.memory_space<vmem>>
        %dma_start3A_271 = tpu.memref_squeeze %dma_start3A_270 : memref<1x64xi32, #tpu.memory_space<vmem>> -> memref<64xi32, #tpu.memory_space<vmem>>
        %dma_start3A_272 = arith.constant 0 : i32
        %dma_start3A_273 = arith.constant 0 : i32
        %dma_start3A_274 = tpu.memref_slice %arg14[%dma_start3A_272, %dma_start3A_273] : memref<10112x128xf32, #tpu.memory_space<vmem_shared>> -> memref<10112x128xf32, #tpu.memory_space<vmem_shared>>
        tpu.enqueue_indirect_dma source(%arg12 : memref<64x128xf32, #tpu.memory_space<vmem>>) target(%dma_start3A_274 : memref<10112x128xf32, #tpu.memory_space<vmem_shared>>) offsets(%dma_start3A_271 : memref<64xi32, #tpu.memory_space<vmem>>) semaphore(%run_scoped3A_268 : memref<!tpu.dma_semaphore, #tpu.memory_space<semaphore_mem>>) {add = true}
        %dma_wait3A_275 = arith.constant 0 : i32
        %dma_wait3A_276 = tpu.memref_slice %arg9[%run_scoped3A_259, %dma_wait3A_275] : memref<16x64xi32, #tpu.memory_space<vmem>> -> memref<1x64xi32, #tpu.memory_space<vmem>>
        %dma_wait3A_277 = tpu.memref_squeeze %dma_wait3A_276 : memref<1x64xi32, #tpu.memory_space<vmem>> -> memref<64xi32, #tpu.memory_space<vmem>>
        %dma_wait3A_278 = arith.constant 0 : i32
        %dma_wait3A_279 = arith.constant 0 : i32
        %dma_wait3A_280 = tpu.memref_slice %arg14[%dma_wait3A_278, %dma_wait3A_279] : memref<10112x128xf32, #tpu.memory_space<vmem_shared>> -> memref<10112x128xf32, #tpu.memory_space<vmem_shared>>
        tpu.wait_indirect_dma semaphore(%run_scoped3A_268 : memref<!tpu.dma_semaphore, #tpu.memory_space<semaphore_mem>>) src(%arg12 : memref<64x128xf32, #tpu.memory_space<vmem>>) dst(%dma_wait3A_280 : memref<10112x128xf32, #tpu.memory_space<vmem_shared>>)
        tpu.yield
      }) : () -> ()
      %dma_wait3A_260 = arith.constant 15 : i32
      %dma_wait3A_261 = arith.constant 0 : i32
      %dma_wait3A_262 = tpu.memref_slice %arg8[%dma_wait3A_260, %dma_wait3A_261] : memref<16x64xi32, #tpu.memory_space<vmem>> -> memref<1x64xi32, #tpu.memory_space<vmem>>
      %dma_wait3A_263 = tpu.memref_squeeze %dma_wait3A_262 : memref<1x64xi32, #tpu.memory_space<vmem>> -> memref<64xi32, #tpu.memory_space<vmem>>
      %dma_wait3A_264 = arith.constant 0 : i32
      %dma_wait3A_265 = arith.constant 0 : i32
      %dma_wait3A_266 = tpu.memref_slice %arg2[%dma_wait3A_264, %dma_wait3A_265] : memref<10000x128xf32, #tpu.memory_space<hbm>> -> memref<10000x128xf32, #tpu.memory_space<hbm>>
      tpu.wait_indirect_dma semaphore(%arg18 : memref<!tpu.dma_semaphore, #tpu.memory_space<semaphore_mem>>) src(%dma_wait3A_266 : memref<10000x128xf32, #tpu.memory_space<hbm>>) dst(%arg13 : memref<64x128xf32, #tpu.memory_space<vmem>>)
      %run_scoped3A_267 = arith.constant 15 : i32
      "tpu.region"() ({
        %run_scoped3A_268 = tpu.sem_alloc : memref<!tpu.dma_semaphore, #tpu.memory_space<semaphore_mem>>
        %dma_start3A_269 = arith.constant 0 : i32
        %dma_start3A_270 = tpu.memref_slice %arg9[%run_scoped3A_267, %dma_start3A_269] : memref<16x64xi32, #tpu.memory_space<vmem>> -> memref<1x64xi32, #tpu.memory_space<vmem>>
        %dma_start3A_271 = tpu.memref_squeeze %dma_start3A_270 : memref<1x64xi32, #tpu.memory_space<vmem>> -> memref<64xi32, #tpu.memory_space<vmem>>
        %dma_start3A_272 = arith.constant 0 : i32
        %dma_start3A_273 = arith.constant 0 : i32
        %dma_start3A_274 = tpu.memref_slice %arg14[%dma_start3A_272, %dma_start3A_273] : memref<10112x128xf32, #tpu.memory_space<vmem_shared>> -> memref<10112x128xf32, #tpu.memory_space<vmem_shared>>
        tpu.enqueue_indirect_dma source(%arg13 : memref<64x128xf32, #tpu.memory_space<vmem>>) target(%dma_start3A_274 : memref<10112x128xf32, #tpu.memory_space<vmem_shared>>) offsets(%dma_start3A_271 : memref<64xi32, #tpu.memory_space<vmem>>) semaphore(%run_scoped3A_268 : memref<!tpu.dma_semaphore, #tpu.memory_space<semaphore_mem>>) {add = true}
        %dma_wait3A_275 = arith.constant 0 : i32
        %dma_wait3A_276 = tpu.memref_slice %arg9[%run_scoped3A_267, %dma_wait3A_275] : memref<16x64xi32, #tpu.memory_space<vmem>> -> memref<1x64xi32, #tpu.memory_space<vmem>>
        %dma_wait3A_277 = tpu.memref_squeeze %dma_wait3A_276 : memref<1x64xi32, #tpu.memory_space<vmem>> -> memref<64xi32, #tpu.memory_space<vmem>>
        %dma_wait3A_278 = arith.constant 0 : i32
        %dma_wait3A_279 = arith.constant 0 : i32
        %dma_wait3A_280 = tpu.memref_slice %arg14[%dma_wait3A_278, %dma_wait3A_279] : memref<10112x128xf32, #tpu.memory_space<vmem_shared>> -> memref<10112x128xf32, #tpu.memory_space<vmem_shared>>
        tpu.wait_indirect_dma semaphore(%run_scoped3A_268 : memref<!tpu.dma_semaphore, #tpu.memory_space<semaphore_mem>>) src(%arg13 : memref<64x128xf32, #tpu.memory_space<vmem>>) dst(%dma_wait3A_280 : memref<10112x128xf32, #tpu.memory_space<vmem_shared>>)
        tpu.yield
      }) : () -> ()
    }
    %barrier3A_16 = arith.constant 0 : index
    tpu.barrier barrier_id(%barrier3A_16)
    %eq3A_17 = arith.constant 0 : i32
    %eq3A_18 = arith.cmpi eq, %arg0, %eq3A_17 : i32
    %convert_element_type3A = arith.extui %eq3A_18 : i1 to i32
    %cond3A = arith.constant 0 : i32
    %cond3A_19 = arith.cmpi ne, %convert_element_type3A, %cond3A : i32
    scf.if %cond3A_19 {
      "tpu.region"() ({
        %run_scoped3A = tpu.sem_alloc : memref<!tpu.dma_semaphore, #tpu.memory_space<semaphore_mem>>
        %dma_start3A = arith.constant 0 : i32
        %dma_start3A_25 = tpu.memref_slice %arg6[%mul3A_0, %dma_start3A] : memref<10112x128xf32, #tpu.memory_space<hbm>> -> memref<632x128xf32, #tpu.memory_space<hbm>>
        %dma_start3A_26 = arith.constant 0 : i32
        %dma_start3A_27 = tpu.memref_slice %arg14[%mul3A_0, %dma_start3A_26] : memref<10112x128xf32, #tpu.memory_space<vmem_shared>> -> memref<632x128xf32, #tpu.memory_space<vmem_shared>>
        tpu.enqueue_dma source(%dma_start3A_27 : memref<632x128xf32, #tpu.memory_space<vmem_shared>>) target(%dma_start3A_25 : memref<632x128xf32, #tpu.memory_space<hbm>>) target_semaphore(%run_scoped3A : memref<!tpu.dma_semaphore, #tpu.memory_space<semaphore_mem>>)
        %dma_wait3A = arith.constant 0 : i32
        %dma_wait3A_28 = tpu.memref_slice %arg6[%mul3A_0, %dma_wait3A] : memref<10112x128xf32, #tpu.memory_space<hbm>> -> memref<632x128xf32, #tpu.memory_space<hbm>>
        %dma_wait3A_29 = arith.constant 0 : i32
        %dma_wait3A_30 = tpu.memref_slice %arg14[%mul3A_0, %dma_wait3A_29] : memref<10112x128xf32, #tpu.memory_space<vmem_shared>> -> memref<632x128xf32, #tpu.memory_space<vmem_shared>>
        tpu.wait_dma2 semaphore(%run_scoped3A : memref<!tpu.dma_semaphore, #tpu.memory_space<semaphore_mem>>) src(%dma_wait3A_30 : memref<632x128xf32, #tpu.memory_space<vmem_shared>>) dst(%dma_wait3A_28 : memref<632x128xf32, #tpu.memory_space<hbm>>)
        tpu.yield
      }) : () -> ()
    } else {
    }
    %eq3A_20 = arith.constant 1 : i32
    %eq3A_21 = arith.cmpi eq, %arg0, %eq3A_20 : i32
    %convert_element_type3A_22 = arith.extui %eq3A_21 : i1 to i32
    %cond3A_23 = arith.constant 0 : i32
    %cond3A_24 = arith.cmpi ne, %convert_element_type3A_22, %cond3A_23 : i32
    scf.if %cond3A_24 {
      "tpu.region"() ({
        %run_scoped3A = tpu.sem_alloc : memref<!tpu.dma_semaphore, #tpu.memory_space<semaphore_mem>>
        %dma_start3A = arith.constant 0 : i32
        %dma_start3A_25 = tpu.memref_slice %arg7[%mul3A_0, %dma_start3A] : memref<10112x128xf32, #tpu.memory_space<hbm>> -> memref<632x128xf32, #tpu.memory_space<hbm>>
        %dma_start3A_26 = arith.constant 0 : i32
        %dma_start3A_27 = tpu.memref_slice %arg14[%mul3A_0, %dma_start3A_26] : memref<10112x128xf32, #tpu.memory_space<vmem_shared>> -> memref<632x128xf32, #tpu.memory_space<vmem_shared>>
        tpu.enqueue_dma source(%dma_start3A_27 : memref<632x128xf32, #tpu.memory_space<vmem_shared>>) target(%dma_start3A_25 : memref<632x128xf32, #tpu.memory_space<hbm>>) target_semaphore(%run_scoped3A : memref<!tpu.dma_semaphore, #tpu.memory_space<semaphore_mem>>)
        %dma_wait3A = arith.constant 0 : i32
        %dma_wait3A_28 = tpu.memref_slice %arg7[%mul3A_0, %dma_wait3A] : memref<10112x128xf32, #tpu.memory_space<hbm>> -> memref<632x128xf32, #tpu.memory_space<hbm>>
        %dma_wait3A_29 = arith.constant 0 : i32
        %dma_wait3A_30 = tpu.memref_slice %arg14[%mul3A_0, %dma_wait3A_29] : memref<10112x128xf32, #tpu.memory_space<vmem_shared>> -> memref<632x128xf32, #tpu.memory_space<vmem_shared>>
        tpu.wait_dma2 semaphore(%run_scoped3A : memref<!tpu.dma_semaphore, #tpu.memory_space<semaphore_mem>>) src(%dma_wait3A_30 : memref<632x128xf32, #tpu.memory_space<vmem_shared>>) dst(%dma_wait3A_28 : memref<632x128xf32, #tpu.memory_space<hbm>>)
        tpu.yield
      }) : () -> ()
    } else {
    }
    return
  }
}

#map = affine_map<(d0, d1) -> (0, 0)>
module attributes {stable_mosaic.version = 14 : i64} {
  func.func @_c2_body(%arg0: i32, %arg1: i32, %arg2: memref<10000x128xf32, #tpu.memory_space<hbm>>, %arg3: memref<5120x64xi32, #tpu.memory_space<hbm>>, %arg4: memref<5120x64xi32, #tpu.memory_space<hbm>>, %arg5: memref<632x128xf32, #tpu.memory_space<hbm>>, %arg6: memref<10112x128xf32, #tpu.memory_space<hbm>>, %arg7: memref<10112x128xf32, #tpu.memory_space<hbm>>, %arg8: memref<16x64xi32, #tpu.memory_space<vmem>>, %arg9: memref<16x64xi32, #tpu.memory_space<vmem>>, %arg10: memref<64x128xf32, #tpu.memory_space<vmem>>, %arg11: memref<64x128xf32, #tpu.memory_space<vmem>>, %arg12: memref<64x128xf32, #tpu.memory_space<vmem>>, %arg13: memref<64x128xf32, #tpu.memory_space<vmem>>, %arg14: memref<10112x128xf32, #tpu.memory_space<vmem_shared>>, %arg15: memref<!tpu.dma_semaphore, #tpu.memory_space<semaphore_mem>>, %arg16: memref<!tpu.dma_semaphore, #tpu.memory_space<semaphore_mem>>, %arg17: memref<!tpu.dma_semaphore, #tpu.memory_space<semaphore_mem>>, %arg18: memref<!tpu.dma_semaphore, #tpu.memory_space<semaphore_mem>>) attributes {dimension_semantics = [#tpu.dimension_semantics<core_parallel>, #tpu.dimension_semantics<subcore_parallel>], iteration_bounds = array<i64: 2, 16>, scalar_prefetch = 0 : i64, scratch_operands = 11 : i64, tpu.core_type = #tpu.core_type<sc_vector_subcore>, window_params = [{transform_indices = #map}, {transform_indices = #map}, {transform_indices = #map}, {transform_indices = #map}, {transform_indices = #map}, {transform_indices = #map}]} {
    %mul3A = arith.constant 632 : i32
    %mul3A_0 = arith.muli %arg1, %mul3A : i32
    "tpu.region"() ({
      %run_scoped3A = tpu.sem_alloc : memref<!tpu.dma_semaphore, #tpu.memory_space<semaphore_mem>>
      %dma_start3A = arith.constant 0 : i32
      %dma_start3A_25 = tpu.memref_slice %arg14[%mul3A_0, %dma_start3A] : memref<10112x128xf32, #tpu.memory_space<vmem_shared>> -> memref<632x128xf32, #tpu.memory_space<vmem_shared>>
      tpu.enqueue_dma source(%arg5 : memref<632x128xf32, #tpu.memory_space<hbm>>) target(%dma_start3A_25 : memref<632x128xf32, #tpu.memory_space<vmem_shared>>) target_semaphore(%run_scoped3A : memref<!tpu.dma_semaphore, #tpu.memory_space<semaphore_mem>>)
      %dma_wait3A = arith.constant 0 : i32
      %dma_wait3A_26 = tpu.memref_slice %arg14[%mul3A_0, %dma_wait3A] : memref<10112x128xf32, #tpu.memory_space<vmem_shared>> -> memref<632x128xf32, #tpu.memory_space<vmem_shared>>
      tpu.wait_dma2 semaphore(%run_scoped3A : memref<!tpu.dma_semaphore, #tpu.memory_space<semaphore_mem>>) src(%arg5 : memref<632x128xf32, #tpu.memory_space<hbm>>) dst(%dma_wait3A_26 : memref<632x128xf32, #tpu.memory_space<vmem_shared>>)
      tpu.yield
    }) : () -> ()
    %barrier3A = arith.constant 0 : index
    tpu.barrier barrier_id(%barrier3A)
    %mul3A_1 = arith.constant 160 : i32
    %mul3A_2 = arith.muli %arg1, %mul3A_1 : i32
    %mul3A_3 = arith.constant 120 : i32
    %mul3A_4 = arith.muli %arg0, %mul3A_3 : i32
    %add3A = arith.addi %mul3A_2, %mul3A_4 : i32
    %eq3A = arith.constant 0 : i32
    %eq3A_5 = arith.cmpi eq, %arg0, %eq3A : i32
    %jit3A = arith.constant 15 : i32
    %jit3A_6 = arith.constant 5 : i32
    %select_n3A = arith.select %eq3A_5, %jit3A, %jit3A_6 : i32
    %while3A = arith.constant 0 : i32
    %while3A_7 = arith.constant 0 : i32
    %while3A_8 = arith.subi %select_n3A, %while3A_7 : i32
    %while3A_9 = arith.addi %while3A_7, %while3A_8 : i32
    %while3A_10 = arith.constant 1 : i32
    %while3A_11 = arith.divsi %while3A_8, %while3A_10 : i32
    %while3A_12 = arith.muli %while3A_11, %while3A_10 : i32
    %while3A_13 = arith.addi %while3A_7, %while3A_12 : i32
    %while3A_14 = arith.constant 1 : i32
    scf.for %while3A_25 = %while3A_7 to %while3A_13 step %while3A_14  : i32 {
      %mul3A_26 = arith.constant 8 : i32
      %mul3A_27 = arith.muli %while3A_25, %mul3A_26 : i32
      %add3A_28 = arith.addi %add3A, %mul3A_27 : i32
      %mul3A_29 = arith.constant 2 : i32
      %mul3A_30 = arith.muli %add3A_28, %mul3A_29 : i32
      %multiple_of3A = tpu.assume_multiple %mul3A_30, 16 : i32
      "tpu.region"() ({
        %run_scoped3A_268 = tpu.sem_alloc : memref<!tpu.dma_semaphore, #tpu.memory_space<semaphore_mem>>
        %dma_start3A_269 = arith.constant 0 : i32
        %dma_start3A_270 = tpu.memref_slice %arg3[%multiple_of3A, %dma_start3A_269] : memref<5120x64xi32, #tpu.memory_space<hbm>> -> memref<16x64xi32, #tpu.memory_space<hbm>>
        %dma_start3A_271 = arith.constant 0 : i32
        %dma_start3A_272 = tpu.memref_slice %arg3[%multiple_of3A, %dma_start3A_271] : memref<5120x64xi32, #tpu.memory_space<hbm>> -> memref<16x64xi32, #tpu.memory_space<hbm>>
        tpu.enqueue_dma source(%dma_start3A_272 : memref<16x64xi32, #tpu.memory_space<hbm>>) target(%arg8 : memref<16x64xi32, #tpu.memory_space<vmem>>) target_semaphore(%run_scoped3A_268 : memref<!tpu.dma_semaphore, #tpu.memory_space<semaphore_mem>>)
        %dma_wait3A_273 = arith.constant 0 : i32
        %dma_wait3A_274 = tpu.memref_slice %arg3[%multiple_of3A, %dma_wait3A_273] : memref<5120x64xi32, #tpu.memory_space<hbm>> -> memref<16x64xi32, #tpu.memory_space<hbm>>
        %dma_wait3A_275 = arith.constant 0 : i32
        %dma_wait3A_276 = tpu.memref_slice %arg3[%multiple_of3A, %dma_wait3A_275] : memref<5120x64xi32, #tpu.memory_space<hbm>> -> memref<16x64xi32, #tpu.memory_space<hbm>>
        tpu.wait_dma2 semaphore(%run_scoped3A_268 : memref<!tpu.dma_semaphore, #tpu.memory_space<semaphore_mem>>) src(%dma_wait3A_276 : memref<16x64xi32, #tpu.memory_space<hbm>>) dst(%arg8 : memref<16x64xi32, #tpu.memory_space<vmem>>)
        tpu.yield
      }) : () -> ()
      "tpu.region"() ({
        %run_scoped3A_268 = tpu.sem_alloc : memref<!tpu.dma_semaphore, #tpu.memory_space<semaphore_mem>>
        %dma_start3A_269 = arith.constant 0 : i32
        %dma_start3A_270 = tpu.memref_slice %arg4[%multiple_of3A, %dma_start3A_269] : memref<5120x64xi32, #tpu.memory_space<hbm>> -> memref<16x64xi32, #tpu.memory_space<hbm>>
        %dma_start3A_271 = arith.constant 0 : i32
        %dma_start3A_272 = tpu.memref_slice %arg4[%multiple_of3A, %dma_start3A_271] : memref<5120x64xi32, #tpu.memory_space<hbm>> -> memref<16x64xi32, #tpu.memory_space<hbm>>
        tpu.enqueue_dma source(%dma_start3A_272 : memref<16x64xi32, #tpu.memory_space<hbm>>) target(%arg9 : memref<16x64xi32, #tpu.memory_space<vmem>>) target_semaphore(%run_scoped3A_268 : memref<!tpu.dma_semaphore, #tpu.memory_space<semaphore_mem>>)
        %dma_wait3A_273 = arith.constant 0 : i32
        %dma_wait3A_274 = tpu.memref_slice %arg4[%multiple_of3A, %dma_wait3A_273] : memref<5120x64xi32, #tpu.memory_space<hbm>> -> memref<16x64xi32, #tpu.memory_space<hbm>>
        %dma_wait3A_275 = arith.constant 0 : i32
        %dma_wait3A_276 = tpu.memref_slice %arg4[%multiple_of3A, %dma_wait3A_275] : memref<5120x64xi32, #tpu.memory_space<hbm>> -> memref<16x64xi32, #tpu.memory_space<hbm>>
        tpu.wait_dma2 semaphore(%run_scoped3A_268 : memref<!tpu.dma_semaphore, #tpu.memory_space<semaphore_mem>>) src(%dma_wait3A_276 : memref<16x64xi32, #tpu.memory_space<hbm>>) dst(%arg9 : memref<16x64xi32, #tpu.memory_space<vmem>>)
        tpu.yield
      }) : () -> ()
      %dma_start3A = arith.constant 0 : i32
      %dma_start3A_31 = arith.constant 0 : i32
      %dma_start3A_32 = tpu.memref_slice %arg8[%dma_start3A, %dma_start3A_31] : memref<16x64xi32, #tpu.memory_space<vmem>> -> memref<1x64xi32, #tpu.memory_space<vmem>>
      %dma_start3A_33 = tpu.memref_squeeze %dma_start3A_32 : memref<1x64xi32, #tpu.memory_space<vmem>> -> memref<64xi32, #tpu.memory_space<vmem>>
      %dma_start3A_34 = arith.constant 0 : i32
      %dma_start3A_35 = arith.constant 0 : i32
      %dma_start3A_36 = tpu.memref_slice %arg2[%dma_start3A_34, %dma_start3A_35] : memref<10000x128xf32, #tpu.memory_space<hbm>> -> memref<10000x128xf32, #tpu.memory_space<hbm>>
      tpu.enqueue_indirect_dma source(%dma_start3A_36 : memref<10000x128xf32, #tpu.memory_space<hbm>>) target(%arg10 : memref<64x128xf32, #tpu.memory_space<vmem>>) offsets(%dma_start3A_33 : memref<64xi32, #tpu.memory_space<vmem>>) semaphore(%arg15 : memref<!tpu.dma_semaphore, #tpu.memory_space<semaphore_mem>>)
      %dma_start3A_37 = arith.constant 1 : i32
      %dma_start3A_38 = arith.constant 0 : i32
      %dma_start3A_39 = tpu.memref_slice %arg8[%dma_start3A_37, %dma_start3A_38] : memref<16x64xi32, #tpu.memory_space<vmem>> -> memref<1x64xi32, #tpu.memory_space<vmem>>
      %dma_start3A_40 = tpu.memref_squeeze %dma_start3A_39 : memref<1x64xi32, #tpu.memory_space<vmem>> -> memref<64xi32, #tpu.memory_space<vmem>>
      %dma_start3A_41 = arith.constant 0 : i32
      %dma_start3A_42 = arith.constant 0 : i32
      %dma_start3A_43 = tpu.memref_slice %arg2[%dma_start3A_41, %dma_start3A_42] : memref<10000x128xf32, #tpu.memory_space<hbm>> -> memref<10000x128xf32, #tpu.memory_space<hbm>>
      tpu.enqueue_indirect_dma source(%dma_start3A_43 : memref<10000x128xf32, #tpu.memory_space<hbm>>) target(%arg11 : memref<64x128xf32, #tpu.memory_space<vmem>>) offsets(%dma_start3A_40 : memref<64xi32, #tpu.memory_space<vmem>>) semaphore(%arg16 : memref<!tpu.dma_semaphore, #tpu.memory_space<semaphore_mem>>)
      %dma_start3A_44 = arith.constant 2 : i32
      %dma_start3A_45 = arith.constant 0 : i32
      %dma_start3A_46 = tpu.memref_slice %arg8[%dma_start3A_44, %dma_start3A_45] : memref<16x64xi32, #tpu.memory_space<vmem>> -> memref<1x64xi32, #tpu.memory_space<vmem>>
      %dma_start3A_47 = tpu.memref_squeeze %dma_start3A_46 : memref<1x64xi32, #tpu.memory_space<vmem>> -> memref<64xi32, #tpu.memory_space<vmem>>
      %dma_start3A_48 = arith.constant 0 : i32
      %dma_start3A_49 = arith.constant 0 : i32
      %dma_start3A_50 = tpu.memref_slice %arg2[%dma_start3A_48, %dma_start3A_49] : memref<10000x128xf32, #tpu.memory_space<hbm>> -> memref<10000x128xf32, #tpu.memory_space<hbm>>
      tpu.enqueue_indirect_dma source(%dma_start3A_50 : memref<10000x128xf32, #tpu.memory_space<hbm>>) target(%arg12 : memref<64x128xf32, #tpu.memory_space<vmem>>) offsets(%dma_start3A_47 : memref<64xi32, #tpu.memory_space<vmem>>) semaphore(%arg17 : memref<!tpu.dma_semaphore, #tpu.memory_space<semaphore_mem>>)
      %dma_start3A_51 = arith.constant 3 : i32
      %dma_start3A_52 = arith.constant 0 : i32
      %dma_start3A_53 = tpu.memref_slice %arg8[%dma_start3A_51, %dma_start3A_52] : memref<16x64xi32, #tpu.memory_space<vmem>> -> memref<1x64xi32, #tpu.memory_space<vmem>>
      %dma_start3A_54 = tpu.memref_squeeze %dma_start3A_53 : memref<1x64xi32, #tpu.memory_space<vmem>> -> memref<64xi32, #tpu.memory_space<vmem>>
      %dma_start3A_55 = arith.constant 0 : i32
      %dma_start3A_56 = arith.constant 0 : i32
      %dma_start3A_57 = tpu.memref_slice %arg2[%dma_start3A_55, %dma_start3A_56] : memref<10000x128xf32, #tpu.memory_space<hbm>> -> memref<10000x128xf32, #tpu.memory_space<hbm>>
      tpu.enqueue_indirect_dma source(%dma_start3A_57 : memref<10000x128xf32, #tpu.memory_space<hbm>>) target(%arg13 : memref<64x128xf32, #tpu.memory_space<vmem>>) offsets(%dma_start3A_54 : memref<64xi32, #tpu.memory_space<vmem>>) semaphore(%arg18 : memref<!tpu.dma_semaphore, #tpu.memory_space<semaphore_mem>>)
      %dma_wait3A = arith.constant 0 : i32
      %dma_wait3A_58 = arith.constant 0 : i32
      %dma_wait3A_59 = tpu.memref_slice %arg8[%dma_wait3A, %dma_wait3A_58] : memref<16x64xi32, #tpu.memory_space<vmem>> -> memref<1x64xi32, #tpu.memory_space<vmem>>
      %dma_wait3A_60 = tpu.memref_squeeze %dma_wait3A_59 : memref<1x64xi32, #tpu.memory_space<vmem>> -> memref<64xi32, #tpu.memory_space<vmem>>
      %dma_wait3A_61 = arith.constant 0 : i32
      %dma_wait3A_62 = arith.constant 0 : i32
      %dma_wait3A_63 = tpu.memref_slice %arg2[%dma_wait3A_61, %dma_wait3A_62] : memref<10000x128xf32, #tpu.memory_space<hbm>> -> memref<10000x128xf32, #tpu.memory_space<hbm>>
      tpu.wait_indirect_dma semaphore(%arg15 : memref<!tpu.dma_semaphore, #tpu.memory_space<semaphore_mem>>) src(%dma_wait3A_63 : memref<10000x128xf32, #tpu.memory_space<hbm>>) dst(%arg10 : memref<64x128xf32, #tpu.memory_space<vmem>>)
      %run_scoped3A = arith.constant 0 : i32
      "tpu.region"() ({
        %run_scoped3A_268 = tpu.sem_alloc : memref<!tpu.dma_semaphore, #tpu.memory_space<semaphore_mem>>
        %dma_start3A_269 = arith.constant 0 : i32
        %dma_start3A_270 = tpu.memref_slice %arg9[%run_scoped3A, %dma_start3A_269] : memref<16x64xi32, #tpu.memory_space<vmem>> -> memref<1x64xi32, #tpu.memory_space<vmem>>
        %dma_start3A_271 = tpu.memref_squeeze %dma_start3A_270 : memref<1x64xi32, #tpu.memory_space<vmem>> -> memref<64xi32, #tpu.memory_space<vmem>>
        %dma_start3A_272 = arith.constant 0 : i32
        %dma_start3A_273 = arith.constant 0 : i32
        %dma_start3A_274 = tpu.memref_slice %arg14[%dma_start3A_272, %dma_start3A_273] : memref<10112x128xf32, #tpu.memory_space<vmem_shared>> -> memref<10112x128xf32, #tpu.memory_space<vmem_shared>>
        tpu.enqueue_indirect_dma source(%arg10 : memref<64x128xf32, #tpu.memory_space<vmem>>) target(%dma_start3A_274 : memref<10112x128xf32, #tpu.memory_space<vmem_shared>>) offsets(%dma_start3A_271 : memref<64xi32, #tpu.memory_space<vmem>>) semaphore(%run_scoped3A_268 : memref<!tpu.dma_semaphore, #tpu.memory_space<semaphore_mem>>) {add = true}
        %dma_wait3A_275 = arith.constant 0 : i32
        %dma_wait3A_276 = tpu.memref_slice %arg9[%run_scoped3A, %dma_wait3A_275] : memref<16x64xi32, #tpu.memory_space<vmem>> -> memref<1x64xi32, #tpu.memory_space<vmem>>
        %dma_wait3A_277 = tpu.memref_squeeze %dma_wait3A_276 : memref<1x64xi32, #tpu.memory_space<vmem>> -> memref<64xi32, #tpu.memory_space<vmem>>
        %dma_wait3A_278 = arith.constant 0 : i32
        %dma_wait3A_279 = arith.constant 0 : i32
        %dma_wait3A_280 = tpu.memref_slice %arg14[%dma_wait3A_278, %dma_wait3A_279] : memref<10112x128xf32, #tpu.memory_space<vmem_shared>> -> memref<10112x128xf32, #tpu.memory_space<vmem_shared>>
        tpu.wait_indirect_dma semaphore(%run_scoped3A_268 : memref<!tpu.dma_semaphore, #tpu.memory_space<semaphore_mem>>) src(%arg10 : memref<64x128xf32, #tpu.memory_space<vmem>>) dst(%dma_wait3A_280 : memref<10112x128xf32, #tpu.memory_space<vmem_shared>>)
        tpu.yield
      }) : () -> ()
      %dma_start3A_64 = arith.constant 4 : i32
      %dma_start3A_65 = arith.constant 0 : i32
      %dma_start3A_66 = tpu.memref_slice %arg8[%dma_start3A_64, %dma_start3A_65] : memref<16x64xi32, #tpu.memory_space<vmem>> -> memref<1x64xi32, #tpu.memory_space<vmem>>
      %dma_start3A_67 = tpu.memref_squeeze %dma_start3A_66 : memref<1x64xi32, #tpu.memory_space<vmem>> -> memref<64xi32, #tpu.memory_space<vmem>>
      %dma_start3A_68 = arith.constant 0 : i32
      %dma_start3A_69 = arith.constant 0 : i32
      %dma_start3A_70 = tpu.memref_slice %arg2[%dma_start3A_68, %dma_start3A_69] : memref<10000x128xf32, #tpu.memory_space<hbm>> -> memref<10000x128xf32, #tpu.memory_space<hbm>>
      tpu.enqueue_indirect_dma source(%dma_start3A_70 : memref<10000x128xf32, #tpu.memory_space<hbm>>) target(%arg10 : memref<64x128xf32, #tpu.memory_space<vmem>>) offsets(%dma_start3A_67 : memref<64xi32, #tpu.memory_space<vmem>>) semaphore(%arg15 : memref<!tpu.dma_semaphore, #tpu.memory_space<semaphore_mem>>)
      %dma_wait3A_71 = arith.constant 1 : i32
      %dma_wait3A_72 = arith.constant 0 : i32
      %dma_wait3A_73 = tpu.memref_slice %arg8[%dma_wait3A_71, %dma_wait3A_72] : memref<16x64xi32, #tpu.memory_space<vmem>> -> memref<1x64xi32, #tpu.memory_space<vmem>>
      %dma_wait3A_74 = tpu.memref_squeeze %dma_wait3A_73 : memref<1x64xi32, #tpu.memory_space<vmem>> -> memref<64xi32, #tpu.memory_space<vmem>>
      %dma_wait3A_75 = arith.constant 0 : i32
      %dma_wait3A_76 = arith.constant 0 : i32
      %dma_wait3A_77 = tpu.memref_slice %arg2[%dma_wait3A_75, %dma_wait3A_76] : memref<10000x128xf32, #tpu.memory_space<hbm>> -> memref<10000x128xf32, #tpu.memory_space<hbm>>
      tpu.wait_indirect_dma semaphore(%arg16 : memref<!tpu.dma_semaphore, #tpu.memory_space<semaphore_mem>>) src(%dma_wait3A_77 : memref<10000x128xf32, #tpu.memory_space<hbm>>) dst(%arg11 : memref<64x128xf32, #tpu.memory_space<vmem>>)
      %run_scoped3A_78 = arith.constant 1 : i32
      "tpu.region"() ({
        %run_scoped3A_268 = tpu.sem_alloc : memref<!tpu.dma_semaphore, #tpu.memory_space<semaphore_mem>>
        %dma_start3A_269 = arith.constant 0 : i32
        %dma_start3A_270 = tpu.memref_slice %arg9[%run_scoped3A_78, %dma_start3A_269] : memref<16x64xi32, #tpu.memory_space<vmem>> -> memref<1x64xi32, #tpu.memory_space<vmem>>
        %dma_start3A_271 = tpu.memref_squeeze %dma_start3A_270 : memref<1x64xi32, #tpu.memory_space<vmem>> -> memref<64xi32, #tpu.memory_space<vmem>>
        %dma_start3A_272 = arith.constant 0 : i32
        %dma_start3A_273 = arith.constant 0 : i32
        %dma_start3A_274 = tpu.memref_slice %arg14[%dma_start3A_272, %dma_start3A_273] : memref<10112x128xf32, #tpu.memory_space<vmem_shared>> -> memref<10112x128xf32, #tpu.memory_space<vmem_shared>>
        tpu.enqueue_indirect_dma source(%arg11 : memref<64x128xf32, #tpu.memory_space<vmem>>) target(%dma_start3A_274 : memref<10112x128xf32, #tpu.memory_space<vmem_shared>>) offsets(%dma_start3A_271 : memref<64xi32, #tpu.memory_space<vmem>>) semaphore(%run_scoped3A_268 : memref<!tpu.dma_semaphore, #tpu.memory_space<semaphore_mem>>) {add = true}
        %dma_wait3A_275 = arith.constant 0 : i32
        %dma_wait3A_276 = tpu.memref_slice %arg9[%run_scoped3A_78, %dma_wait3A_275] : memref<16x64xi32, #tpu.memory_space<vmem>> -> memref<1x64xi32, #tpu.memory_space<vmem>>
        %dma_wait3A_277 = tpu.memref_squeeze %dma_wait3A_276 : memref<1x64xi32, #tpu.memory_space<vmem>> -> memref<64xi32, #tpu.memory_space<vmem>>
        %dma_wait3A_278 = arith.constant 0 : i32
        %dma_wait3A_279 = arith.constant 0 : i32
        %dma_wait3A_280 = tpu.memref_slice %arg14[%dma_wait3A_278, %dma_wait3A_279] : memref<10112x128xf32, #tpu.memory_space<vmem_shared>> -> memref<10112x128xf32, #tpu.memory_space<vmem_shared>>
        tpu.wait_indirect_dma semaphore(%run_scoped3A_268 : memref<!tpu.dma_semaphore, #tpu.memory_space<semaphore_mem>>) src(%arg11 : memref<64x128xf32, #tpu.memory_space<vmem>>) dst(%dma_wait3A_280 : memref<10112x128xf32, #tpu.memory_space<vmem_shared>>)
        tpu.yield
      }) : () -> ()
      %dma_start3A_79 = arith.constant 5 : i32
      %dma_start3A_80 = arith.constant 0 : i32
      %dma_start3A_81 = tpu.memref_slice %arg8[%dma_start3A_79, %dma_start3A_80] : memref<16x64xi32, #tpu.memory_space<vmem>> -> memref<1x64xi32, #tpu.memory_space<vmem>>
      %dma_start3A_82 = tpu.memref_squeeze %dma_start3A_81 : memref<1x64xi32, #tpu.memory_space<vmem>> -> memref<64xi32, #tpu.memory_space<vmem>>
      %dma_start3A_83 = arith.constant 0 : i32
      %dma_start3A_84 = arith.constant 0 : i32
      %dma_start3A_85 = tpu.memref_slice %arg2[%dma_start3A_83, %dma_start3A_84] : memref<10000x128xf32, #tpu.memory_space<hbm>> -> memref<10000x128xf32, #tpu.memory_space<hbm>>
      tpu.enqueue_indirect_dma source(%dma_start3A_85 : memref<10000x128xf32, #tpu.memory_space<hbm>>) target(%arg11 : memref<64x128xf32, #tpu.memory_space<vmem>>) offsets(%dma_start3A_82 : memref<64xi32, #tpu.memory_space<vmem>>) semaphore(%arg16 : memref<!tpu.dma_semaphore, #tpu.memory_space<semaphore_mem>>)
      %dma_wait3A_86 = arith.constant 2 : i32
      %dma_wait3A_87 = arith.constant 0 : i32
      %dma_wait3A_88 = tpu.memref_slice %arg8[%dma_wait3A_86, %dma_wait3A_87] : memref<16x64xi32, #tpu.memory_space<vmem>> -> memref<1x64xi32, #tpu.memory_space<vmem>>
      %dma_wait3A_89 = tpu.memref_squeeze %dma_wait3A_88 : memref<1x64xi32, #tpu.memory_space<vmem>> -> memref<64xi32, #tpu.memory_space<vmem>>
      %dma_wait3A_90 = arith.constant 0 : i32
      %dma_wait3A_91 = arith.constant 0 : i32
      %dma_wait3A_92 = tpu.memref_slice %arg2[%dma_wait3A_90, %dma_wait3A_91] : memref<10000x128xf32, #tpu.memory_space<hbm>> -> memref<10000x128xf32, #tpu.memory_space<hbm>>
      tpu.wait_indirect_dma semaphore(%arg17 : memref<!tpu.dma_semaphore, #tpu.memory_space<semaphore_mem>>) src(%dma_wait3A_92 : memref<10000x128xf32, #tpu.memory_space<hbm>>) dst(%arg12 : memref<64x128xf32, #tpu.memory_space<vmem>>)
      %run_scoped3A_93 = arith.constant 2 : i32
      "tpu.region"() ({
        %run_scoped3A_268 = tpu.sem_alloc : memref<!tpu.dma_semaphore, #tpu.memory_space<semaphore_mem>>
        %dma_start3A_269 = arith.constant 0 : i32
        %dma_start3A_270 = tpu.memref_slice %arg9[%run_scoped3A_93, %dma_start3A_269] : memref<16x64xi32, #tpu.memory_space<vmem>> -> memref<1x64xi32, #tpu.memory_space<vmem>>
        %dma_start3A_271 = tpu.memref_squeeze %dma_start3A_270 : memref<1x64xi32, #tpu.memory_space<vmem>> -> memref<64xi32, #tpu.memory_space<vmem>>
        %dma_start3A_272 = arith.constant 0 : i32
        %dma_start3A_273 = arith.constant 0 : i32
        %dma_start3A_274 = tpu.memref_slice %arg14[%dma_start3A_272, %dma_start3A_273] : memref<10112x128xf32, #tpu.memory_space<vmem_shared>> -> memref<10112x128xf32, #tpu.memory_space<vmem_shared>>
        tpu.enqueue_indirect_dma source(%arg12 : memref<64x128xf32, #tpu.memory_space<vmem>>) target(%dma_start3A_274 : memref<10112x128xf32, #tpu.memory_space<vmem_shared>>) offsets(%dma_start3A_271 : memref<64xi32, #tpu.memory_space<vmem>>) semaphore(%run_scoped3A_268 : memref<!tpu.dma_semaphore, #tpu.memory_space<semaphore_mem>>) {add = true}
        %dma_wait3A_275 = arith.constant 0 : i32
        %dma_wait3A_276 = tpu.memref_slice %arg9[%run_scoped3A_93, %dma_wait3A_275] : memref<16x64xi32, #tpu.memory_space<vmem>> -> memref<1x64xi32, #tpu.memory_space<vmem>>
        %dma_wait3A_277 = tpu.memref_squeeze %dma_wait3A_276 : memref<1x64xi32, #tpu.memory_space<vmem>> -> memref<64xi32, #tpu.memory_space<vmem>>
        %dma_wait3A_278 = arith.constant 0 : i32
        %dma_wait3A_279 = arith.constant 0 : i32
        %dma_wait3A_280 = tpu.memref_slice %arg14[%dma_wait3A_278, %dma_wait3A_279] : memref<10112x128xf32, #tpu.memory_space<vmem_shared>> -> memref<10112x128xf32, #tpu.memory_space<vmem_shared>>
        tpu.wait_indirect_dma semaphore(%run_scoped3A_268 : memref<!tpu.dma_semaphore, #tpu.memory_space<semaphore_mem>>) src(%arg12 : memref<64x128xf32, #tpu.memory_space<vmem>>) dst(%dma_wait3A_280 : memref<10112x128xf32, #tpu.memory_space<vmem_shared>>)
        tpu.yield
      }) : () -> ()
      %dma_start3A_94 = arith.constant 6 : i32
      %dma_start3A_95 = arith.constant 0 : i32
      %dma_start3A_96 = tpu.memref_slice %arg8[%dma_start3A_94, %dma_start3A_95] : memref<16x64xi32, #tpu.memory_space<vmem>> -> memref<1x64xi32, #tpu.memory_space<vmem>>
      %dma_start3A_97 = tpu.memref_squeeze %dma_start3A_96 : memref<1x64xi32, #tpu.memory_space<vmem>> -> memref<64xi32, #tpu.memory_space<vmem>>
      %dma_start3A_98 = arith.constant 0 : i32
      %dma_start3A_99 = arith.constant 0 : i32
      %dma_start3A_100 = tpu.memref_slice %arg2[%dma_start3A_98, %dma_start3A_99] : memref<10000x128xf32, #tpu.memory_space<hbm>> -> memref<10000x128xf32, #tpu.memory_space<hbm>>
      tpu.enqueue_indirect_dma source(%dma_start3A_100 : memref<10000x128xf32, #tpu.memory_space<hbm>>) target(%arg12 : memref<64x128xf32, #tpu.memory_space<vmem>>) offsets(%dma_start3A_97 : memref<64xi32, #tpu.memory_space<vmem>>) semaphore(%arg17 : memref<!tpu.dma_semaphore, #tpu.memory_space<semaphore_mem>>)
      %dma_wait3A_101 = arith.constant 3 : i32
      %dma_wait3A_102 = arith.constant 0 : i32
      %dma_wait3A_103 = tpu.memref_slice %arg8[%dma_wait3A_101, %dma_wait3A_102] : memref<16x64xi32, #tpu.memory_space<vmem>> -> memref<1x64xi32, #tpu.memory_space<vmem>>
      %dma_wait3A_104 = tpu.memref_squeeze %dma_wait3A_103 : memref<1x64xi32, #tpu.memory_space<vmem>> -> memref<64xi32, #tpu.memory_space<vmem>>
      %dma_wait3A_105 = arith.constant 0 : i32
      %dma_wait3A_106 = arith.constant 0 : i32
      %dma_wait3A_107 = tpu.memref_slice %arg2[%dma_wait3A_105, %dma_wait3A_106] : memref<10000x128xf32, #tpu.memory_space<hbm>> -> memref<10000x128xf32, #tpu.memory_space<hbm>>
      tpu.wait_indirect_dma semaphore(%arg18 : memref<!tpu.dma_semaphore, #tpu.memory_space<semaphore_mem>>) src(%dma_wait3A_107 : memref<10000x128xf32, #tpu.memory_space<hbm>>) dst(%arg13 : memref<64x128xf32, #tpu.memory_space<vmem>>)
      %run_scoped3A_108 = arith.constant 3 : i32
      "tpu.region"() ({
        %run_scoped3A_268 = tpu.sem_alloc : memref<!tpu.dma_semaphore, #tpu.memory_space<semaphore_mem>>
        %dma_start3A_269 = arith.constant 0 : i32
        %dma_start3A_270 = tpu.memref_slice %arg9[%run_scoped3A_108, %dma_start3A_269] : memref<16x64xi32, #tpu.memory_space<vmem>> -> memref<1x64xi32, #tpu.memory_space<vmem>>
        %dma_start3A_271 = tpu.memref_squeeze %dma_start3A_270 : memref<1x64xi32, #tpu.memory_space<vmem>> -> memref<64xi32, #tpu.memory_space<vmem>>
        %dma_start3A_272 = arith.constant 0 : i32
        %dma_start3A_273 = arith.constant 0 : i32
        %dma_start3A_274 = tpu.memref_slice %arg14[%dma_start3A_272, %dma_start3A_273] : memref<10112x128xf32, #tpu.memory_space<vmem_shared>> -> memref<10112x128xf32, #tpu.memory_space<vmem_shared>>
        tpu.enqueue_indirect_dma source(%arg13 : memref<64x128xf32, #tpu.memory_space<vmem>>) target(%dma_start3A_274 : memref<10112x128xf32, #tpu.memory_space<vmem_shared>>) offsets(%dma_start3A_271 : memref<64xi32, #tpu.memory_space<vmem>>) semaphore(%run_scoped3A_268 : memref<!tpu.dma_semaphore, #tpu.memory_space<semaphore_mem>>) {add = true}
        %dma_wait3A_275 = arith.constant 0 : i32
        %dma_wait3A_276 = tpu.memref_slice %arg9[%run_scoped3A_108, %dma_wait3A_275] : memref<16x64xi32, #tpu.memory_space<vmem>> -> memref<1x64xi32, #tpu.memory_space<vmem>>
        %dma_wait3A_277 = tpu.memref_squeeze %dma_wait3A_276 : memref<1x64xi32, #tpu.memory_space<vmem>> -> memref<64xi32, #tpu.memory_space<vmem>>
        %dma_wait3A_278 = arith.constant 0 : i32
        %dma_wait3A_279 = arith.constant 0 : i32
        %dma_wait3A_280 = tpu.memref_slice %arg14[%dma_wait3A_278, %dma_wait3A_279] : memref<10112x128xf32, #tpu.memory_space<vmem_shared>> -> memref<10112x128xf32, #tpu.memory_space<vmem_shared>>
        tpu.wait_indirect_dma semaphore(%run_scoped3A_268 : memref<!tpu.dma_semaphore, #tpu.memory_space<semaphore_mem>>) src(%arg13 : memref<64x128xf32, #tpu.memory_space<vmem>>) dst(%dma_wait3A_280 : memref<10112x128xf32, #tpu.memory_space<vmem_shared>>)
        tpu.yield
      }) : () -> ()
      %dma_start3A_109 = arith.constant 7 : i32
      %dma_start3A_110 = arith.constant 0 : i32
      %dma_start3A_111 = tpu.memref_slice %arg8[%dma_start3A_109, %dma_start3A_110] : memref<16x64xi32, #tpu.memory_space<vmem>> -> memref<1x64xi32, #tpu.memory_space<vmem>>
      %dma_start3A_112 = tpu.memref_squeeze %dma_start3A_111 : memref<1x64xi32, #tpu.memory_space<vmem>> -> memref<64xi32, #tpu.memory_space<vmem>>
      %dma_start3A_113 = arith.constant 0 : i32
      %dma_start3A_114 = arith.constant 0 : i32
      %dma_start3A_115 = tpu.memref_slice %arg2[%dma_start3A_113, %dma_start3A_114] : memref<10000x128xf32, #tpu.memory_space<hbm>> -> memref<10000x128xf32, #tpu.memory_space<hbm>>
      tpu.enqueue_indirect_dma source(%dma_start3A_115 : memref<10000x128xf32, #tpu.memory_space<hbm>>) target(%arg13 : memref<64x128xf32, #tpu.memory_space<vmem>>) offsets(%dma_start3A_112 : memref<64xi32, #tpu.memory_space<vmem>>) semaphore(%arg18 : memref<!tpu.dma_semaphore, #tpu.memory_space<semaphore_mem>>)
      %dma_wait3A_116 = arith.constant 4 : i32
      %dma_wait3A_117 = arith.constant 0 : i32
      %dma_wait3A_118 = tpu.memref_slice %arg8[%dma_wait3A_116, %dma_wait3A_117] : memref<16x64xi32, #tpu.memory_space<vmem>> -> memref<1x64xi32, #tpu.memory_space<vmem>>
      %dma_wait3A_119 = tpu.memref_squeeze %dma_wait3A_118 : memref<1x64xi32, #tpu.memory_space<vmem>> -> memref<64xi32, #tpu.memory_space<vmem>>
      %dma_wait3A_120 = arith.constant 0 : i32
      %dma_wait3A_121 = arith.constant 0 : i32
      %dma_wait3A_122 = tpu.memref_slice %arg2[%dma_wait3A_120, %dma_wait3A_121] : memref<10000x128xf32, #tpu.memory_space<hbm>> -> memref<10000x128xf32, #tpu.memory_space<hbm>>
      tpu.wait_indirect_dma semaphore(%arg15 : memref<!tpu.dma_semaphore, #tpu.memory_space<semaphore_mem>>) src(%dma_wait3A_122 : memref<10000x128xf32, #tpu.memory_space<hbm>>) dst(%arg10 : memref<64x128xf32, #tpu.memory_space<vmem>>)
      %run_scoped3A_123 = arith.constant 4 : i32
      "tpu.region"() ({
        %run_scoped3A_268 = tpu.sem_alloc : memref<!tpu.dma_semaphore, #tpu.memory_space<semaphore_mem>>
        %dma_start3A_269 = arith.constant 0 : i32
        %dma_start3A_270 = tpu.memref_slice %arg9[%run_scoped3A_123, %dma_start3A_269] : memref<16x64xi32, #tpu.memory_space<vmem>> -> memref<1x64xi32, #tpu.memory_space<vmem>>
        %dma_start3A_271 = tpu.memref_squeeze %dma_start3A_270 : memref<1x64xi32, #tpu.memory_space<vmem>> -> memref<64xi32, #tpu.memory_space<vmem>>
        %dma_start3A_272 = arith.constant 0 : i32
        %dma_start3A_273 = arith.constant 0 : i32
        %dma_start3A_274 = tpu.memref_slice %arg14[%dma_start3A_272, %dma_start3A_273] : memref<10112x128xf32, #tpu.memory_space<vmem_shared>> -> memref<10112x128xf32, #tpu.memory_space<vmem_shared>>
        tpu.enqueue_indirect_dma source(%arg10 : memref<64x128xf32, #tpu.memory_space<vmem>>) target(%dma_start3A_274 : memref<10112x128xf32, #tpu.memory_space<vmem_shared>>) offsets(%dma_start3A_271 : memref<64xi32, #tpu.memory_space<vmem>>) semaphore(%run_scoped3A_268 : memref<!tpu.dma_semaphore, #tpu.memory_space<semaphore_mem>>) {add = true}
        %dma_wait3A_275 = arith.constant 0 : i32
        %dma_wait3A_276 = tpu.memref_slice %arg9[%run_scoped3A_123, %dma_wait3A_275] : memref<16x64xi32, #tpu.memory_space<vmem>> -> memref<1x64xi32, #tpu.memory_space<vmem>>
        %dma_wait3A_277 = tpu.memref_squeeze %dma_wait3A_276 : memref<1x64xi32, #tpu.memory_space<vmem>> -> memref<64xi32, #tpu.memory_space<vmem>>
        %dma_wait3A_278 = arith.constant 0 : i32
        %dma_wait3A_279 = arith.constant 0 : i32
        %dma_wait3A_280 = tpu.memref_slice %arg14[%dma_wait3A_278, %dma_wait3A_279] : memref<10112x128xf32, #tpu.memory_space<vmem_shared>> -> memref<10112x128xf32, #tpu.memory_space<vmem_shared>>
        tpu.wait_indirect_dma semaphore(%run_scoped3A_268 : memref<!tpu.dma_semaphore, #tpu.memory_space<semaphore_mem>>) src(%arg10 : memref<64x128xf32, #tpu.memory_space<vmem>>) dst(%dma_wait3A_280 : memref<10112x128xf32, #tpu.memory_space<vmem_shared>>)
        tpu.yield
      }) : () -> ()
      %dma_start3A_124 = arith.constant 8 : i32
      %dma_start3A_125 = arith.constant 0 : i32
      %dma_start3A_126 = tpu.memref_slice %arg8[%dma_start3A_124, %dma_start3A_125] : memref<16x64xi32, #tpu.memory_space<vmem>> -> memref<1x64xi32, #tpu.memory_space<vmem>>
      %dma_start3A_127 = tpu.memref_squeeze %dma_start3A_126 : memref<1x64xi32, #tpu.memory_space<vmem>> -> memref<64xi32, #tpu.memory_space<vmem>>
      %dma_start3A_128 = arith.constant 0 : i32
      %dma_start3A_129 = arith.constant 0 : i32
      %dma_start3A_130 = tpu.memref_slice %arg2[%dma_start3A_128, %dma_start3A_129] : memref<10000x128xf32, #tpu.memory_space<hbm>> -> memref<10000x128xf32, #tpu.memory_space<hbm>>
      tpu.enqueue_indirect_dma source(%dma_start3A_130 : memref<10000x128xf32, #tpu.memory_space<hbm>>) target(%arg10 : memref<64x128xf32, #tpu.memory_space<vmem>>) offsets(%dma_start3A_127 : memref<64xi32, #tpu.memory_space<vmem>>) semaphore(%arg15 : memref<!tpu.dma_semaphore, #tpu.memory_space<semaphore_mem>>)
      %dma_wait3A_131 = arith.constant 5 : i32
      %dma_wait3A_132 = arith.constant 0 : i32
      %dma_wait3A_133 = tpu.memref_slice %arg8[%dma_wait3A_131, %dma_wait3A_132] : memref<16x64xi32, #tpu.memory_space<vmem>> -> memref<1x64xi32, #tpu.memory_space<vmem>>
      %dma_wait3A_134 = tpu.memref_squeeze %dma_wait3A_133 : memref<1x64xi32, #tpu.memory_space<vmem>> -> memref<64xi32, #tpu.memory_space<vmem>>
      %dma_wait3A_135 = arith.constant 0 : i32
      %dma_wait3A_136 = arith.constant 0 : i32
      %dma_wait3A_137 = tpu.memref_slice %arg2[%dma_wait3A_135, %dma_wait3A_136] : memref<10000x128xf32, #tpu.memory_space<hbm>> -> memref<10000x128xf32, #tpu.memory_space<hbm>>
      tpu.wait_indirect_dma semaphore(%arg16 : memref<!tpu.dma_semaphore, #tpu.memory_space<semaphore_mem>>) src(%dma_wait3A_137 : memref<10000x128xf32, #tpu.memory_space<hbm>>) dst(%arg11 : memref<64x128xf32, #tpu.memory_space<vmem>>)
      %run_scoped3A_138 = arith.constant 5 : i32
      "tpu.region"() ({
        %run_scoped3A_268 = tpu.sem_alloc : memref<!tpu.dma_semaphore, #tpu.memory_space<semaphore_mem>>
        %dma_start3A_269 = arith.constant 0 : i32
        %dma_start3A_270 = tpu.memref_slice %arg9[%run_scoped3A_138, %dma_start3A_269] : memref<16x64xi32, #tpu.memory_space<vmem>> -> memref<1x64xi32, #tpu.memory_space<vmem>>
        %dma_start3A_271 = tpu.memref_squeeze %dma_start3A_270 : memref<1x64xi32, #tpu.memory_space<vmem>> -> memref<64xi32, #tpu.memory_space<vmem>>
        %dma_start3A_272 = arith.constant 0 : i32
        %dma_start3A_273 = arith.constant 0 : i32
        %dma_start3A_274 = tpu.memref_slice %arg14[%dma_start3A_272, %dma_start3A_273] : memref<10112x128xf32, #tpu.memory_space<vmem_shared>> -> memref<10112x128xf32, #tpu.memory_space<vmem_shared>>
        tpu.enqueue_indirect_dma source(%arg11 : memref<64x128xf32, #tpu.memory_space<vmem>>) target(%dma_start3A_274 : memref<10112x128xf32, #tpu.memory_space<vmem_shared>>) offsets(%dma_start3A_271 : memref<64xi32, #tpu.memory_space<vmem>>) semaphore(%run_scoped3A_268 : memref<!tpu.dma_semaphore, #tpu.memory_space<semaphore_mem>>) {add = true}
        %dma_wait3A_275 = arith.constant 0 : i32
        %dma_wait3A_276 = tpu.memref_slice %arg9[%run_scoped3A_138, %dma_wait3A_275] : memref<16x64xi32, #tpu.memory_space<vmem>> -> memref<1x64xi32, #tpu.memory_space<vmem>>
        %dma_wait3A_277 = tpu.memref_squeeze %dma_wait3A_276 : memref<1x64xi32, #tpu.memory_space<vmem>> -> memref<64xi32, #tpu.memory_space<vmem>>
        %dma_wait3A_278 = arith.constant 0 : i32
        %dma_wait3A_279 = arith.constant 0 : i32
        %dma_wait3A_280 = tpu.memref_slice %arg14[%dma_wait3A_278, %dma_wait3A_279] : memref<10112x128xf32, #tpu.memory_space<vmem_shared>> -> memref<10112x128xf32, #tpu.memory_space<vmem_shared>>
        tpu.wait_indirect_dma semaphore(%run_scoped3A_268 : memref<!tpu.dma_semaphore, #tpu.memory_space<semaphore_mem>>) src(%arg11 : memref<64x128xf32, #tpu.memory_space<vmem>>) dst(%dma_wait3A_280 : memref<10112x128xf32, #tpu.memory_space<vmem_shared>>)
        tpu.yield
      }) : () -> ()
      %dma_start3A_139 = arith.constant 9 : i32
      %dma_start3A_140 = arith.constant 0 : i32
      %dma_start3A_141 = tpu.memref_slice %arg8[%dma_start3A_139, %dma_start3A_140] : memref<16x64xi32, #tpu.memory_space<vmem>> -> memref<1x64xi32, #tpu.memory_space<vmem>>
      %dma_start3A_142 = tpu.memref_squeeze %dma_start3A_141 : memref<1x64xi32, #tpu.memory_space<vmem>> -> memref<64xi32, #tpu.memory_space<vmem>>
      %dma_start3A_143 = arith.constant 0 : i32
      %dma_start3A_144 = arith.constant 0 : i32
      %dma_start3A_145 = tpu.memref_slice %arg2[%dma_start3A_143, %dma_start3A_144] : memref<10000x128xf32, #tpu.memory_space<hbm>> -> memref<10000x128xf32, #tpu.memory_space<hbm>>
      tpu.enqueue_indirect_dma source(%dma_start3A_145 : memref<10000x128xf32, #tpu.memory_space<hbm>>) target(%arg11 : memref<64x128xf32, #tpu.memory_space<vmem>>) offsets(%dma_start3A_142 : memref<64xi32, #tpu.memory_space<vmem>>) semaphore(%arg16 : memref<!tpu.dma_semaphore, #tpu.memory_space<semaphore_mem>>)
      %dma_wait3A_146 = arith.constant 6 : i32
      %dma_wait3A_147 = arith.constant 0 : i32
      %dma_wait3A_148 = tpu.memref_slice %arg8[%dma_wait3A_146, %dma_wait3A_147] : memref<16x64xi32, #tpu.memory_space<vmem>> -> memref<1x64xi32, #tpu.memory_space<vmem>>
      %dma_wait3A_149 = tpu.memref_squeeze %dma_wait3A_148 : memref<1x64xi32, #tpu.memory_space<vmem>> -> memref<64xi32, #tpu.memory_space<vmem>>
      %dma_wait3A_150 = arith.constant 0 : i32
      %dma_wait3A_151 = arith.constant 0 : i32
      %dma_wait3A_152 = tpu.memref_slice %arg2[%dma_wait3A_150, %dma_wait3A_151] : memref<10000x128xf32, #tpu.memory_space<hbm>> -> memref<10000x128xf32, #tpu.memory_space<hbm>>
      tpu.wait_indirect_dma semaphore(%arg17 : memref<!tpu.dma_semaphore, #tpu.memory_space<semaphore_mem>>) src(%dma_wait3A_152 : memref<10000x128xf32, #tpu.memory_space<hbm>>) dst(%arg12 : memref<64x128xf32, #tpu.memory_space<vmem>>)
      %run_scoped3A_153 = arith.constant 6 : i32
      "tpu.region"() ({
        %run_scoped3A_268 = tpu.sem_alloc : memref<!tpu.dma_semaphore, #tpu.memory_space<semaphore_mem>>
        %dma_start3A_269 = arith.constant 0 : i32
        %dma_start3A_270 = tpu.memref_slice %arg9[%run_scoped3A_153, %dma_start3A_269] : memref<16x64xi32, #tpu.memory_space<vmem>> -> memref<1x64xi32, #tpu.memory_space<vmem>>
        %dma_start3A_271 = tpu.memref_squeeze %dma_start3A_270 : memref<1x64xi32, #tpu.memory_space<vmem>> -> memref<64xi32, #tpu.memory_space<vmem>>
        %dma_start3A_272 = arith.constant 0 : i32
        %dma_start3A_273 = arith.constant 0 : i32
        %dma_start3A_274 = tpu.memref_slice %arg14[%dma_start3A_272, %dma_start3A_273] : memref<10112x128xf32, #tpu.memory_space<vmem_shared>> -> memref<10112x128xf32, #tpu.memory_space<vmem_shared>>
        tpu.enqueue_indirect_dma source(%arg12 : memref<64x128xf32, #tpu.memory_space<vmem>>) target(%dma_start3A_274 : memref<10112x128xf32, #tpu.memory_space<vmem_shared>>) offsets(%dma_start3A_271 : memref<64xi32, #tpu.memory_space<vmem>>) semaphore(%run_scoped3A_268 : memref<!tpu.dma_semaphore, #tpu.memory_space<semaphore_mem>>) {add = true}
        %dma_wait3A_275 = arith.constant 0 : i32
        %dma_wait3A_276 = tpu.memref_slice %arg9[%run_scoped3A_153, %dma_wait3A_275] : memref<16x64xi32, #tpu.memory_space<vmem>> -> memref<1x64xi32, #tpu.memory_space<vmem>>
        %dma_wait3A_277 = tpu.memref_squeeze %dma_wait3A_276 : memref<1x64xi32, #tpu.memory_space<vmem>> -> memref<64xi32, #tpu.memory_space<vmem>>
        %dma_wait3A_278 = arith.constant 0 : i32
        %dma_wait3A_279 = arith.constant 0 : i32
        %dma_wait3A_280 = tpu.memref_slice %arg14[%dma_wait3A_278, %dma_wait3A_279] : memref<10112x128xf32, #tpu.memory_space<vmem_shared>> -> memref<10112x128xf32, #tpu.memory_space<vmem_shared>>
        tpu.wait_indirect_dma semaphore(%run_scoped3A_268 : memref<!tpu.dma_semaphore, #tpu.memory_space<semaphore_mem>>) src(%arg12 : memref<64x128xf32, #tpu.memory_space<vmem>>) dst(%dma_wait3A_280 : memref<10112x128xf32, #tpu.memory_space<vmem_shared>>)
        tpu.yield
      }) : () -> ()
      %dma_start3A_154 = arith.constant 10 : i32
      %dma_start3A_155 = arith.constant 0 : i32
      %dma_start3A_156 = tpu.memref_slice %arg8[%dma_start3A_154, %dma_start3A_155] : memref<16x64xi32, #tpu.memory_space<vmem>> -> memref<1x64xi32, #tpu.memory_space<vmem>>
      %dma_start3A_157 = tpu.memref_squeeze %dma_start3A_156 : memref<1x64xi32, #tpu.memory_space<vmem>> -> memref<64xi32, #tpu.memory_space<vmem>>
      %dma_start3A_158 = arith.constant 0 : i32
      %dma_start3A_159 = arith.constant 0 : i32
      %dma_start3A_160 = tpu.memref_slice %arg2[%dma_start3A_158, %dma_start3A_159] : memref<10000x128xf32, #tpu.memory_space<hbm>> -> memref<10000x128xf32, #tpu.memory_space<hbm>>
      tpu.enqueue_indirect_dma source(%dma_start3A_160 : memref<10000x128xf32, #tpu.memory_space<hbm>>) target(%arg12 : memref<64x128xf32, #tpu.memory_space<vmem>>) offsets(%dma_start3A_157 : memref<64xi32, #tpu.memory_space<vmem>>) semaphore(%arg17 : memref<!tpu.dma_semaphore, #tpu.memory_space<semaphore_mem>>)
      %dma_wait3A_161 = arith.constant 7 : i32
      %dma_wait3A_162 = arith.constant 0 : i32
      %dma_wait3A_163 = tpu.memref_slice %arg8[%dma_wait3A_161, %dma_wait3A_162] : memref<16x64xi32, #tpu.memory_space<vmem>> -> memref<1x64xi32, #tpu.memory_space<vmem>>
      %dma_wait3A_164 = tpu.memref_squeeze %dma_wait3A_163 : memref<1x64xi32, #tpu.memory_space<vmem>> -> memref<64xi32, #tpu.memory_space<vmem>>
      %dma_wait3A_165 = arith.constant 0 : i32
      %dma_wait3A_166 = arith.constant 0 : i32
      %dma_wait3A_167 = tpu.memref_slice %arg2[%dma_wait3A_165, %dma_wait3A_166] : memref<10000x128xf32, #tpu.memory_space<hbm>> -> memref<10000x128xf32, #tpu.memory_space<hbm>>
      tpu.wait_indirect_dma semaphore(%arg18 : memref<!tpu.dma_semaphore, #tpu.memory_space<semaphore_mem>>) src(%dma_wait3A_167 : memref<10000x128xf32, #tpu.memory_space<hbm>>) dst(%arg13 : memref<64x128xf32, #tpu.memory_space<vmem>>)
      %run_scoped3A_168 = arith.constant 7 : i32
      "tpu.region"() ({
        %run_scoped3A_268 = tpu.sem_alloc : memref<!tpu.dma_semaphore, #tpu.memory_space<semaphore_mem>>
        %dma_start3A_269 = arith.constant 0 : i32
        %dma_start3A_270 = tpu.memref_slice %arg9[%run_scoped3A_168, %dma_start3A_269] : memref<16x64xi32, #tpu.memory_space<vmem>> -> memref<1x64xi32, #tpu.memory_space<vmem>>
        %dma_start3A_271 = tpu.memref_squeeze %dma_start3A_270 : memref<1x64xi32, #tpu.memory_space<vmem>> -> memref<64xi32, #tpu.memory_space<vmem>>
        %dma_start3A_272 = arith.constant 0 : i32
        %dma_start3A_273 = arith.constant 0 : i32
        %dma_start3A_274 = tpu.memref_slice %arg14[%dma_start3A_272, %dma_start3A_273] : memref<10112x128xf32, #tpu.memory_space<vmem_shared>> -> memref<10112x128xf32, #tpu.memory_space<vmem_shared>>
        tpu.enqueue_indirect_dma source(%arg13 : memref<64x128xf32, #tpu.memory_space<vmem>>) target(%dma_start3A_274 : memref<10112x128xf32, #tpu.memory_space<vmem_shared>>) offsets(%dma_start3A_271 : memref<64xi32, #tpu.memory_space<vmem>>) semaphore(%run_scoped3A_268 : memref<!tpu.dma_semaphore, #tpu.memory_space<semaphore_mem>>) {add = true}
        %dma_wait3A_275 = arith.constant 0 : i32
        %dma_wait3A_276 = tpu.memref_slice %arg9[%run_scoped3A_168, %dma_wait3A_275] : memref<16x64xi32, #tpu.memory_space<vmem>> -> memref<1x64xi32, #tpu.memory_space<vmem>>
        %dma_wait3A_277 = tpu.memref_squeeze %dma_wait3A_276 : memref<1x64xi32, #tpu.memory_space<vmem>> -> memref<64xi32, #tpu.memory_space<vmem>>
        %dma_wait3A_278 = arith.constant 0 : i32
        %dma_wait3A_279 = arith.constant 0 : i32
        %dma_wait3A_280 = tpu.memref_slice %arg14[%dma_wait3A_278, %dma_wait3A_279] : memref<10112x128xf32, #tpu.memory_space<vmem_shared>> -> memref<10112x128xf32, #tpu.memory_space<vmem_shared>>
        tpu.wait_indirect_dma semaphore(%run_scoped3A_268 : memref<!tpu.dma_semaphore, #tpu.memory_space<semaphore_mem>>) src(%arg13 : memref<64x128xf32, #tpu.memory_space<vmem>>) dst(%dma_wait3A_280 : memref<10112x128xf32, #tpu.memory_space<vmem_shared>>)
        tpu.yield
      }) : () -> ()
      %dma_start3A_169 = arith.constant 11 : i32
      %dma_start3A_170 = arith.constant 0 : i32
      %dma_start3A_171 = tpu.memref_slice %arg8[%dma_start3A_169, %dma_start3A_170] : memref<16x64xi32, #tpu.memory_space<vmem>> -> memref<1x64xi32, #tpu.memory_space<vmem>>
      %dma_start3A_172 = tpu.memref_squeeze %dma_start3A_171 : memref<1x64xi32, #tpu.memory_space<vmem>> -> memref<64xi32, #tpu.memory_space<vmem>>
      %dma_start3A_173 = arith.constant 0 : i32
      %dma_start3A_174 = arith.constant 0 : i32
      %dma_start3A_175 = tpu.memref_slice %arg2[%dma_start3A_173, %dma_start3A_174] : memref<10000x128xf32, #tpu.memory_space<hbm>> -> memref<10000x128xf32, #tpu.memory_space<hbm>>
      tpu.enqueue_indirect_dma source(%dma_start3A_175 : memref<10000x128xf32, #tpu.memory_space<hbm>>) target(%arg13 : memref<64x128xf32, #tpu.memory_space<vmem>>) offsets(%dma_start3A_172 : memref<64xi32, #tpu.memory_space<vmem>>) semaphore(%arg18 : memref<!tpu.dma_semaphore, #tpu.memory_space<semaphore_mem>>)
      %dma_wait3A_176 = arith.constant 8 : i32
      %dma_wait3A_177 = arith.constant 0 : i32
      %dma_wait3A_178 = tpu.memref_slice %arg8[%dma_wait3A_176, %dma_wait3A_177] : memref<16x64xi32, #tpu.memory_space<vmem>> -> memref<1x64xi32, #tpu.memory_space<vmem>>
      %dma_wait3A_179 = tpu.memref_squeeze %dma_wait3A_178 : memref<1x64xi32, #tpu.memory_space<vmem>> -> memref<64xi32, #tpu.memory_space<vmem>>
      %dma_wait3A_180 = arith.constant 0 : i32
      %dma_wait3A_181 = arith.constant 0 : i32
      %dma_wait3A_182 = tpu.memref_slice %arg2[%dma_wait3A_180, %dma_wait3A_181] : memref<10000x128xf32, #tpu.memory_space<hbm>> -> memref<10000x128xf32, #tpu.memory_space<hbm>>
      tpu.wait_indirect_dma semaphore(%arg15 : memref<!tpu.dma_semaphore, #tpu.memory_space<semaphore_mem>>) src(%dma_wait3A_182 : memref<10000x128xf32, #tpu.memory_space<hbm>>) dst(%arg10 : memref<64x128xf32, #tpu.memory_space<vmem>>)
      %run_scoped3A_183 = arith.constant 8 : i32
      "tpu.region"() ({
        %run_scoped3A_268 = tpu.sem_alloc : memref<!tpu.dma_semaphore, #tpu.memory_space<semaphore_mem>>
        %dma_start3A_269 = arith.constant 0 : i32
        %dma_start3A_270 = tpu.memref_slice %arg9[%run_scoped3A_183, %dma_start3A_269] : memref<16x64xi32, #tpu.memory_space<vmem>> -> memref<1x64xi32, #tpu.memory_space<vmem>>
        %dma_start3A_271 = tpu.memref_squeeze %dma_start3A_270 : memref<1x64xi32, #tpu.memory_space<vmem>> -> memref<64xi32, #tpu.memory_space<vmem>>
        %dma_start3A_272 = arith.constant 0 : i32
        %dma_start3A_273 = arith.constant 0 : i32
        %dma_start3A_274 = tpu.memref_slice %arg14[%dma_start3A_272, %dma_start3A_273] : memref<10112x128xf32, #tpu.memory_space<vmem_shared>> -> memref<10112x128xf32, #tpu.memory_space<vmem_shared>>
        tpu.enqueue_indirect_dma source(%arg10 : memref<64x128xf32, #tpu.memory_space<vmem>>) target(%dma_start3A_274 : memref<10112x128xf32, #tpu.memory_space<vmem_shared>>) offsets(%dma_start3A_271 : memref<64xi32, #tpu.memory_space<vmem>>) semaphore(%run_scoped3A_268 : memref<!tpu.dma_semaphore, #tpu.memory_space<semaphore_mem>>) {add = true}
        %dma_wait3A_275 = arith.constant 0 : i32
        %dma_wait3A_276 = tpu.memref_slice %arg9[%run_scoped3A_183, %dma_wait3A_275] : memref<16x64xi32, #tpu.memory_space<vmem>> -> memref<1x64xi32, #tpu.memory_space<vmem>>
        %dma_wait3A_277 = tpu.memref_squeeze %dma_wait3A_276 : memref<1x64xi32, #tpu.memory_space<vmem>> -> memref<64xi32, #tpu.memory_space<vmem>>
        %dma_wait3A_278 = arith.constant 0 : i32
        %dma_wait3A_279 = arith.constant 0 : i32
        %dma_wait3A_280 = tpu.memref_slice %arg14[%dma_wait3A_278, %dma_wait3A_279] : memref<10112x128xf32, #tpu.memory_space<vmem_shared>> -> memref<10112x128xf32, #tpu.memory_space<vmem_shared>>
        tpu.wait_indirect_dma semaphore(%run_scoped3A_268 : memref<!tpu.dma_semaphore, #tpu.memory_space<semaphore_mem>>) src(%arg10 : memref<64x128xf32, #tpu.memory_space<vmem>>) dst(%dma_wait3A_280 : memref<10112x128xf32, #tpu.memory_space<vmem_shared>>)
        tpu.yield
      }) : () -> ()
      %dma_start3A_184 = arith.constant 12 : i32
      %dma_start3A_185 = arith.constant 0 : i32
      %dma_start3A_186 = tpu.memref_slice %arg8[%dma_start3A_184, %dma_start3A_185] : memref<16x64xi32, #tpu.memory_space<vmem>> -> memref<1x64xi32, #tpu.memory_space<vmem>>
      %dma_start3A_187 = tpu.memref_squeeze %dma_start3A_186 : memref<1x64xi32, #tpu.memory_space<vmem>> -> memref<64xi32, #tpu.memory_space<vmem>>
      %dma_start3A_188 = arith.constant 0 : i32
      %dma_start3A_189 = arith.constant 0 : i32
      %dma_start3A_190 = tpu.memref_slice %arg2[%dma_start3A_188, %dma_start3A_189] : memref<10000x128xf32, #tpu.memory_space<hbm>> -> memref<10000x128xf32, #tpu.memory_space<hbm>>
      tpu.enqueue_indirect_dma source(%dma_start3A_190 : memref<10000x128xf32, #tpu.memory_space<hbm>>) target(%arg10 : memref<64x128xf32, #tpu.memory_space<vmem>>) offsets(%dma_start3A_187 : memref<64xi32, #tpu.memory_space<vmem>>) semaphore(%arg15 : memref<!tpu.dma_semaphore, #tpu.memory_space<semaphore_mem>>)
      %dma_wait3A_191 = arith.constant 9 : i32
      %dma_wait3A_192 = arith.constant 0 : i32
      %dma_wait3A_193 = tpu.memref_slice %arg8[%dma_wait3A_191, %dma_wait3A_192] : memref<16x64xi32, #tpu.memory_space<vmem>> -> memref<1x64xi32, #tpu.memory_space<vmem>>
      %dma_wait3A_194 = tpu.memref_squeeze %dma_wait3A_193 : memref<1x64xi32, #tpu.memory_space<vmem>> -> memref<64xi32, #tpu.memory_space<vmem>>
      %dma_wait3A_195 = arith.constant 0 : i32
      %dma_wait3A_196 = arith.constant 0 : i32
      %dma_wait3A_197 = tpu.memref_slice %arg2[%dma_wait3A_195, %dma_wait3A_196] : memref<10000x128xf32, #tpu.memory_space<hbm>> -> memref<10000x128xf32, #tpu.memory_space<hbm>>
      tpu.wait_indirect_dma semaphore(%arg16 : memref<!tpu.dma_semaphore, #tpu.memory_space<semaphore_mem>>) src(%dma_wait3A_197 : memref<10000x128xf32, #tpu.memory_space<hbm>>) dst(%arg11 : memref<64x128xf32, #tpu.memory_space<vmem>>)
      %run_scoped3A_198 = arith.constant 9 : i32
      "tpu.region"() ({
        %run_scoped3A_268 = tpu.sem_alloc : memref<!tpu.dma_semaphore, #tpu.memory_space<semaphore_mem>>
        %dma_start3A_269 = arith.constant 0 : i32
        %dma_start3A_270 = tpu.memref_slice %arg9[%run_scoped3A_198, %dma_start3A_269] : memref<16x64xi32, #tpu.memory_space<vmem>> -> memref<1x64xi32, #tpu.memory_space<vmem>>
        %dma_start3A_271 = tpu.memref_squeeze %dma_start3A_270 : memref<1x64xi32, #tpu.memory_space<vmem>> -> memref<64xi32, #tpu.memory_space<vmem>>
        %dma_start3A_272 = arith.constant 0 : i32
        %dma_start3A_273 = arith.constant 0 : i32
        %dma_start3A_274 = tpu.memref_slice %arg14[%dma_start3A_272, %dma_start3A_273] : memref<10112x128xf32, #tpu.memory_space<vmem_shared>> -> memref<10112x128xf32, #tpu.memory_space<vmem_shared>>
        tpu.enqueue_indirect_dma source(%arg11 : memref<64x128xf32, #tpu.memory_space<vmem>>) target(%dma_start3A_274 : memref<10112x128xf32, #tpu.memory_space<vmem_shared>>) offsets(%dma_start3A_271 : memref<64xi32, #tpu.memory_space<vmem>>) semaphore(%run_scoped3A_268 : memref<!tpu.dma_semaphore, #tpu.memory_space<semaphore_mem>>) {add = true}
        %dma_wait3A_275 = arith.constant 0 : i32
        %dma_wait3A_276 = tpu.memref_slice %arg9[%run_scoped3A_198, %dma_wait3A_275] : memref<16x64xi32, #tpu.memory_space<vmem>> -> memref<1x64xi32, #tpu.memory_space<vmem>>
        %dma_wait3A_277 = tpu.memref_squeeze %dma_wait3A_276 : memref<1x64xi32, #tpu.memory_space<vmem>> -> memref<64xi32, #tpu.memory_space<vmem>>
        %dma_wait3A_278 = arith.constant 0 : i32
        %dma_wait3A_279 = arith.constant 0 : i32
        %dma_wait3A_280 = tpu.memref_slice %arg14[%dma_wait3A_278, %dma_wait3A_279] : memref<10112x128xf32, #tpu.memory_space<vmem_shared>> -> memref<10112x128xf32, #tpu.memory_space<vmem_shared>>
        tpu.wait_indirect_dma semaphore(%run_scoped3A_268 : memref<!tpu.dma_semaphore, #tpu.memory_space<semaphore_mem>>) src(%arg11 : memref<64x128xf32, #tpu.memory_space<vmem>>) dst(%dma_wait3A_280 : memref<10112x128xf32, #tpu.memory_space<vmem_shared>>)
        tpu.yield
      }) : () -> ()
      %dma_start3A_199 = arith.constant 13 : i32
      %dma_start3A_200 = arith.constant 0 : i32
      %dma_start3A_201 = tpu.memref_slice %arg8[%dma_start3A_199, %dma_start3A_200] : memref<16x64xi32, #tpu.memory_space<vmem>> -> memref<1x64xi32, #tpu.memory_space<vmem>>
      %dma_start3A_202 = tpu.memref_squeeze %dma_start3A_201 : memref<1x64xi32, #tpu.memory_space<vmem>> -> memref<64xi32, #tpu.memory_space<vmem>>
      %dma_start3A_203 = arith.constant 0 : i32
      %dma_start3A_204 = arith.constant 0 : i32
      %dma_start3A_205 = tpu.memref_slice %arg2[%dma_start3A_203, %dma_start3A_204] : memref<10000x128xf32, #tpu.memory_space<hbm>> -> memref<10000x128xf32, #tpu.memory_space<hbm>>
      tpu.enqueue_indirect_dma source(%dma_start3A_205 : memref<10000x128xf32, #tpu.memory_space<hbm>>) target(%arg11 : memref<64x128xf32, #tpu.memory_space<vmem>>) offsets(%dma_start3A_202 : memref<64xi32, #tpu.memory_space<vmem>>) semaphore(%arg16 : memref<!tpu.dma_semaphore, #tpu.memory_space<semaphore_mem>>)
      %dma_wait3A_206 = arith.constant 10 : i32
      %dma_wait3A_207 = arith.constant 0 : i32
      %dma_wait3A_208 = tpu.memref_slice %arg8[%dma_wait3A_206, %dma_wait3A_207] : memref<16x64xi32, #tpu.memory_space<vmem>> -> memref<1x64xi32, #tpu.memory_space<vmem>>
      %dma_wait3A_209 = tpu.memref_squeeze %dma_wait3A_208 : memref<1x64xi32, #tpu.memory_space<vmem>> -> memref<64xi32, #tpu.memory_space<vmem>>
      %dma_wait3A_210 = arith.constant 0 : i32
      %dma_wait3A_211 = arith.constant 0 : i32
      %dma_wait3A_212 = tpu.memref_slice %arg2[%dma_wait3A_210, %dma_wait3A_211] : memref<10000x128xf32, #tpu.memory_space<hbm>> -> memref<10000x128xf32, #tpu.memory_space<hbm>>
      tpu.wait_indirect_dma semaphore(%arg17 : memref<!tpu.dma_semaphore, #tpu.memory_space<semaphore_mem>>) src(%dma_wait3A_212 : memref<10000x128xf32, #tpu.memory_space<hbm>>) dst(%arg12 : memref<64x128xf32, #tpu.memory_space<vmem>>)
      %run_scoped3A_213 = arith.constant 10 : i32
      "tpu.region"() ({
        %run_scoped3A_268 = tpu.sem_alloc : memref<!tpu.dma_semaphore, #tpu.memory_space<semaphore_mem>>
        %dma_start3A_269 = arith.constant 0 : i32
        %dma_start3A_270 = tpu.memref_slice %arg9[%run_scoped3A_213, %dma_start3A_269] : memref<16x64xi32, #tpu.memory_space<vmem>> -> memref<1x64xi32, #tpu.memory_space<vmem>>
        %dma_start3A_271 = tpu.memref_squeeze %dma_start3A_270 : memref<1x64xi32, #tpu.memory_space<vmem>> -> memref<64xi32, #tpu.memory_space<vmem>>
        %dma_start3A_272 = arith.constant 0 : i32
        %dma_start3A_273 = arith.constant 0 : i32
        %dma_start3A_274 = tpu.memref_slice %arg14[%dma_start3A_272, %dma_start3A_273] : memref<10112x128xf32, #tpu.memory_space<vmem_shared>> -> memref<10112x128xf32, #tpu.memory_space<vmem_shared>>
        tpu.enqueue_indirect_dma source(%arg12 : memref<64x128xf32, #tpu.memory_space<vmem>>) target(%dma_start3A_274 : memref<10112x128xf32, #tpu.memory_space<vmem_shared>>) offsets(%dma_start3A_271 : memref<64xi32, #tpu.memory_space<vmem>>) semaphore(%run_scoped3A_268 : memref<!tpu.dma_semaphore, #tpu.memory_space<semaphore_mem>>) {add = true}
        %dma_wait3A_275 = arith.constant 0 : i32
        %dma_wait3A_276 = tpu.memref_slice %arg9[%run_scoped3A_213, %dma_wait3A_275] : memref<16x64xi32, #tpu.memory_space<vmem>> -> memref<1x64xi32, #tpu.memory_space<vmem>>
        %dma_wait3A_277 = tpu.memref_squeeze %dma_wait3A_276 : memref<1x64xi32, #tpu.memory_space<vmem>> -> memref<64xi32, #tpu.memory_space<vmem>>
        %dma_wait3A_278 = arith.constant 0 : i32
        %dma_wait3A_279 = arith.constant 0 : i32
        %dma_wait3A_280 = tpu.memref_slice %arg14[%dma_wait3A_278, %dma_wait3A_279] : memref<10112x128xf32, #tpu.memory_space<vmem_shared>> -> memref<10112x128xf32, #tpu.memory_space<vmem_shared>>
        tpu.wait_indirect_dma semaphore(%run_scoped3A_268 : memref<!tpu.dma_semaphore, #tpu.memory_space<semaphore_mem>>) src(%arg12 : memref<64x128xf32, #tpu.memory_space<vmem>>) dst(%dma_wait3A_280 : memref<10112x128xf32, #tpu.memory_space<vmem_shared>>)
        tpu.yield
      }) : () -> ()
      %dma_start3A_214 = arith.constant 14 : i32
      %dma_start3A_215 = arith.constant 0 : i32
      %dma_start3A_216 = tpu.memref_slice %arg8[%dma_start3A_214, %dma_start3A_215] : memref<16x64xi32, #tpu.memory_space<vmem>> -> memref<1x64xi32, #tpu.memory_space<vmem>>
      %dma_start3A_217 = tpu.memref_squeeze %dma_start3A_216 : memref<1x64xi32, #tpu.memory_space<vmem>> -> memref<64xi32, #tpu.memory_space<vmem>>
      %dma_start3A_218 = arith.constant 0 : i32
      %dma_start3A_219 = arith.constant 0 : i32
      %dma_start3A_220 = tpu.memref_slice %arg2[%dma_start3A_218, %dma_start3A_219] : memref<10000x128xf32, #tpu.memory_space<hbm>> -> memref<10000x128xf32, #tpu.memory_space<hbm>>
      tpu.enqueue_indirect_dma source(%dma_start3A_220 : memref<10000x128xf32, #tpu.memory_space<hbm>>) target(%arg12 : memref<64x128xf32, #tpu.memory_space<vmem>>) offsets(%dma_start3A_217 : memref<64xi32, #tpu.memory_space<vmem>>) semaphore(%arg17 : memref<!tpu.dma_semaphore, #tpu.memory_space<semaphore_mem>>)
      %dma_wait3A_221 = arith.constant 11 : i32
      %dma_wait3A_222 = arith.constant 0 : i32
      %dma_wait3A_223 = tpu.memref_slice %arg8[%dma_wait3A_221, %dma_wait3A_222] : memref<16x64xi32, #tpu.memory_space<vmem>> -> memref<1x64xi32, #tpu.memory_space<vmem>>
      %dma_wait3A_224 = tpu.memref_squeeze %dma_wait3A_223 : memref<1x64xi32, #tpu.memory_space<vmem>> -> memref<64xi32, #tpu.memory_space<vmem>>
      %dma_wait3A_225 = arith.constant 0 : i32
      %dma_wait3A_226 = arith.constant 0 : i32
      %dma_wait3A_227 = tpu.memref_slice %arg2[%dma_wait3A_225, %dma_wait3A_226] : memref<10000x128xf32, #tpu.memory_space<hbm>> -> memref<10000x128xf32, #tpu.memory_space<hbm>>
      tpu.wait_indirect_dma semaphore(%arg18 : memref<!tpu.dma_semaphore, #tpu.memory_space<semaphore_mem>>) src(%dma_wait3A_227 : memref<10000x128xf32, #tpu.memory_space<hbm>>) dst(%arg13 : memref<64x128xf32, #tpu.memory_space<vmem>>)
      %run_scoped3A_228 = arith.constant 11 : i32
      "tpu.region"() ({
        %run_scoped3A_268 = tpu.sem_alloc : memref<!tpu.dma_semaphore, #tpu.memory_space<semaphore_mem>>
        %dma_start3A_269 = arith.constant 0 : i32
        %dma_start3A_270 = tpu.memref_slice %arg9[%run_scoped3A_228, %dma_start3A_269] : memref<16x64xi32, #tpu.memory_space<vmem>> -> memref<1x64xi32, #tpu.memory_space<vmem>>
        %dma_start3A_271 = tpu.memref_squeeze %dma_start3A_270 : memref<1x64xi32, #tpu.memory_space<vmem>> -> memref<64xi32, #tpu.memory_space<vmem>>
        %dma_start3A_272 = arith.constant 0 : i32
        %dma_start3A_273 = arith.constant 0 : i32
        %dma_start3A_274 = tpu.memref_slice %arg14[%dma_start3A_272, %dma_start3A_273] : memref<10112x128xf32, #tpu.memory_space<vmem_shared>> -> memref<10112x128xf32, #tpu.memory_space<vmem_shared>>
        tpu.enqueue_indirect_dma source(%arg13 : memref<64x128xf32, #tpu.memory_space<vmem>>) target(%dma_start3A_274 : memref<10112x128xf32, #tpu.memory_space<vmem_shared>>) offsets(%dma_start3A_271 : memref<64xi32, #tpu.memory_space<vmem>>) semaphore(%run_scoped3A_268 : memref<!tpu.dma_semaphore, #tpu.memory_space<semaphore_mem>>) {add = true}
        %dma_wait3A_275 = arith.constant 0 : i32
        %dma_wait3A_276 = tpu.memref_slice %arg9[%run_scoped3A_228, %dma_wait3A_275] : memref<16x64xi32, #tpu.memory_space<vmem>> -> memref<1x64xi32, #tpu.memory_space<vmem>>
        %dma_wait3A_277 = tpu.memref_squeeze %dma_wait3A_276 : memref<1x64xi32, #tpu.memory_space<vmem>> -> memref<64xi32, #tpu.memory_space<vmem>>
        %dma_wait3A_278 = arith.constant 0 : i32
        %dma_wait3A_279 = arith.constant 0 : i32
        %dma_wait3A_280 = tpu.memref_slice %arg14[%dma_wait3A_278, %dma_wait3A_279] : memref<10112x128xf32, #tpu.memory_space<vmem_shared>> -> memref<10112x128xf32, #tpu.memory_space<vmem_shared>>
        tpu.wait_indirect_dma semaphore(%run_scoped3A_268 : memref<!tpu.dma_semaphore, #tpu.memory_space<semaphore_mem>>) src(%arg13 : memref<64x128xf32, #tpu.memory_space<vmem>>) dst(%dma_wait3A_280 : memref<10112x128xf32, #tpu.memory_space<vmem_shared>>)
        tpu.yield
      }) : () -> ()
      %dma_start3A_229 = arith.constant 15 : i32
      %dma_start3A_230 = arith.constant 0 : i32
      %dma_start3A_231 = tpu.memref_slice %arg8[%dma_start3A_229, %dma_start3A_230] : memref<16x64xi32, #tpu.memory_space<vmem>> -> memref<1x64xi32, #tpu.memory_space<vmem>>
      %dma_start3A_232 = tpu.memref_squeeze %dma_start3A_231 : memref<1x64xi32, #tpu.memory_space<vmem>> -> memref<64xi32, #tpu.memory_space<vmem>>
      %dma_start3A_233 = arith.constant 0 : i32
      %dma_start3A_234 = arith.constant 0 : i32
      %dma_start3A_235 = tpu.memref_slice %arg2[%dma_start3A_233, %dma_start3A_234] : memref<10000x128xf32, #tpu.memory_space<hbm>> -> memref<10000x128xf32, #tpu.memory_space<hbm>>
      tpu.enqueue_indirect_dma source(%dma_start3A_235 : memref<10000x128xf32, #tpu.memory_space<hbm>>) target(%arg13 : memref<64x128xf32, #tpu.memory_space<vmem>>) offsets(%dma_start3A_232 : memref<64xi32, #tpu.memory_space<vmem>>) semaphore(%arg18 : memref<!tpu.dma_semaphore, #tpu.memory_space<semaphore_mem>>)
      %dma_wait3A_236 = arith.constant 12 : i32
      %dma_wait3A_237 = arith.constant 0 : i32
      %dma_wait3A_238 = tpu.memref_slice %arg8[%dma_wait3A_236, %dma_wait3A_237] : memref<16x64xi32, #tpu.memory_space<vmem>> -> memref<1x64xi32, #tpu.memory_space<vmem>>
      %dma_wait3A_239 = tpu.memref_squeeze %dma_wait3A_238 : memref<1x64xi32, #tpu.memory_space<vmem>> -> memref<64xi32, #tpu.memory_space<vmem>>
      %dma_wait3A_240 = arith.constant 0 : i32
      %dma_wait3A_241 = arith.constant 0 : i32
      %dma_wait3A_242 = tpu.memref_slice %arg2[%dma_wait3A_240, %dma_wait3A_241] : memref<10000x128xf32, #tpu.memory_space<hbm>> -> memref<10000x128xf32, #tpu.memory_space<hbm>>
      tpu.wait_indirect_dma semaphore(%arg15 : memref<!tpu.dma_semaphore, #tpu.memory_space<semaphore_mem>>) src(%dma_wait3A_242 : memref<10000x128xf32, #tpu.memory_space<hbm>>) dst(%arg10 : memref<64x128xf32, #tpu.memory_space<vmem>>)
      %run_scoped3A_243 = arith.constant 12 : i32
      "tpu.region"() ({
        %run_scoped3A_268 = tpu.sem_alloc : memref<!tpu.dma_semaphore, #tpu.memory_space<semaphore_mem>>
        %dma_start3A_269 = arith.constant 0 : i32
        %dma_start3A_270 = tpu.memref_slice %arg9[%run_scoped3A_243, %dma_start3A_269] : memref<16x64xi32, #tpu.memory_space<vmem>> -> memref<1x64xi32, #tpu.memory_space<vmem>>
        %dma_start3A_271 = tpu.memref_squeeze %dma_start3A_270 : memref<1x64xi32, #tpu.memory_space<vmem>> -> memref<64xi32, #tpu.memory_space<vmem>>
        %dma_start3A_272 = arith.constant 0 : i32
        %dma_start3A_273 = arith.constant 0 : i32
        %dma_start3A_274 = tpu.memref_slice %arg14[%dma_start3A_272, %dma_start3A_273] : memref<10112x128xf32, #tpu.memory_space<vmem_shared>> -> memref<10112x128xf32, #tpu.memory_space<vmem_shared>>
        tpu.enqueue_indirect_dma source(%arg10 : memref<64x128xf32, #tpu.memory_space<vmem>>) target(%dma_start3A_274 : memref<10112x128xf32, #tpu.memory_space<vmem_shared>>) offsets(%dma_start3A_271 : memref<64xi32, #tpu.memory_space<vmem>>) semaphore(%run_scoped3A_268 : memref<!tpu.dma_semaphore, #tpu.memory_space<semaphore_mem>>) {add = true}
        %dma_wait3A_275 = arith.constant 0 : i32
        %dma_wait3A_276 = tpu.memref_slice %arg9[%run_scoped3A_243, %dma_wait3A_275] : memref<16x64xi32, #tpu.memory_space<vmem>> -> memref<1x64xi32, #tpu.memory_space<vmem>>
        %dma_wait3A_277 = tpu.memref_squeeze %dma_wait3A_276 : memref<1x64xi32, #tpu.memory_space<vmem>> -> memref<64xi32, #tpu.memory_space<vmem>>
        %dma_wait3A_278 = arith.constant 0 : i32
        %dma_wait3A_279 = arith.constant 0 : i32
        %dma_wait3A_280 = tpu.memref_slice %arg14[%dma_wait3A_278, %dma_wait3A_279] : memref<10112x128xf32, #tpu.memory_space<vmem_shared>> -> memref<10112x128xf32, #tpu.memory_space<vmem_shared>>
        tpu.wait_indirect_dma semaphore(%run_scoped3A_268 : memref<!tpu.dma_semaphore, #tpu.memory_space<semaphore_mem>>) src(%arg10 : memref<64x128xf32, #tpu.memory_space<vmem>>) dst(%dma_wait3A_280 : memref<10112x128xf32, #tpu.memory_space<vmem_shared>>)
        tpu.yield
      }) : () -> ()
      %dma_wait3A_244 = arith.constant 13 : i32
      %dma_wait3A_245 = arith.constant 0 : i32
      %dma_wait3A_246 = tpu.memref_slice %arg8[%dma_wait3A_244, %dma_wait3A_245] : memref<16x64xi32, #tpu.memory_space<vmem>> -> memref<1x64xi32, #tpu.memory_space<vmem>>
      %dma_wait3A_247 = tpu.memref_squeeze %dma_wait3A_246 : memref<1x64xi32, #tpu.memory_space<vmem>> -> memref<64xi32, #tpu.memory_space<vmem>>
      %dma_wait3A_248 = arith.constant 0 : i32
      %dma_wait3A_249 = arith.constant 0 : i32
      %dma_wait3A_250 = tpu.memref_slice %arg2[%dma_wait3A_248, %dma_wait3A_249] : memref<10000x128xf32, #tpu.memory_space<hbm>> -> memref<10000x128xf32, #tpu.memory_space<hbm>>
      tpu.wait_indirect_dma semaphore(%arg16 : memref<!tpu.dma_semaphore, #tpu.memory_space<semaphore_mem>>) src(%dma_wait3A_250 : memref<10000x128xf32, #tpu.memory_space<hbm>>) dst(%arg11 : memref<64x128xf32, #tpu.memory_space<vmem>>)
      %run_scoped3A_251 = arith.constant 13 : i32
      "tpu.region"() ({
        %run_scoped3A_268 = tpu.sem_alloc : memref<!tpu.dma_semaphore, #tpu.memory_space<semaphore_mem>>
        %dma_start3A_269 = arith.constant 0 : i32
        %dma_start3A_270 = tpu.memref_slice %arg9[%run_scoped3A_251, %dma_start3A_269] : memref<16x64xi32, #tpu.memory_space<vmem>> -> memref<1x64xi32, #tpu.memory_space<vmem>>
        %dma_start3A_271 = tpu.memref_squeeze %dma_start3A_270 : memref<1x64xi32, #tpu.memory_space<vmem>> -> memref<64xi32, #tpu.memory_space<vmem>>
        %dma_start3A_272 = arith.constant 0 : i32
        %dma_start3A_273 = arith.constant 0 : i32
        %dma_start3A_274 = tpu.memref_slice %arg14[%dma_start3A_272, %dma_start3A_273] : memref<10112x128xf32, #tpu.memory_space<vmem_shared>> -> memref<10112x128xf32, #tpu.memory_space<vmem_shared>>
        tpu.enqueue_indirect_dma source(%arg11 : memref<64x128xf32, #tpu.memory_space<vmem>>) target(%dma_start3A_274 : memref<10112x128xf32, #tpu.memory_space<vmem_shared>>) offsets(%dma_start3A_271 : memref<64xi32, #tpu.memory_space<vmem>>) semaphore(%run_scoped3A_268 : memref<!tpu.dma_semaphore, #tpu.memory_space<semaphore_mem>>) {add = true}
        %dma_wait3A_275 = arith.constant 0 : i32
        %dma_wait3A_276 = tpu.memref_slice %arg9[%run_scoped3A_251, %dma_wait3A_275] : memref<16x64xi32, #tpu.memory_space<vmem>> -> memref<1x64xi32, #tpu.memory_space<vmem>>
        %dma_wait3A_277 = tpu.memref_squeeze %dma_wait3A_276 : memref<1x64xi32, #tpu.memory_space<vmem>> -> memref<64xi32, #tpu.memory_space<vmem>>
        %dma_wait3A_278 = arith.constant 0 : i32
        %dma_wait3A_279 = arith.constant 0 : i32
        %dma_wait3A_280 = tpu.memref_slice %arg14[%dma_wait3A_278, %dma_wait3A_279] : memref<10112x128xf32, #tpu.memory_space<vmem_shared>> -> memref<10112x128xf32, #tpu.memory_space<vmem_shared>>
        tpu.wait_indirect_dma semaphore(%run_scoped3A_268 : memref<!tpu.dma_semaphore, #tpu.memory_space<semaphore_mem>>) src(%arg11 : memref<64x128xf32, #tpu.memory_space<vmem>>) dst(%dma_wait3A_280 : memref<10112x128xf32, #tpu.memory_space<vmem_shared>>)
        tpu.yield
      }) : () -> ()
      %dma_wait3A_252 = arith.constant 14 : i32
      %dma_wait3A_253 = arith.constant 0 : i32
      %dma_wait3A_254 = tpu.memref_slice %arg8[%dma_wait3A_252, %dma_wait3A_253] : memref<16x64xi32, #tpu.memory_space<vmem>> -> memref<1x64xi32, #tpu.memory_space<vmem>>
      %dma_wait3A_255 = tpu.memref_squeeze %dma_wait3A_254 : memref<1x64xi32, #tpu.memory_space<vmem>> -> memref<64xi32, #tpu.memory_space<vmem>>
      %dma_wait3A_256 = arith.constant 0 : i32
      %dma_wait3A_257 = arith.constant 0 : i32
      %dma_wait3A_258 = tpu.memref_slice %arg2[%dma_wait3A_256, %dma_wait3A_257] : memref<10000x128xf32, #tpu.memory_space<hbm>> -> memref<10000x128xf32, #tpu.memory_space<hbm>>
      tpu.wait_indirect_dma semaphore(%arg17 : memref<!tpu.dma_semaphore, #tpu.memory_space<semaphore_mem>>) src(%dma_wait3A_258 : memref<10000x128xf32, #tpu.memory_space<hbm>>) dst(%arg12 : memref<64x128xf32, #tpu.memory_space<vmem>>)
      %run_scoped3A_259 = arith.constant 14 : i32
      "tpu.region"() ({
        %run_scoped3A_268 = tpu.sem_alloc : memref<!tpu.dma_semaphore, #tpu.memory_space<semaphore_mem>>
        %dma_start3A_269 = arith.constant 0 : i32
        %dma_start3A_270 = tpu.memref_slice %arg9[%run_scoped3A_259, %dma_start3A_269] : memref<16x64xi32, #tpu.memory_space<vmem>> -> memref<1x64xi32, #tpu.memory_space<vmem>>
        %dma_start3A_271 = tpu.memref_squeeze %dma_start3A_270 : memref<1x64xi32, #tpu.memory_space<vmem>> -> memref<64xi32, #tpu.memory_space<vmem>>
        %dma_start3A_272 = arith.constant 0 : i32
        %dma_start3A_273 = arith.constant 0 : i32
        %dma_start3A_274 = tpu.memref_slice %arg14[%dma_start3A_272, %dma_start3A_273] : memref<10112x128xf32, #tpu.memory_space<vmem_shared>> -> memref<10112x128xf32, #tpu.memory_space<vmem_shared>>
        tpu.enqueue_indirect_dma source(%arg12 : memref<64x128xf32, #tpu.memory_space<vmem>>) target(%dma_start3A_274 : memref<10112x128xf32, #tpu.memory_space<vmem_shared>>) offsets(%dma_start3A_271 : memref<64xi32, #tpu.memory_space<vmem>>) semaphore(%run_scoped3A_268 : memref<!tpu.dma_semaphore, #tpu.memory_space<semaphore_mem>>) {add = true}
        %dma_wait3A_275 = arith.constant 0 : i32
        %dma_wait3A_276 = tpu.memref_slice %arg9[%run_scoped3A_259, %dma_wait3A_275] : memref<16x64xi32, #tpu.memory_space<vmem>> -> memref<1x64xi32, #tpu.memory_space<vmem>>
        %dma_wait3A_277 = tpu.memref_squeeze %dma_wait3A_276 : memref<1x64xi32, #tpu.memory_space<vmem>> -> memref<64xi32, #tpu.memory_space<vmem>>
        %dma_wait3A_278 = arith.constant 0 : i32
        %dma_wait3A_279 = arith.constant 0 : i32
        %dma_wait3A_280 = tpu.memref_slice %arg14[%dma_wait3A_278, %dma_wait3A_279] : memref<10112x128xf32, #tpu.memory_space<vmem_shared>> -> memref<10112x128xf32, #tpu.memory_space<vmem_shared>>
        tpu.wait_indirect_dma semaphore(%run_scoped3A_268 : memref<!tpu.dma_semaphore, #tpu.memory_space<semaphore_mem>>) src(%arg12 : memref<64x128xf32, #tpu.memory_space<vmem>>) dst(%dma_wait3A_280 : memref<10112x128xf32, #tpu.memory_space<vmem_shared>>)
        tpu.yield
      }) : () -> ()
      %dma_wait3A_260 = arith.constant 15 : i32
      %dma_wait3A_261 = arith.constant 0 : i32
      %dma_wait3A_262 = tpu.memref_slice %arg8[%dma_wait3A_260, %dma_wait3A_261] : memref<16x64xi32, #tpu.memory_space<vmem>> -> memref<1x64xi32, #tpu.memory_space<vmem>>
      %dma_wait3A_263 = tpu.memref_squeeze %dma_wait3A_262 : memref<1x64xi32, #tpu.memory_space<vmem>> -> memref<64xi32, #tpu.memory_space<vmem>>
      %dma_wait3A_264 = arith.constant 0 : i32
      %dma_wait3A_265 = arith.constant 0 : i32
      %dma_wait3A_266 = tpu.memref_slice %arg2[%dma_wait3A_264, %dma_wait3A_265] : memref<10000x128xf32, #tpu.memory_space<hbm>> -> memref<10000x128xf32, #tpu.memory_space<hbm>>
      tpu.wait_indirect_dma semaphore(%arg18 : memref<!tpu.dma_semaphore, #tpu.memory_space<semaphore_mem>>) src(%dma_wait3A_266 : memref<10000x128xf32, #tpu.memory_space<hbm>>) dst(%arg13 : memref<64x128xf32, #tpu.memory_space<vmem>>)
      %run_scoped3A_267 = arith.constant 15 : i32
      "tpu.region"() ({
        %run_scoped3A_268 = tpu.sem_alloc : memref<!tpu.dma_semaphore, #tpu.memory_space<semaphore_mem>>
        %dma_start3A_269 = arith.constant 0 : i32
        %dma_start3A_270 = tpu.memref_slice %arg9[%run_scoped3A_267, %dma_start3A_269] : memref<16x64xi32, #tpu.memory_space<vmem>> -> memref<1x64xi32, #tpu.memory_space<vmem>>
        %dma_start3A_271 = tpu.memref_squeeze %dma_start3A_270 : memref<1x64xi32, #tpu.memory_space<vmem>> -> memref<64xi32, #tpu.memory_space<vmem>>
        %dma_start3A_272 = arith.constant 0 : i32
        %dma_start3A_273 = arith.constant 0 : i32
        %dma_start3A_274 = tpu.memref_slice %arg14[%dma_start3A_272, %dma_start3A_273] : memref<10112x128xf32, #tpu.memory_space<vmem_shared>> -> memref<10112x128xf32, #tpu.memory_space<vmem_shared>>
        tpu.enqueue_indirect_dma source(%arg13 : memref<64x128xf32, #tpu.memory_space<vmem>>) target(%dma_start3A_274 : memref<10112x128xf32, #tpu.memory_space<vmem_shared>>) offsets(%dma_start3A_271 : memref<64xi32, #tpu.memory_space<vmem>>) semaphore(%run_scoped3A_268 : memref<!tpu.dma_semaphore, #tpu.memory_space<semaphore_mem>>) {add = true}
        %dma_wait3A_275 = arith.constant 0 : i32
        %dma_wait3A_276 = tpu.memref_slice %arg9[%run_scoped3A_267, %dma_wait3A_275] : memref<16x64xi32, #tpu.memory_space<vmem>> -> memref<1x64xi32, #tpu.memory_space<vmem>>
        %dma_wait3A_277 = tpu.memref_squeeze %dma_wait3A_276 : memref<1x64xi32, #tpu.memory_space<vmem>> -> memref<64xi32, #tpu.memory_space<vmem>>
        %dma_wait3A_278 = arith.constant 0 : i32
        %dma_wait3A_279 = arith.constant 0 : i32
        %dma_wait3A_280 = tpu.memref_slice %arg14[%dma_wait3A_278, %dma_wait3A_279] : memref<10112x128xf32, #tpu.memory_space<vmem_shared>> -> memref<10112x128xf32, #tpu.memory_space<vmem_shared>>
        tpu.wait_indirect_dma semaphore(%run_scoped3A_268 : memref<!tpu.dma_semaphore, #tpu.memory_space<semaphore_mem>>) src(%arg13 : memref<64x128xf32, #tpu.memory_space<vmem>>) dst(%dma_wait3A_280 : memref<10112x128xf32, #tpu.memory_space<vmem_shared>>)
        tpu.yield
      }) : () -> ()
    }
    %while3A_15 = arith.constant 1 : i32
    scf.for %while3A_25 = %while3A_13 to %while3A_9 step %while3A_15  : i32 {
      %mul3A_26 = arith.constant 8 : i32
      %mul3A_27 = arith.muli %while3A_25, %mul3A_26 : i32
      %add3A_28 = arith.addi %add3A, %mul3A_27 : i32
      %mul3A_29 = arith.constant 2 : i32
      %mul3A_30 = arith.muli %add3A_28, %mul3A_29 : i32
      %multiple_of3A = tpu.assume_multiple %mul3A_30, 16 : i32
      "tpu.region"() ({
        %run_scoped3A_268 = tpu.sem_alloc : memref<!tpu.dma_semaphore, #tpu.memory_space<semaphore_mem>>
        %dma_start3A_269 = arith.constant 0 : i32
        %dma_start3A_270 = tpu.memref_slice %arg3[%multiple_of3A, %dma_start3A_269] : memref<5120x64xi32, #tpu.memory_space<hbm>> -> memref<16x64xi32, #tpu.memory_space<hbm>>
        %dma_start3A_271 = arith.constant 0 : i32
        %dma_start3A_272 = tpu.memref_slice %arg3[%multiple_of3A, %dma_start3A_271] : memref<5120x64xi32, #tpu.memory_space<hbm>> -> memref<16x64xi32, #tpu.memory_space<hbm>>
        tpu.enqueue_dma source(%dma_start3A_272 : memref<16x64xi32, #tpu.memory_space<hbm>>) target(%arg8 : memref<16x64xi32, #tpu.memory_space<vmem>>) target_semaphore(%run_scoped3A_268 : memref<!tpu.dma_semaphore, #tpu.memory_space<semaphore_mem>>)
        %dma_wait3A_273 = arith.constant 0 : i32
        %dma_wait3A_274 = tpu.memref_slice %arg3[%multiple_of3A, %dma_wait3A_273] : memref<5120x64xi32, #tpu.memory_space<hbm>> -> memref<16x64xi32, #tpu.memory_space<hbm>>
        %dma_wait3A_275 = arith.constant 0 : i32
        %dma_wait3A_276 = tpu.memref_slice %arg3[%multiple_of3A, %dma_wait3A_275] : memref<5120x64xi32, #tpu.memory_space<hbm>> -> memref<16x64xi32, #tpu.memory_space<hbm>>
        tpu.wait_dma2 semaphore(%run_scoped3A_268 : memref<!tpu.dma_semaphore, #tpu.memory_space<semaphore_mem>>) src(%dma_wait3A_276 : memref<16x64xi32, #tpu.memory_space<hbm>>) dst(%arg8 : memref<16x64xi32, #tpu.memory_space<vmem>>)
        tpu.yield
      }) : () -> ()
      "tpu.region"() ({
        %run_scoped3A_268 = tpu.sem_alloc : memref<!tpu.dma_semaphore, #tpu.memory_space<semaphore_mem>>
        %dma_start3A_269 = arith.constant 0 : i32
        %dma_start3A_270 = tpu.memref_slice %arg4[%multiple_of3A, %dma_start3A_269] : memref<5120x64xi32, #tpu.memory_space<hbm>> -> memref<16x64xi32, #tpu.memory_space<hbm>>
        %dma_start3A_271 = arith.constant 0 : i32
        %dma_start3A_272 = tpu.memref_slice %arg4[%multiple_of3A, %dma_start3A_271] : memref<5120x64xi32, #tpu.memory_space<hbm>> -> memref<16x64xi32, #tpu.memory_space<hbm>>
        tpu.enqueue_dma source(%dma_start3A_272 : memref<16x64xi32, #tpu.memory_space<hbm>>) target(%arg9 : memref<16x64xi32, #tpu.memory_space<vmem>>) target_semaphore(%run_scoped3A_268 : memref<!tpu.dma_semaphore, #tpu.memory_space<semaphore_mem>>)
        %dma_wait3A_273 = arith.constant 0 : i32
        %dma_wait3A_274 = tpu.memref_slice %arg4[%multiple_of3A, %dma_wait3A_273] : memref<5120x64xi32, #tpu.memory_space<hbm>> -> memref<16x64xi32, #tpu.memory_space<hbm>>
        %dma_wait3A_275 = arith.constant 0 : i32
        %dma_wait3A_276 = tpu.memref_slice %arg4[%multiple_of3A, %dma_wait3A_275] : memref<5120x64xi32, #tpu.memory_space<hbm>> -> memref<16x64xi32, #tpu.memory_space<hbm>>
        tpu.wait_dma2 semaphore(%run_scoped3A_268 : memref<!tpu.dma_semaphore, #tpu.memory_space<semaphore_mem>>) src(%dma_wait3A_276 : memref<16x64xi32, #tpu.memory_space<hbm>>) dst(%arg9 : memref<16x64xi32, #tpu.memory_space<vmem>>)
        tpu.yield
      }) : () -> ()
      %dma_start3A = arith.constant 0 : i32
      %dma_start3A_31 = arith.constant 0 : i32
      %dma_start3A_32 = tpu.memref_slice %arg8[%dma_start3A, %dma_start3A_31] : memref<16x64xi32, #tpu.memory_space<vmem>> -> memref<1x64xi32, #tpu.memory_space<vmem>>
      %dma_start3A_33 = tpu.memref_squeeze %dma_start3A_32 : memref<1x64xi32, #tpu.memory_space<vmem>> -> memref<64xi32, #tpu.memory_space<vmem>>
      %dma_start3A_34 = arith.constant 0 : i32
      %dma_start3A_35 = arith.constant 0 : i32
      %dma_start3A_36 = tpu.memref_slice %arg2[%dma_start3A_34, %dma_start3A_35] : memref<10000x128xf32, #tpu.memory_space<hbm>> -> memref<10000x128xf32, #tpu.memory_space<hbm>>
      tpu.enqueue_indirect_dma source(%dma_start3A_36 : memref<10000x128xf32, #tpu.memory_space<hbm>>) target(%arg10 : memref<64x128xf32, #tpu.memory_space<vmem>>) offsets(%dma_start3A_33 : memref<64xi32, #tpu.memory_space<vmem>>) semaphore(%arg15 : memref<!tpu.dma_semaphore, #tpu.memory_space<semaphore_mem>>)
      %dma_start3A_37 = arith.constant 1 : i32
      %dma_start3A_38 = arith.constant 0 : i32
      %dma_start3A_39 = tpu.memref_slice %arg8[%dma_start3A_37, %dma_start3A_38] : memref<16x64xi32, #tpu.memory_space<vmem>> -> memref<1x64xi32, #tpu.memory_space<vmem>>
      %dma_start3A_40 = tpu.memref_squeeze %dma_start3A_39 : memref<1x64xi32, #tpu.memory_space<vmem>> -> memref<64xi32, #tpu.memory_space<vmem>>
      %dma_start3A_41 = arith.constant 0 : i32
      %dma_start3A_42 = arith.constant 0 : i32
      %dma_start3A_43 = tpu.memref_slice %arg2[%dma_start3A_41, %dma_start3A_42] : memref<10000x128xf32, #tpu.memory_space<hbm>> -> memref<10000x128xf32, #tpu.memory_space<hbm>>
      tpu.enqueue_indirect_dma source(%dma_start3A_43 : memref<10000x128xf32, #tpu.memory_space<hbm>>) target(%arg11 : memref<64x128xf32, #tpu.memory_space<vmem>>) offsets(%dma_start3A_40 : memref<64xi32, #tpu.memory_space<vmem>>) semaphore(%arg16 : memref<!tpu.dma_semaphore, #tpu.memory_space<semaphore_mem>>)
      %dma_start3A_44 = arith.constant 2 : i32
      %dma_start3A_45 = arith.constant 0 : i32
      %dma_start3A_46 = tpu.memref_slice %arg8[%dma_start3A_44, %dma_start3A_45] : memref<16x64xi32, #tpu.memory_space<vmem>> -> memref<1x64xi32, #tpu.memory_space<vmem>>
      %dma_start3A_47 = tpu.memref_squeeze %dma_start3A_46 : memref<1x64xi32, #tpu.memory_space<vmem>> -> memref<64xi32, #tpu.memory_space<vmem>>
      %dma_start3A_48 = arith.constant 0 : i32
      %dma_start3A_49 = arith.constant 0 : i32
      %dma_start3A_50 = tpu.memref_slice %arg2[%dma_start3A_48, %dma_start3A_49] : memref<10000x128xf32, #tpu.memory_space<hbm>> -> memref<10000x128xf32, #tpu.memory_space<hbm>>
      tpu.enqueue_indirect_dma source(%dma_start3A_50 : memref<10000x128xf32, #tpu.memory_space<hbm>>) target(%arg12 : memref<64x128xf32, #tpu.memory_space<vmem>>) offsets(%dma_start3A_47 : memref<64xi32, #tpu.memory_space<vmem>>) semaphore(%arg17 : memref<!tpu.dma_semaphore, #tpu.memory_space<semaphore_mem>>)
      %dma_start3A_51 = arith.constant 3 : i32
      %dma_start3A_52 = arith.constant 0 : i32
      %dma_start3A_53 = tpu.memref_slice %arg8[%dma_start3A_51, %dma_start3A_52] : memref<16x64xi32, #tpu.memory_space<vmem>> -> memref<1x64xi32, #tpu.memory_space<vmem>>
      %dma_start3A_54 = tpu.memref_squeeze %dma_start3A_53 : memref<1x64xi32, #tpu.memory_space<vmem>> -> memref<64xi32, #tpu.memory_space<vmem>>
      %dma_start3A_55 = arith.constant 0 : i32
      %dma_start3A_56 = arith.constant 0 : i32
      %dma_start3A_57 = tpu.memref_slice %arg2[%dma_start3A_55, %dma_start3A_56] : memref<10000x128xf32, #tpu.memory_space<hbm>> -> memref<10000x128xf32, #tpu.memory_space<hbm>>
      tpu.enqueue_indirect_dma source(%dma_start3A_57 : memref<10000x128xf32, #tpu.memory_space<hbm>>) target(%arg13 : memref<64x128xf32, #tpu.memory_space<vmem>>) offsets(%dma_start3A_54 : memref<64xi32, #tpu.memory_space<vmem>>) semaphore(%arg18 : memref<!tpu.dma_semaphore, #tpu.memory_space<semaphore_mem>>)
      %dma_wait3A = arith.constant 0 : i32
      %dma_wait3A_58 = arith.constant 0 : i32
      %dma_wait3A_59 = tpu.memref_slice %arg8[%dma_wait3A, %dma_wait3A_58] : memref<16x64xi32, #tpu.memory_space<vmem>> -> memref<1x64xi32, #tpu.memory_space<vmem>>
      %dma_wait3A_60 = tpu.memref_squeeze %dma_wait3A_59 : memref<1x64xi32, #tpu.memory_space<vmem>> -> memref<64xi32, #tpu.memory_space<vmem>>
      %dma_wait3A_61 = arith.constant 0 : i32
      %dma_wait3A_62 = arith.constant 0 : i32
      %dma_wait3A_63 = tpu.memref_slice %arg2[%dma_wait3A_61, %dma_wait3A_62] : memref<10000x128xf32, #tpu.memory_space<hbm>> -> memref<10000x128xf32, #tpu.memory_space<hbm>>
      tpu.wait_indirect_dma semaphore(%arg15 : memref<!tpu.dma_semaphore, #tpu.memory_space<semaphore_mem>>) src(%dma_wait3A_63 : memref<10000x128xf32, #tpu.memory_space<hbm>>) dst(%arg10 : memref<64x128xf32, #tpu.memory_space<vmem>>)
      %run_scoped3A = arith.constant 0 : i32
      "tpu.region"() ({
        %run_scoped3A_268 = tpu.sem_alloc : memref<!tpu.dma_semaphore, #tpu.memory_space<semaphore_mem>>
        %dma_start3A_269 = arith.constant 0 : i32
        %dma_start3A_270 = tpu.memref_slice %arg9[%run_scoped3A, %dma_start3A_269] : memref<16x64xi32, #tpu.memory_space<vmem>> -> memref<1x64xi32, #tpu.memory_space<vmem>>
        %dma_start3A_271 = tpu.memref_squeeze %dma_start3A_270 : memref<1x64xi32, #tpu.memory_space<vmem>> -> memref<64xi32, #tpu.memory_space<vmem>>
        %dma_start3A_272 = arith.constant 0 : i32
        %dma_start3A_273 = arith.constant 0 : i32
        %dma_start3A_274 = tpu.memref_slice %arg14[%dma_start3A_272, %dma_start3A_273] : memref<10112x128xf32, #tpu.memory_space<vmem_shared>> -> memref<10112x128xf32, #tpu.memory_space<vmem_shared>>
        tpu.enqueue_indirect_dma source(%arg10 : memref<64x128xf32, #tpu.memory_space<vmem>>) target(%dma_start3A_274 : memref<10112x128xf32, #tpu.memory_space<vmem_shared>>) offsets(%dma_start3A_271 : memref<64xi32, #tpu.memory_space<vmem>>) semaphore(%run_scoped3A_268 : memref<!tpu.dma_semaphore, #tpu.memory_space<semaphore_mem>>) {add = true}
        %dma_wait3A_275 = arith.constant 0 : i32
        %dma_wait3A_276 = tpu.memref_slice %arg9[%run_scoped3A, %dma_wait3A_275] : memref<16x64xi32, #tpu.memory_space<vmem>> -> memref<1x64xi32, #tpu.memory_space<vmem>>
        %dma_wait3A_277 = tpu.memref_squeeze %dma_wait3A_276 : memref<1x64xi32, #tpu.memory_space<vmem>> -> memref<64xi32, #tpu.memory_space<vmem>>
        %dma_wait3A_278 = arith.constant 0 : i32
        %dma_wait3A_279 = arith.constant 0 : i32
        %dma_wait3A_280 = tpu.memref_slice %arg14[%dma_wait3A_278, %dma_wait3A_279] : memref<10112x128xf32, #tpu.memory_space<vmem_shared>> -> memref<10112x128xf32, #tpu.memory_space<vmem_shared>>
        tpu.wait_indirect_dma semaphore(%run_scoped3A_268 : memref<!tpu.dma_semaphore, #tpu.memory_space<semaphore_mem>>) src(%arg10 : memref<64x128xf32, #tpu.memory_space<vmem>>) dst(%dma_wait3A_280 : memref<10112x128xf32, #tpu.memory_space<vmem_shared>>)
        tpu.yield
      }) : () -> ()
      %dma_start3A_64 = arith.constant 4 : i32
      %dma_start3A_65 = arith.constant 0 : i32
      %dma_start3A_66 = tpu.memref_slice %arg8[%dma_start3A_64, %dma_start3A_65] : memref<16x64xi32, #tpu.memory_space<vmem>> -> memref<1x64xi32, #tpu.memory_space<vmem>>
      %dma_start3A_67 = tpu.memref_squeeze %dma_start3A_66 : memref<1x64xi32, #tpu.memory_space<vmem>> -> memref<64xi32, #tpu.memory_space<vmem>>
      %dma_start3A_68 = arith.constant 0 : i32
      %dma_start3A_69 = arith.constant 0 : i32
      %dma_start3A_70 = tpu.memref_slice %arg2[%dma_start3A_68, %dma_start3A_69] : memref<10000x128xf32, #tpu.memory_space<hbm>> -> memref<10000x128xf32, #tpu.memory_space<hbm>>
      tpu.enqueue_indirect_dma source(%dma_start3A_70 : memref<10000x128xf32, #tpu.memory_space<hbm>>) target(%arg10 : memref<64x128xf32, #tpu.memory_space<vmem>>) offsets(%dma_start3A_67 : memref<64xi32, #tpu.memory_space<vmem>>) semaphore(%arg15 : memref<!tpu.dma_semaphore, #tpu.memory_space<semaphore_mem>>)
      %dma_wait3A_71 = arith.constant 1 : i32
      %dma_wait3A_72 = arith.constant 0 : i32
      %dma_wait3A_73 = tpu.memref_slice %arg8[%dma_wait3A_71, %dma_wait3A_72] : memref<16x64xi32, #tpu.memory_space<vmem>> -> memref<1x64xi32, #tpu.memory_space<vmem>>
      %dma_wait3A_74 = tpu.memref_squeeze %dma_wait3A_73 : memref<1x64xi32, #tpu.memory_space<vmem>> -> memref<64xi32, #tpu.memory_space<vmem>>
      %dma_wait3A_75 = arith.constant 0 : i32
      %dma_wait3A_76 = arith.constant 0 : i32
      %dma_wait3A_77 = tpu.memref_slice %arg2[%dma_wait3A_75, %dma_wait3A_76] : memref<10000x128xf32, #tpu.memory_space<hbm>> -> memref<10000x128xf32, #tpu.memory_space<hbm>>
      tpu.wait_indirect_dma semaphore(%arg16 : memref<!tpu.dma_semaphore, #tpu.memory_space<semaphore_mem>>) src(%dma_wait3A_77 : memref<10000x128xf32, #tpu.memory_space<hbm>>) dst(%arg11 : memref<64x128xf32, #tpu.memory_space<vmem>>)
      %run_scoped3A_78 = arith.constant 1 : i32
      "tpu.region"() ({
        %run_scoped3A_268 = tpu.sem_alloc : memref<!tpu.dma_semaphore, #tpu.memory_space<semaphore_mem>>
        %dma_start3A_269 = arith.constant 0 : i32
        %dma_start3A_270 = tpu.memref_slice %arg9[%run_scoped3A_78, %dma_start3A_269] : memref<16x64xi32, #tpu.memory_space<vmem>> -> memref<1x64xi32, #tpu.memory_space<vmem>>
        %dma_start3A_271 = tpu.memref_squeeze %dma_start3A_270 : memref<1x64xi32, #tpu.memory_space<vmem>> -> memref<64xi32, #tpu.memory_space<vmem>>
        %dma_start3A_272 = arith.constant 0 : i32
        %dma_start3A_273 = arith.constant 0 : i32
        %dma_start3A_274 = tpu.memref_slice %arg14[%dma_start3A_272, %dma_start3A_273] : memref<10112x128xf32, #tpu.memory_space<vmem_shared>> -> memref<10112x128xf32, #tpu.memory_space<vmem_shared>>
        tpu.enqueue_indirect_dma source(%arg11 : memref<64x128xf32, #tpu.memory_space<vmem>>) target(%dma_start3A_274 : memref<10112x128xf32, #tpu.memory_space<vmem_shared>>) offsets(%dma_start3A_271 : memref<64xi32, #tpu.memory_space<vmem>>) semaphore(%run_scoped3A_268 : memref<!tpu.dma_semaphore, #tpu.memory_space<semaphore_mem>>) {add = true}
        %dma_wait3A_275 = arith.constant 0 : i32
        %dma_wait3A_276 = tpu.memref_slice %arg9[%run_scoped3A_78, %dma_wait3A_275] : memref<16x64xi32, #tpu.memory_space<vmem>> -> memref<1x64xi32, #tpu.memory_space<vmem>>
        %dma_wait3A_277 = tpu.memref_squeeze %dma_wait3A_276 : memref<1x64xi32, #tpu.memory_space<vmem>> -> memref<64xi32, #tpu.memory_space<vmem>>
        %dma_wait3A_278 = arith.constant 0 : i32
        %dma_wait3A_279 = arith.constant 0 : i32
        %dma_wait3A_280 = tpu.memref_slice %arg14[%dma_wait3A_278, %dma_wait3A_279] : memref<10112x128xf32, #tpu.memory_space<vmem_shared>> -> memref<10112x128xf32, #tpu.memory_space<vmem_shared>>
        tpu.wait_indirect_dma semaphore(%run_scoped3A_268 : memref<!tpu.dma_semaphore, #tpu.memory_space<semaphore_mem>>) src(%arg11 : memref<64x128xf32, #tpu.memory_space<vmem>>) dst(%dma_wait3A_280 : memref<10112x128xf32, #tpu.memory_space<vmem_shared>>)
        tpu.yield
      }) : () -> ()
      %dma_start3A_79 = arith.constant 5 : i32
      %dma_start3A_80 = arith.constant 0 : i32
      %dma_start3A_81 = tpu.memref_slice %arg8[%dma_start3A_79, %dma_start3A_80] : memref<16x64xi32, #tpu.memory_space<vmem>> -> memref<1x64xi32, #tpu.memory_space<vmem>>
      %dma_start3A_82 = tpu.memref_squeeze %dma_start3A_81 : memref<1x64xi32, #tpu.memory_space<vmem>> -> memref<64xi32, #tpu.memory_space<vmem>>
      %dma_start3A_83 = arith.constant 0 : i32
      %dma_start3A_84 = arith.constant 0 : i32
      %dma_start3A_85 = tpu.memref_slice %arg2[%dma_start3A_83, %dma_start3A_84] : memref<10000x128xf32, #tpu.memory_space<hbm>> -> memref<10000x128xf32, #tpu.memory_space<hbm>>
      tpu.enqueue_indirect_dma source(%dma_start3A_85 : memref<10000x128xf32, #tpu.memory_space<hbm>>) target(%arg11 : memref<64x128xf32, #tpu.memory_space<vmem>>) offsets(%dma_start3A_82 : memref<64xi32, #tpu.memory_space<vmem>>) semaphore(%arg16 : memref<!tpu.dma_semaphore, #tpu.memory_space<semaphore_mem>>)
      %dma_wait3A_86 = arith.constant 2 : i32
      %dma_wait3A_87 = arith.constant 0 : i32
      %dma_wait3A_88 = tpu.memref_slice %arg8[%dma_wait3A_86, %dma_wait3A_87] : memref<16x64xi32, #tpu.memory_space<vmem>> -> memref<1x64xi32, #tpu.memory_space<vmem>>
      %dma_wait3A_89 = tpu.memref_squeeze %dma_wait3A_88 : memref<1x64xi32, #tpu.memory_space<vmem>> -> memref<64xi32, #tpu.memory_space<vmem>>
      %dma_wait3A_90 = arith.constant 0 : i32
      %dma_wait3A_91 = arith.constant 0 : i32
      %dma_wait3A_92 = tpu.memref_slice %arg2[%dma_wait3A_90, %dma_wait3A_91] : memref<10000x128xf32, #tpu.memory_space<hbm>> -> memref<10000x128xf32, #tpu.memory_space<hbm>>
      tpu.wait_indirect_dma semaphore(%arg17 : memref<!tpu.dma_semaphore, #tpu.memory_space<semaphore_mem>>) src(%dma_wait3A_92 : memref<10000x128xf32, #tpu.memory_space<hbm>>) dst(%arg12 : memref<64x128xf32, #tpu.memory_space<vmem>>)
      %run_scoped3A_93 = arith.constant 2 : i32
      "tpu.region"() ({
        %run_scoped3A_268 = tpu.sem_alloc : memref<!tpu.dma_semaphore, #tpu.memory_space<semaphore_mem>>
        %dma_start3A_269 = arith.constant 0 : i32
        %dma_start3A_270 = tpu.memref_slice %arg9[%run_scoped3A_93, %dma_start3A_269] : memref<16x64xi32, #tpu.memory_space<vmem>> -> memref<1x64xi32, #tpu.memory_space<vmem>>
        %dma_start3A_271 = tpu.memref_squeeze %dma_start3A_270 : memref<1x64xi32, #tpu.memory_space<vmem>> -> memref<64xi32, #tpu.memory_space<vmem>>
        %dma_start3A_272 = arith.constant 0 : i32
        %dma_start3A_273 = arith.constant 0 : i32
        %dma_start3A_274 = tpu.memref_slice %arg14[%dma_start3A_272, %dma_start3A_273] : memref<10112x128xf32, #tpu.memory_space<vmem_shared>> -> memref<10112x128xf32, #tpu.memory_space<vmem_shared>>
        tpu.enqueue_indirect_dma source(%arg12 : memref<64x128xf32, #tpu.memory_space<vmem>>) target(%dma_start3A_274 : memref<10112x128xf32, #tpu.memory_space<vmem_shared>>) offsets(%dma_start3A_271 : memref<64xi32, #tpu.memory_space<vmem>>) semaphore(%run_scoped3A_268 : memref<!tpu.dma_semaphore, #tpu.memory_space<semaphore_mem>>) {add = true}
        %dma_wait3A_275 = arith.constant 0 : i32
        %dma_wait3A_276 = tpu.memref_slice %arg9[%run_scoped3A_93, %dma_wait3A_275] : memref<16x64xi32, #tpu.memory_space<vmem>> -> memref<1x64xi32, #tpu.memory_space<vmem>>
        %dma_wait3A_277 = tpu.memref_squeeze %dma_wait3A_276 : memref<1x64xi32, #tpu.memory_space<vmem>> -> memref<64xi32, #tpu.memory_space<vmem>>
        %dma_wait3A_278 = arith.constant 0 : i32
        %dma_wait3A_279 = arith.constant 0 : i32
        %dma_wait3A_280 = tpu.memref_slice %arg14[%dma_wait3A_278, %dma_wait3A_279] : memref<10112x128xf32, #tpu.memory_space<vmem_shared>> -> memref<10112x128xf32, #tpu.memory_space<vmem_shared>>
        tpu.wait_indirect_dma semaphore(%run_scoped3A_268 : memref<!tpu.dma_semaphore, #tpu.memory_space<semaphore_mem>>) src(%arg12 : memref<64x128xf32, #tpu.memory_space<vmem>>) dst(%dma_wait3A_280 : memref<10112x128xf32, #tpu.memory_space<vmem_shared>>)
        tpu.yield
      }) : () -> ()
      %dma_start3A_94 = arith.constant 6 : i32
      %dma_start3A_95 = arith.constant 0 : i32
      %dma_start3A_96 = tpu.memref_slice %arg8[%dma_start3A_94, %dma_start3A_95] : memref<16x64xi32, #tpu.memory_space<vmem>> -> memref<1x64xi32, #tpu.memory_space<vmem>>
      %dma_start3A_97 = tpu.memref_squeeze %dma_start3A_96 : memref<1x64xi32, #tpu.memory_space<vmem>> -> memref<64xi32, #tpu.memory_space<vmem>>
      %dma_start3A_98 = arith.constant 0 : i32
      %dma_start3A_99 = arith.constant 0 : i32
      %dma_start3A_100 = tpu.memref_slice %arg2[%dma_start3A_98, %dma_start3A_99] : memref<10000x128xf32, #tpu.memory_space<hbm>> -> memref<10000x128xf32, #tpu.memory_space<hbm>>
      tpu.enqueue_indirect_dma source(%dma_start3A_100 : memref<10000x128xf32, #tpu.memory_space<hbm>>) target(%arg12 : memref<64x128xf32, #tpu.memory_space<vmem>>) offsets(%dma_start3A_97 : memref<64xi32, #tpu.memory_space<vmem>>) semaphore(%arg17 : memref<!tpu.dma_semaphore, #tpu.memory_space<semaphore_mem>>)
      %dma_wait3A_101 = arith.constant 3 : i32
      %dma_wait3A_102 = arith.constant 0 : i32
      %dma_wait3A_103 = tpu.memref_slice %arg8[%dma_wait3A_101, %dma_wait3A_102] : memref<16x64xi32, #tpu.memory_space<vmem>> -> memref<1x64xi32, #tpu.memory_space<vmem>>
      %dma_wait3A_104 = tpu.memref_squeeze %dma_wait3A_103 : memref<1x64xi32, #tpu.memory_space<vmem>> -> memref<64xi32, #tpu.memory_space<vmem>>
      %dma_wait3A_105 = arith.constant 0 : i32
      %dma_wait3A_106 = arith.constant 0 : i32
      %dma_wait3A_107 = tpu.memref_slice %arg2[%dma_wait3A_105, %dma_wait3A_106] : memref<10000x128xf32, #tpu.memory_space<hbm>> -> memref<10000x128xf32, #tpu.memory_space<hbm>>
      tpu.wait_indirect_dma semaphore(%arg18 : memref<!tpu.dma_semaphore, #tpu.memory_space<semaphore_mem>>) src(%dma_wait3A_107 : memref<10000x128xf32, #tpu.memory_space<hbm>>) dst(%arg13 : memref<64x128xf32, #tpu.memory_space<vmem>>)
      %run_scoped3A_108 = arith.constant 3 : i32
      "tpu.region"() ({
        %run_scoped3A_268 = tpu.sem_alloc : memref<!tpu.dma_semaphore, #tpu.memory_space<semaphore_mem>>
        %dma_start3A_269 = arith.constant 0 : i32
        %dma_start3A_270 = tpu.memref_slice %arg9[%run_scoped3A_108, %dma_start3A_269] : memref<16x64xi32, #tpu.memory_space<vmem>> -> memref<1x64xi32, #tpu.memory_space<vmem>>
        %dma_start3A_271 = tpu.memref_squeeze %dma_start3A_270 : memref<1x64xi32, #tpu.memory_space<vmem>> -> memref<64xi32, #tpu.memory_space<vmem>>
        %dma_start3A_272 = arith.constant 0 : i32
        %dma_start3A_273 = arith.constant 0 : i32
        %dma_start3A_274 = tpu.memref_slice %arg14[%dma_start3A_272, %dma_start3A_273] : memref<10112x128xf32, #tpu.memory_space<vmem_shared>> -> memref<10112x128xf32, #tpu.memory_space<vmem_shared>>
        tpu.enqueue_indirect_dma source(%arg13 : memref<64x128xf32, #tpu.memory_space<vmem>>) target(%dma_start3A_274 : memref<10112x128xf32, #tpu.memory_space<vmem_shared>>) offsets(%dma_start3A_271 : memref<64xi32, #tpu.memory_space<vmem>>) semaphore(%run_scoped3A_268 : memref<!tpu.dma_semaphore, #tpu.memory_space<semaphore_mem>>) {add = true}
        %dma_wait3A_275 = arith.constant 0 : i32
        %dma_wait3A_276 = tpu.memref_slice %arg9[%run_scoped3A_108, %dma_wait3A_275] : memref<16x64xi32, #tpu.memory_space<vmem>> -> memref<1x64xi32, #tpu.memory_space<vmem>>
        %dma_wait3A_277 = tpu.memref_squeeze %dma_wait3A_276 : memref<1x64xi32, #tpu.memory_space<vmem>> -> memref<64xi32, #tpu.memory_space<vmem>>
        %dma_wait3A_278 = arith.constant 0 : i32
        %dma_wait3A_279 = arith.constant 0 : i32
        %dma_wait3A_280 = tpu.memref_slice %arg14[%dma_wait3A_278, %dma_wait3A_279] : memref<10112x128xf32, #tpu.memory_space<vmem_shared>> -> memref<10112x128xf32, #tpu.memory_space<vmem_shared>>
        tpu.wait_indirect_dma semaphore(%run_scoped3A_268 : memref<!tpu.dma_semaphore, #tpu.memory_space<semaphore_mem>>) src(%arg13 : memref<64x128xf32, #tpu.memory_space<vmem>>) dst(%dma_wait3A_280 : memref<10112x128xf32, #tpu.memory_space<vmem_shared>>)
        tpu.yield
      }) : () -> ()
      %dma_start3A_109 = arith.constant 7 : i32
      %dma_start3A_110 = arith.constant 0 : i32
      %dma_start3A_111 = tpu.memref_slice %arg8[%dma_start3A_109, %dma_start3A_110] : memref<16x64xi32, #tpu.memory_space<vmem>> -> memref<1x64xi32, #tpu.memory_space<vmem>>
      %dma_start3A_112 = tpu.memref_squeeze %dma_start3A_111 : memref<1x64xi32, #tpu.memory_space<vmem>> -> memref<64xi32, #tpu.memory_space<vmem>>
      %dma_start3A_113 = arith.constant 0 : i32
      %dma_start3A_114 = arith.constant 0 : i32
      %dma_start3A_115 = tpu.memref_slice %arg2[%dma_start3A_113, %dma_start3A_114] : memref<10000x128xf32, #tpu.memory_space<hbm>> -> memref<10000x128xf32, #tpu.memory_space<hbm>>
      tpu.enqueue_indirect_dma source(%dma_start3A_115 : memref<10000x128xf32, #tpu.memory_space<hbm>>) target(%arg13 : memref<64x128xf32, #tpu.memory_space<vmem>>) offsets(%dma_start3A_112 : memref<64xi32, #tpu.memory_space<vmem>>) semaphore(%arg18 : memref<!tpu.dma_semaphore, #tpu.memory_space<semaphore_mem>>)
      %dma_wait3A_116 = arith.constant 4 : i32
      %dma_wait3A_117 = arith.constant 0 : i32
      %dma_wait3A_118 = tpu.memref_slice %arg8[%dma_wait3A_116, %dma_wait3A_117] : memref<16x64xi32, #tpu.memory_space<vmem>> -> memref<1x64xi32, #tpu.memory_space<vmem>>
      %dma_wait3A_119 = tpu.memref_squeeze %dma_wait3A_118 : memref<1x64xi32, #tpu.memory_space<vmem>> -> memref<64xi32, #tpu.memory_space<vmem>>
      %dma_wait3A_120 = arith.constant 0 : i32
      %dma_wait3A_121 = arith.constant 0 : i32
      %dma_wait3A_122 = tpu.memref_slice %arg2[%dma_wait3A_120, %dma_wait3A_121] : memref<10000x128xf32, #tpu.memory_space<hbm>> -> memref<10000x128xf32, #tpu.memory_space<hbm>>
      tpu.wait_indirect_dma semaphore(%arg15 : memref<!tpu.dma_semaphore, #tpu.memory_space<semaphore_mem>>) src(%dma_wait3A_122 : memref<10000x128xf32, #tpu.memory_space<hbm>>) dst(%arg10 : memref<64x128xf32, #tpu.memory_space<vmem>>)
      %run_scoped3A_123 = arith.constant 4 : i32
      "tpu.region"() ({
        %run_scoped3A_268 = tpu.sem_alloc : memref<!tpu.dma_semaphore, #tpu.memory_space<semaphore_mem>>
        %dma_start3A_269 = arith.constant 0 : i32
        %dma_start3A_270 = tpu.memref_slice %arg9[%run_scoped3A_123, %dma_start3A_269] : memref<16x64xi32, #tpu.memory_space<vmem>> -> memref<1x64xi32, #tpu.memory_space<vmem>>
        %dma_start3A_271 = tpu.memref_squeeze %dma_start3A_270 : memref<1x64xi32, #tpu.memory_space<vmem>> -> memref<64xi32, #tpu.memory_space<vmem>>
        %dma_start3A_272 = arith.constant 0 : i32
        %dma_start3A_273 = arith.constant 0 : i32
        %dma_start3A_274 = tpu.memref_slice %arg14[%dma_start3A_272, %dma_start3A_273] : memref<10112x128xf32, #tpu.memory_space<vmem_shared>> -> memref<10112x128xf32, #tpu.memory_space<vmem_shared>>
        tpu.enqueue_indirect_dma source(%arg10 : memref<64x128xf32, #tpu.memory_space<vmem>>) target(%dma_start3A_274 : memref<10112x128xf32, #tpu.memory_space<vmem_shared>>) offsets(%dma_start3A_271 : memref<64xi32, #tpu.memory_space<vmem>>) semaphore(%run_scoped3A_268 : memref<!tpu.dma_semaphore, #tpu.memory_space<semaphore_mem>>) {add = true}
        %dma_wait3A_275 = arith.constant 0 : i32
        %dma_wait3A_276 = tpu.memref_slice %arg9[%run_scoped3A_123, %dma_wait3A_275] : memref<16x64xi32, #tpu.memory_space<vmem>> -> memref<1x64xi32, #tpu.memory_space<vmem>>
        %dma_wait3A_277 = tpu.memref_squeeze %dma_wait3A_276 : memref<1x64xi32, #tpu.memory_space<vmem>> -> memref<64xi32, #tpu.memory_space<vmem>>
        %dma_wait3A_278 = arith.constant 0 : i32
        %dma_wait3A_279 = arith.constant 0 : i32
        %dma_wait3A_280 = tpu.memref_slice %arg14[%dma_wait3A_278, %dma_wait3A_279] : memref<10112x128xf32, #tpu.memory_space<vmem_shared>> -> memref<10112x128xf32, #tpu.memory_space<vmem_shared>>
        tpu.wait_indirect_dma semaphore(%run_scoped3A_268 : memref<!tpu.dma_semaphore, #tpu.memory_space<semaphore_mem>>) src(%arg10 : memref<64x128xf32, #tpu.memory_space<vmem>>) dst(%dma_wait3A_280 : memref<10112x128xf32, #tpu.memory_space<vmem_shared>>)
        tpu.yield
      }) : () -> ()
      %dma_start3A_124 = arith.constant 8 : i32
      %dma_start3A_125 = arith.constant 0 : i32
      %dma_start3A_126 = tpu.memref_slice %arg8[%dma_start3A_124, %dma_start3A_125] : memref<16x64xi32, #tpu.memory_space<vmem>> -> memref<1x64xi32, #tpu.memory_space<vmem>>
      %dma_start3A_127 = tpu.memref_squeeze %dma_start3A_126 : memref<1x64xi32, #tpu.memory_space<vmem>> -> memref<64xi32, #tpu.memory_space<vmem>>
      %dma_start3A_128 = arith.constant 0 : i32
      %dma_start3A_129 = arith.constant 0 : i32
      %dma_start3A_130 = tpu.memref_slice %arg2[%dma_start3A_128, %dma_start3A_129] : memref<10000x128xf32, #tpu.memory_space<hbm>> -> memref<10000x128xf32, #tpu.memory_space<hbm>>
      tpu.enqueue_indirect_dma source(%dma_start3A_130 : memref<10000x128xf32, #tpu.memory_space<hbm>>) target(%arg10 : memref<64x128xf32, #tpu.memory_space<vmem>>) offsets(%dma_start3A_127 : memref<64xi32, #tpu.memory_space<vmem>>) semaphore(%arg15 : memref<!tpu.dma_semaphore, #tpu.memory_space<semaphore_mem>>)
      %dma_wait3A_131 = arith.constant 5 : i32
      %dma_wait3A_132 = arith.constant 0 : i32
      %dma_wait3A_133 = tpu.memref_slice %arg8[%dma_wait3A_131, %dma_wait3A_132] : memref<16x64xi32, #tpu.memory_space<vmem>> -> memref<1x64xi32, #tpu.memory_space<vmem>>
      %dma_wait3A_134 = tpu.memref_squeeze %dma_wait3A_133 : memref<1x64xi32, #tpu.memory_space<vmem>> -> memref<64xi32, #tpu.memory_space<vmem>>
      %dma_wait3A_135 = arith.constant 0 : i32
      %dma_wait3A_136 = arith.constant 0 : i32
      %dma_wait3A_137 = tpu.memref_slice %arg2[%dma_wait3A_135, %dma_wait3A_136] : memref<10000x128xf32, #tpu.memory_space<hbm>> -> memref<10000x128xf32, #tpu.memory_space<hbm>>
      tpu.wait_indirect_dma semaphore(%arg16 : memref<!tpu.dma_semaphore, #tpu.memory_space<semaphore_mem>>) src(%dma_wait3A_137 : memref<10000x128xf32, #tpu.memory_space<hbm>>) dst(%arg11 : memref<64x128xf32, #tpu.memory_space<vmem>>)
      %run_scoped3A_138 = arith.constant 5 : i32
      "tpu.region"() ({
        %run_scoped3A_268 = tpu.sem_alloc : memref<!tpu.dma_semaphore, #tpu.memory_space<semaphore_mem>>
        %dma_start3A_269 = arith.constant 0 : i32
        %dma_start3A_270 = tpu.memref_slice %arg9[%run_scoped3A_138, %dma_start3A_269] : memref<16x64xi32, #tpu.memory_space<vmem>> -> memref<1x64xi32, #tpu.memory_space<vmem>>
        %dma_start3A_271 = tpu.memref_squeeze %dma_start3A_270 : memref<1x64xi32, #tpu.memory_space<vmem>> -> memref<64xi32, #tpu.memory_space<vmem>>
        %dma_start3A_272 = arith.constant 0 : i32
        %dma_start3A_273 = arith.constant 0 : i32
        %dma_start3A_274 = tpu.memref_slice %arg14[%dma_start3A_272, %dma_start3A_273] : memref<10112x128xf32, #tpu.memory_space<vmem_shared>> -> memref<10112x128xf32, #tpu.memory_space<vmem_shared>>
        tpu.enqueue_indirect_dma source(%arg11 : memref<64x128xf32, #tpu.memory_space<vmem>>) target(%dma_start3A_274 : memref<10112x128xf32, #tpu.memory_space<vmem_shared>>) offsets(%dma_start3A_271 : memref<64xi32, #tpu.memory_space<vmem>>) semaphore(%run_scoped3A_268 : memref<!tpu.dma_semaphore, #tpu.memory_space<semaphore_mem>>) {add = true}
        %dma_wait3A_275 = arith.constant 0 : i32
        %dma_wait3A_276 = tpu.memref_slice %arg9[%run_scoped3A_138, %dma_wait3A_275] : memref<16x64xi32, #tpu.memory_space<vmem>> -> memref<1x64xi32, #tpu.memory_space<vmem>>
        %dma_wait3A_277 = tpu.memref_squeeze %dma_wait3A_276 : memref<1x64xi32, #tpu.memory_space<vmem>> -> memref<64xi32, #tpu.memory_space<vmem>>
        %dma_wait3A_278 = arith.constant 0 : i32
        %dma_wait3A_279 = arith.constant 0 : i32
        %dma_wait3A_280 = tpu.memref_slice %arg14[%dma_wait3A_278, %dma_wait3A_279] : memref<10112x128xf32, #tpu.memory_space<vmem_shared>> -> memref<10112x128xf32, #tpu.memory_space<vmem_shared>>
        tpu.wait_indirect_dma semaphore(%run_scoped3A_268 : memref<!tpu.dma_semaphore, #tpu.memory_space<semaphore_mem>>) src(%arg11 : memref<64x128xf32, #tpu.memory_space<vmem>>) dst(%dma_wait3A_280 : memref<10112x128xf32, #tpu.memory_space<vmem_shared>>)
        tpu.yield
      }) : () -> ()
      %dma_start3A_139 = arith.constant 9 : i32
      %dma_start3A_140 = arith.constant 0 : i32
      %dma_start3A_141 = tpu.memref_slice %arg8[%dma_start3A_139, %dma_start3A_140] : memref<16x64xi32, #tpu.memory_space<vmem>> -> memref<1x64xi32, #tpu.memory_space<vmem>>
      %dma_start3A_142 = tpu.memref_squeeze %dma_start3A_141 : memref<1x64xi32, #tpu.memory_space<vmem>> -> memref<64xi32, #tpu.memory_space<vmem>>
      %dma_start3A_143 = arith.constant 0 : i32
      %dma_start3A_144 = arith.constant 0 : i32
      %dma_start3A_145 = tpu.memref_slice %arg2[%dma_start3A_143, %dma_start3A_144] : memref<10000x128xf32, #tpu.memory_space<hbm>> -> memref<10000x128xf32, #tpu.memory_space<hbm>>
      tpu.enqueue_indirect_dma source(%dma_start3A_145 : memref<10000x128xf32, #tpu.memory_space<hbm>>) target(%arg11 : memref<64x128xf32, #tpu.memory_space<vmem>>) offsets(%dma_start3A_142 : memref<64xi32, #tpu.memory_space<vmem>>) semaphore(%arg16 : memref<!tpu.dma_semaphore, #tpu.memory_space<semaphore_mem>>)
      %dma_wait3A_146 = arith.constant 6 : i32
      %dma_wait3A_147 = arith.constant 0 : i32
      %dma_wait3A_148 = tpu.memref_slice %arg8[%dma_wait3A_146, %dma_wait3A_147] : memref<16x64xi32, #tpu.memory_space<vmem>> -> memref<1x64xi32, #tpu.memory_space<vmem>>
      %dma_wait3A_149 = tpu.memref_squeeze %dma_wait3A_148 : memref<1x64xi32, #tpu.memory_space<vmem>> -> memref<64xi32, #tpu.memory_space<vmem>>
      %dma_wait3A_150 = arith.constant 0 : i32
      %dma_wait3A_151 = arith.constant 0 : i32
      %dma_wait3A_152 = tpu.memref_slice %arg2[%dma_wait3A_150, %dma_wait3A_151] : memref<10000x128xf32, #tpu.memory_space<hbm>> -> memref<10000x128xf32, #tpu.memory_space<hbm>>
      tpu.wait_indirect_dma semaphore(%arg17 : memref<!tpu.dma_semaphore, #tpu.memory_space<semaphore_mem>>) src(%dma_wait3A_152 : memref<10000x128xf32, #tpu.memory_space<hbm>>) dst(%arg12 : memref<64x128xf32, #tpu.memory_space<vmem>>)
      %run_scoped3A_153 = arith.constant 6 : i32
      "tpu.region"() ({
        %run_scoped3A_268 = tpu.sem_alloc : memref<!tpu.dma_semaphore, #tpu.memory_space<semaphore_mem>>
        %dma_start3A_269 = arith.constant 0 : i32
        %dma_start3A_270 = tpu.memref_slice %arg9[%run_scoped3A_153, %dma_start3A_269] : memref<16x64xi32, #tpu.memory_space<vmem>> -> memref<1x64xi32, #tpu.memory_space<vmem>>
        %dma_start3A_271 = tpu.memref_squeeze %dma_start3A_270 : memref<1x64xi32, #tpu.memory_space<vmem>> -> memref<64xi32, #tpu.memory_space<vmem>>
        %dma_start3A_272 = arith.constant 0 : i32
        %dma_start3A_273 = arith.constant 0 : i32
        %dma_start3A_274 = tpu.memref_slice %arg14[%dma_start3A_272, %dma_start3A_273] : memref<10112x128xf32, #tpu.memory_space<vmem_shared>> -> memref<10112x128xf32, #tpu.memory_space<vmem_shared>>
        tpu.enqueue_indirect_dma source(%arg12 : memref<64x128xf32, #tpu.memory_space<vmem>>) target(%dma_start3A_274 : memref<10112x128xf32, #tpu.memory_space<vmem_shared>>) offsets(%dma_start3A_271 : memref<64xi32, #tpu.memory_space<vmem>>) semaphore(%run_scoped3A_268 : memref<!tpu.dma_semaphore, #tpu.memory_space<semaphore_mem>>) {add = true}
        %dma_wait3A_275 = arith.constant 0 : i32
        %dma_wait3A_276 = tpu.memref_slice %arg9[%run_scoped3A_153, %dma_wait3A_275] : memref<16x64xi32, #tpu.memory_space<vmem>> -> memref<1x64xi32, #tpu.memory_space<vmem>>
        %dma_wait3A_277 = tpu.memref_squeeze %dma_wait3A_276 : memref<1x64xi32, #tpu.memory_space<vmem>> -> memref<64xi32, #tpu.memory_space<vmem>>
        %dma_wait3A_278 = arith.constant 0 : i32
        %dma_wait3A_279 = arith.constant 0 : i32
        %dma_wait3A_280 = tpu.memref_slice %arg14[%dma_wait3A_278, %dma_wait3A_279] : memref<10112x128xf32, #tpu.memory_space<vmem_shared>> -> memref<10112x128xf32, #tpu.memory_space<vmem_shared>>
        tpu.wait_indirect_dma semaphore(%run_scoped3A_268 : memref<!tpu.dma_semaphore, #tpu.memory_space<semaphore_mem>>) src(%arg12 : memref<64x128xf32, #tpu.memory_space<vmem>>) dst(%dma_wait3A_280 : memref<10112x128xf32, #tpu.memory_space<vmem_shared>>)
        tpu.yield
      }) : () -> ()
      %dma_start3A_154 = arith.constant 10 : i32
      %dma_start3A_155 = arith.constant 0 : i32
      %dma_start3A_156 = tpu.memref_slice %arg8[%dma_start3A_154, %dma_start3A_155] : memref<16x64xi32, #tpu.memory_space<vmem>> -> memref<1x64xi32, #tpu.memory_space<vmem>>
      %dma_start3A_157 = tpu.memref_squeeze %dma_start3A_156 : memref<1x64xi32, #tpu.memory_space<vmem>> -> memref<64xi32, #tpu.memory_space<vmem>>
      %dma_start3A_158 = arith.constant 0 : i32
      %dma_start3A_159 = arith.constant 0 : i32
      %dma_start3A_160 = tpu.memref_slice %arg2[%dma_start3A_158, %dma_start3A_159] : memref<10000x128xf32, #tpu.memory_space<hbm>> -> memref<10000x128xf32, #tpu.memory_space<hbm>>
      tpu.enqueue_indirect_dma source(%dma_start3A_160 : memref<10000x128xf32, #tpu.memory_space<hbm>>) target(%arg12 : memref<64x128xf32, #tpu.memory_space<vmem>>) offsets(%dma_start3A_157 : memref<64xi32, #tpu.memory_space<vmem>>) semaphore(%arg17 : memref<!tpu.dma_semaphore, #tpu.memory_space<semaphore_mem>>)
      %dma_wait3A_161 = arith.constant 7 : i32
      %dma_wait3A_162 = arith.constant 0 : i32
      %dma_wait3A_163 = tpu.memref_slice %arg8[%dma_wait3A_161, %dma_wait3A_162] : memref<16x64xi32, #tpu.memory_space<vmem>> -> memref<1x64xi32, #tpu.memory_space<vmem>>
      %dma_wait3A_164 = tpu.memref_squeeze %dma_wait3A_163 : memref<1x64xi32, #tpu.memory_space<vmem>> -> memref<64xi32, #tpu.memory_space<vmem>>
      %dma_wait3A_165 = arith.constant 0 : i32
      %dma_wait3A_166 = arith.constant 0 : i32
      %dma_wait3A_167 = tpu.memref_slice %arg2[%dma_wait3A_165, %dma_wait3A_166] : memref<10000x128xf32, #tpu.memory_space<hbm>> -> memref<10000x128xf32, #tpu.memory_space<hbm>>
      tpu.wait_indirect_dma semaphore(%arg18 : memref<!tpu.dma_semaphore, #tpu.memory_space<semaphore_mem>>) src(%dma_wait3A_167 : memref<10000x128xf32, #tpu.memory_space<hbm>>) dst(%arg13 : memref<64x128xf32, #tpu.memory_space<vmem>>)
      %run_scoped3A_168 = arith.constant 7 : i32
      "tpu.region"() ({
        %run_scoped3A_268 = tpu.sem_alloc : memref<!tpu.dma_semaphore, #tpu.memory_space<semaphore_mem>>
        %dma_start3A_269 = arith.constant 0 : i32
        %dma_start3A_270 = tpu.memref_slice %arg9[%run_scoped3A_168, %dma_start3A_269] : memref<16x64xi32, #tpu.memory_space<vmem>> -> memref<1x64xi32, #tpu.memory_space<vmem>>
        %dma_start3A_271 = tpu.memref_squeeze %dma_start3A_270 : memref<1x64xi32, #tpu.memory_space<vmem>> -> memref<64xi32, #tpu.memory_space<vmem>>
        %dma_start3A_272 = arith.constant 0 : i32
        %dma_start3A_273 = arith.constant 0 : i32
        %dma_start3A_274 = tpu.memref_slice %arg14[%dma_start3A_272, %dma_start3A_273] : memref<10112x128xf32, #tpu.memory_space<vmem_shared>> -> memref<10112x128xf32, #tpu.memory_space<vmem_shared>>
        tpu.enqueue_indirect_dma source(%arg13 : memref<64x128xf32, #tpu.memory_space<vmem>>) target(%dma_start3A_274 : memref<10112x128xf32, #tpu.memory_space<vmem_shared>>) offsets(%dma_start3A_271 : memref<64xi32, #tpu.memory_space<vmem>>) semaphore(%run_scoped3A_268 : memref<!tpu.dma_semaphore, #tpu.memory_space<semaphore_mem>>) {add = true}
        %dma_wait3A_275 = arith.constant 0 : i32
        %dma_wait3A_276 = tpu.memref_slice %arg9[%run_scoped3A_168, %dma_wait3A_275] : memref<16x64xi32, #tpu.memory_space<vmem>> -> memref<1x64xi32, #tpu.memory_space<vmem>>
        %dma_wait3A_277 = tpu.memref_squeeze %dma_wait3A_276 : memref<1x64xi32, #tpu.memory_space<vmem>> -> memref<64xi32, #tpu.memory_space<vmem>>
        %dma_wait3A_278 = arith.constant 0 : i32
        %dma_wait3A_279 = arith.constant 0 : i32
        %dma_wait3A_280 = tpu.memref_slice %arg14[%dma_wait3A_278, %dma_wait3A_279] : memref<10112x128xf32, #tpu.memory_space<vmem_shared>> -> memref<10112x128xf32, #tpu.memory_space<vmem_shared>>
        tpu.wait_indirect_dma semaphore(%run_scoped3A_268 : memref<!tpu.dma_semaphore, #tpu.memory_space<semaphore_mem>>) src(%arg13 : memref<64x128xf32, #tpu.memory_space<vmem>>) dst(%dma_wait3A_280 : memref<10112x128xf32, #tpu.memory_space<vmem_shared>>)
        tpu.yield
      }) : () -> ()
      %dma_start3A_169 = arith.constant 11 : i32
      %dma_start3A_170 = arith.constant 0 : i32
      %dma_start3A_171 = tpu.memref_slice %arg8[%dma_start3A_169, %dma_start3A_170] : memref<16x64xi32, #tpu.memory_space<vmem>> -> memref<1x64xi32, #tpu.memory_space<vmem>>
      %dma_start3A_172 = tpu.memref_squeeze %dma_start3A_171 : memref<1x64xi32, #tpu.memory_space<vmem>> -> memref<64xi32, #tpu.memory_space<vmem>>
      %dma_start3A_173 = arith.constant 0 : i32
      %dma_start3A_174 = arith.constant 0 : i32
      %dma_start3A_175 = tpu.memref_slice %arg2[%dma_start3A_173, %dma_start3A_174] : memref<10000x128xf32, #tpu.memory_space<hbm>> -> memref<10000x128xf32, #tpu.memory_space<hbm>>
      tpu.enqueue_indirect_dma source(%dma_start3A_175 : memref<10000x128xf32, #tpu.memory_space<hbm>>) target(%arg13 : memref<64x128xf32, #tpu.memory_space<vmem>>) offsets(%dma_start3A_172 : memref<64xi32, #tpu.memory_space<vmem>>) semaphore(%arg18 : memref<!tpu.dma_semaphore, #tpu.memory_space<semaphore_mem>>)
      %dma_wait3A_176 = arith.constant 8 : i32
      %dma_wait3A_177 = arith.constant 0 : i32
      %dma_wait3A_178 = tpu.memref_slice %arg8[%dma_wait3A_176, %dma_wait3A_177] : memref<16x64xi32, #tpu.memory_space<vmem>> -> memref<1x64xi32, #tpu.memory_space<vmem>>
      %dma_wait3A_179 = tpu.memref_squeeze %dma_wait3A_178 : memref<1x64xi32, #tpu.memory_space<vmem>> -> memref<64xi32, #tpu.memory_space<vmem>>
      %dma_wait3A_180 = arith.constant 0 : i32
      %dma_wait3A_181 = arith.constant 0 : i32
      %dma_wait3A_182 = tpu.memref_slice %arg2[%dma_wait3A_180, %dma_wait3A_181] : memref<10000x128xf32, #tpu.memory_space<hbm>> -> memref<10000x128xf32, #tpu.memory_space<hbm>>
      tpu.wait_indirect_dma semaphore(%arg15 : memref<!tpu.dma_semaphore, #tpu.memory_space<semaphore_mem>>) src(%dma_wait3A_182 : memref<10000x128xf32, #tpu.memory_space<hbm>>) dst(%arg10 : memref<64x128xf32, #tpu.memory_space<vmem>>)
      %run_scoped3A_183 = arith.constant 8 : i32
      "tpu.region"() ({
        %run_scoped3A_268 = tpu.sem_alloc : memref<!tpu.dma_semaphore, #tpu.memory_space<semaphore_mem>>
        %dma_start3A_269 = arith.constant 0 : i32
        %dma_start3A_270 = tpu.memref_slice %arg9[%run_scoped3A_183, %dma_start3A_269] : memref<16x64xi32, #tpu.memory_space<vmem>> -> memref<1x64xi32, #tpu.memory_space<vmem>>
        %dma_start3A_271 = tpu.memref_squeeze %dma_start3A_270 : memref<1x64xi32, #tpu.memory_space<vmem>> -> memref<64xi32, #tpu.memory_space<vmem>>
        %dma_start3A_272 = arith.constant 0 : i32
        %dma_start3A_273 = arith.constant 0 : i32
        %dma_start3A_274 = tpu.memref_slice %arg14[%dma_start3A_272, %dma_start3A_273] : memref<10112x128xf32, #tpu.memory_space<vmem_shared>> -> memref<10112x128xf32, #tpu.memory_space<vmem_shared>>
        tpu.enqueue_indirect_dma source(%arg10 : memref<64x128xf32, #tpu.memory_space<vmem>>) target(%dma_start3A_274 : memref<10112x128xf32, #tpu.memory_space<vmem_shared>>) offsets(%dma_start3A_271 : memref<64xi32, #tpu.memory_space<vmem>>) semaphore(%run_scoped3A_268 : memref<!tpu.dma_semaphore, #tpu.memory_space<semaphore_mem>>) {add = true}
        %dma_wait3A_275 = arith.constant 0 : i32
        %dma_wait3A_276 = tpu.memref_slice %arg9[%run_scoped3A_183, %dma_wait3A_275] : memref<16x64xi32, #tpu.memory_space<vmem>> -> memref<1x64xi32, #tpu.memory_space<vmem>>
        %dma_wait3A_277 = tpu.memref_squeeze %dma_wait3A_276 : memref<1x64xi32, #tpu.memory_space<vmem>> -> memref<64xi32, #tpu.memory_space<vmem>>
        %dma_wait3A_278 = arith.constant 0 : i32
        %dma_wait3A_279 = arith.constant 0 : i32
        %dma_wait3A_280 = tpu.memref_slice %arg14[%dma_wait3A_278, %dma_wait3A_279] : memref<10112x128xf32, #tpu.memory_space<vmem_shared>> -> memref<10112x128xf32, #tpu.memory_space<vmem_shared>>
        tpu.wait_indirect_dma semaphore(%run_scoped3A_268 : memref<!tpu.dma_semaphore, #tpu.memory_space<semaphore_mem>>) src(%arg10 : memref<64x128xf32, #tpu.memory_space<vmem>>) dst(%dma_wait3A_280 : memref<10112x128xf32, #tpu.memory_space<vmem_shared>>)
        tpu.yield
      }) : () -> ()
      %dma_start3A_184 = arith.constant 12 : i32
      %dma_start3A_185 = arith.constant 0 : i32
      %dma_start3A_186 = tpu.memref_slice %arg8[%dma_start3A_184, %dma_start3A_185] : memref<16x64xi32, #tpu.memory_space<vmem>> -> memref<1x64xi32, #tpu.memory_space<vmem>>
      %dma_start3A_187 = tpu.memref_squeeze %dma_start3A_186 : memref<1x64xi32, #tpu.memory_space<vmem>> -> memref<64xi32, #tpu.memory_space<vmem>>
      %dma_start3A_188 = arith.constant 0 : i32
      %dma_start3A_189 = arith.constant 0 : i32
      %dma_start3A_190 = tpu.memref_slice %arg2[%dma_start3A_188, %dma_start3A_189] : memref<10000x128xf32, #tpu.memory_space<hbm>> -> memref<10000x128xf32, #tpu.memory_space<hbm>>
      tpu.enqueue_indirect_dma source(%dma_start3A_190 : memref<10000x128xf32, #tpu.memory_space<hbm>>) target(%arg10 : memref<64x128xf32, #tpu.memory_space<vmem>>) offsets(%dma_start3A_187 : memref<64xi32, #tpu.memory_space<vmem>>) semaphore(%arg15 : memref<!tpu.dma_semaphore, #tpu.memory_space<semaphore_mem>>)
      %dma_wait3A_191 = arith.constant 9 : i32
      %dma_wait3A_192 = arith.constant 0 : i32
      %dma_wait3A_193 = tpu.memref_slice %arg8[%dma_wait3A_191, %dma_wait3A_192] : memref<16x64xi32, #tpu.memory_space<vmem>> -> memref<1x64xi32, #tpu.memory_space<vmem>>
      %dma_wait3A_194 = tpu.memref_squeeze %dma_wait3A_193 : memref<1x64xi32, #tpu.memory_space<vmem>> -> memref<64xi32, #tpu.memory_space<vmem>>
      %dma_wait3A_195 = arith.constant 0 : i32
      %dma_wait3A_196 = arith.constant 0 : i32
      %dma_wait3A_197 = tpu.memref_slice %arg2[%dma_wait3A_195, %dma_wait3A_196] : memref<10000x128xf32, #tpu.memory_space<hbm>> -> memref<10000x128xf32, #tpu.memory_space<hbm>>
      tpu.wait_indirect_dma semaphore(%arg16 : memref<!tpu.dma_semaphore, #tpu.memory_space<semaphore_mem>>) src(%dma_wait3A_197 : memref<10000x128xf32, #tpu.memory_space<hbm>>) dst(%arg11 : memref<64x128xf32, #tpu.memory_space<vmem>>)
      %run_scoped3A_198 = arith.constant 9 : i32
      "tpu.region"() ({
        %run_scoped3A_268 = tpu.sem_alloc : memref<!tpu.dma_semaphore, #tpu.memory_space<semaphore_mem>>
        %dma_start3A_269 = arith.constant 0 : i32
        %dma_start3A_270 = tpu.memref_slice %arg9[%run_scoped3A_198, %dma_start3A_269] : memref<16x64xi32, #tpu.memory_space<vmem>> -> memref<1x64xi32, #tpu.memory_space<vmem>>
        %dma_start3A_271 = tpu.memref_squeeze %dma_start3A_270 : memref<1x64xi32, #tpu.memory_space<vmem>> -> memref<64xi32, #tpu.memory_space<vmem>>
        %dma_start3A_272 = arith.constant 0 : i32
        %dma_start3A_273 = arith.constant 0 : i32
        %dma_start3A_274 = tpu.memref_slice %arg14[%dma_start3A_272, %dma_start3A_273] : memref<10112x128xf32, #tpu.memory_space<vmem_shared>> -> memref<10112x128xf32, #tpu.memory_space<vmem_shared>>
        tpu.enqueue_indirect_dma source(%arg11 : memref<64x128xf32, #tpu.memory_space<vmem>>) target(%dma_start3A_274 : memref<10112x128xf32, #tpu.memory_space<vmem_shared>>) offsets(%dma_start3A_271 : memref<64xi32, #tpu.memory_space<vmem>>) semaphore(%run_scoped3A_268 : memref<!tpu.dma_semaphore, #tpu.memory_space<semaphore_mem>>) {add = true}
        %dma_wait3A_275 = arith.constant 0 : i32
        %dma_wait3A_276 = tpu.memref_slice %arg9[%run_scoped3A_198, %dma_wait3A_275] : memref<16x64xi32, #tpu.memory_space<vmem>> -> memref<1x64xi32, #tpu.memory_space<vmem>>
        %dma_wait3A_277 = tpu.memref_squeeze %dma_wait3A_276 : memref<1x64xi32, #tpu.memory_space<vmem>> -> memref<64xi32, #tpu.memory_space<vmem>>
        %dma_wait3A_278 = arith.constant 0 : i32
        %dma_wait3A_279 = arith.constant 0 : i32
        %dma_wait3A_280 = tpu.memref_slice %arg14[%dma_wait3A_278, %dma_wait3A_279] : memref<10112x128xf32, #tpu.memory_space<vmem_shared>> -> memref<10112x128xf32, #tpu.memory_space<vmem_shared>>
        tpu.wait_indirect_dma semaphore(%run_scoped3A_268 : memref<!tpu.dma_semaphore, #tpu.memory_space<semaphore_mem>>) src(%arg11 : memref<64x128xf32, #tpu.memory_space<vmem>>) dst(%dma_wait3A_280 : memref<10112x128xf32, #tpu.memory_space<vmem_shared>>)
        tpu.yield
      }) : () -> ()
      %dma_start3A_199 = arith.constant 13 : i32
      %dma_start3A_200 = arith.constant 0 : i32
      %dma_start3A_201 = tpu.memref_slice %arg8[%dma_start3A_199, %dma_start3A_200] : memref<16x64xi32, #tpu.memory_space<vmem>> -> memref<1x64xi32, #tpu.memory_space<vmem>>
      %dma_start3A_202 = tpu.memref_squeeze %dma_start3A_201 : memref<1x64xi32, #tpu.memory_space<vmem>> -> memref<64xi32, #tpu.memory_space<vmem>>
      %dma_start3A_203 = arith.constant 0 : i32
      %dma_start3A_204 = arith.constant 0 : i32
      %dma_start3A_205 = tpu.memref_slice %arg2[%dma_start3A_203, %dma_start3A_204] : memref<10000x128xf32, #tpu.memory_space<hbm>> -> memref<10000x128xf32, #tpu.memory_space<hbm>>
      tpu.enqueue_indirect_dma source(%dma_start3A_205 : memref<10000x128xf32, #tpu.memory_space<hbm>>) target(%arg11 : memref<64x128xf32, #tpu.memory_space<vmem>>) offsets(%dma_start3A_202 : memref<64xi32, #tpu.memory_space<vmem>>) semaphore(%arg16 : memref<!tpu.dma_semaphore, #tpu.memory_space<semaphore_mem>>)
      %dma_wait3A_206 = arith.constant 10 : i32
      %dma_wait3A_207 = arith.constant 0 : i32
      %dma_wait3A_208 = tpu.memref_slice %arg8[%dma_wait3A_206, %dma_wait3A_207] : memref<16x64xi32, #tpu.memory_space<vmem>> -> memref<1x64xi32, #tpu.memory_space<vmem>>
      %dma_wait3A_209 = tpu.memref_squeeze %dma_wait3A_208 : memref<1x64xi32, #tpu.memory_space<vmem>> -> memref<64xi32, #tpu.memory_space<vmem>>
      %dma_wait3A_210 = arith.constant 0 : i32
      %dma_wait3A_211 = arith.constant 0 : i32
      %dma_wait3A_212 = tpu.memref_slice %arg2[%dma_wait3A_210, %dma_wait3A_211] : memref<10000x128xf32, #tpu.memory_space<hbm>> -> memref<10000x128xf32, #tpu.memory_space<hbm>>
      tpu.wait_indirect_dma semaphore(%arg17 : memref<!tpu.dma_semaphore, #tpu.memory_space<semaphore_mem>>) src(%dma_wait3A_212 : memref<10000x128xf32, #tpu.memory_space<hbm>>) dst(%arg12 : memref<64x128xf32, #tpu.memory_space<vmem>>)
      %run_scoped3A_213 = arith.constant 10 : i32
      "tpu.region"() ({
        %run_scoped3A_268 = tpu.sem_alloc : memref<!tpu.dma_semaphore, #tpu.memory_space<semaphore_mem>>
        %dma_start3A_269 = arith.constant 0 : i32
        %dma_start3A_270 = tpu.memref_slice %arg9[%run_scoped3A_213, %dma_start3A_269] : memref<16x64xi32, #tpu.memory_space<vmem>> -> memref<1x64xi32, #tpu.memory_space<vmem>>
        %dma_start3A_271 = tpu.memref_squeeze %dma_start3A_270 : memref<1x64xi32, #tpu.memory_space<vmem>> -> memref<64xi32, #tpu.memory_space<vmem>>
        %dma_start3A_272 = arith.constant 0 : i32
        %dma_start3A_273 = arith.constant 0 : i32
        %dma_start3A_274 = tpu.memref_slice %arg14[%dma_start3A_272, %dma_start3A_273] : memref<10112x128xf32, #tpu.memory_space<vmem_shared>> -> memref<10112x128xf32, #tpu.memory_space<vmem_shared>>
        tpu.enqueue_indirect_dma source(%arg12 : memref<64x128xf32, #tpu.memory_space<vmem>>) target(%dma_start3A_274 : memref<10112x128xf32, #tpu.memory_space<vmem_shared>>) offsets(%dma_start3A_271 : memref<64xi32, #tpu.memory_space<vmem>>) semaphore(%run_scoped3A_268 : memref<!tpu.dma_semaphore, #tpu.memory_space<semaphore_mem>>) {add = true}
        %dma_wait3A_275 = arith.constant 0 : i32
        %dma_wait3A_276 = tpu.memref_slice %arg9[%run_scoped3A_213, %dma_wait3A_275] : memref<16x64xi32, #tpu.memory_space<vmem>> -> memref<1x64xi32, #tpu.memory_space<vmem>>
        %dma_wait3A_277 = tpu.memref_squeeze %dma_wait3A_276 : memref<1x64xi32, #tpu.memory_space<vmem>> -> memref<64xi32, #tpu.memory_space<vmem>>
        %dma_wait3A_278 = arith.constant 0 : i32
        %dma_wait3A_279 = arith.constant 0 : i32
        %dma_wait3A_280 = tpu.memref_slice %arg14[%dma_wait3A_278, %dma_wait3A_279] : memref<10112x128xf32, #tpu.memory_space<vmem_shared>> -> memref<10112x128xf32, #tpu.memory_space<vmem_shared>>
        tpu.wait_indirect_dma semaphore(%run_scoped3A_268 : memref<!tpu.dma_semaphore, #tpu.memory_space<semaphore_mem>>) src(%arg12 : memref<64x128xf32, #tpu.memory_space<vmem>>) dst(%dma_wait3A_280 : memref<10112x128xf32, #tpu.memory_space<vmem_shared>>)
        tpu.yield
      }) : () -> ()
      %dma_start3A_214 = arith.constant 14 : i32
      %dma_start3A_215 = arith.constant 0 : i32
      %dma_start3A_216 = tpu.memref_slice %arg8[%dma_start3A_214, %dma_start3A_215] : memref<16x64xi32, #tpu.memory_space<vmem>> -> memref<1x64xi32, #tpu.memory_space<vmem>>
      %dma_start3A_217 = tpu.memref_squeeze %dma_start3A_216 : memref<1x64xi32, #tpu.memory_space<vmem>> -> memref<64xi32, #tpu.memory_space<vmem>>
      %dma_start3A_218 = arith.constant 0 : i32
      %dma_start3A_219 = arith.constant 0 : i32
      %dma_start3A_220 = tpu.memref_slice %arg2[%dma_start3A_218, %dma_start3A_219] : memref<10000x128xf32, #tpu.memory_space<hbm>> -> memref<10000x128xf32, #tpu.memory_space<hbm>>
      tpu.enqueue_indirect_dma source(%dma_start3A_220 : memref<10000x128xf32, #tpu.memory_space<hbm>>) target(%arg12 : memref<64x128xf32, #tpu.memory_space<vmem>>) offsets(%dma_start3A_217 : memref<64xi32, #tpu.memory_space<vmem>>) semaphore(%arg17 : memref<!tpu.dma_semaphore, #tpu.memory_space<semaphore_mem>>)
      %dma_wait3A_221 = arith.constant 11 : i32
      %dma_wait3A_222 = arith.constant 0 : i32
      %dma_wait3A_223 = tpu.memref_slice %arg8[%dma_wait3A_221, %dma_wait3A_222] : memref<16x64xi32, #tpu.memory_space<vmem>> -> memref<1x64xi32, #tpu.memory_space<vmem>>
      %dma_wait3A_224 = tpu.memref_squeeze %dma_wait3A_223 : memref<1x64xi32, #tpu.memory_space<vmem>> -> memref<64xi32, #tpu.memory_space<vmem>>
      %dma_wait3A_225 = arith.constant 0 : i32
      %dma_wait3A_226 = arith.constant 0 : i32
      %dma_wait3A_227 = tpu.memref_slice %arg2[%dma_wait3A_225, %dma_wait3A_226] : memref<10000x128xf32, #tpu.memory_space<hbm>> -> memref<10000x128xf32, #tpu.memory_space<hbm>>
      tpu.wait_indirect_dma semaphore(%arg18 : memref<!tpu.dma_semaphore, #tpu.memory_space<semaphore_mem>>) src(%dma_wait3A_227 : memref<10000x128xf32, #tpu.memory_space<hbm>>) dst(%arg13 : memref<64x128xf32, #tpu.memory_space<vmem>>)
      %run_scoped3A_228 = arith.constant 11 : i32
      "tpu.region"() ({
        %run_scoped3A_268 = tpu.sem_alloc : memref<!tpu.dma_semaphore, #tpu.memory_space<semaphore_mem>>
        %dma_start3A_269 = arith.constant 0 : i32
        %dma_start3A_270 = tpu.memref_slice %arg9[%run_scoped3A_228, %dma_start3A_269] : memref<16x64xi32, #tpu.memory_space<vmem>> -> memref<1x64xi32, #tpu.memory_space<vmem>>
        %dma_start3A_271 = tpu.memref_squeeze %dma_start3A_270 : memref<1x64xi32, #tpu.memory_space<vmem>> -> memref<64xi32, #tpu.memory_space<vmem>>
        %dma_start3A_272 = arith.constant 0 : i32
        %dma_start3A_273 = arith.constant 0 : i32
        %dma_start3A_274 = tpu.memref_slice %arg14[%dma_start3A_272, %dma_start3A_273] : memref<10112x128xf32, #tpu.memory_space<vmem_shared>> -> memref<10112x128xf32, #tpu.memory_space<vmem_shared>>
        tpu.enqueue_indirect_dma source(%arg13 : memref<64x128xf32, #tpu.memory_space<vmem>>) target(%dma_start3A_274 : memref<10112x128xf32, #tpu.memory_space<vmem_shared>>) offsets(%dma_start3A_271 : memref<64xi32, #tpu.memory_space<vmem>>) semaphore(%run_scoped3A_268 : memref<!tpu.dma_semaphore, #tpu.memory_space<semaphore_mem>>) {add = true}
        %dma_wait3A_275 = arith.constant 0 : i32
        %dma_wait3A_276 = tpu.memref_slice %arg9[%run_scoped3A_228, %dma_wait3A_275] : memref<16x64xi32, #tpu.memory_space<vmem>> -> memref<1x64xi32, #tpu.memory_space<vmem>>
        %dma_wait3A_277 = tpu.memref_squeeze %dma_wait3A_276 : memref<1x64xi32, #tpu.memory_space<vmem>> -> memref<64xi32, #tpu.memory_space<vmem>>
        %dma_wait3A_278 = arith.constant 0 : i32
        %dma_wait3A_279 = arith.constant 0 : i32
        %dma_wait3A_280 = tpu.memref_slice %arg14[%dma_wait3A_278, %dma_wait3A_279] : memref<10112x128xf32, #tpu.memory_space<vmem_shared>> -> memref<10112x128xf32, #tpu.memory_space<vmem_shared>>
        tpu.wait_indirect_dma semaphore(%run_scoped3A_268 : memref<!tpu.dma_semaphore, #tpu.memory_space<semaphore_mem>>) src(%arg13 : memref<64x128xf32, #tpu.memory_space<vmem>>) dst(%dma_wait3A_280 : memref<10112x128xf32, #tpu.memory_space<vmem_shared>>)
        tpu.yield
      }) : () -> ()
      %dma_start3A_229 = arith.constant 15 : i32
      %dma_start3A_230 = arith.constant 0 : i32
      %dma_start3A_231 = tpu.memref_slice %arg8[%dma_start3A_229, %dma_start3A_230] : memref<16x64xi32, #tpu.memory_space<vmem>> -> memref<1x64xi32, #tpu.memory_space<vmem>>
      %dma_start3A_232 = tpu.memref_squeeze %dma_start3A_231 : memref<1x64xi32, #tpu.memory_space<vmem>> -> memref<64xi32, #tpu.memory_space<vmem>>
      %dma_start3A_233 = arith.constant 0 : i32
      %dma_start3A_234 = arith.constant 0 : i32
      %dma_start3A_235 = tpu.memref_slice %arg2[%dma_start3A_233, %dma_start3A_234] : memref<10000x128xf32, #tpu.memory_space<hbm>> -> memref<10000x128xf32, #tpu.memory_space<hbm>>
      tpu.enqueue_indirect_dma source(%dma_start3A_235 : memref<10000x128xf32, #tpu.memory_space<hbm>>) target(%arg13 : memref<64x128xf32, #tpu.memory_space<vmem>>) offsets(%dma_start3A_232 : memref<64xi32, #tpu.memory_space<vmem>>) semaphore(%arg18 : memref<!tpu.dma_semaphore, #tpu.memory_space<semaphore_mem>>)
      %dma_wait3A_236 = arith.constant 12 : i32
      %dma_wait3A_237 = arith.constant 0 : i32
      %dma_wait3A_238 = tpu.memref_slice %arg8[%dma_wait3A_236, %dma_wait3A_237] : memref<16x64xi32, #tpu.memory_space<vmem>> -> memref<1x64xi32, #tpu.memory_space<vmem>>
      %dma_wait3A_239 = tpu.memref_squeeze %dma_wait3A_238 : memref<1x64xi32, #tpu.memory_space<vmem>> -> memref<64xi32, #tpu.memory_space<vmem>>
      %dma_wait3A_240 = arith.constant 0 : i32
      %dma_wait3A_241 = arith.constant 0 : i32
      %dma_wait3A_242 = tpu.memref_slice %arg2[%dma_wait3A_240, %dma_wait3A_241] : memref<10000x128xf32, #tpu.memory_space<hbm>> -> memref<10000x128xf32, #tpu.memory_space<hbm>>
      tpu.wait_indirect_dma semaphore(%arg15 : memref<!tpu.dma_semaphore, #tpu.memory_space<semaphore_mem>>) src(%dma_wait3A_242 : memref<10000x128xf32, #tpu.memory_space<hbm>>) dst(%arg10 : memref<64x128xf32, #tpu.memory_space<vmem>>)
      %run_scoped3A_243 = arith.constant 12 : i32
      "tpu.region"() ({
        %run_scoped3A_268 = tpu.sem_alloc : memref<!tpu.dma_semaphore, #tpu.memory_space<semaphore_mem>>
        %dma_start3A_269 = arith.constant 0 : i32
        %dma_start3A_270 = tpu.memref_slice %arg9[%run_scoped3A_243, %dma_start3A_269] : memref<16x64xi32, #tpu.memory_space<vmem>> -> memref<1x64xi32, #tpu.memory_space<vmem>>
        %dma_start3A_271 = tpu.memref_squeeze %dma_start3A_270 : memref<1x64xi32, #tpu.memory_space<vmem>> -> memref<64xi32, #tpu.memory_space<vmem>>
        %dma_start3A_272 = arith.constant 0 : i32
        %dma_start3A_273 = arith.constant 0 : i32
        %dma_start3A_274 = tpu.memref_slice %arg14[%dma_start3A_272, %dma_start3A_273] : memref<10112x128xf32, #tpu.memory_space<vmem_shared>> -> memref<10112x128xf32, #tpu.memory_space<vmem_shared>>
        tpu.enqueue_indirect_dma source(%arg10 : memref<64x128xf32, #tpu.memory_space<vmem>>) target(%dma_start3A_274 : memref<10112x128xf32, #tpu.memory_space<vmem_shared>>) offsets(%dma_start3A_271 : memref<64xi32, #tpu.memory_space<vmem>>) semaphore(%run_scoped3A_268 : memref<!tpu.dma_semaphore, #tpu.memory_space<semaphore_mem>>) {add = true}
        %dma_wait3A_275 = arith.constant 0 : i32
        %dma_wait3A_276 = tpu.memref_slice %arg9[%run_scoped3A_243, %dma_wait3A_275] : memref<16x64xi32, #tpu.memory_space<vmem>> -> memref<1x64xi32, #tpu.memory_space<vmem>>
        %dma_wait3A_277 = tpu.memref_squeeze %dma_wait3A_276 : memref<1x64xi32, #tpu.memory_space<vmem>> -> memref<64xi32, #tpu.memory_space<vmem>>
        %dma_wait3A_278 = arith.constant 0 : i32
        %dma_wait3A_279 = arith.constant 0 : i32
        %dma_wait3A_280 = tpu.memref_slice %arg14[%dma_wait3A_278, %dma_wait3A_279] : memref<10112x128xf32, #tpu.memory_space<vmem_shared>> -> memref<10112x128xf32, #tpu.memory_space<vmem_shared>>
        tpu.wait_indirect_dma semaphore(%run_scoped3A_268 : memref<!tpu.dma_semaphore, #tpu.memory_space<semaphore_mem>>) src(%arg10 : memref<64x128xf32, #tpu.memory_space<vmem>>) dst(%dma_wait3A_280 : memref<10112x128xf32, #tpu.memory_space<vmem_shared>>)
        tpu.yield
      }) : () -> ()
      %dma_wait3A_244 = arith.constant 13 : i32
      %dma_wait3A_245 = arith.constant 0 : i32
      %dma_wait3A_246 = tpu.memref_slice %arg8[%dma_wait3A_244, %dma_wait3A_245] : memref<16x64xi32, #tpu.memory_space<vmem>> -> memref<1x64xi32, #tpu.memory_space<vmem>>
      %dma_wait3A_247 = tpu.memref_squeeze %dma_wait3A_246 : memref<1x64xi32, #tpu.memory_space<vmem>> -> memref<64xi32, #tpu.memory_space<vmem>>
      %dma_wait3A_248 = arith.constant 0 : i32
      %dma_wait3A_249 = arith.constant 0 : i32
      %dma_wait3A_250 = tpu.memref_slice %arg2[%dma_wait3A_248, %dma_wait3A_249] : memref<10000x128xf32, #tpu.memory_space<hbm>> -> memref<10000x128xf32, #tpu.memory_space<hbm>>
      tpu.wait_indirect_dma semaphore(%arg16 : memref<!tpu.dma_semaphore, #tpu.memory_space<semaphore_mem>>) src(%dma_wait3A_250 : memref<10000x128xf32, #tpu.memory_space<hbm>>) dst(%arg11 : memref<64x128xf32, #tpu.memory_space<vmem>>)
      %run_scoped3A_251 = arith.constant 13 : i32
      "tpu.region"() ({
        %run_scoped3A_268 = tpu.sem_alloc : memref<!tpu.dma_semaphore, #tpu.memory_space<semaphore_mem>>
        %dma_start3A_269 = arith.constant 0 : i32
        %dma_start3A_270 = tpu.memref_slice %arg9[%run_scoped3A_251, %dma_start3A_269] : memref<16x64xi32, #tpu.memory_space<vmem>> -> memref<1x64xi32, #tpu.memory_space<vmem>>
        %dma_start3A_271 = tpu.memref_squeeze %dma_start3A_270 : memref<1x64xi32, #tpu.memory_space<vmem>> -> memref<64xi32, #tpu.memory_space<vmem>>
        %dma_start3A_272 = arith.constant 0 : i32
        %dma_start3A_273 = arith.constant 0 : i32
        %dma_start3A_274 = tpu.memref_slice %arg14[%dma_start3A_272, %dma_start3A_273] : memref<10112x128xf32, #tpu.memory_space<vmem_shared>> -> memref<10112x128xf32, #tpu.memory_space<vmem_shared>>
        tpu.enqueue_indirect_dma source(%arg11 : memref<64x128xf32, #tpu.memory_space<vmem>>) target(%dma_start3A_274 : memref<10112x128xf32, #tpu.memory_space<vmem_shared>>) offsets(%dma_start3A_271 : memref<64xi32, #tpu.memory_space<vmem>>) semaphore(%run_scoped3A_268 : memref<!tpu.dma_semaphore, #tpu.memory_space<semaphore_mem>>) {add = true}
        %dma_wait3A_275 = arith.constant 0 : i32
        %dma_wait3A_276 = tpu.memref_slice %arg9[%run_scoped3A_251, %dma_wait3A_275] : memref<16x64xi32, #tpu.memory_space<vmem>> -> memref<1x64xi32, #tpu.memory_space<vmem>>
        %dma_wait3A_277 = tpu.memref_squeeze %dma_wait3A_276 : memref<1x64xi32, #tpu.memory_space<vmem>> -> memref<64xi32, #tpu.memory_space<vmem>>
        %dma_wait3A_278 = arith.constant 0 : i32
        %dma_wait3A_279 = arith.constant 0 : i32
        %dma_wait3A_280 = tpu.memref_slice %arg14[%dma_wait3A_278, %dma_wait3A_279] : memref<10112x128xf32, #tpu.memory_space<vmem_shared>> -> memref<10112x128xf32, #tpu.memory_space<vmem_shared>>
        tpu.wait_indirect_dma semaphore(%run_scoped3A_268 : memref<!tpu.dma_semaphore, #tpu.memory_space<semaphore_mem>>) src(%arg11 : memref<64x128xf32, #tpu.memory_space<vmem>>) dst(%dma_wait3A_280 : memref<10112x128xf32, #tpu.memory_space<vmem_shared>>)
        tpu.yield
      }) : () -> ()
      %dma_wait3A_252 = arith.constant 14 : i32
      %dma_wait3A_253 = arith.constant 0 : i32
      %dma_wait3A_254 = tpu.memref_slice %arg8[%dma_wait3A_252, %dma_wait3A_253] : memref<16x64xi32, #tpu.memory_space<vmem>> -> memref<1x64xi32, #tpu.memory_space<vmem>>
      %dma_wait3A_255 = tpu.memref_squeeze %dma_wait3A_254 : memref<1x64xi32, #tpu.memory_space<vmem>> -> memref<64xi32, #tpu.memory_space<vmem>>
      %dma_wait3A_256 = arith.constant 0 : i32
      %dma_wait3A_257 = arith.constant 0 : i32
      %dma_wait3A_258 = tpu.memref_slice %arg2[%dma_wait3A_256, %dma_wait3A_257] : memref<10000x128xf32, #tpu.memory_space<hbm>> -> memref<10000x128xf32, #tpu.memory_space<hbm>>
      tpu.wait_indirect_dma semaphore(%arg17 : memref<!tpu.dma_semaphore, #tpu.memory_space<semaphore_mem>>) src(%dma_wait3A_258 : memref<10000x128xf32, #tpu.memory_space<hbm>>) dst(%arg12 : memref<64x128xf32, #tpu.memory_space<vmem>>)
      %run_scoped3A_259 = arith.constant 14 : i32
      "tpu.region"() ({
        %run_scoped3A_268 = tpu.sem_alloc : memref<!tpu.dma_semaphore, #tpu.memory_space<semaphore_mem>>
        %dma_start3A_269 = arith.constant 0 : i32
        %dma_start3A_270 = tpu.memref_slice %arg9[%run_scoped3A_259, %dma_start3A_269] : memref<16x64xi32, #tpu.memory_space<vmem>> -> memref<1x64xi32, #tpu.memory_space<vmem>>
        %dma_start3A_271 = tpu.memref_squeeze %dma_start3A_270 : memref<1x64xi32, #tpu.memory_space<vmem>> -> memref<64xi32, #tpu.memory_space<vmem>>
        %dma_start3A_272 = arith.constant 0 : i32
        %dma_start3A_273 = arith.constant 0 : i32
        %dma_start3A_274 = tpu.memref_slice %arg14[%dma_start3A_272, %dma_start3A_273] : memref<10112x128xf32, #tpu.memory_space<vmem_shared>> -> memref<10112x128xf32, #tpu.memory_space<vmem_shared>>
        tpu.enqueue_indirect_dma source(%arg12 : memref<64x128xf32, #tpu.memory_space<vmem>>) target(%dma_start3A_274 : memref<10112x128xf32, #tpu.memory_space<vmem_shared>>) offsets(%dma_start3A_271 : memref<64xi32, #tpu.memory_space<vmem>>) semaphore(%run_scoped3A_268 : memref<!tpu.dma_semaphore, #tpu.memory_space<semaphore_mem>>) {add = true}
        %dma_wait3A_275 = arith.constant 0 : i32
        %dma_wait3A_276 = tpu.memref_slice %arg9[%run_scoped3A_259, %dma_wait3A_275] : memref<16x64xi32, #tpu.memory_space<vmem>> -> memref<1x64xi32, #tpu.memory_space<vmem>>
        %dma_wait3A_277 = tpu.memref_squeeze %dma_wait3A_276 : memref<1x64xi32, #tpu.memory_space<vmem>> -> memref<64xi32, #tpu.memory_space<vmem>>
        %dma_wait3A_278 = arith.constant 0 : i32
        %dma_wait3A_279 = arith.constant 0 : i32
        %dma_wait3A_280 = tpu.memref_slice %arg14[%dma_wait3A_278, %dma_wait3A_279] : memref<10112x128xf32, #tpu.memory_space<vmem_shared>> -> memref<10112x128xf32, #tpu.memory_space<vmem_shared>>
        tpu.wait_indirect_dma semaphore(%run_scoped3A_268 : memref<!tpu.dma_semaphore, #tpu.memory_space<semaphore_mem>>) src(%arg12 : memref<64x128xf32, #tpu.memory_space<vmem>>) dst(%dma_wait3A_280 : memref<10112x128xf32, #tpu.memory_space<vmem_shared>>)
        tpu.yield
      }) : () -> ()
      %dma_wait3A_260 = arith.constant 15 : i32
      %dma_wait3A_261 = arith.constant 0 : i32
      %dma_wait3A_262 = tpu.memref_slice %arg8[%dma_wait3A_260, %dma_wait3A_261] : memref<16x64xi32, #tpu.memory_space<vmem>> -> memref<1x64xi32, #tpu.memory_space<vmem>>
      %dma_wait3A_263 = tpu.memref_squeeze %dma_wait3A_262 : memref<1x64xi32, #tpu.memory_space<vmem>> -> memref<64xi32, #tpu.memory_space<vmem>>
      %dma_wait3A_264 = arith.constant 0 : i32
      %dma_wait3A_265 = arith.constant 0 : i32
      %dma_wait3A_266 = tpu.memref_slice %arg2[%dma_wait3A_264, %dma_wait3A_265] : memref<10000x128xf32, #tpu.memory_space<hbm>> -> memref<10000x128xf32, #tpu.memory_space<hbm>>
      tpu.wait_indirect_dma semaphore(%arg18 : memref<!tpu.dma_semaphore, #tpu.memory_space<semaphore_mem>>) src(%dma_wait3A_266 : memref<10000x128xf32, #tpu.memory_space<hbm>>) dst(%arg13 : memref<64x128xf32, #tpu.memory_space<vmem>>)
      %run_scoped3A_267 = arith.constant 15 : i32
      "tpu.region"() ({
        %run_scoped3A_268 = tpu.sem_alloc : memref<!tpu.dma_semaphore, #tpu.memory_space<semaphore_mem>>
        %dma_start3A_269 = arith.constant 0 : i32
        %dma_start3A_270 = tpu.memref_slice %arg9[%run_scoped3A_267, %dma_start3A_269] : memref<16x64xi32, #tpu.memory_space<vmem>> -> memref<1x64xi32, #tpu.memory_space<vmem>>
        %dma_start3A_271 = tpu.memref_squeeze %dma_start3A_270 : memref<1x64xi32, #tpu.memory_space<vmem>> -> memref<64xi32, #tpu.memory_space<vmem>>
        %dma_start3A_272 = arith.constant 0 : i32
        %dma_start3A_273 = arith.constant 0 : i32
        %dma_start3A_274 = tpu.memref_slice %arg14[%dma_start3A_272, %dma_start3A_273] : memref<10112x128xf32, #tpu.memory_space<vmem_shared>> -> memref<10112x128xf32, #tpu.memory_space<vmem_shared>>
        tpu.enqueue_indirect_dma source(%arg13 : memref<64x128xf32, #tpu.memory_space<vmem>>) target(%dma_start3A_274 : memref<10112x128xf32, #tpu.memory_space<vmem_shared>>) offsets(%dma_start3A_271 : memref<64xi32, #tpu.memory_space<vmem>>) semaphore(%run_scoped3A_268 : memref<!tpu.dma_semaphore, #tpu.memory_space<semaphore_mem>>) {add = true}
        %dma_wait3A_275 = arith.constant 0 : i32
        %dma_wait3A_276 = tpu.memref_slice %arg9[%run_scoped3A_267, %dma_wait3A_275] : memref<16x64xi32, #tpu.memory_space<vmem>> -> memref<1x64xi32, #tpu.memory_space<vmem>>
        %dma_wait3A_277 = tpu.memref_squeeze %dma_wait3A_276 : memref<1x64xi32, #tpu.memory_space<vmem>> -> memref<64xi32, #tpu.memory_space<vmem>>
        %dma_wait3A_278 = arith.constant 0 : i32
        %dma_wait3A_279 = arith.constant 0 : i32
        %dma_wait3A_280 = tpu.memref_slice %arg14[%dma_wait3A_278, %dma_wait3A_279] : memref<10112x128xf32, #tpu.memory_space<vmem_shared>> -> memref<10112x128xf32, #tpu.memory_space<vmem_shared>>
        tpu.wait_indirect_dma semaphore(%run_scoped3A_268 : memref<!tpu.dma_semaphore, #tpu.memory_space<semaphore_mem>>) src(%arg13 : memref<64x128xf32, #tpu.memory_space<vmem>>) dst(%dma_wait3A_280 : memref<10112x128xf32, #tpu.memory_space<vmem_shared>>)
        tpu.yield
      }) : () -> ()
    }
    %barrier3A_16 = arith.constant 0 : index
    tpu.barrier barrier_id(%barrier3A_16)
    %eq3A_17 = arith.constant 0 : i32
    %eq3A_18 = arith.cmpi eq, %arg0, %eq3A_17 : i32
    %convert_element_type3A = arith.extui %eq3A_18 : i1 to i32
    %cond3A = arith.constant 0 : i32
    %cond3A_19 = arith.cmpi ne, %convert_element_type3A, %cond3A : i32
    scf.if %cond3A_19 {
      "tpu.region"() ({
        %run_scoped3A = tpu.sem_alloc : memref<!tpu.dma_semaphore, #tpu.memory_space<semaphore_mem>>
        %dma_start3A = arith.constant 0 : i32
        %dma_start3A_25 = tpu.memref_slice %arg6[%mul3A_0, %dma_start3A] : memref<10112x128xf32, #tpu.memory_space<hbm>> -> memref<632x128xf32, #tpu.memory_space<hbm>>
        %dma_start3A_26 = arith.constant 0 : i32
        %dma_start3A_27 = tpu.memref_slice %arg14[%mul3A_0, %dma_start3A_26] : memref<10112x128xf32, #tpu.memory_space<vmem_shared>> -> memref<632x128xf32, #tpu.memory_space<vmem_shared>>
        tpu.enqueue_dma source(%dma_start3A_27 : memref<632x128xf32, #tpu.memory_space<vmem_shared>>) target(%dma_start3A_25 : memref<632x128xf32, #tpu.memory_space<hbm>>) target_semaphore(%run_scoped3A : memref<!tpu.dma_semaphore, #tpu.memory_space<semaphore_mem>>)
        %dma_wait3A = arith.constant 0 : i32
        %dma_wait3A_28 = tpu.memref_slice %arg6[%mul3A_0, %dma_wait3A] : memref<10112x128xf32, #tpu.memory_space<hbm>> -> memref<632x128xf32, #tpu.memory_space<hbm>>
        %dma_wait3A_29 = arith.constant 0 : i32
        %dma_wait3A_30 = tpu.memref_slice %arg14[%mul3A_0, %dma_wait3A_29] : memref<10112x128xf32, #tpu.memory_space<vmem_shared>> -> memref<632x128xf32, #tpu.memory_space<vmem_shared>>
        tpu.wait_dma2 semaphore(%run_scoped3A : memref<!tpu.dma_semaphore, #tpu.memory_space<semaphore_mem>>) src(%dma_wait3A_30 : memref<632x128xf32, #tpu.memory_space<vmem_shared>>) dst(%dma_wait3A_28 : memref<632x128xf32, #tpu.memory_space<hbm>>)
        tpu.yield
      }) : () -> ()
    } else {
    }
    %eq3A_20 = arith.constant 1 : i32
    %eq3A_21 = arith.cmpi eq, %arg0, %eq3A_20 : i32
    %convert_element_type3A_22 = arith.extui %eq3A_21 : i1 to i32
    %cond3A_23 = arith.constant 0 : i32
    %cond3A_24 = arith.cmpi ne, %convert_element_type3A_22, %cond3A_23 : i32
    scf.if %cond3A_24 {
      "tpu.region"() ({
        %run_scoped3A = tpu.sem_alloc : memref<!tpu.dma_semaphore, #tpu.memory_space<semaphore_mem>>
        %dma_start3A = arith.constant 0 : i32
        %dma_start3A_25 = tpu.memref_slice %arg7[%mul3A_0, %dma_start3A] : memref<10112x128xf32, #tpu.memory_space<hbm>> -> memref<632x128xf32, #tpu.memory_space<hbm>>
        %dma_start3A_26 = arith.constant 0 : i32
        %dma_start3A_27 = tpu.memref_slice %arg14[%mul3A_0, %dma_start3A_26] : memref<10112x128xf32, #tpu.memory_space<vmem_shared>> -> memref<632x128xf32, #tpu.memory_space<vmem_shared>>
        tpu.enqueue_dma source(%dma_start3A_27 : memref<632x128xf32, #tpu.memory_space<vmem_shared>>) target(%dma_start3A_25 : memref<632x128xf32, #tpu.memory_space<hbm>>) target_semaphore(%run_scoped3A : memref<!tpu.dma_semaphore, #tpu.memory_space<semaphore_mem>>)
        %dma_wait3A = arith.constant 0 : i32
        %dma_wait3A_28 = tpu.memref_slice %arg7[%mul3A_0, %dma_wait3A] : memref<10112x128xf32, #tpu.memory_space<hbm>> -> memref<632x128xf32, #tpu.memory_space<hbm>>
        %dma_wait3A_29 = arith.constant 0 : i32
        %dma_wait3A_30 = tpu.memref_slice %arg14[%mul3A_0, %dma_wait3A_29] : memref<10112x128xf32, #tpu.memory_space<vmem_shared>> -> memref<632x128xf32, #tpu.memory_space<vmem_shared>>
        tpu.wait_dma2 semaphore(%run_scoped3A : memref<!tpu.dma_semaphore, #tpu.memory_space<semaphore_mem>>) src(%dma_wait3A_30 : memref<632x128xf32, #tpu.memory_space<vmem_shared>>) dst(%dma_wait3A_28 : memref<632x128xf32, #tpu.memory_space<hbm>>)
        tpu.yield
      }) : () -> ()
    } else {
    }
    return
  }
}

module attributes {stable_mosaic.version = 14 : i64} {
  func.func @_b0_body(%arg0: i32, %arg1: memref<1000x128xf32, #tpu.memory_space<vmem>>, %arg2: memref<1000x128xf32, #tpu.memory_space<vmem>>, %arg3: memref<1000x128xf32, #tpu.memory_space<vmem>>, %arg4: memref<1000x128xf32, #tpu.memory_space<vmem>>, %arg5: memref<1000x1xf32, #tpu.memory_space<vmem>>) attributes {dimension_semantics = [#tpu.dimension_semantics<arbitrary>], iteration_bounds = array<i64: 10>, scalar_prefetch = 0 : i64, scratch_operands = 0 : i64, tpu.core_type = #tpu.core_type<tc>, window_params = [{transform_indices = @transform_0, window_bounds = array<i64: 1000, 128>}, {transform_indices = @transform_1, window_bounds = array<i64: 1000, 128>}, {transform_indices = @transform_2, window_bounds = array<i64: 1000, 128>}, {transform_indices = @transform_3, window_bounds = array<i64: 1000, 128>}, {transform_indices = @transform_4, window_bounds = array<i64: 1000, 1>}]} {
    %get3A = arith.constant 0 : index
    %get3A_0 = arith.constant 0 : index
    %get3A_1 = vector.load %arg2[%get3A, %get3A_0] : memref<1000x128xf32, #tpu.memory_space<vmem>>, vector<1000x1xf32>
    %get3A_2 = arith.constant 0 : index
    %get3A_3 = arith.constant 0 : index
    %get3A_4 = vector.load %arg3[%get3A_2, %get3A_3] : memref<1000x128xf32, #tpu.memory_space<vmem>>, vector<1000x1xf32>
    %add3A = arith.addf %get3A_1, %get3A_4 : vector<1000x1xf32>
    %add3A_5 = arith.constant 1.000000e+00 : f32
    %add3A_6 = vector.broadcast %add3A_5 : f32 to vector<1000x1xf32>
    %add3A_7 = arith.addf %add3A, %add3A_6 : vector<1000x1xf32>
    %rsqrt3A = math.rsqrt %add3A_7 : vector<1000x1xf32>
    %get3A_8 = arith.constant 0 : index
    %get3A_9 = arith.constant 0 : index
    %get3A_10 = vector.load %arg1[%get3A_8, %get3A_9] : memref<1000x128xf32, #tpu.memory_space<vmem>>, vector<1000x128xf32>
    %mul3A = vector.broadcast %rsqrt3A : vector<1000x1xf32> to vector<1000x128xf32>
    %mul3A_11 = arith.mulf %get3A_10, %mul3A : vector<1000x128xf32>
    %swap3A = arith.constant 0 : index
    %swap3A_12 = arith.constant 0 : index
    %swap3A_13 = vector.load %arg4[%swap3A, %swap3A_12] : memref<1000x128xf32, #tpu.memory_space<vmem>>, vector<1000x128xf32>
    tpu.vector_store %arg4[%swap3A, %swap3A_12], %mul3A_11 {strides = array<i32>} : memref<1000x128xf32, #tpu.memory_space<vmem>>, vector<1000x128xf32>,
    %swap3A_14 = arith.constant 0 : index
    %swap3A_15 = arith.constant 0 : index
    %swap3A_16 = vector.load %arg5[%swap3A_14, %swap3A_15] : memref<1000x1xf32, #tpu.memory_space<vmem>>, vector<1000x1xf32>
    tpu.vector_store %arg5[%swap3A_14, %swap3A_15], %rsqrt3A {strides = array<i32>} : memref<1000x1xf32, #tpu.memory_space<vmem>>, vector<1000x1xf32>,
    return
  }
  func.func @transform_0(%arg0: i32) -> (i32, i32) {
    %c0_i32 = arith.constant 0 : i32
    %c0_i32_0 = arith.constant 0 : i32
    return %arg0, %c0_i32 : i32, i32
  }
  func.func @transform_1(%arg0: i32) -> (i32, i32) {
    %c0_i32 = arith.constant 0 : i32
    %c0_i32_0 = arith.constant 0 : i32
    return %arg0, %c0_i32 : i32, i32
  }
  func.func @transform_2(%arg0: i32) -> (i32, i32) {
    %c0_i32 = arith.constant 0 : i32
    %c0_i32_0 = arith.constant 0 : i32
    return %arg0, %c0_i32 : i32, i32
  }
  func.func @transform_3(%arg0: i32) -> (i32, i32) {
    %c0_i32 = arith.constant 0 : i32
    %c0_i32_0 = arith.constant 0 : i32
    return %arg0, %c0_i32 : i32, i32
  }
  func.func @transform_4(%arg0: i32) -> (i32, i32) {
    %c0_i32 = arith.constant 0 : i32
    %c0_i32_0 = arith.constant 0 : i32
    return %arg0, %c0_i32 : i32, i32
  }
}

module attributes {stable_mosaic.version = 14 : i64} {
  func.func @_b1_body(%arg0: i32, %arg1: memref<1000x128xf32, #tpu.memory_space<vmem>>, %arg2: memref<1000x128xf32, #tpu.memory_space<vmem>>, %arg3: memref<1000x128xf32, #tpu.memory_space<vmem>>, %arg4: memref<1000x1xf32, #tpu.memory_space<vmem>>, %arg5: memref<1x256xf32, #tpu.memory_space<vmem>>, %arg6: memref<128x256xf32, #tpu.memory_space<vmem>>, %arg7: memref<256x64xf32, #tpu.memory_space<vmem>>, %arg8: memref<1000x128xf32, #tpu.memory_space<vmem>>) attributes {dimension_semantics = [#tpu.dimension_semantics<arbitrary>], iteration_bounds = array<i64: 10>, scalar_prefetch = 0 : i64, scratch_operands = 0 : i64, tpu.core_type = #tpu.core_type<tc>, window_params = [{transform_indices = @transform_0, window_bounds = array<i64: 1000, 128>}, {transform_indices = @transform_1, window_bounds = array<i64: 1000, 128>}, {transform_indices = @transform_2, window_bounds = array<i64: 1000, 128>}, {transform_indices = @transform_3, window_bounds = array<i64: 1000, 1>}, {pipeline_mode = #tpu.pipeline_mode<synchronous>, transform_indices = @transform_4, window_bounds = array<i64: 1, 256>}, {pipeline_mode = #tpu.pipeline_mode<synchronous>, transform_indices = @transform_5, window_bounds = array<i64: 128, 256>}, {pipeline_mode = #tpu.pipeline_mode<synchronous>, transform_indices = @transform_6, window_bounds = array<i64: 256, 64>}, {transform_indices = @transform_7, window_bounds = array<i64: 1000, 128>}]} {
    %get3A = arith.constant 0 : index
    %get3A_0 = arith.constant 0 : index
    %get3A_1 = vector.load %arg4[%get3A, %get3A_0] : memref<1000x1xf32, #tpu.memory_space<vmem>>, vector<1000x1xf32>
    %get3A_2 = arith.constant 0 : index
    %get3A_3 = arith.constant 0 : index
    %get3A_4 = vector.load %arg1[%get3A_2, %get3A_3] : memref<1000x128xf32, #tpu.memory_space<vmem>>, vector<1000x128xf32>
    %get3A_5 = arith.constant 0 : index
    %get3A_6 = arith.constant 0 : index
    %get3A_7 = vector.load %arg2[%get3A_5, %get3A_6] : memref<1000x128xf32, #tpu.memory_space<vmem>>, vector<1000x128xf32>
    %add3A = arith.addf %get3A_4, %get3A_7 : vector<1000x128xf32>
    %get3A_8 = arith.constant 0 : index
    %get3A_9 = arith.constant 0 : index
    %get3A_10 = vector.load %arg3[%get3A_8, %get3A_9] : memref<1000x128xf32, #tpu.memory_space<vmem>>, vector<1000x128xf32>
    %add3A_11 = arith.addf %add3A, %get3A_10 : vector<1000x128xf32>
    %mul3A = vector.broadcast %get3A_1 : vector<1000x1xf32> to vector<1000x128xf32>
    %mul3A_12 = arith.mulf %add3A_11, %mul3A : vector<1000x128xf32>
    %get3A_13 = arith.constant 0 : index
    %get3A_14 = arith.constant 0 : index
    %get3A_15 = vector.load %arg6[%get3A_13, %get3A_14] : memref<128x256xf32, #tpu.memory_space<vmem>>, vector<128x256xf32>
    %dot_general3A = arith.constant dense<0.000000e+00> : vector<1000x256xf32>
    %dot_general3A_16 = tpu.matmul %mul3A_12, %get3A_15, %dot_general3A {dimension_numbers = #tpu.dot_dimension_numbers<[1], [0], [0], [1], [0, 0, 1, 1], [], []>, transpose_lhs_hint = false} : vector<1000x128xf32>, vector<128x256xf32>, vector<1000x256xf32> -> vector<1000x256xf32>
    %get3A_17 = arith.constant 0 : index
    %get3A_18 = arith.constant 0 : index
    %get3A_19 = vector.load %arg5[%get3A_17, %get3A_18] : memref<1x256xf32, #tpu.memory_space<vmem>>, vector<1x256xf32>
    %add3A_20 = vector.broadcast %get3A_19 : vector<1x256xf32> to vector<1000x256xf32>
    %add3A_21 = arith.addf %dot_general3A_16, %add3A_20 : vector<1000x256xf32>
    %max3A = arith.constant 0.000000e+00 : f32
    %max3A_22 = vector.broadcast %max3A : f32 to vector<1000x256xf32>
    %max3A_23 = arith.maximumf %add3A_21, %max3A_22 : vector<1000x256xf32>
    %get3A_24 = arith.constant 0 : index
    %get3A_25 = arith.constant 0 : index
    %get3A_26 = vector.load %arg7[%get3A_24, %get3A_25] : memref<256x64xf32, #tpu.memory_space<vmem>>, vector<256x64xf32>
    %dot_general3A_27 = arith.constant dense<0.000000e+00> : vector<1000x64xf32>
    %dot_general3A_28 = tpu.matmul %max3A_23, %get3A_26, %dot_general3A_27 {dimension_numbers = #tpu.dot_dimension_numbers<[1], [0], [0], [1], [0, 0, 1, 1], [], []>, transpose_lhs_hint = false} : vector<1000x256xf32>, vector<256x64xf32>, vector<1000x64xf32> -> vector<1000x64xf32>
    %mul3A_29 = vector.broadcast %get3A_1 : vector<1000x1xf32> to vector<1000x64xf32>
    %mul3A_30 = arith.mulf %dot_general3A_28, %mul3A_29 : vector<1000x64xf32>
    %broadcast_in_dim3A = arith.constant 0.000000e+00 : f32
    %broadcast_in_dim3A_31 = vector.broadcast %broadcast_in_dim3A : f32 to vector<1000x64xf32>
    %concatenate3A = tpu.concatenate %mul3A_30, %broadcast_in_dim3A_31 in 1 : vector<1000x64xf32>, vector<1000x64xf32> -> vector<1000x128xf32>
    %swap3A = arith.constant 0 : index
    %swap3A_32 = arith.constant 0 : index
    %swap3A_33 = vector.load %arg8[%swap3A, %swap3A_32] : memref<1000x128xf32, #tpu.memory_space<vmem>>, vector<1000x128xf32>
    tpu.vector_store %arg8[%swap3A, %swap3A_32], %concatenate3A {strides = array<i32>} : memref<1000x128xf32, #tpu.memory_space<vmem>>, vector<1000x128xf32>,
    return
  }
  func.func @transform_0(%arg0: i32) -> (i32, i32) {
    %c0_i32 = arith.constant 0 : i32
    %c0_i32_0 = arith.constant 0 : i32
    return %arg0, %c0_i32 : i32, i32
  }
  func.func @transform_1(%arg0: i32) -> (i32, i32) {
    %c0_i32 = arith.constant 0 : i32
    %c0_i32_0 = arith.constant 0 : i32
    return %arg0, %c0_i32 : i32, i32
  }
  func.func @transform_2(%arg0: i32) -> (i32, i32) {
    %c0_i32 = arith.constant 0 : i32
    %c0_i32_0 = arith.constant 0 : i32
    return %arg0, %c0_i32 : i32, i32
  }
  func.func @transform_3(%arg0: i32) -> (i32, i32) {
    %c0_i32 = arith.constant 0 : i32
    %c0_i32_0 = arith.constant 0 : i32
    return %arg0, %c0_i32 : i32, i32
  }
  func.func @transform_4(%arg0: i32) -> (i32, i32) {
    %c0_i32 = arith.constant 0 : i32
    %c0_i32_0 = arith.constant 0 : i32
    %c0_i32_1 = arith.constant 0 : i32
    return %c0_i32, %c0_i32_0 : i32, i32
  }
  func.func @transform_5(%arg0: i32) -> (i32, i32) {
    %c0_i32 = arith.constant 0 : i32
    %c0_i32_0 = arith.constant 0 : i32
    %c0_i32_1 = arith.constant 0 : i32
    return %c0_i32, %c0_i32_0 : i32, i32
  }
  func.func @transform_6(%arg0: i32) -> (i32, i32) {
    %c0_i32 = arith.constant 0 : i32
    %c0_i32_0 = arith.constant 0 : i32
    %c0_i32_1 = arith.constant 0 : i32
    return %c0_i32, %c0_i32_0 : i32, i32
  }
  func.func @transform_7(%arg0: i32) -> (i32, i32) {
    %c0_i32 = arith.constant 0 : i32
    %c0_i32_0 = arith.constant 0 : i32
    return %arg0, %c0_i32 : i32, i32
  }
}

module attributes {stable_mosaic.version = 14 : i64} {
  func.func @_b3_body(%arg0: i32, %arg1: memref<1000x128xf32, #tpu.memory_space<vmem>>, %arg2: memref<1000x128xf32, #tpu.memory_space<vmem>>, %arg3: memref<1000x128xf32, #tpu.memory_space<vmem>>, %arg4: memref<1000x1xf32, #tpu.memory_space<vmem>>, %arg5: memref<1x64xf32, #tpu.memory_space<vmem>>, %arg6: memref<1000x64xf32, #tpu.memory_space<vmem>>) attributes {dimension_semantics = [#tpu.dimension_semantics<arbitrary>], iteration_bounds = array<i64: 10>, scalar_prefetch = 0 : i64, scratch_operands = 0 : i64, tpu.core_type = #tpu.core_type<tc>, window_params = [{transform_indices = @transform_0, window_bounds = array<i64: 1000, 128>}, {transform_indices = @transform_1, window_bounds = array<i64: 1000, 128>}, {transform_indices = @transform_2, window_bounds = array<i64: 1000, 128>}, {transform_indices = @transform_3, window_bounds = array<i64: 1000, 1>}, {pipeline_mode = #tpu.pipeline_mode<synchronous>, transform_indices = @transform_4, window_bounds = array<i64: 1, 64>}, {transform_indices = @transform_5, window_bounds = array<i64: 1000, 64>}]} {
    %get3A = arith.constant 0 : index
    %get3A_0 = arith.constant 0 : index
    %get3A_1 = vector.load %arg1[%get3A, %get3A_0] : memref<1000x128xf32, #tpu.memory_space<vmem>>, vector<1000x64xf32>
    %get3A_2 = arith.constant 0 : index
    %get3A_3 = arith.constant 0 : index
    %get3A_4 = vector.load %arg2[%get3A_2, %get3A_3] : memref<1000x128xf32, #tpu.memory_space<vmem>>, vector<1000x64xf32>
    %add3A = arith.addf %get3A_1, %get3A_4 : vector<1000x64xf32>
    %get3A_5 = arith.constant 0 : index
    %get3A_6 = arith.constant 0 : index
    %get3A_7 = vector.load %arg3[%get3A_5, %get3A_6] : memref<1000x128xf32, #tpu.memory_space<vmem>>, vector<1000x64xf32>
    %add3A_8 = arith.addf %add3A, %get3A_7 : vector<1000x64xf32>
    %get3A_9 = arith.constant 0 : index
    %get3A_10 = arith.constant 0 : index
    %get3A_11 = vector.load %arg4[%get3A_9, %get3A_10] : memref<1000x1xf32, #tpu.memory_space<vmem>>, vector<1000x1xf32>
    %mul3A = vector.broadcast %get3A_11 : vector<1000x1xf32> to vector<1000x64xf32>
    %mul3A_12 = arith.mulf %add3A_8, %mul3A : vector<1000x64xf32>
    %get3A_13 = arith.constant 0 : index
    %get3A_14 = arith.constant 0 : index
    %get3A_15 = vector.load %arg5[%get3A_13, %get3A_14] : memref<1x64xf32, #tpu.memory_space<vmem>>, vector<1x64xf32>
    %add3A_16 = vector.broadcast %get3A_15 : vector<1x64xf32> to vector<1000x64xf32>
    %add3A_17 = arith.addf %mul3A_12, %add3A_16 : vector<1000x64xf32>
    %swap3A = arith.constant 0 : index
    %swap3A_18 = arith.constant 0 : index
    %swap3A_19 = vector.load %arg6[%swap3A, %swap3A_18] : memref<1000x64xf32, #tpu.memory_space<vmem>>, vector<1000x64xf32>
    tpu.vector_store %arg6[%swap3A, %swap3A_18], %add3A_17 {strides = array<i32>} : memref<1000x64xf32, #tpu.memory_space<vmem>>, vector<1000x64xf32>,
    return
  }
  func.func @transform_0(%arg0: i32) -> (i32, i32) {
    %c0_i32 = arith.constant 0 : i32
    %c0_i32_0 = arith.constant 0 : i32
    return %arg0, %c0_i32 : i32, i32
  }
  func.func @transform_1(%arg0: i32) -> (i32, i32) {
    %c0_i32 = arith.constant 0 : i32
    %c0_i32_0 = arith.constant 0 : i32
    return %arg0, %c0_i32 : i32, i32
  }
  func.func @transform_2(%arg0: i32) -> (i32, i32) {
    %c0_i32 = arith.constant 0 : i32
    %c0_i32_0 = arith.constant 0 : i32
    return %arg0, %c0_i32 : i32, i32
  }
  func.func @transform_3(%arg0: i32) -> (i32, i32) {
    %c0_i32 = arith.constant 0 : i32
    %c0_i32_0 = arith.constant 0 : i32
    return %arg0, %c0_i32 : i32, i32
  }
  func.func @transform_4(%arg0: i32) -> (i32, i32) {
    %c0_i32 = arith.constant 0 : i32
    %c0_i32_0 = arith.constant 0 : i32
    %c0_i32_1 = arith.constant 0 : i32
    return %c0_i32, %c0_i32_0 : i32, i32
  }
  func.func @transform_5(%arg0: i32) -> (i32, i32) {
    %c0_i32 = arith.constant 0 : i32
    %c0_i32_0 = arith.constant 0 : i32
    return %arg0, %c0_i32 : i32, i32
  }
}

</mosaic_0001>

<sc_bundles>
// kernel: kernel.11.cloned.1.call-start
scs
__scs_entry_jumppad:
0x0: {  	(pc) =	sbr.rel $0x88, $3  }
0x1: {  	(tag) =	ssettag $0x0;
	lr =	simm.s32 $0x1  }
0x2: {  	[smem:$0x3F9B] =	sst lr;
	_ =	strace $0xD0000000  }
0x3: {  	_ = 	snop  }
0x4: {  	_ = 	snop  }
0x5: {  	_ = 	snop  }
0x6: {  	_ = 	snop  }
0x7: {  	_ = 	snop  }
__scs_overlays_trampoline_lowered:
0x8: {  	[smem:$0x3FAA] =	sst s0  }
0x9: {  	[smem:$0x3FAB] =	sst s1  }
0xa: {  	[smem:$0x3FAC] =	sst s2  }
0xb: {  	[smem:$0x3FAD] =	sst s3  }
0xc: {  	[smem:$0x3FAE] =	sst s4  }
0xd: {  	[smem:$0x3FAF] =	sst s5  }
0xe: {  	[smem:$0x3FB0] =	sst s6  }
0xf: {  	[smem:$0x3FB1] =	sst s7  }
0x10: {  	[smem:$0x3FB2] =	sst s8  }
0x11: {  	[smem:$0x3FB3] =	sst s9;
	s0 =	simm.s32 @!p0 $0x0  }
0x12: {  	s1 =	sld [smem:$0x3F99];
	s0 =	simm.s32 @p0 $0x1  }
0x13: {  	[smem:$0x3FB4] =	sst s0;
	s0 =	simm.s32 @!p1 $0x0  }
0x14: {  	s2 =	sld [smem:$0x3F98];
	s0 =	simm.s32 @p1 $0x1  }
0x15: {  	[smem:$0x3FB5] =	sst s0;
	s0 =	simm.s32 @!p2 $0x0  }
0x16: {  	s3 =	sld [smem:$0x3FDB];
	s0 =	simm.s32 @p2 $0x1  }
0x17: {  	s4 =	simm.s32 $0x1BF5;
	[smem:$0x3FB7] =	sst s0  }
0x18: {  	s0 =	sld [smem:$0x3F9A];
	_ =	swait.ge [sflag:s4], $0x0  }
0x19: {  	s7 =	sld [smem:$0x3F9B]  }
0x1a: {  	s8 =	sadd.s32 $0xFFFFE003, lr  }
0x1b: {  	s9 =	sadd.s32 $0xFFFFFEF7, lr;
	s5 =	simm.s32 $0xFFFFFFFF;
	p2 =	slt.u32 s8, $0xFFFFF086  }
0x1c: {  	p1 =	slt.u32 s9, $0xF7A;
	s5 =	simm.s32 @!p2 $0x0  }
0x1d: {  	s5 =	simm.s32 @p1 $0x1;
	p0 =	seq.s32 s7, s2  }
0x1e: {  	s7 =	smul.u32 @!p0 $0xF7A, s2;
	p2 =	seq.s32 @!p0 s5, $0x0  }
0x1f: {  	s9 =	smul.u32 $0xF7A, s1;
	s8 =	simm.s32 @!p0 $0x1BF5;
	p2 =	por !p2, p0  }
0x20: {  	[sflag:s8] =	ssyncset.s32 @!p0 $0xFFFFF086;
	s6 =	sadd.s32 @!p0 s3, s7;
	s7 =	simm.s32 @!p0 $0x108  }
0x21: {  	s3 =	sadd.s32 s3, s9;
	s6 =	sadd.s32 @!p0 $0x88, s6;
	s7 =	simm.s32 @p2 $0x1082  }
0x22: {  	[simem:s7], [sflag:s8] =	dma.local @!p0 [hbm:s6], $0xF7A  }
0x23: {  	s9 =	sor.u32 $0xD0000000, s2;
	s6 =	simm.s32 $0x108;
	_ =	swait.ge @!p0 [sflag:s8], $0x0  }
0x24: {  	s3 =	sadd.s32 $0x88, s3;
	s6 =	simm.s32 @!p1 $0x1082;
	[sflag:s4] =	ssyncset.s32 $0xFFFFF086  }
0x25: {  	[simem:s6], [sflag:s4] =	dma.local [hbm:s3], $0xF7A  }
0x26: {  	[smem:$0x3F9B] =	sst s1;
	(tag) =	ssettag s2;
	_ =	strace s9  }
0x27: {  	s1 =	sld [smem:$0x3FAB]  }
0x28: {  	s2 =	sld [smem:$0x3FAC]  }
0x29: {  	s4 =	sld [smem:$0x3FAE]  }
0x2a: {  	p0 =	seq.s32 s5, $0x0;
	s5 =	sld [smem:$0x3FAF]  }
0x2b: {  	s6 =	sld [smem:$0x3FB0]  }
0x2c: {  	s7 =	sld [smem:$0x3FB1]  }
0x2d: {  	s3 =	simm.s32 $0x108;
	s8 =	sld [smem:$0x3FB2]  }
0x2e: {  	s3 =	simm.s32 @!p0 $0x1082;
	s9 =	sld [smem:$0x3FB3]  }
0x2f: {  	lr =	sadd.s32 s0, s3;
	s0 =	sld [smem:$0x3FAA]  }
0x30: {  	s3 =	sld [smem:$0x3FAD]  }
0x31: {  	[smem:$0x3FB6] =	sst s10  }
0x32: {  	s10 =	sld [smem:$0x3FB4];
	_ =	sdelay $0x3  }
0x33: {  	p0 =	seq.s32 s10, $0x1;
	s10 =	sld [smem:$0x3FB6];
	_ =	sdelay $0x3  }
0x34: {  	[smem:$0x3FB6] =	sst s10  }
0x35: {  	s10 =	sld [smem:$0x3FB5];
	_ =	sdelay $0x3  }
0x36: {  	p1 =	seq.s32 s10, $0x1;
	s10 =	sld [smem:$0x3FB6];
	_ =	sdelay $0x3  }
0x37: {  	[smem:$0x3FB6] =	sst s10  }
0x38: {  	s10 =	sld [smem:$0x3FB7]  }
0x39: {  	_ = 	snop;
	(pc) =	sbr.ind lr, $3  }
0x3a: {  	_ = 	snop  }
0x3b: {  	_ = 	snop  }
0x3c: {  	p2 =	seq.s32 s10, $0x1;
	s10 =	sld [smem:$0x3FB6]  }
0x3d: {  	_ =	shalt  }
0x3e: {  	_ =	shalt  }
0x3f: {  	_ =	shalt  }
0x40: {  	_ =	shalt  }
0x41: {  	_ =	shalt  }
0x42: {  	_ =	shalt  }
0x43: {  	_ =	shalt  }
0x44: {  	_ =	shalt  }
0x45: {  	_ =	shalt  }
0x46: {  	_ =	shalt  }
0x47: {  	_ =	shalt  }
0x48: {  	_ =	shalt  }
0x49: {  	_ =	shalt  }
0x4a: {  	_ =	shalt  }
0x4b: {  	_ =	shalt  }
0x4c: {  	_ =	shalt  }
0x4d: {  	_ =	shalt  }
0x4e: {  	_ =	shalt  }
0x4f: {  	_ =	shalt  }
0x50: {  	_ =	shalt  }
0x51: {  	_ =	shalt  }
0x52: {  	_ =	shalt  }
0x53: {  	_ =	shalt  }
0x54: {  	_ =	shalt  }
0x55: {  	_ =	shalt  }
0x56: {  	_ =	shalt  }
0x57: {  	_ =	shalt  }
0x58: {  	_ =	shalt  }
0x59: {  	_ =	shalt  }
0x5a: {  	_ =	shalt  }
0x5b: {  	_ =	shalt  }
0x5c: {  	_ =	shalt  }
0x5d: {  	_ =	shalt  }
0x5e: {  	_ =	shalt  }
0x5f: {  	_ =	shalt  }
0x60: {  	_ =	shalt  }
0x61: {  	_ =	shalt  }
0x62: {  	_ =	shalt  }
0x63: {  	_ =	shalt  }
0x64: {  	_ =	shalt  }
0x65: {  	_ =	shalt  }
0x66: {  	_ =	shalt  }
0x67: {  	_ =	shalt  }
0x68: {  	_ =	shalt  }
0x69: {  	_ =	shalt  }
0x6a: {  	_ =	shalt  }
0x6b: {  	_ =	shalt  }
0x6c: {  	_ =	shalt  }
0x6d: {  	_ =	shalt  }
0x6e: {  	_ =	shalt  }
0x6f: {  	_ =	shalt  }
0x70: {  	_ =	shalt  }
0x71: {  	_ =	shalt  }
0x72: {  	_ =	shalt  }
0x73: {  	_ =	shalt  }
0x74: {  	_ =	shalt  }
0x75: {  	_ =	shalt  }
0x76: {  	_ =	shalt  }
0x77: {  	_ =	shalt  }
0x78: {  	_ =	shalt  }
0x79: {  	_ =	shalt  }
0x7a: {  	_ =	shalt  }
0x7b: {  	_ =	shalt  }
0x7c: {  	_ =	shalt  }
0x7d: {  	_ =	shalt  }
0x7e: {  	_ =	shalt  }
0x7f: {  	_ =	shalt  }
0x80: {  	_ =	shalt  }
0x81: {  	_ =	shalt  }
0x82: {  	_ =	shalt  }
0x83: {  	_ =	shalt  }
0x84: {  	_ =	shalt  }
0x85: {  	_ =	shalt  }
0x86: {  	_ =	shalt  }
0x87: {  	_ =	shalt  }
.Lfunc_end0:
.L_simem_size_0:
called_computation.1_lowered:
.L_overlay_start_0:
0x88: {  	s2 =	sld [smem:$0x3FD9]  }
0x89: {  	s3 =	sld [smem:$0x3FFE];
	_ =	sdelay $0x1  }
0x8a: {  	s1 =	srdreg.scid  }
0x8b: {  	s0 =	sand.u32 $0x1, s1  }
0x8c: {  	s16 =	sshll.u32 s0, $0xA;
	s2 =	sadd.s32 s3, s2  }
0x8d: {  	s2 =	sadd.s32 s2, s16  }
0x8e: {  	[smem:$0x3FC2] =	sst s2  }
0x8f: {  	_ = 	snop  }
0x90: {  	(tm) =	ssettm $0x1  }
0x91: {  	s17 =	sld [smem:$0x3FFB];
	_ =	sdelay $0x3  }
0x92: {  	_ =	strace s17  }
0x93: {  	s2 =	sld [smem:$0x3FFC];
	_ =	sdelay $0x3  }
0x94: {  	_ =	strace s2  }
0x95: {  	s2 =	sld [smem:$0x3FFD];
	_ =	sdelay $0x3  }
0x96: {  	_ =	strace s2  }
0x97: {  	_ =	strace $0x8FFFFFFF  }
0x98: {  	s18 =	sld [smem:$0x3FDB];
	_ =	sdelay $0x1  }
0x99: {  	s19 =	simm.s32 $_scs_section_size  }
0x9a: {  	s4 =	simm.s32 $_size__tile_overlayer_lowered;
	s5 =	simm.s32 $_tile_overlayer_lowered  }
0x9b: {  	s22 =	simm.s32 $0x1BFF;
	s21 =	sshll.u32 s5, $0x1;
	s2 =	sadd.s32 s19, s18  }
0x9c: {  	s6 =	simm.s32 $0x0;
	s20 =	sshll.u32 s4, $0x1;
	s4 =	sadd.s32 s21, s2  }
0x9d: {  	[timem:s6], [sflag:s22] =	dma.local [hbm:s4], s20  }
0x9e: {  	_ =	swait.ge [sflag:s22], s20  }
0x9f: {  	s3 =	ssub.s32 $0x0, s20;
	[sflag:s22] =	ssyncset.done $0x0  }
0xa0: {  	[sflag:s22] =	ssyncadd.s32 s3;
	_ =	sdelay $0x1  }
0xa1: {  	s23 =	simm.s32 $0x1B8B  }
0xa2: {  	_ =	swait.ge [sflag:s23], $0x1  }
0xa3: {  	[sflag:s23] =	ssyncset.done $0x0  }
0xa4: {  	s25 =	simm.s32 $0x1B8E;
	s24 =	sld [smem:$0x3FFE];
	[sflag:s23] =	ssyncadd.s32 $0xFFFFFFFF  }
0xa5: {  	s26 =	simm.s32 $execute0_lowered;
	[smem:$0x3FD2] =	sst s25  }
0xa6: {  	s4 =	sshll.u32 s26, $0x1;
	_ =	strace $0x80000049;
	[dreg:$0x1] =	wrdreg $0xFFFFFFFF  }
0xa7: {  	s28 =	simm.s32 $_size_execute0_lowered;
	s2 =	sadd.s32 s2, s4;
	[dreg:$0x0] =	wrdreg $0x0  }
0xa8: {  	s4 =	sshll.u32 s28, $0x1;
	[dreg:$0x2] =	wrdreg s2  }
0xa9: {  	[dreg:$0x3] =	wrdreg s4  }
0xaa: {  	[dreg:$0x4] =	wrdreg $0xC0  }
0xab: {  	_ =	task [dreg:s6], $0x5FFFF  }
0xac: {  	[dreg:$0x1] =	wrdreg $0xFFFFFFFF  }
0xad: {  	[dreg:$0x0] =	wrdreg $0x60  }
0xae: {  	[dreg:$0x2] =	wrdreg s24  }
0xaf: {  	[dreg:$0x3] =	wrdreg $0x90000  }
0xb0: {  	[dreg:$0x4] =	wrdreg $0x9  }
0xb1: {  	_ =	task.clear_ibuf [dreg:s6], $0x5FFFF;
	_ =	strace $0x90000049  }
0xb2: {  	s29 =	simm.s32 $0x9;
	_ =	strace $0x8000004B  }
0xb3: {  	_ =	swait.ge [sflag:s29], $0x1  }
0xb4: {  	[sflag:s29] =	ssyncadd.s32 $0xFFFFFFFF  }
0xb5: {  	_ =	strace $0x9000004B  }
0xb6: {  	_ =	sfence  }
0xb7: {  	s30 =	sld [smem:$0x0];
	_ =	sdelay $0x2  }
0xb8: {  	s31 =	sshll.u32 s1, $0xD;
	s1 =	sshrl.u32 s1, $0x2  }
0xb9: {  	s3 =	sand.u32 $0x4000, s31;
	s1 =	sadd.s32 s1, s30  }
0xba: {  	s0 =	sor.u32 s3, s0;
	s1 =	sshll.u32 s1, $0x11  }
0xbb: {  	s0 =	sor.u32 s1, s0  }
0xbc: {  	s0 =	sadd.s32 $0x8F2B, s0  }
0xbd: {  	[sflag:s0] =	ssyncadd.remote.s32 $0x1  }
0xbe: {  	_ =	sfence.sel $0xFFFF  }
0xbf: {  	[dreg:$0x0] =	wrdreg $0xFFFFFFFF;
	(pc) =	sbr.abs _section_cstart, $3  }
0xc0: {  	[dreg:$0x1] =	wrdreg $0xFFFFFFFF  }
0xc1: {  	_ =	task.clear_ibuf [dreg:s6], $0x2FFFF;
	_ =	strace $0x9FFFFFFF  }
0xc2: {  	(tm) =	ssettm $0x7FFFFFFF  }
0xc3: {  	_ =	shalt  }
tec
execute0_lowered:
.L_overlay_start_1:
0x0: {  	(tag) =	ssettag $0x1  }
0x1: {  	s0 =	srdreg.scid;
	s1 =	rddreg [dreg:$0x0]  }
0x2: {  	s10 =	stileid.u32;
	s2 =	rddreg [dreg:$0x1];
	s3 =	simm.s32 $0x0  }
0x3: {  	s22 =	simm.s32 $0x80;
	s23 =	simm.s32 $0x100;
	s24 =	simm.s32 $0x180  }
0x4: {  	s26 =	simm.s32 $0x200;
	[smem:$0x7FF] =	sst s3;
	s7 =	sadd.s32 $0x3A00, s1  }
0x5: {  	s12 =	simm.s32 $0x900;
	_ =	strace $0x8000004A;
	[dreg:$0x16] =	wrdreg s7  }
0x6: {  	s14 =	simm.s32 $0x300;
	s16 =	simm.s32 $0x980;
	[dreg:$0x3] =	wrdreg s22  }
0x7: {  	s17 =	simm.s32 $0x380;
	s4 =	smul.u32 $0xA000, s10;
	[dreg:$0x4] =	wrdreg s23  }
0x8: {  	s6 =	smul.u32 $0x4F000, s10;
	s21 =	sshll.u32 s10, $0x6;
	[dreg:$0x5] =	wrdreg s24  }
0x9: {  	s25 =	smul.u32 $0x2780, s10;
	s10 =	simm.s32 $0x280;
	[dreg:$0x6] =	wrdreg s26  }
0xa: {  	s18 =	simm.s32 $0xA00;
	s19 =	simm.s32 $0x400;
	[dreg:$0x8] =	wrdreg s10  }
0xb: {  	s20 =	simm.s32 $0xA80;
	s28 =	simm.s32 $0xD00;
	[dreg:$0x9] =	wrdreg s12  }
0xc: {  	s29 =	simm.s32 $0x700;
	s30 =	simm.s32 $0xD80;
	[dreg:$0xa] =	wrdreg s14  }
0xd: {  	s31 =	simm.s32 $0x780;
	s0 =	sand.u32 $0x1, s0;
	[dreg:$0xb] =	wrdreg s16  }
0xe: {  	s5 =	smul.u32 $0x7800, s0;
	s7 =	sadd.s32 $0x2D400, s1;
	[dreg:$0xc] =	wrdreg s17  }
0xf: {  	s8 =	ssub.s32 $0x2, s0;
	s11 =	sor.u32 $0x1C05, s21;
	[dreg:$0xd] =	wrdreg s18  }
0x10: {  	p0 =	seq.s32 s0, $0x0;
	s14 =	simm.s32 $0x800;
	[dreg:$0xe] =	wrdreg s19  }
0x11: {  	s16 =	simm.s32 $0x1000;
	[dreg:$0xf] =	wrdreg s20;
	s21 =	simm.s32 $0x480  }
0x12: {  	s17 =	simm.s32 $0x3000;
	s22 =	simm.s32 $0xB00;
	s18 =	simm.s32 $0x5000  }
0x13: {  	s23 =	simm.s32 $0x500;
	s19 =	simm.s32 $0x7000;
	[dreg:$0x10] =	wrdreg s21  }
0x14: {  	s24 =	simm.s32 $0xB80;
	s20 =	simm.s32 $0x1;
	[dreg:$0x11] =	wrdreg s22  }
0x15: {  	s26 =	simm.s32 $0xC00;
	s0 =	simm.s32 $0xE80;
	[dreg:$0x12] =	wrdreg s23  }
0x16: {  	s9 =	sshrl.u32 s8, $0x1;
	s6 =	sshrl.u32 s6, $0x2;
	[dreg:$0x13] =	wrdreg s24  }
0x17: {  	s21 =	simm.s32 $0x2;
	s22 =	simm.s32 $0x3;
	s23 =	simm.s32 $0x4  }
0x18: {  	[dreg:$0x15] =	wrdreg s26;
	s24 =	simm.s32 $0x600;
	s26 =	simm.s32 $0x680  }
0x19: {  	[dreg:$0x17] =	wrdreg s11;
	s4 =	sadd.s32 s5, s4;
	s8 =	ssub.s32 s8, s9  }
0x1a: {  	s6 =	sadd.s32 s6, s2;
	s9 =	simm.s32 $0xF;
	s5 =	sshrl.u32 s4, $0x3  }
0x1b: {  	s4 =	sadd.s32 $0x6200, s1;
	s9 =	simm.s32 @!p0 $0x5;
	s8 =	smax.u32 s8, $0x1  }
0x1c: {  	s5 =	sadd.s32 s5, s1;
	s1 =	sadd.s32 $0x7D200, s1;
	[dreg:$0x18] =	wrdreg s9  }
0x1d: {  	[dreg:$0x19] =	wrdreg s8;
	s8 =	simm.s32 $0x880;
	s9 =	simm.s32 $0x0  }
0x1e: {  	s1 =	smov.u32 @p0 s7;
	[dreg:$0x7] =	wrdreg s8;
	s13 =	sadd.s32 $0x69200, s5  }
0x1f: {  	s15 =	sadd.s32 $0x55200, s5;
	s7 =	sshrl.u32 s6, $0x3;
	[dreg:$0x1b] =	wrdreg s13  }
0x20: {  	s5 =	simm.s32 $0xF00;
	s8 =	simm.s32 $0xF80;
	[dreg:$0x1c] =	wrdreg s15  }
0x21: {  	s1 =	sadd.s32 s1, s25;
	s13 =	simm.s32 $0x5;
	[dreg:$0x1d] =	wrdreg s7  }
0x22: {  	s15 =	simm.s32 $0x40;
	s25 =	simm.s32 $0x580;
	[dreg:$0x1a] =	wrdreg s1  }
0x23: {  	[dreg:$0x14] =	wrdreg s25;
	s25 =	simm.s32 $0xC80;
	s1 =	simm.s32 $0xE00  }
.LBB2_1:
0x24: {  	s6 =	rddreg [dreg:$0x16]  }
0x25: {  	[spmem:s7], [sflag:s11] =	dma.local [hbm:s6], $0x2780  }
0x26: {  	_ =	swait.ge [sflag:s13], $0x2780  }
0x27: {  	[sflag:s13] =	ssyncset.done $0x0  }
0x28: {  	[sflag:s13] =	ssyncadd.s32 $0xFFFFD880  }
0x29: {  	[bflag:$0x0] =	sbarrier.arrive $0xFFFF  }
0x2a: {  	s11 =	rddreg [dreg:$0x1c]  }
0x2b: {  	[tilespmem:s3], [sflag:$0x5] =	stream.linear.gather [hbm4b:s11+s3], $0x800, $0x38;
	[tilespmem:$0x1CC00] =	vst v63  }
0x2c: {  	_ =	swait.ge [sflag:s13], $0x800  }
0x2d: {  	[sflag:s13] =	ssyncset.done $0x0  }
0x2e: {  	s7 =	rddreg [dreg:$0x1b];
	[sflag:s13] =	ssyncadd.s32 $0xFFFFF800  }
0x2f: {  	[tilespmem:s14], [sflag:$0x5] =	stream.linear.gather [hbm4b:s7+s3], $0x800, $0x38;
	[tilespmem:$0x1CC00] =	vst v63  }
0x30: {  	_ =	swait.ge [sflag:s13], $0x800  }
0x31: {  	[sflag:s13] =	ssyncset.done $0x0  }
0x32: {  	[sflag:s13] =	ssyncadd.s32 $0xFFFFF800  }
0x33: {  	[tilespmem:s16], [sflag:$0x1] =	stream.indirect.gather [hbm4b:s4+s15], $0x80, s3, s15, $0xb8;
	[tilespmem:$0x1CC00] =	vst v63  }
0x34: {  	s12 =	rddreg [dreg:$0x3]  }
0x35: {  	[tilespmem:s17], [sflag:$0x2] =	stream.indirect.gather [hbm4b:s4+s15], $0x80, s12, s15, $0xb8;
	[tilespmem:$0x1CC00] =	vst v63  }
0x36: {  	s10 =	rddreg [dreg:$0x4]  }
0x37: {  	[tilespmem:s18], [sflag:$0x3] =	stream.indirect.gather [hbm4b:s4+s15], $0x80, s10, s15, $0xb8;
	[tilespmem:$0x1CC00] =	vst v63  }
0x38: {  	s12 =	rddreg [dreg:$0x5]  }
0x39: {  	[tilespmem:s19], [sflag:$0x4] =	stream.indirect.gather [hbm4b:s4+s15], $0x80, s12, s15, $0xb8;
	[tilespmem:$0x1CC00] =	vst v63  }
0x3a: {  	_ =	swait.ge [sflag:s20], $0x2000  }
0x3b: {  	[sflag:s20] =	ssyncset.done $0x0  }
0x3c: {  	[sflag:s20] =	ssyncadd.s32 $0xFFFFE000  }
0x3d: {  	[spmem:s2] =	stream.indirect.scatter.add.f32 [tilespmem:s16], [sflag:$0x5], $0x80, s14, s15, $0xb8;
	[tilespmem:$0x1CC00] =	vst v63  }
0x3e: {  	_ =	swait.ge [sflag:s13], $0x2000  }
0x3f: {  	[sflag:s13] =	ssyncset.done $0x0  }
0x40: {  	s12 =	rddreg [dreg:$0x6];
	[sflag:s13] =	ssyncadd.s32 $0xFFFFE000  }
0x41: {  	[tilespmem:s16], [sflag:$0x1] =	stream.indirect.gather [hbm4b:s4+s15], $0x80, s12, s15, $0xb8;
	[tilespmem:$0x1CC00] =	vst v63  }
0x42: {  	_ =	swait.ge [sflag:s21], $0x2000  }
0x43: {  	[sflag:s21] =	ssyncset.done $0x0  }
0x44: {  	s10 =	rddreg [dreg:$0x7];
	[sflag:s21] =	ssyncadd.s32 $0xFFFFE000  }
0x45: {  	[spmem:s2] =	stream.indirect.scatter.add.f32 [tilespmem:s17], [sflag:$0x5], $0x80, s10, s15, $0xb8;
	[tilespmem:$0x1CC00] =	vst v63  }
0x46: {  	_ =	swait.ge [sflag:s13], $0x2000  }
0x47: {  	[sflag:s13] =	ssyncset.done $0x0  }
0x48: {  	s12 =	rddreg [dreg:$0x8];
	[sflag:s13] =	ssyncadd.s32 $0xFFFFE000  }
0x49: {  	[tilespmem:s17], [sflag:$0x2] =	stream.indirect.gather [hbm4b:s4+s15], $0x80, s12, s15, $0xb8;
	[tilespmem:$0x1CC00] =	vst v63  }
0x4a: {  	_ =	swait.ge [sflag:s22], $0x2000  }
0x4b: {  	[sflag:s22] =	ssyncset.done $0x0  }
0x4c: {  	s10 =	rddreg [dreg:$0x9];
	[sflag:s22] =	ssyncadd.s32 $0xFFFFE000  }
0x4d: {  	[spmem:s2] =	stream.indirect.scatter.add.f32 [tilespmem:s18], [sflag:$0x5], $0x80, s10, s15, $0xb8;
	[tilespmem:$0x1CC00] =	vst v63  }
0x4e: {  	_ =	swait.ge [sflag:s13], $0x2000  }
0x4f: {  	[sflag:s13] =	ssyncset.done $0x0  }
0x50: {  	s12 =	rddreg [dreg:$0xa];
	[sflag:s13] =	ssyncadd.s32 $0xFFFFE000  }
0x51: {  	[tilespmem:s18], [sflag:$0x3] =	stream.indirect.gather [hbm4b:s4+s15], $0x80, s12, s15, $0xb8;
	[tilespmem:$0x1CC00] =	vst v63  }
0x52: {  	_ =	swait.ge [sflag:s23], $0x2000  }
0x53: {  	[sflag:s23] =	ssyncset.done $0x0  }
0x54: {  	s10 =	rddreg [dreg:$0xb];
	[sflag:s23] =	ssyncadd.s32 $0xFFFFE000  }
0x55: {  	[spmem:s2] =	stream.indirect.scatter.add.f32 [tilespmem:s19], [sflag:$0x5], $0x80, s10, s15, $0xb8;
	[tilespmem:$0x1CC00] =	vst v63  }
0x56: {  	_ =	swait.ge [sflag:s13], $0x2000  }
0x57: {  	[sflag:s13] =	ssyncset.done $0x0  }
0x58: {  	s12 =	rddreg [dreg:$0xc];
	[sflag:s13] =	ssyncadd.s32 $0xFFFFE000  }
0x59: {  	[tilespmem:s19], [sflag:$0x4] =	stream.indirect.gather [hbm4b:s4+s15], $0x80, s12, s15, $0xb8;
	[tilespmem:$0x1CC00] =	vst v63  }
0x5a: {  	_ =	swait.ge [sflag:s20], $0x2000  }
0x5b: {  	[sflag:s20] =	ssyncset.done $0x0  }
0x5c: {  	s10 =	rddreg [dreg:$0xd];
	[sflag:s20] =	ssyncadd.s32 $0xFFFFE000  }
0x5d: {  	[spmem:s2] =	stream.indirect.scatter.add.f32 [tilespmem:s16], [sflag:$0x5], $0x80, s10, s15, $0xb8;
	[tilespmem:$0x1CC00] =	vst v63  }
0x5e: {  	_ =	swait.ge [sflag:s13], $0x2000  }
0x5f: {  	[sflag:s13] =	ssyncset.done $0x0  }
0x60: {  	s12 =	rddreg [dreg:$0xe];
	[sflag:s13] =	ssyncadd.s32 $0xFFFFE000  }
0x61: {  	[tilespmem:s16], [sflag:$0x1] =	stream.indirect.gather [hbm4b:s4+s15], $0x80, s12, s15, $0xb8;
	[tilespmem:$0x1CC00] =	vst v63  }
0x62: {  	_ =	swait.ge [sflag:s21], $0x2000  }
0x63: {  	[sflag:s21] =	ssyncset.done $0x0  }
0x64: {  	s10 =	rddreg [dreg:$0xf];
	[sflag:s21] =	ssyncadd.s32 $0xFFFFE000  }
0x65: {  	[spmem:s2] =	stream.indirect.scatter.add.f32 [tilespmem:s17], [sflag:$0x5], $0x80, s10, s15, $0xb8;
	[tilespmem:$0x1CC00] =	vst v63  }
0x66: {  	_ =	swait.ge [sflag:s13], $0x2000  }
0x67: {  	[sflag:s13] =	ssyncset.done $0x0  }
0x68: {  	s12 =	rddreg [dreg:$0x10];
	[sflag:s13] =	ssyncadd.s32 $0xFFFFE000  }
0x69: {  	[tilespmem:s17], [sflag:$0x2] =	stream.indirect.gather [hbm4b:s4+s15], $0x80, s12, s15, $0xb8;
	[tilespmem:$0x1CC00] =	vst v63  }
0x6a: {  	_ =	swait.ge [sflag:s22], $0x2000  }
0x6b: {  	[sflag:s22] =	ssyncset.done $0x0  }
0x6c: {  	s10 =	rddreg [dreg:$0x11];
	[sflag:s22] =	ssyncadd.s32 $0xFFFFE000  }
0x6d: {  	[spmem:s2] =	stream.indirect.scatter.add.f32 [tilespmem:s18], [sflag:$0x5], $0x80, s10, s15, $0xb8;
	[tilespmem:$0x1CC00] =	vst v63  }
0x6e: {  	_ =	swait.ge [sflag:s13], $0x2000  }
0x6f: {  	[sflag:s13] =	ssyncset.done $0x0  }
0x70: {  	s12 =	rddreg [dreg:$0x12];
	[sflag:s13] =	ssyncadd.s32 $0xFFFFE000  }
0x71: {  	[tilespmem:s18], [sflag:$0x3] =	stream.indirect.gather [hbm4b:s4+s15], $0x80, s12, s15, $0xb8;
	[tilespmem:$0x1CC00] =	vst v63  }
0x72: {  	_ =	swait.ge [sflag:s23], $0x2000  }
0x73: {  	[sflag:s23] =	ssyncset.done $0x0  }
0x74: {  	s10 =	rddreg [dreg:$0x13];
	[sflag:s23] =	ssyncadd.s32 $0xFFFFE000  }
0x75: {  	[spmem:s2] =	stream.indirect.scatter.add.f32 [tilespmem:s19], [sflag:$0x5], $0x80, s10, s15, $0xb8;
	[tilespmem:$0x1CC00] =	vst v63  }
0x76: {  	_ =	swait.ge [sflag:s13], $0x2000  }
0x77: {  	[sflag:s13] =	ssyncset.done $0x0  }
0x78: {  	s12 =	rddreg [dreg:$0x14];
	[sflag:s13] =	ssyncadd.s32 $0xFFFFE000  }
0x79: {  	[tilespmem:s19], [sflag:$0x4] =	stream.indirect.gather [hbm4b:s4+s15], $0x80, s12, s15, $0xb8;
	[tilespmem:$0x1CC00] =	vst v63  }
0x7a: {  	_ =	swait.ge [sflag:s20], $0x2000  }
0x7b: {  	[sflag:s20] =	ssyncset.done $0x0  }
0x7c: {  	s10 =	rddreg [dreg:$0x15];
	[sflag:s20] =	ssyncadd.s32 $0xFFFFE000  }
0x7d: {  	[spmem:s2] =	stream.indirect.scatter.add.f32 [tilespmem:s16], [sflag:$0x5], $0x80, s10, s15, $0xb8;
	[tilespmem:$0x1CC00] =	vst v63  }
0x7e: {  	_ =	swait.ge [sflag:s13], $0x2000  }
0x7f: {  	[sflag:s13] =	ssyncset.done $0x0  }
0x80: {  	[sflag:s13] =	ssyncadd.s32 $0xFFFFE000  }
0x81: {  	[tilespmem:s16], [sflag:$0x1] =	stream.indirect.gather [hbm4b:s4+s15], $0x80, s24, s15, $0xb8;
	[tilespmem:$0x1CC00] =	vst v63  }
0x82: {  	_ =	swait.ge [sflag:s21], $0x2000  }
0x83: {  	[sflag:s21] =	ssyncset.done $0x0  }
0x84: {  	[sflag:s21] =	ssyncadd.s32 $0xFFFFE000  }
0x85: {  	[spmem:s2] =	stream.indirect.scatter.add.f32 [tilespmem:s17], [sflag:$0x5], $0x80, s25, s15, $0xb8;
	[tilespmem:$0x1CC00] =	vst v63  }
0x86: {  	_ =	swait.ge [sflag:s13], $0x2000  }
0x87: {  	[sflag:s13] =	ssyncset.done $0x0  }
0x88: {  	[sflag:s13] =	ssyncadd.s32 $0xFFFFE000  }
0x89: {  	[tilespmem:s17], [sflag:$0x2] =	stream.indirect.gather [hbm4b:s4+s15], $0x80, s26, s15, $0xb8;
	[tilespmem:$0x1CC00] =	vst v63  }
0x8a: {  	_ =	swait.ge [sflag:s22], $0x2000  }
0x8b: {  	[sflag:s22] =	ssyncset.done $0x0  }
0x8c: {  	[sflag:s22] =	ssyncadd.s32 $0xFFFFE000  }
0x8d: {  	[spmem:s2] =	stream.indirect.scatter.add.f32 [tilespmem:s18], [sflag:$0x5], $0x80, s28, s15, $0xb8;
	[tilespmem:$0x1CC00] =	vst v63  }
0x8e: {  	_ =	swait.ge [sflag:s13], $0x2000  }
0x8f: {  	[sflag:s13] =	ssyncset.done $0x0  }
0x90: {  	[sflag:s13] =	ssyncadd.s32 $0xFFFFE000  }
0x91: {  	[tilespmem:s18], [sflag:$0x3] =	stream.indirect.gather [hbm4b:s4+s15], $0x80, s29, s15, $0xb8;
	[tilespmem:$0x1CC00] =	vst v63  }
0x92: {  	_ =	swait.ge [sflag:s23], $0x2000  }
0x93: {  	[sflag:s23] =	ssyncset.done $0x0  }
0x94: {  	[sflag:s23] =	ssyncadd.s32 $0xFFFFE000  }
0x95: {  	[spmem:s2] =	stream.indirect.scatter.add.f32 [tilespmem:s19], [sflag:$0x5], $0x80, s30, s15, $0xb8;
	[tilespmem:$0x1CC00] =	vst v63  }
0x96: {  	_ =	swait.ge [sflag:s13], $0x2000  }
0x97: {  	[sflag:s13] =	ssyncset.done $0x0  }
0x98: {  	[sflag:s13] =	ssyncadd.s32 $0xFFFFE000  }
0x99: {  	[tilespmem:s19], [sflag:$0x4] =	stream.indirect.gather [hbm4b:s4+s15], $0x80, s31, s15, $0xb8;
	[tilespmem:$0x1CC00] =	vst v63  }
0x9a: {  	_ =	swait.ge [sflag:s20], $0x2000  }
0x9b: {  	[sflag:s20] =	ssyncset.done $0x0  }
0x9c: {  	[sflag:s20] =	ssyncadd.s32 $0xFFFFE000  }
0x9d: {  	[spmem:s2] =	stream.indirect.scatter.add.f32 [tilespmem:s16], [sflag:$0x5], $0x80, s1, s15, $0xb8;
	[tilespmem:$0x1CC00] =	vst v63  }
0x9e: {  	_ =	swait.ge [sflag:s13], $0x2000  }
0x9f: {  	[sflag:s13] =	ssyncset.done $0x0  }
0xa0: {  	[sflag:s13] =	ssyncadd.s32 $0xFFFFE000  }
0xa1: {  	_ =	swait.ge [sflag:s21], $0x2000  }
0xa2: {  	[sflag:s21] =	ssyncset.done $0x0  }
0xa3: {  	[sflag:s21] =	ssyncadd.s32 $0xFFFFE000  }
0xa4: {  	[spmem:s2] =	stream.indirect.scatter.add.f32 [tilespmem:s17], [sflag:$0x5], $0x80, s0, s15, $0xb8;
	[tilespmem:$0x1CC00] =	vst v63  }
0xa5: {  	_ =	swait.ge [sflag:s13], $0x2000  }
0xa6: {  	[sflag:s13] =	ssyncset.done $0x0  }
0xa7: {  	[sflag:s13] =	ssyncadd.s32 $0xFFFFE000  }
0xa8: {  	_ =	swait.ge [sflag:s22], $0x2000  }
0xa9: {  	[sflag:s22] =	ssyncset.done $0x0  }
0xaa: {  	[sflag:s22] =	ssyncadd.s32 $0xFFFFE000  }
0xab: {  	[spmem:s2] =	stream.indirect.scatter.add.f32 [tilespmem:s18], [sflag:$0x5], $0x80, s5, s15, $0xb8;
	[tilespmem:$0x1CC00] =	vst v63  }
0xac: {  	_ =	swait.ge [sflag:s13], $0x2000  }
0xad: {  	[sflag:s13] =	ssyncset.done $0x0  }
0xae: {  	[sflag:s13] =	ssyncadd.s32 $0xFFFFE000  }
0xaf: {  	_ =	swait.ge [sflag:s23], $0x2000  }
0xb0: {  	s12 =	rddreg [dreg:$0x18]  }
0xb1: {  	p0 =	sne.s32 s12, $0x1  }
.Ltmp0:
0xb2: {  	[sflag:s23] =	ssyncset.done $0x0;
	(pc) =	sbr.rel @!p0 .LBB2_3-.Ltmp0, $4  }
0xb3: {  	[sflag:s23] =	ssyncadd.s32 $0xFFFFE000  }
0xb4: {  	[spmem:s2] =	stream.indirect.scatter.add.f32 [tilespmem:s19], [sflag:$0x5], $0x80, s8, s15, $0xb8;
	[tilespmem:$0x1CC00] =	vst v63  }
0xb5: {  	_ =	swait.ge [sflag:s13], $0x2000  }
0xb6: {  	s10 =	smov.u32 s7;
	s6 =	sadd.s32 $0xFFFFFFFF, s12;
	[sflag:s13] =	ssyncset.done $0x0  }
.LBB2_2:
0xb7: {  	[sflag:s13] =	ssyncadd.s32 $0xFFFFE000;
	s11 =	sadd.s32 $0x100, s11  }
0xb8: {  	[tilespmem:s3], [sflag:$0x5] =	stream.linear.gather [hbm4b:s11+s3], $0x800, $0x38;
	[tilespmem:$0x1CC00] =	vst v63  }
0xb9: {  	_ =	swait.ge [sflag:s13], $0x800  }
0xba: {  	[sflag:s13] =	ssyncset.done $0x0  }
0xbb: {  	s10 =	sadd.s32 $0x100, s10;
	[sflag:s13] =	ssyncadd.s32 $0xFFFFF800  }
0xbc: {  	[tilespmem:s14], [sflag:$0x5] =	stream.linear.gather [hbm4b:s10+s3], $0x800, $0x38;
	[tilespmem:$0x1CC00] =	vst v63  }
0xbd: {  	_ =	swait.ge [sflag:s13], $0x800  }
0xbe: {  	[sflag:s13] =	ssyncset.done $0x0  }
0xbf: {  	[sflag:s13] =	ssyncadd.s32 $0xFFFFF800  }
0xc0: {  	[tilespmem:s16], [sflag:$0x1] =	stream.indirect.gather [hbm4b:s4+s15], $0x80, s3, s15, $0xb8;
	[tilespmem:$0x1CC00] =	vst v63  }
0xc1: {  	s12 =	rddreg [dreg:$0x3]  }
0xc2: {  	[tilespmem:s17], [sflag:$0x2] =	stream.indirect.gather [hbm4b:s4+s15], $0x80, s12, s15, $0xb8;
	[tilespmem:$0x1CC00] =	vst v63  }
0xc3: {  	s7 =	rddreg [dreg:$0x4]  }
0xc4: {  	[tilespmem:s18], [sflag:$0x3] =	stream.indirect.gather [hbm4b:s4+s15], $0x80, s7, s15, $0xb8;
	[tilespmem:$0x1CC00] =	vst v63  }
0xc5: {  	s12 =	rddreg [dreg:$0x5]  }
0xc6: {  	[tilespmem:s19], [sflag:$0x4] =	stream.indirect.gather [hbm4b:s4+s15], $0x80, s12, s15, $0xb8;
	[tilespmem:$0x1CC00] =	vst v63  }
0xc7: {  	_ =	swait.ge [sflag:s20], $0x2000  }
0xc8: {  	[sflag:s20] =	ssyncset.done $0x0  }
0xc9: {  	[sflag:s20] =	ssyncadd.s32 $0xFFFFE000  }
0xca: {  	[spmem:s2] =	stream.indirect.scatter.add.f32 [tilespmem:s16], [sflag:$0x5], $0x80, s14, s15, $0xb8;
	[tilespmem:$0x1CC00] =	vst v63  }
0xcb: {  	_ =	swait.ge [sflag:s13], $0x2000  }
0xcc: {  	[sflag:s13] =	ssyncset.done $0x0  }
0xcd: {  	s12 =	rddreg [dreg:$0x6];
	[sflag:s13] =	ssyncadd.s32 $0xFFFFE000  }
0xce: {  	[tilespmem:s16], [sflag:$0x1] =	stream.indirect.gather [hbm4b:s4+s15], $0x80, s12, s15, $0xb8;
	[tilespmem:$0x1CC00] =	vst v63  }
0xcf: {  	_ =	swait.ge [sflag:s21], $0x2000  }
0xd0: {  	[sflag:s21] =	ssyncset.done $0x0  }
0xd1: {  	s12 =	rddreg [dreg:$0x7];
	[sflag:s21] =	ssyncadd.s32 $0xFFFFE000  }
0xd2: {  	[spmem:s2] =	stream.indirect.scatter.add.f32 [tilespmem:s17], [sflag:$0x5], $0x80, s12, s15, $0xb8;
	[tilespmem:$0x1CC00] =	vst v63  }
0xd3: {  	_ =	swait.ge [sflag:s13], $0x2000  }
0xd4: {  	[sflag:s13] =	ssyncset.done $0x0  }
0xd5: {  	s12 =	rddreg [dreg:$0x8];
	[sflag:s13] =	ssyncadd.s32 $0xFFFFE000  }
0xd6: {  	[tilespmem:s17], [sflag:$0x2] =	stream.indirect.gather [hbm4b:s4+s15], $0x80, s12, s15, $0xb8;
	[tilespmem:$0x1CC00] =	vst v63  }
0xd7: {  	_ =	swait.ge [sflag:s22], $0x2000  }
0xd8: {  	[sflag:s22] =	ssyncset.done $0x0  }
0xd9: {  	s12 =	rddreg [dreg:$0x9];
	[sflag:s22] =	ssyncadd.s32 $0xFFFFE000  }
0xda: {  	[spmem:s2] =	stream.indirect.scatter.add.f32 [tilespmem:s18], [sflag:$0x5], $0x80, s12, s15, $0xb8;
	[tilespmem:$0x1CC00] =	vst v63  }
0xdb: {  	_ =	swait.ge [sflag:s13], $0x2000  }
0xdc: {  	[sflag:s13] =	ssyncset.done $0x0  }
0xdd: {  	s12 =	rddreg [dreg:$0xa];
	[sflag:s13] =	ssyncadd.s32 $0xFFFFE000  }
0xde: {  	[tilespmem:s18], [sflag:$0x3] =	stream.indirect.gather [hbm4b:s4+s15], $0x80, s12, s15, $0xb8;
	[tilespmem:$0x1CC00] =	vst v63  }
0xdf: {  	_ =	swait.ge [sflag:s23], $0x2000  }
0xe0: {  	[sflag:s23] =	ssyncset.done $0x0  }
0xe1: {  	s12 =	rddreg [dreg:$0xb];
	[sflag:s23] =	ssyncadd.s32 $0xFFFFE000  }
0xe2: {  	[spmem:s2] =	stream.indirect.scatter.add.f32 [tilespmem:s19], [sflag:$0x5], $0x80, s12, s15, $0xb8;
	[tilespmem:$0x1CC00] =	vst v63  }
0xe3: {  	_ =	swait.ge [sflag:s13], $0x2000  }
0xe4: {  	[sflag:s13] =	ssyncset.done $0x0  }
0xe5: {  	s12 =	rddreg [dreg:$0xc];
	[sflag:s13] =	ssyncadd.s32 $0xFFFFE000  }
0xe6: {  	[tilespmem:s19], [sflag:$0x4] =	stream.indirect.gather [hbm4b:s4+s15], $0x80, s12, s15, $0xb8;
	[tilespmem:$0x1CC00] =	vst v63  }
0xe7: {  	_ =	swait.ge [sflag:s20], $0x2000  }
0xe8: {  	[sflag:s20] =	ssyncset.done $0x0  }
0xe9: {  	s12 =	rddreg [dreg:$0xd];
	[sflag:s20] =	ssyncadd.s32 $0xFFFFE000  }
0xea: {  	[spmem:s2] =	stream.indirect.scatter.add.f32 [tilespmem:s16], [sflag:$0x5], $0x80, s12, s15, $0xb8;
	[tilespmem:$0x1CC00] =	vst v63  }
0xeb: {  	_ =	swait.ge [sflag:s13], $0x2000  }
0xec: {  	[sflag:s13] =	ssyncset.done $0x0  }
0xed: {  	s12 =	rddreg [dreg:$0xe];
	[sflag:s13] =	ssyncadd.s32 $0xFFFFE000  }
0xee: {  	[tilespmem:s16], [sflag:$0x1] =	stream.indirect.gather [hbm4b:s4+s15], $0x80, s12, s15, $0xb8;
	[tilespmem:$0x1CC00] =	vst v63  }
0xef: {  	_ =	swait.ge [sflag:s21], $0x2000  }
0xf0: {  	[sflag:s21] =	ssyncset.done $0x0  }
0xf1: {  	s12 =	rddreg [dreg:$0xf];
	[sflag:s21] =	ssyncadd.s32 $0xFFFFE000  }
0xf2: {  	[spmem:s2] =	stream.indirect.scatter.add.f32 [tilespmem:s17], [sflag:$0x5], $0x80, s12, s15, $0xb8;
	[tilespmem:$0x1CC00] =	vst v63  }
0xf3: {  	_ =	swait.ge [sflag:s13], $0x2000  }
0xf4: {  	[sflag:s13] =	ssyncset.done $0x0  }
0xf5: {  	s12 =	rddreg [dreg:$0x10];
	[sflag:s13] =	ssyncadd.s32 $0xFFFFE000  }
0xf6: {  	[tilespmem:s17], [sflag:$0x2] =	stream.indirect.gather [hbm4b:s4+s15], $0x80, s12, s15, $0xb8;
	[tilespmem:$0x1CC00] =	vst v63  }
0xf7: {  	_ =	swait.ge [sflag:s22], $0x2000  }
0xf8: {  	[sflag:s22] =	ssyncset.done $0x0  }
0xf9: {  	s12 =	rddreg [dreg:$0x11];
	[sflag:s22] =	ssyncadd.s32 $0xFFFFE000  }
0xfa: {  	[spmem:s2] =	stream.indirect.scatter.add.f32 [tilespmem:s18], [sflag:$0x5], $0x80, s12, s15, $0xb8;
	[tilespmem:$0x1CC00] =	vst v63  }
0xfb: {  	_ =	swait.ge [sflag:s13], $0x2000  }
0xfc: {  	[sflag:s13] =	ssyncset.done $0x0  }
0xfd: {  	s12 =	rddreg [dreg:$0x12];
	[sflag:s13] =	ssyncadd.s32 $0xFFFFE000  }
0xfe: {  	[tilespmem:s18], [sflag:$0x3] =	stream.indirect.gather [hbm4b:s4+s15], $0x80, s12, s15, $0xb8;
	[tilespmem:$0x1CC00] =	vst v63  }
0xff: {  	_ =	swait.ge [sflag:s23], $0x2000  }
0x100: {  	[sflag:s23] =	ssyncset.done $0x0  }
0x101: {  	s12 =	rddreg [dreg:$0x13];
	[sflag:s23] =	ssyncadd.s32 $0xFFFFE000  }
0x102: {  	[spmem:s2] =	stream.indirect.scatter.add.f32 [tilespmem:s19], [sflag:$0x5], $0x80, s12, s15, $0xb8;
	[tilespmem:$0x1CC00] =	vst v63  }
0x103: {  	_ =	swait.ge [sflag:s13], $0x2000  }
0x104: {  	[sflag:s13] =	ssyncset.done $0x0  }
0x105: {  	s12 =	rddreg [dreg:$0x14];
	[sflag:s13] =	ssyncadd.s32 $0xFFFFE000  }
0x106: {  	[tilespmem:s19], [sflag:$0x4] =	stream.indirect.gather [hbm4b:s4+s15], $0x80, s12, s15, $0xb8;
	[tilespmem:$0x1CC00] =	vst v63  }
0x107: {  	_ =	swait.ge [sflag:s20], $0x2000  }
0x108: {  	[sflag:s20] =	ssyncset.done $0x0  }
0x109: {  	s12 =	rddreg [dreg:$0x15];
	[sflag:s20] =	ssyncadd.s32 $0xFFFFE000  }
0x10a: {  	[spmem:s2] =	stream.indirect.scatter.add.f32 [tilespmem:s16], [sflag:$0x5], $0x80, s12, s15, $0xb8;
	[tilespmem:$0x1CC00] =	vst v63  }
0x10b: {  	_ =	swait.ge [sflag:s13], $0x2000  }
0x10c: {  	[sflag:s13] =	ssyncset.done $0x0  }
0x10d: {  	[sflag:s13] =	ssyncadd.s32 $0xFFFFE000  }
0x10e: {  	[tilespmem:s16], [sflag:$0x1] =	stream.indirect.gather [hbm4b:s4+s15], $0x80, s24, s15, $0xb8;
	[tilespmem:$0x1CC00] =	vst v63  }
0x10f: {  	_ =	swait.ge [sflag:s21], $0x2000  }
0x110: {  	[sflag:s21] =	ssyncset.done $0x0  }
0x111: {  	[sflag:s21] =	ssyncadd.s32 $0xFFFFE000  }
0x112: {  	[spmem:s2] =	stream.indirect.scatter.add.f32 [tilespmem:s17], [sflag:$0x5], $0x80, s25, s15, $0xb8;
	[tilespmem:$0x1CC00] =	vst v63  }
0x113: {  	_ =	swait.ge [sflag:s13], $0x2000  }
0x114: {  	[sflag:s13] =	ssyncset.done $0x0  }
0x115: {  	[sflag:s13] =	ssyncadd.s32 $0xFFFFE000  }
0x116: {  	[tilespmem:s17], [sflag:$0x2] =	stream.indirect.gather [hbm4b:s4+s15], $0x80, s26, s15, $0xb8;
	[tilespmem:$0x1CC00] =	vst v63  }
0x117: {  	_ =	swait.ge [sflag:s22], $0x2000  }
0x118: {  	[sflag:s22] =	ssyncset.done $0x0  }
0x119: {  	[sflag:s22] =	ssyncadd.s32 $0xFFFFE000  }
0x11a: {  	[spmem:s2] =	stream.indirect.scatter.add.f32 [tilespmem:s18], [sflag:$0x5], $0x80, s28, s15, $0xb8;
	[tilespmem:$0x1CC00] =	vst v63  }
0x11b: {  	_ =	swait.ge [sflag:s13], $0x2000  }
0x11c: {  	[sflag:s13] =	ssyncset.done $0x0  }
0x11d: {  	[sflag:s13] =	ssyncadd.s32 $0xFFFFE000  }
0x11e: {  	[tilespmem:s18], [sflag:$0x3] =	stream.indirect.gather [hbm4b:s4+s15], $0x80, s29, s15, $0xb8;
	[tilespmem:$0x1CC00] =	vst v63  }
0x11f: {  	_ =	swait.ge [sflag:s23], $0x2000  }
0x120: {  	[sflag:s23] =	ssyncset.done $0x0  }
0x121: {  	[sflag:s23] =	ssyncadd.s32 $0xFFFFE000  }
0x122: {  	[spmem:s2] =	stream.indirect.scatter.add.f32 [tilespmem:s19], [sflag:$0x5], $0x80, s30, s15, $0xb8;
	[tilespmem:$0x1CC00] =	vst v63  }
0x123: {  	_ =	swait.ge [sflag:s13], $0x2000  }
0x124: {  	[sflag:s13] =	ssyncset.done $0x0  }
0x125: {  	[sflag:s13] =	ssyncadd.s32 $0xFFFFE000  }
0x126: {  	[tilespmem:s19], [sflag:$0x4] =	stream.indirect.gather [hbm4b:s4+s15], $0x80, s31, s15, $0xb8;
	[tilespmem:$0x1CC00] =	vst v63  }
0x127: {  	_ =	swait.ge [sflag:s20], $0x2000  }
0x128: {  	[sflag:s20] =	ssyncset.done $0x0  }
0x129: {  	[sflag:s20] =	ssyncadd.s32 $0xFFFFE000  }
0x12a: {  	[spmem:s2] =	stream.indirect.scatter.add.f32 [tilespmem:s16], [sflag:$0x5], $0x80, s1, s15, $0xb8;
	[tilespmem:$0x1CC00] =	vst v63  }
0x12b: {  	_ =	swait.ge [sflag:s13], $0x2000  }
0x12c: {  	[sflag:s13] =	ssyncset.done $0x0  }
0x12d: {  	[sflag:s13] =	ssyncadd.s32 $0xFFFFE000  }
0x12e: {  	_ =	swait.ge [sflag:s21], $0x2000  }
0x12f: {  	[sflag:s21] =	ssyncset.done $0x0  }
0x130: {  	[sflag:s21] =	ssyncadd.s32 $0xFFFFE000  }
0x131: {  	[spmem:s2] =	stream.indirect.scatter.add.f32 [tilespmem:s17], [sflag:$0x5], $0x80, s0, s15, $0xb8;
	[tilespmem:$0x1CC00] =	vst v63  }
0x132: {  	_ =	swait.ge [sflag:s13], $0x2000  }
0x133: {  	[sflag:s13] =	ssyncset.done $0x0  }
0x134: {  	[sflag:s13] =	ssyncadd.s32 $0xFFFFE000  }
0x135: {  	_ =	swait.ge [sflag:s22], $0x2000  }
0x136: {  	[sflag:s22] =	ssyncset.done $0x0  }
0x137: {  	[sflag:s22] =	ssyncadd.s32 $0xFFFFE000  }
0x138: {  	[spmem:s2] =	stream.indirect.scatter.add.f32 [tilespmem:s18], [sflag:$0x5], $0x80, s5, s15, $0xb8;
	[tilespmem:$0x1CC00] =	vst v63  }
0x139: {  	_ =	swait.ge [sflag:s13], $0x2000  }
0x13a: {  	[sflag:s13] =	ssyncset.done $0x0  }
0x13b: {  	[sflag:s13] =	ssyncadd.s32 $0xFFFFE000  }
0x13c: {  	p0 =	sne.s32 s6, $0x1;
	_ =	swait.ge [sflag:s23], $0x2000  }
.Ltmp1:
0x13d: {  	[sflag:s23] =	ssyncset.done $0x0;
	(pc) =	sbr.rel @p0 .LBB2_2-.Ltmp1, $4  }
0x13e: {  	[sflag:s23] =	ssyncadd.s32 $0xFFFFE000  }
0x13f: {  	[spmem:s2] =	stream.indirect.scatter.add.f32 [tilespmem:s19], [sflag:$0x5], $0x80, s8, s15, $0xb8;
	[tilespmem:$0x1CC00] =	vst v63  }
0x140: {  	_ =	swait.ge [sflag:s13], $0x2000  }
0x141: {  	s6 =	sadd.s32 $0xFFFFFFFF, s6;
	[sflag:s13] =	ssyncset.done $0x0  }
.LBB2_3:
0x142: {  	[sflag:s13] =	ssyncadd.s32 $0xFFFFE000  }
0x143: {  	[bflag:$0x0] =	sbarrier.arrive $0xFFFF  }
0x144: {  	s11 =	rddreg [dreg:$0x17]  }
0x145: {  	s6 =	rddreg [dreg:$0x1a]  }
0x146: {  	s7 =	rddreg [dreg:$0x1d]  }
0x147: {  	[hbm:s6], [sflag:s11] =	dma.local [spmem:s7], $0x2780  }
0x148: {  	_ =	swait.ge [sflag:s13], $0x2780  }
0x149: {  	s9 =	sadd.s32 $0x1, s9;
	s12 =	rddreg [dreg:$0x19]  }
0x14a: {  	p0 =	sne.s32 s9, s12  }
.Ltmp2:
0x14b: {  	_ = 	snop;
	(pc) =	sbr.rel @p0 .LBB2_1-.Ltmp2, $3  }
0x14c: {  	_ =	sdelay $0x1  }
0x14d: {  	[sflag:s13] =	ssyncset.done $0x0  }
0x14e: {  	[sflag:s13] =	ssyncadd.s32 $0xFFFFD880  }
0x14f: {  	_ =	sfence.sel $0x180000  }
0x150: {  	[bflag:$0x0] =	sbarrier.arrive $0xFFFF  }
0x151: {  	_ =	strace $0x9000004A  }
0x152: {  	s0 =	stileid.u32;
	[bflag:$0x2] =	sbarrier.arrive $0xFFFF  }
0x153: {  	p0 =	sne.s32 s0, $0x0;
	s0 =	rddreg [dreg:$0x2]  }
0x154: {  	s0 =	sadd.s32 @!p0 $0x100000, s0  }
0x155: {  	[sflag:s0] =	ssyncadd.tile.s32 @!p0 $0x1;
	_ =	shalt  }
.Lfunc_end2:
_tile_overlayer_lowered:
.L_overlay_start_2:
0x156: {  	(tag) =	ssettag $0x2  }
0x157: {  	s0 =	rddreg [dreg:$0x0];
	s2 =	stileid.u32  }
0x158: {  	s1 =	rddreg [dreg:$0x1];
	p0 =	sne.s32 s2, $0x0  }
0x159: {  	s3 =	rddreg [dreg:$0x2];
	[bflag:$0x3] =	sbarrier.arrive $0xFFFF;
	s2 =	simm.s32 @!p0 $0x1C05  }
0x15a: {  	[timem:s3], [sflag:s2] =	dma.local @!p0 [hbm:s0], s1  }
0x15b: {  	s0 =	simm.s32 @!p0 $0x5  }
0x15c: {  	_ =	swait.ge @!p0 [sflag:s0], s1  }
0x15d: {  	s1 =	ssub.s32 @!p0 $0x0, s1;
	[sflag:s0] =	ssyncset.done @!p0 $0x0  }
0x15e: {  	[sflag:s0] =	ssyncadd.s32 @!p0 s1  }
0x15f: {  	[bflag:$0x3] =	sbarrier.arrive $0xFFFF  }
0x160: {  	_ =	shalt  }

// kernel: kernel.14.cloned.1.call-start
scs
__scs_entry_jumppad:
0x0: {  	(pc) =	sbr.rel $0x88, $3  }
0x1: {  	(tag) =	ssettag $0x0;
	lr =	simm.s32 $0x1  }
0x2: {  	[smem:$0x3F9B] =	sst lr;
	_ =	strace $0xD0000000  }
0x3: {  	_ = 	snop  }
0x4: {  	_ = 	snop  }
0x5: {  	_ = 	snop  }
0x6: {  	_ = 	snop  }
0x7: {  	_ = 	snop  }
__scs_overlays_trampoline_lowered:
0x8: {  	[smem:$0x3FAA] =	sst s0  }
0x9: {  	[smem:$0x3FAB] =	sst s1  }
0xa: {  	[smem:$0x3FAC] =	sst s2  }
0xb: {  	[smem:$0x3FAD] =	sst s3  }
0xc: {  	[smem:$0x3FAE] =	sst s4  }
0xd: {  	[smem:$0x3FAF] =	sst s5  }
0xe: {  	[smem:$0x3FB0] =	sst s6  }
0xf: {  	[smem:$0x3FB1] =	sst s7  }
0x10: {  	[smem:$0x3FB2] =	sst s8  }
0x11: {  	[smem:$0x3FB3] =	sst s9;
	s0 =	simm.s32 @!p0 $0x0  }
0x12: {  	s1 =	sld [smem:$0x3F99];
	s0 =	simm.s32 @p0 $0x1  }
0x13: {  	[smem:$0x3FB4] =	sst s0;
	s0 =	simm.s32 @!p1 $0x0  }
0x14: {  	s2 =	sld [smem:$0x3F98];
	s0 =	simm.s32 @p1 $0x1  }
0x15: {  	[smem:$0x3FB5] =	sst s0;
	s0 =	simm.s32 @!p2 $0x0  }
0x16: {  	s3 =	sld [smem:$0x3FDB];
	s0 =	simm.s32 @p2 $0x1  }
0x17: {  	s4 =	simm.s32 $0x1BF5;
	[smem:$0x3FB7] =	sst s0  }
0x18: {  	s0 =	sld [smem:$0x3F9A];
	_ =	swait.ge [sflag:s4], $0x0  }
0x19: {  	s7 =	sld [smem:$0x3F9B]  }
0x1a: {  	s8 =	sadd.s32 $0xFFFFE003, lr  }
0x1b: {  	s9 =	sadd.s32 $0xFFFFFEF7, lr;
	s5 =	simm.s32 $0xFFFFFFFF;
	p2 =	slt.u32 s8, $0xFFFFF086  }
0x1c: {  	p1 =	slt.u32 s9, $0xF7A;
	s5 =	simm.s32 @!p2 $0x0  }
0x1d: {  	s5 =	simm.s32 @p1 $0x1;
	p0 =	seq.s32 s7, s2  }
0x1e: {  	s7 =	smul.u32 @!p0 $0xF7A, s2;
	p2 =	seq.s32 @!p0 s5, $0x0  }
0x1f: {  	s9 =	smul.u32 $0xF7A, s1;
	s8 =	simm.s32 @!p0 $0x1BF5;
	p2 =	por !p2, p0  }
0x20: {  	[sflag:s8] =	ssyncset.s32 @!p0 $0xFFFFF086;
	s6 =	sadd.s32 @!p0 s3, s7;
	s7 =	simm.s32 @!p0 $0x108  }
0x21: {  	s3 =	sadd.s32 s3, s9;
	s6 =	sadd.s32 @!p0 $0x88, s6;
	s7 =	simm.s32 @p2 $0x1082  }
0x22: {  	[simem:s7], [sflag:s8] =	dma.local @!p0 [hbm:s6], $0xF7A  }
0x23: {  	s9 =	sor.u32 $0xD0000000, s2;
	s6 =	simm.s32 $0x108;
	_ =	swait.ge @!p0 [sflag:s8], $0x0  }
0x24: {  	s3 =	sadd.s32 $0x88, s3;
	s6 =	simm.s32 @!p1 $0x1082;
	[sflag:s4] =	ssyncset.s32 $0xFFFFF086  }
0x25: {  	[simem:s6], [sflag:s4] =	dma.local [hbm:s3], $0xF7A  }
0x26: {  	[smem:$0x3F9B] =	sst s1;
	(tag) =	ssettag s2;
	_ =	strace s9  }
0x27: {  	s1 =	sld [smem:$0x3FAB]  }
0x28: {  	s2 =	sld [smem:$0x3FAC]  }
0x29: {  	s4 =	sld [smem:$0x3FAE]  }
0x2a: {  	p0 =	seq.s32 s5, $0x0;
	s5 =	sld [smem:$0x3FAF]  }
0x2b: {  	s6 =	sld [smem:$0x3FB0]  }
0x2c: {  	s7 =	sld [smem:$0x3FB1]  }
0x2d: {  	s3 =	simm.s32 $0x108;
	s8 =	sld [smem:$0x3FB2]  }
0x2e: {  	s3 =	simm.s32 @!p0 $0x1082;
	s9 =	sld [smem:$0x3FB3]  }
0x2f: {  	lr =	sadd.s32 s0, s3;
	s0 =	sld [smem:$0x3FAA]  }
0x30: {  	s3 =	sld [smem:$0x3FAD]  }
0x31: {  	[smem:$0x3FB6] =	sst s10  }
0x32: {  	s10 =	sld [smem:$0x3FB4];
	_ =	sdelay $0x3  }
0x33: {  	p0 =	seq.s32 s10, $0x1;
	s10 =	sld [smem:$0x3FB6];
	_ =	sdelay $0x3  }
0x34: {  	[smem:$0x3FB6] =	sst s10  }
0x35: {  	s10 =	sld [smem:$0x3FB5];
	_ =	sdelay $0x3  }
0x36: {  	p1 =	seq.s32 s10, $0x1;
	s10 =	sld [smem:$0x3FB6];
	_ =	sdelay $0x3  }
0x37: {  	[smem:$0x3FB6] =	sst s10  }
0x38: {  	s10 =	sld [smem:$0x3FB7]  }
0x39: {  	_ = 	snop;
	(pc) =	sbr.ind lr, $3  }
0x3a: {  	_ = 	snop  }
0x3b: {  	_ = 	snop  }
0x3c: {  	p2 =	seq.s32 s10, $0x1;
	s10 =	sld [smem:$0x3FB6]  }
0x3d: {  	_ =	shalt  }
0x3e: {  	_ =	shalt  }
0x3f: {  	_ =	shalt  }
0x40: {  	_ =	shalt  }
0x41: {  	_ =	shalt  }
0x42: {  	_ =	shalt  }
0x43: {  	_ =	shalt  }
0x44: {  	_ =	shalt  }
0x45: {  	_ =	shalt  }
0x46: {  	_ =	shalt  }
0x47: {  	_ =	shalt  }
0x48: {  	_ =	shalt  }
0x49: {  	_ =	shalt  }
0x4a: {  	_ =	shalt  }
0x4b: {  	_ =	shalt  }
0x4c: {  	_ =	shalt  }
0x4d: {  	_ =	shalt  }
0x4e: {  	_ =	shalt  }
0x4f: {  	_ =	shalt  }
0x50: {  	_ =	shalt  }
0x51: {  	_ =	shalt  }
0x52: {  	_ =	shalt  }
0x53: {  	_ =	shalt  }
0x54: {  	_ =	shalt  }
0x55: {  	_ =	shalt  }
0x56: {  	_ =	shalt  }
0x57: {  	_ =	shalt  }
0x58: {  	_ =	shalt  }
0x59: {  	_ =	shalt  }
0x5a: {  	_ =	shalt  }
0x5b: {  	_ =	shalt  }
0x5c: {  	_ =	shalt  }
0x5d: {  	_ =	shalt  }
0x5e: {  	_ =	shalt  }
0x5f: {  	_ =	shalt  }
0x60: {  	_ =	shalt  }
0x61: {  	_ =	shalt  }
0x62: {  	_ =	shalt  }
0x63: {  	_ =	shalt  }
0x64: {  	_ =	shalt  }
0x65: {  	_ =	shalt  }
0x66: {  	_ =	shalt  }
0x67: {  	_ =	shalt  }
0x68: {  	_ =	shalt  }
0x69: {  	_ =	shalt  }
0x6a: {  	_ =	shalt  }
0x6b: {  	_ =	shalt  }
0x6c: {  	_ =	shalt  }
0x6d: {  	_ =	shalt  }
0x6e: {  	_ =	shalt  }
0x6f: {  	_ =	shalt  }
0x70: {  	_ =	shalt  }
0x71: {  	_ =	shalt  }
0x72: {  	_ =	shalt  }
0x73: {  	_ =	shalt  }
0x74: {  	_ =	shalt  }
0x75: {  	_ =	shalt  }
0x76: {  	_ =	shalt  }
0x77: {  	_ =	shalt  }
0x78: {  	_ =	shalt  }
0x79: {  	_ =	shalt  }
0x7a: {  	_ =	shalt  }
0x7b: {  	_ =	shalt  }
0x7c: {  	_ =	shalt  }
0x7d: {  	_ =	shalt  }
0x7e: {  	_ =	shalt  }
0x7f: {  	_ =	shalt  }
0x80: {  	_ =	shalt  }
0x81: {  	_ =	shalt  }
0x82: {  	_ =	shalt  }
0x83: {  	_ =	shalt  }
0x84: {  	_ =	shalt  }
0x85: {  	_ =	shalt  }
0x86: {  	_ =	shalt  }
0x87: {  	_ =	shalt  }
.Lfunc_end0:
.L_simem_size_0:
called_computation.2_lowered:
.L_overlay_start_0:
0x88: {  	s2 =	sld [smem:$0x3FD9]  }
0x89: {  	s3 =	sld [smem:$0x3FFE];
	_ =	sdelay $0x1  }
0x8a: {  	s1 =	srdreg.scid  }
0x8b: {  	s0 =	sand.u32 $0x1, s1  }
0x8c: {  	s16 =	sshll.u32 s0, $0xA;
	s2 =	sadd.s32 s3, s2  }
0x8d: {  	s2 =	sadd.s32 s2, s16  }
0x8e: {  	[smem:$0x3FC2] =	sst s2  }
0x8f: {  	_ = 	snop  }
0x90: {  	(tm) =	ssettm $0x1  }
0x91: {  	s17 =	sld [smem:$0x3FFB];
	_ =	sdelay $0x3  }
0x92: {  	_ =	strace s17  }
0x93: {  	s2 =	sld [smem:$0x3FFC];
	_ =	sdelay $0x3  }
0x94: {  	_ =	strace s2  }
0x95: {  	s2 =	sld [smem:$0x3FFD];
	_ =	sdelay $0x3  }
0x96: {  	_ =	strace s2  }
0x97: {  	_ =	strace $0x8FFFFFFF  }
0x98: {  	s18 =	sld [smem:$0x3FDB];
	_ =	sdelay $0x1  }
0x99: {  	s19 =	simm.s32 $_scs_section_size  }
0x9a: {  	s4 =	simm.s32 $_size__tile_overlayer_lowered;
	s5 =	simm.s32 $_tile_overlayer_lowered  }
0x9b: {  	s22 =	simm.s32 $0x1BFF;
	s21 =	sshll.u32 s5, $0x1;
	s2 =	sadd.s32 s19, s18  }
0x9c: {  	s6 =	simm.s32 $0x0;
	s20 =	sshll.u32 s4, $0x1;
	s4 =	sadd.s32 s21, s2  }
0x9d: {  	[timem:s6], [sflag:s22] =	dma.local [hbm:s4], s20  }
0x9e: {  	_ =	swait.ge [sflag:s22], s20  }
0x9f: {  	s3 =	ssub.s32 $0x0, s20;
	[sflag:s22] =	ssyncset.done $0x0  }
0xa0: {  	[sflag:s22] =	ssyncadd.s32 s3;
	_ =	sdelay $0x1  }
0xa1: {  	s23 =	simm.s32 $0x1B8B  }
0xa2: {  	_ =	swait.ge [sflag:s23], $0x1  }
0xa3: {  	[sflag:s23] =	ssyncset.done $0x0  }
0xa4: {  	s25 =	simm.s32 $0x1B8E;
	s24 =	sld [smem:$0x3FFE];
	[sflag:s23] =	ssyncadd.s32 $0xFFFFFFFF  }
0xa5: {  	s26 =	simm.s32 $execute0_lowered;
	[smem:$0x3FD2] =	sst s25  }
0xa6: {  	s4 =	sshll.u32 s26, $0x1;
	_ =	strace $0x8000004C;
	[dreg:$0x1] =	wrdreg $0xFFFFFFFF  }
0xa7: {  	s28 =	simm.s32 $_size_execute0_lowered;
	s2 =	sadd.s32 s2, s4;
	[dreg:$0x0] =	wrdreg $0x0  }
0xa8: {  	s4 =	sshll.u32 s28, $0x1;
	[dreg:$0x2] =	wrdreg s2  }
0xa9: {  	[dreg:$0x3] =	wrdreg s4  }
0xaa: {  	[dreg:$0x4] =	wrdreg $0xC0  }
0xab: {  	_ =	task [dreg:s6], $0x5FFFF  }
0xac: {  	[dreg:$0x1] =	wrdreg $0xFFFFFFFF  }
0xad: {  	[dreg:$0x0] =	wrdreg $0x60  }
0xae: {  	[dreg:$0x2] =	wrdreg s24  }
0xaf: {  	[dreg:$0x3] =	wrdreg $0x90000  }
0xb0: {  	[dreg:$0x4] =	wrdreg $0x9  }
0xb1: {  	_ =	task.clear_ibuf [dreg:s6], $0x5FFFF;
	_ =	strace $0x9000004C  }
0xb2: {  	s29 =	simm.s32 $0x9;
	_ =	strace $0x8000004E  }
0xb3: {  	_ =	swait.ge [sflag:s29], $0x1  }
0xb4: {  	[sflag:s29] =	ssyncadd.s32 $0xFFFFFFFF  }
0xb5: {  	_ =	strace $0x9000004E  }
0xb6: {  	_ =	sfence  }
0xb7: {  	s30 =	sld [smem:$0x0];
	_ =	sdelay $0x2  }
0xb8: {  	s31 =	sshll.u32 s1, $0xD;
	s1 =	sshrl.u32 s1, $0x2  }
0xb9: {  	s3 =	sand.u32 $0x4000, s31;
	s1 =	sadd.s32 s1, s30  }
0xba: {  	s0 =	sor.u32 s3, s0;
	s1 =	sshll.u32 s1, $0x11  }
0xbb: {  	s0 =	sor.u32 s1, s0  }
0xbc: {  	s0 =	sadd.s32 $0x8F2B, s0  }
0xbd: {  	[sflag:s0] =	ssyncadd.remote.s32 $0x1  }
0xbe: {  	_ =	sfence.sel $0xFFFF  }
0xbf: {  	[dreg:$0x0] =	wrdreg $0xFFFFFFFF;
	(pc) =	sbr.abs _section_cstart, $3  }
0xc0: {  	[dreg:$0x1] =	wrdreg $0xFFFFFFFF  }
0xc1: {  	_ =	task.clear_ibuf [dreg:s6], $0x2FFFF;
	_ =	strace $0x9FFFFFFF  }
0xc2: {  	(tm) =	ssettm $0x7FFFFFFF  }
0xc3: {  	_ =	shalt  }
tec
execute0_lowered:
.L_overlay_start_1:
0x0: {  	(tag) =	ssettag $0x1  }
0x1: {  	s0 =	srdreg.scid;
	s1 =	rddreg [dreg:$0x0]  }
0x2: {  	s10 =	stileid.u32;
	s2 =	rddreg [dreg:$0x1];
	s3 =	simm.s32 $0x0  }
0x3: {  	s22 =	simm.s32 $0x80;
	s23 =	simm.s32 $0x100;
	s24 =	simm.s32 $0x180  }
0x4: {  	s26 =	simm.s32 $0x200;
	[smem:$0x7FF] =	sst s3;
	s7 =	sadd.s32 $0x3A00, s1  }
0x5: {  	s12 =	simm.s32 $0x900;
	_ =	strace $0x8000004D;
	[dreg:$0x16] =	wrdreg s7  }
0x6: {  	s14 =	simm.s32 $0x300;
	s16 =	simm.s32 $0x980;
	[dreg:$0x3] =	wrdreg s22  }
0x7: {  	s17 =	simm.s32 $0x380;
	s4 =	smul.u32 $0xA000, s10;
	[dreg:$0x4] =	wrdreg s23  }
0x8: {  	s6 =	smul.u32 $0x4F000, s10;
	s21 =	sshll.u32 s10, $0x6;
	[dreg:$0x5] =	wrdreg s24  }
0x9: {  	s25 =	smul.u32 $0x2780, s10;
	s10 =	simm.s32 $0x280;
	[dreg:$0x6] =	wrdreg s26  }
0xa: {  	s18 =	simm.s32 $0xA00;
	s19 =	simm.s32 $0x400;
	[dreg:$0x8] =	wrdreg s10  }
0xb: {  	s20 =	simm.s32 $0xA80;
	s28 =	simm.s32 $0xD00;
	[dreg:$0x9] =	wrdreg s12  }
0xc: {  	s29 =	simm.s32 $0x700;
	s30 =	simm.s32 $0xD80;
	[dreg:$0xa] =	wrdreg s14  }
0xd: {  	s31 =	simm.s32 $0x780;
	s0 =	sand.u32 $0x1, s0;
	[dreg:$0xb] =	wrdreg s16  }
0xe: {  	s5 =	smul.u32 $0x7800, s0;
	s7 =	sadd.s32 $0x2D400, s1;
	[dreg:$0xc] =	wrdreg s17  }
0xf: {  	s8 =	ssub.s32 $0x2, s0;
	s11 =	sor.u32 $0x1C05, s21;
	[dreg:$0xd] =	wrdreg s18  }
0x10: {  	p0 =	seq.s32 s0, $0x0;
	s14 =	simm.s32 $0x800;
	[dreg:$0xe] =	wrdreg s19  }
0x11: {  	s16 =	simm.s32 $0x1000;
	[dreg:$0xf] =	wrdreg s20;
	s21 =	simm.s32 $0x480  }
0x12: {  	s17 =	simm.s32 $0x3000;
	s22 =	simm.s32 $0xB00;
	s18 =	simm.s32 $0x5000  }
0x13: {  	s23 =	simm.s32 $0x500;
	s19 =	simm.s32 $0x7000;
	[dreg:$0x10] =	wrdreg s21  }
0x14: {  	s24 =	simm.s32 $0xB80;
	s20 =	simm.s32 $0x1;
	[dreg:$0x11] =	wrdreg s22  }
0x15: {  	s26 =	simm.s32 $0xC00;
	s0 =	simm.s32 $0xE80;
	[dreg:$0x12] =	wrdreg s23  }
0x16: {  	s9 =	sshrl.u32 s8, $0x1;
	s6 =	sshrl.u32 s6, $0x2;
	[dreg:$0x13] =	wrdreg s24  }
0x17: {  	s21 =	simm.s32 $0x2;
	s22 =	simm.s32 $0x3;
	s23 =	simm.s32 $0x4  }
0x18: {  	[dreg:$0x15] =	wrdreg s26;
	s24 =	simm.s32 $0x600;
	s26 =	simm.s32 $0x680  }
0x19: {  	[dreg:$0x17] =	wrdreg s11;
	s4 =	sadd.s32 s5, s4;
	s8 =	ssub.s32 s8, s9  }
0x1a: {  	s6 =	sadd.s32 s6, s2;
	s9 =	simm.s32 $0xF;
	s5 =	sshrl.u32 s4, $0x3  }
0x1b: {  	s4 =	sadd.s32 $0x6200, s1;
	s9 =	simm.s32 @!p0 $0x5;
	s8 =	smax.u32 s8, $0x1  }
0x1c: {  	s5 =	sadd.s32 s5, s1;
	s1 =	sadd.s32 $0x7D200, s1;
	[dreg:$0x18] =	wrdreg s9  }
0x1d: {  	[dreg:$0x19] =	wrdreg s8;
	s8 =	simm.s32 $0x880;
	s9 =	simm.s32 $0x0  }
0x1e: {  	s1 =	smov.u32 @p0 s7;
	[dreg:$0x7] =	wrdreg s8;
	s13 =	sadd.s32 $0x69200, s5  }
0x1f: {  	s15 =	sadd.s32 $0x55200, s5;
	s7 =	sshrl.u32 s6, $0x3;
	[dreg:$0x1b] =	wrdreg s13  }
0x20: {  	s5 =	simm.s32 $0xF00;
	s8 =	simm.s32 $0xF80;
	[dreg:$0x1c] =	wrdreg s15  }
0x21: {  	s1 =	sadd.s32 s1, s25;
	s13 =	simm.s32 $0x5;
	[dreg:$0x1d] =	wrdreg s7  }
0x22: {  	s15 =	simm.s32 $0x40;
	s25 =	simm.s32 $0x580;
	[dreg:$0x1a] =	wrdreg s1  }
0x23: {  	[dreg:$0x14] =	wrdreg s25;
	s25 =	simm.s32 $0xC80;
	s1 =	simm.s32 $0xE00  }
.LBB2_1:
0x24: {  	s6 =	rddreg [dreg:$0x16]  }
0x25: {  	[spmem:s7], [sflag:s11] =	dma.local [hbm:s6], $0x2780  }
0x26: {  	_ =	swait.ge [sflag:s13], $0x2780  }
0x27: {  	[sflag:s13] =	ssyncset.done $0x0  }
0x28: {  	[sflag:s13] =	ssyncadd.s32 $0xFFFFD880  }
0x29: {  	[bflag:$0x0] =	sbarrier.arrive $0xFFFF  }
0x2a: {  	s11 =	rddreg [dreg:$0x1c]  }
0x2b: {  	[tilespmem:s3], [sflag:$0x5] =	stream.linear.gather [hbm4b:s11+s3], $0x800, $0x38;
	[tilespmem:$0x1CC00] =	vst v63  }
0x2c: {  	_ =	swait.ge [sflag:s13], $0x800  }
0x2d: {  	[sflag:s13] =	ssyncset.done $0x0  }
0x2e: {  	s7 =	rddreg [dreg:$0x1b];
	[sflag:s13] =	ssyncadd.s32 $0xFFFFF800  }
0x2f: {  	[tilespmem:s14], [sflag:$0x5] =	stream.linear.gather [hbm4b:s7+s3], $0x800, $0x38;
	[tilespmem:$0x1CC00] =	vst v63  }
0x30: {  	_ =	swait.ge [sflag:s13], $0x800  }
0x31: {  	[sflag:s13] =	ssyncset.done $0x0  }
0x32: {  	[sflag:s13] =	ssyncadd.s32 $0xFFFFF800  }
0x33: {  	[tilespmem:s16], [sflag:$0x1] =	stream.indirect.gather [hbm4b:s4+s15], $0x80, s3, s15, $0xb8;
	[tilespmem:$0x1CC00] =	vst v63  }
0x34: {  	s12 =	rddreg [dreg:$0x3]  }
0x35: {  	[tilespmem:s17], [sflag:$0x2] =	stream.indirect.gather [hbm4b:s4+s15], $0x80, s12, s15, $0xb8;
	[tilespmem:$0x1CC00] =	vst v63  }
0x36: {  	s10 =	rddreg [dreg:$0x4]  }
0x37: {  	[tilespmem:s18], [sflag:$0x3] =	stream.indirect.gather [hbm4b:s4+s15], $0x80, s10, s15, $0xb8;
	[tilespmem:$0x1CC00] =	vst v63  }
0x38: {  	s12 =	rddreg [dreg:$0x5]  }
0x39: {  	[tilespmem:s19], [sflag:$0x4] =	stream.indirect.gather [hbm4b:s4+s15], $0x80, s12, s15, $0xb8;
	[tilespmem:$0x1CC00] =	vst v63  }
0x3a: {  	_ =	swait.ge [sflag:s20], $0x2000  }
0x3b: {  	[sflag:s20] =	ssyncset.done $0x0  }
0x3c: {  	[sflag:s20] =	ssyncadd.s32 $0xFFFFE000  }
0x3d: {  	[spmem:s2] =	stream.indirect.scatter.add.f32 [tilespmem:s16], [sflag:$0x5], $0x80, s14, s15, $0xb8;
	[tilespmem:$0x1CC00] =	vst v63  }
0x3e: {  	_ =	swait.ge [sflag:s13], $0x2000  }
0x3f: {  	[sflag:s13] =	ssyncset.done $0x0  }
0x40: {  	s12 =	rddreg [dreg:$0x6];
	[sflag:s13] =	ssyncadd.s32 $0xFFFFE000  }
0x41: {  	[tilespmem:s16], [sflag:$0x1] =	stream.indirect.gather [hbm4b:s4+s15], $0x80, s12, s15, $0xb8;
	[tilespmem:$0x1CC00] =	vst v63  }
0x42: {  	_ =	swait.ge [sflag:s21], $0x2000  }
0x43: {  	[sflag:s21] =	ssyncset.done $0x0  }
0x44: {  	s10 =	rddreg [dreg:$0x7];
	[sflag:s21] =	ssyncadd.s32 $0xFFFFE000  }
0x45: {  	[spmem:s2] =	stream.indirect.scatter.add.f32 [tilespmem:s17], [sflag:$0x5], $0x80, s10, s15, $0xb8;
	[tilespmem:$0x1CC00] =	vst v63  }
0x46: {  	_ =	swait.ge [sflag:s13], $0x2000  }
0x47: {  	[sflag:s13] =	ssyncset.done $0x0  }
0x48: {  	s12 =	rddreg [dreg:$0x8];
	[sflag:s13] =	ssyncadd.s32 $0xFFFFE000  }
0x49: {  	[tilespmem:s17], [sflag:$0x2] =	stream.indirect.gather [hbm4b:s4+s15], $0x80, s12, s15, $0xb8;
	[tilespmem:$0x1CC00] =	vst v63  }
0x4a: {  	_ =	swait.ge [sflag:s22], $0x2000  }
0x4b: {  	[sflag:s22] =	ssyncset.done $0x0  }
0x4c: {  	s10 =	rddreg [dreg:$0x9];
	[sflag:s22] =	ssyncadd.s32 $0xFFFFE000  }
0x4d: {  	[spmem:s2] =	stream.indirect.scatter.add.f32 [tilespmem:s18], [sflag:$0x5], $0x80, s10, s15, $0xb8;
	[tilespmem:$0x1CC00] =	vst v63  }
0x4e: {  	_ =	swait.ge [sflag:s13], $0x2000  }
0x4f: {  	[sflag:s13] =	ssyncset.done $0x0  }
0x50: {  	s12 =	rddreg [dreg:$0xa];
	[sflag:s13] =	ssyncadd.s32 $0xFFFFE000  }
0x51: {  	[tilespmem:s18], [sflag:$0x3] =	stream.indirect.gather [hbm4b:s4+s15], $0x80, s12, s15, $0xb8;
	[tilespmem:$0x1CC00] =	vst v63  }
0x52: {  	_ =	swait.ge [sflag:s23], $0x2000  }
0x53: {  	[sflag:s23] =	ssyncset.done $0x0  }
0x54: {  	s10 =	rddreg [dreg:$0xb];
	[sflag:s23] =	ssyncadd.s32 $0xFFFFE000  }
0x55: {  	[spmem:s2] =	stream.indirect.scatter.add.f32 [tilespmem:s19], [sflag:$0x5], $0x80, s10, s15, $0xb8;
	[tilespmem:$0x1CC00] =	vst v63  }
0x56: {  	_ =	swait.ge [sflag:s13], $0x2000  }
0x57: {  	[sflag:s13] =	ssyncset.done $0x0  }
0x58: {  	s12 =	rddreg [dreg:$0xc];
	[sflag:s13] =	ssyncadd.s32 $0xFFFFE000  }
0x59: {  	[tilespmem:s19], [sflag:$0x4] =	stream.indirect.gather [hbm4b:s4+s15], $0x80, s12, s15, $0xb8;
	[tilespmem:$0x1CC00] =	vst v63  }
0x5a: {  	_ =	swait.ge [sflag:s20], $0x2000  }
0x5b: {  	[sflag:s20] =	ssyncset.done $0x0  }
0x5c: {  	s10 =	rddreg [dreg:$0xd];
	[sflag:s20] =	ssyncadd.s32 $0xFFFFE000  }
0x5d: {  	[spmem:s2] =	stream.indirect.scatter.add.f32 [tilespmem:s16], [sflag:$0x5], $0x80, s10, s15, $0xb8;
	[tilespmem:$0x1CC00] =	vst v63  }
0x5e: {  	_ =	swait.ge [sflag:s13], $0x2000  }
0x5f: {  	[sflag:s13] =	ssyncset.done $0x0  }
0x60: {  	s12 =	rddreg [dreg:$0xe];
	[sflag:s13] =	ssyncadd.s32 $0xFFFFE000  }
0x61: {  	[tilespmem:s16], [sflag:$0x1] =	stream.indirect.gather [hbm4b:s4+s15], $0x80, s12, s15, $0xb8;
	[tilespmem:$0x1CC00] =	vst v63  }
0x62: {  	_ =	swait.ge [sflag:s21], $0x2000  }
0x63: {  	[sflag:s21] =	ssyncset.done $0x0  }
0x64: {  	s10 =	rddreg [dreg:$0xf];
	[sflag:s21] =	ssyncadd.s32 $0xFFFFE000  }
0x65: {  	[spmem:s2] =	stream.indirect.scatter.add.f32 [tilespmem:s17], [sflag:$0x5], $0x80, s10, s15, $0xb8;
	[tilespmem:$0x1CC00] =	vst v63  }
0x66: {  	_ =	swait.ge [sflag:s13], $0x2000  }
0x67: {  	[sflag:s13] =	ssyncset.done $0x0  }
0x68: {  	s12 =	rddreg [dreg:$0x10];
	[sflag:s13] =	ssyncadd.s32 $0xFFFFE000  }
0x69: {  	[tilespmem:s17], [sflag:$0x2] =	stream.indirect.gather [hbm4b:s4+s15], $0x80, s12, s15, $0xb8;
	[tilespmem:$0x1CC00] =	vst v63  }
0x6a: {  	_ =	swait.ge [sflag:s22], $0x2000  }
0x6b: {  	[sflag:s22] =	ssyncset.done $0x0  }
0x6c: {  	s10 =	rddreg [dreg:$0x11];
	[sflag:s22] =	ssyncadd.s32 $0xFFFFE000  }
0x6d: {  	[spmem:s2] =	stream.indirect.scatter.add.f32 [tilespmem:s18], [sflag:$0x5], $0x80, s10, s15, $0xb8;
	[tilespmem:$0x1CC00] =	vst v63  }
0x6e: {  	_ =	swait.ge [sflag:s13], $0x2000  }
0x6f: {  	[sflag:s13] =	ssyncset.done $0x0  }
0x70: {  	s12 =	rddreg [dreg:$0x12];
	[sflag:s13] =	ssyncadd.s32 $0xFFFFE000  }
0x71: {  	[tilespmem:s18], [sflag:$0x3] =	stream.indirect.gather [hbm4b:s4+s15], $0x80, s12, s15, $0xb8;
	[tilespmem:$0x1CC00] =	vst v63  }
0x72: {  	_ =	swait.ge [sflag:s23], $0x2000  }
0x73: {  	[sflag:s23] =	ssyncset.done $0x0  }
0x74: {  	s10 =	rddreg [dreg:$0x13];
	[sflag:s23] =	ssyncadd.s32 $0xFFFFE000  }
0x75: {  	[spmem:s2] =	stream.indirect.scatter.add.f32 [tilespmem:s19], [sflag:$0x5], $0x80, s10, s15, $0xb8;
	[tilespmem:$0x1CC00] =	vst v63  }
0x76: {  	_ =	swait.ge [sflag:s13], $0x2000  }
0x77: {  	[sflag:s13] =	ssyncset.done $0x0  }
0x78: {  	s12 =	rddreg [dreg:$0x14];
	[sflag:s13] =	ssyncadd.s32 $0xFFFFE000  }
0x79: {  	[tilespmem:s19], [sflag:$0x4] =	stream.indirect.gather [hbm4b:s4+s15], $0x80, s12, s15, $0xb8;
	[tilespmem:$0x1CC00] =	vst v63  }
0x7a: {  	_ =	swait.ge [sflag:s20], $0x2000  }
0x7b: {  	[sflag:s20] =	ssyncset.done $0x0  }
0x7c: {  	s10 =	rddreg [dreg:$0x15];
	[sflag:s20] =	ssyncadd.s32 $0xFFFFE000  }
0x7d: {  	[spmem:s2] =	stream.indirect.scatter.add.f32 [tilespmem:s16], [sflag:$0x5], $0x80, s10, s15, $0xb8;
	[tilespmem:$0x1CC00] =	vst v63  }
0x7e: {  	_ =	swait.ge [sflag:s13], $0x2000  }
0x7f: {  	[sflag:s13] =	ssyncset.done $0x0  }
0x80: {  	[sflag:s13] =	ssyncadd.s32 $0xFFFFE000  }
0x81: {  	[tilespmem:s16], [sflag:$0x1] =	stream.indirect.gather [hbm4b:s4+s15], $0x80, s24, s15, $0xb8;
	[tilespmem:$0x1CC00] =	vst v63  }
0x82: {  	_ =	swait.ge [sflag:s21], $0x2000  }
0x83: {  	[sflag:s21] =	ssyncset.done $0x0  }
0x84: {  	[sflag:s21] =	ssyncadd.s32 $0xFFFFE000  }
0x85: {  	[spmem:s2] =	stream.indirect.scatter.add.f32 [tilespmem:s17], [sflag:$0x5], $0x80, s25, s15, $0xb8;
	[tilespmem:$0x1CC00] =	vst v63  }
0x86: {  	_ =	swait.ge [sflag:s13], $0x2000  }
0x87: {  	[sflag:s13] =	ssyncset.done $0x0  }
0x88: {  	[sflag:s13] =	ssyncadd.s32 $0xFFFFE000  }
0x89: {  	[tilespmem:s17], [sflag:$0x2] =	stream.indirect.gather [hbm4b:s4+s15], $0x80, s26, s15, $0xb8;
	[tilespmem:$0x1CC00] =	vst v63  }
0x8a: {  	_ =	swait.ge [sflag:s22], $0x2000  }
0x8b: {  	[sflag:s22] =	ssyncset.done $0x0  }
0x8c: {  	[sflag:s22] =	ssyncadd.s32 $0xFFFFE000  }
0x8d: {  	[spmem:s2] =	stream.indirect.scatter.add.f32 [tilespmem:s18], [sflag:$0x5], $0x80, s28, s15, $0xb8;
	[tilespmem:$0x1CC00] =	vst v63  }
0x8e: {  	_ =	swait.ge [sflag:s13], $0x2000  }
0x8f: {  	[sflag:s13] =	ssyncset.done $0x0  }
0x90: {  	[sflag:s13] =	ssyncadd.s32 $0xFFFFE000  }
0x91: {  	[tilespmem:s18], [sflag:$0x3] =	stream.indirect.gather [hbm4b:s4+s15], $0x80, s29, s15, $0xb8;
	[tilespmem:$0x1CC00] =	vst v63  }
0x92: {  	_ =	swait.ge [sflag:s23], $0x2000  }
0x93: {  	[sflag:s23] =	ssyncset.done $0x0  }
0x94: {  	[sflag:s23] =	ssyncadd.s32 $0xFFFFE000  }
0x95: {  	[spmem:s2] =	stream.indirect.scatter.add.f32 [tilespmem:s19], [sflag:$0x5], $0x80, s30, s15, $0xb8;
	[tilespmem:$0x1CC00] =	vst v63  }
0x96: {  	_ =	swait.ge [sflag:s13], $0x2000  }
0x97: {  	[sflag:s13] =	ssyncset.done $0x0  }
0x98: {  	[sflag:s13] =	ssyncadd.s32 $0xFFFFE000  }
0x99: {  	[tilespmem:s19], [sflag:$0x4] =	stream.indirect.gather [hbm4b:s4+s15], $0x80, s31, s15, $0xb8;
	[tilespmem:$0x1CC00] =	vst v63  }
0x9a: {  	_ =	swait.ge [sflag:s20], $0x2000  }
0x9b: {  	[sflag:s20] =	ssyncset.done $0x0  }
0x9c: {  	[sflag:s20] =	ssyncadd.s32 $0xFFFFE000  }
0x9d: {  	[spmem:s2] =	stream.indirect.scatter.add.f32 [tilespmem:s16], [sflag:$0x5], $0x80, s1, s15, $0xb8;
	[tilespmem:$0x1CC00] =	vst v63  }
0x9e: {  	_ =	swait.ge [sflag:s13], $0x2000  }
0x9f: {  	[sflag:s13] =	ssyncset.done $0x0  }
0xa0: {  	[sflag:s13] =	ssyncadd.s32 $0xFFFFE000  }
0xa1: {  	_ =	swait.ge [sflag:s21], $0x2000  }
0xa2: {  	[sflag:s21] =	ssyncset.done $0x0  }
0xa3: {  	[sflag:s21] =	ssyncadd.s32 $0xFFFFE000  }
0xa4: {  	[spmem:s2] =	stream.indirect.scatter.add.f32 [tilespmem:s17], [sflag:$0x5], $0x80, s0, s15, $0xb8;
	[tilespmem:$0x1CC00] =	vst v63  }
0xa5: {  	_ =	swait.ge [sflag:s13], $0x2000  }
0xa6: {  	[sflag:s13] =	ssyncset.done $0x0  }
0xa7: {  	[sflag:s13] =	ssyncadd.s32 $0xFFFFE000  }
0xa8: {  	_ =	swait.ge [sflag:s22], $0x2000  }
0xa9: {  	[sflag:s22] =	ssyncset.done $0x0  }
0xaa: {  	[sflag:s22] =	ssyncadd.s32 $0xFFFFE000  }
0xab: {  	[spmem:s2] =	stream.indirect.scatter.add.f32 [tilespmem:s18], [sflag:$0x5], $0x80, s5, s15, $0xb8;
	[tilespmem:$0x1CC00] =	vst v63  }
0xac: {  	_ =	swait.ge [sflag:s13], $0x2000  }
0xad: {  	[sflag:s13] =	ssyncset.done $0x0  }
0xae: {  	[sflag:s13] =	ssyncadd.s32 $0xFFFFE000  }
0xaf: {  	_ =	swait.ge [sflag:s23], $0x2000  }
0xb0: {  	s12 =	rddreg [dreg:$0x18]  }
0xb1: {  	p0 =	sne.s32 s12, $0x1  }
.Ltmp0:
0xb2: {  	[sflag:s23] =	ssyncset.done $0x0;
	(pc) =	sbr.rel @!p0 .LBB2_3-.Ltmp0, $4  }
0xb3: {  	[sflag:s23] =	ssyncadd.s32 $0xFFFFE000  }
0xb4: {  	[spmem:s2] =	stream.indirect.scatter.add.f32 [tilespmem:s19], [sflag:$0x5], $0x80, s8, s15, $0xb8;
	[tilespmem:$0x1CC00] =	vst v63  }
0xb5: {  	_ =	swait.ge [sflag:s13], $0x2000  }
0xb6: {  	s10 =	smov.u32 s7;
	s6 =	sadd.s32 $0xFFFFFFFF, s12;
	[sflag:s13] =	ssyncset.done $0x0  }
.LBB2_2:
0xb7: {  	[sflag:s13] =	ssyncadd.s32 $0xFFFFE000;
	s11 =	sadd.s32 $0x100, s11  }
0xb8: {  	[tilespmem:s3], [sflag:$0x5] =	stream.linear.gather [hbm4b:s11+s3], $0x800, $0x38;
	[tilespmem:$0x1CC00] =	vst v63  }
0xb9: {  	_ =	swait.ge [sflag:s13], $0x800  }
0xba: {  	[sflag:s13] =	ssyncset.done $0x0  }
0xbb: {  	s10 =	sadd.s32 $0x100, s10;
	[sflag:s13] =	ssyncadd.s32 $0xFFFFF800  }
0xbc: {  	[tilespmem:s14], [sflag:$0x5] =	stream.linear.gather [hbm4b:s10+s3], $0x800, $0x38;
	[tilespmem:$0x1CC00] =	vst v63  }
0xbd: {  	_ =	swait.ge [sflag:s13], $0x800  }
0xbe: {  	[sflag:s13] =	ssyncset.done $0x0  }
0xbf: {  	[sflag:s13] =	ssyncadd.s32 $0xFFFFF800  }
0xc0: {  	[tilespmem:s16], [sflag:$0x1] =	stream.indirect.gather [hbm4b:s4+s15], $0x80, s3, s15, $0xb8;
	[tilespmem:$0x1CC00] =	vst v63  }
0xc1: {  	s12 =	rddreg [dreg:$0x3]  }
0xc2: {  	[tilespmem:s17], [sflag:$0x2] =	stream.indirect.gather [hbm4b:s4+s15], $0x80, s12, s15, $0xb8;
	[tilespmem:$0x1CC00] =	vst v63  }
0xc3: {  	s7 =	rddreg [dreg:$0x4]  }
0xc4: {  	[tilespmem:s18], [sflag:$0x3] =	stream.indirect.gather [hbm4b:s4+s15], $0x80, s7, s15, $0xb8;
	[tilespmem:$0x1CC00] =	vst v63  }
0xc5: {  	s12 =	rddreg [dreg:$0x5]  }
0xc6: {  	[tilespmem:s19], [sflag:$0x4] =	stream.indirect.gather [hbm4b:s4+s15], $0x80, s12, s15, $0xb8;
	[tilespmem:$0x1CC00] =	vst v63  }
0xc7: {  	_ =	swait.ge [sflag:s20], $0x2000  }
0xc8: {  	[sflag:s20] =	ssyncset.done $0x0  }
0xc9: {  	[sflag:s20] =	ssyncadd.s32 $0xFFFFE000  }
0xca: {  	[spmem:s2] =	stream.indirect.scatter.add.f32 [tilespmem:s16], [sflag:$0x5], $0x80, s14, s15, $0xb8;
	[tilespmem:$0x1CC00] =	vst v63  }
0xcb: {  	_ =	swait.ge [sflag:s13], $0x2000  }
0xcc: {  	[sflag:s13] =	ssyncset.done $0x0  }
0xcd: {  	s12 =	rddreg [dreg:$0x6];
	[sflag:s13] =	ssyncadd.s32 $0xFFFFE000  }
0xce: {  	[tilespmem:s16], [sflag:$0x1] =	stream.indirect.gather [hbm4b:s4+s15], $0x80, s12, s15, $0xb8;
	[tilespmem:$0x1CC00] =	vst v63  }
0xcf: {  	_ =	swait.ge [sflag:s21], $0x2000  }
0xd0: {  	[sflag:s21] =	ssyncset.done $0x0  }
0xd1: {  	s12 =	rddreg [dreg:$0x7];
	[sflag:s21] =	ssyncadd.s32 $0xFFFFE000  }
0xd2: {  	[spmem:s2] =	stream.indirect.scatter.add.f32 [tilespmem:s17], [sflag:$0x5], $0x80, s12, s15, $0xb8;
	[tilespmem:$0x1CC00] =	vst v63  }
0xd3: {  	_ =	swait.ge [sflag:s13], $0x2000  }
0xd4: {  	[sflag:s13] =	ssyncset.done $0x0  }
0xd5: {  	s12 =	rddreg [dreg:$0x8];
	[sflag:s13] =	ssyncadd.s32 $0xFFFFE000  }
0xd6: {  	[tilespmem:s17], [sflag:$0x2] =	stream.indirect.gather [hbm4b:s4+s15], $0x80, s12, s15, $0xb8;
	[tilespmem:$0x1CC00] =	vst v63  }
0xd7: {  	_ =	swait.ge [sflag:s22], $0x2000  }
0xd8: {  	[sflag:s22] =	ssyncset.done $0x0  }
0xd9: {  	s12 =	rddreg [dreg:$0x9];
	[sflag:s22] =	ssyncadd.s32 $0xFFFFE000  }
0xda: {  	[spmem:s2] =	stream.indirect.scatter.add.f32 [tilespmem:s18], [sflag:$0x5], $0x80, s12, s15, $0xb8;
	[tilespmem:$0x1CC00] =	vst v63  }
0xdb: {  	_ =	swait.ge [sflag:s13], $0x2000  }
0xdc: {  	[sflag:s13] =	ssyncset.done $0x0  }
0xdd: {  	s12 =	rddreg [dreg:$0xa];
	[sflag:s13] =	ssyncadd.s32 $0xFFFFE000  }
0xde: {  	[tilespmem:s18], [sflag:$0x3] =	stream.indirect.gather [hbm4b:s4+s15], $0x80, s12, s15, $0xb8;
	[tilespmem:$0x1CC00] =	vst v63  }
0xdf: {  	_ =	swait.ge [sflag:s23], $0x2000  }
0xe0: {  	[sflag:s23] =	ssyncset.done $0x0  }
0xe1: {  	s12 =	rddreg [dreg:$0xb];
	[sflag:s23] =	ssyncadd.s32 $0xFFFFE000  }
0xe2: {  	[spmem:s2] =	stream.indirect.scatter.add.f32 [tilespmem:s19], [sflag:$0x5], $0x80, s12, s15, $0xb8;
	[tilespmem:$0x1CC00] =	vst v63  }
0xe3: {  	_ =	swait.ge [sflag:s13], $0x2000  }
0xe4: {  	[sflag:s13] =	ssyncset.done $0x0  }
0xe5: {  	s12 =	rddreg [dreg:$0xc];
	[sflag:s13] =	ssyncadd.s32 $0xFFFFE000  }
0xe6: {  	[tilespmem:s19], [sflag:$0x4] =	stream.indirect.gather [hbm4b:s4+s15], $0x80, s12, s15, $0xb8;
	[tilespmem:$0x1CC00] =	vst v63  }
0xe7: {  	_ =	swait.ge [sflag:s20], $0x2000  }
0xe8: {  	[sflag:s20] =	ssyncset.done $0x0  }
0xe9: {  	s12 =	rddreg [dreg:$0xd];
	[sflag:s20] =	ssyncadd.s32 $0xFFFFE000  }
0xea: {  	[spmem:s2] =	stream.indirect.scatter.add.f32 [tilespmem:s16], [sflag:$0x5], $0x80, s12, s15, $0xb8;
	[tilespmem:$0x1CC00] =	vst v63  }
0xeb: {  	_ =	swait.ge [sflag:s13], $0x2000  }
0xec: {  	[sflag:s13] =	ssyncset.done $0x0  }
0xed: {  	s12 =	rddreg [dreg:$0xe];
	[sflag:s13] =	ssyncadd.s32 $0xFFFFE000  }
0xee: {  	[tilespmem:s16], [sflag:$0x1] =	stream.indirect.gather [hbm4b:s4+s15], $0x80, s12, s15, $0xb8;
	[tilespmem:$0x1CC00] =	vst v63  }
0xef: {  	_ =	swait.ge [sflag:s21], $0x2000  }
0xf0: {  	[sflag:s21] =	ssyncset.done $0x0  }
0xf1: {  	s12 =	rddreg [dreg:$0xf];
	[sflag:s21] =	ssyncadd.s32 $0xFFFFE000  }
0xf2: {  	[spmem:s2] =	stream.indirect.scatter.add.f32 [tilespmem:s17], [sflag:$0x5], $0x80, s12, s15, $0xb8;
	[tilespmem:$0x1CC00] =	vst v63  }
0xf3: {  	_ =	swait.ge [sflag:s13], $0x2000  }
0xf4: {  	[sflag:s13] =	ssyncset.done $0x0  }
0xf5: {  	s12 =	rddreg [dreg:$0x10];
	[sflag:s13] =	ssyncadd.s32 $0xFFFFE000  }
0xf6: {  	[tilespmem:s17], [sflag:$0x2] =	stream.indirect.gather [hbm4b:s4+s15], $0x80, s12, s15, $0xb8;
	[tilespmem:$0x1CC00] =	vst v63  }
0xf7: {  	_ =	swait.ge [sflag:s22], $0x2000  }
0xf8: {  	[sflag:s22] =	ssyncset.done $0x0  }
0xf9: {  	s12 =	rddreg [dreg:$0x11];
	[sflag:s22] =	ssyncadd.s32 $0xFFFFE000  }
0xfa: {  	[spmem:s2] =	stream.indirect.scatter.add.f32 [tilespmem:s18], [sflag:$0x5], $0x80, s12, s15, $0xb8;
	[tilespmem:$0x1CC00] =	vst v63  }
0xfb: {  	_ =	swait.ge [sflag:s13], $0x2000  }
0xfc: {  	[sflag:s13] =	ssyncset.done $0x0  }
0xfd: {  	s12 =	rddreg [dreg:$0x12];
	[sflag:s13] =	ssyncadd.s32 $0xFFFFE000  }
0xfe: {  	[tilespmem:s18], [sflag:$0x3] =	stream.indirect.gather [hbm4b:s4+s15], $0x80, s12, s15, $0xb8;
	[tilespmem:$0x1CC00] =	vst v63  }
0xff: {  	_ =	swait.ge [sflag:s23], $0x2000  }
0x100: {  	[sflag:s23] =	ssyncset.done $0x0  }
0x101: {  	s12 =	rddreg [dreg:$0x13];
	[sflag:s23] =	ssyncadd.s32 $0xFFFFE000  }
0x102: {  	[spmem:s2] =	stream.indirect.scatter.add.f32 [tilespmem:s19], [sflag:$0x5], $0x80, s12, s15, $0xb8;
	[tilespmem:$0x1CC00] =	vst v63  }
0x103: {  	_ =	swait.ge [sflag:s13], $0x2000  }
0x104: {  	[sflag:s13] =	ssyncset.done $0x0  }
0x105: {  	s12 =	rddreg [dreg:$0x14];
	[sflag:s13] =	ssyncadd.s32 $0xFFFFE000  }
0x106: {  	[tilespmem:s19], [sflag:$0x4] =	stream.indirect.gather [hbm4b:s4+s15], $0x80, s12, s15, $0xb8;
	[tilespmem:$0x1CC00] =	vst v63  }
0x107: {  	_ =	swait.ge [sflag:s20], $0x2000  }
0x108: {  	[sflag:s20] =	ssyncset.done $0x0  }
0x109: {  	s12 =	rddreg [dreg:$0x15];
	[sflag:s20] =	ssyncadd.s32 $0xFFFFE000  }
0x10a: {  	[spmem:s2] =	stream.indirect.scatter.add.f32 [tilespmem:s16], [sflag:$0x5], $0x80, s12, s15, $0xb8;
	[tilespmem:$0x1CC00] =	vst v63  }
0x10b: {  	_ =	swait.ge [sflag:s13], $0x2000  }
0x10c: {  	[sflag:s13] =	ssyncset.done $0x0  }
0x10d: {  	[sflag:s13] =	ssyncadd.s32 $0xFFFFE000  }
0x10e: {  	[tilespmem:s16], [sflag:$0x1] =	stream.indirect.gather [hbm4b:s4+s15], $0x80, s24, s15, $0xb8;
	[tilespmem:$0x1CC00] =	vst v63  }
0x10f: {  	_ =	swait.ge [sflag:s21], $0x2000  }
0x110: {  	[sflag:s21] =	ssyncset.done $0x0  }
0x111: {  	[sflag:s21] =	ssyncadd.s32 $0xFFFFE000  }
0x112: {  	[spmem:s2] =	stream.indirect.scatter.add.f32 [tilespmem:s17], [sflag:$0x5], $0x80, s25, s15, $0xb8;
	[tilespmem:$0x1CC00] =	vst v63  }
0x113: {  	_ =	swait.ge [sflag:s13], $0x2000  }
0x114: {  	[sflag:s13] =	ssyncset.done $0x0  }
0x115: {  	[sflag:s13] =	ssyncadd.s32 $0xFFFFE000  }
0x116: {  	[tilespmem:s17], [sflag:$0x2] =	stream.indirect.gather [hbm4b:s4+s15], $0x80, s26, s15, $0xb8;
	[tilespmem:$0x1CC00] =	vst v63  }
0x117: {  	_ =	swait.ge [sflag:s22], $0x2000  }
0x118: {  	[sflag:s22] =	ssyncset.done $0x0  }
0x119: {  	[sflag:s22] =	ssyncadd.s32 $0xFFFFE000  }
0x11a: {  	[spmem:s2] =	stream.indirect.scatter.add.f32 [tilespmem:s18], [sflag:$0x5], $0x80, s28, s15, $0xb8;
	[tilespmem:$0x1CC00] =	vst v63  }
0x11b: {  	_ =	swait.ge [sflag:s13], $0x2000  }
0x11c: {  	[sflag:s13] =	ssyncset.done $0x0  }
0x11d: {  	[sflag:s13] =	ssyncadd.s32 $0xFFFFE000  }
0x11e: {  	[tilespmem:s18], [sflag:$0x3] =	stream.indirect.gather [hbm4b:s4+s15], $0x80, s29, s15, $0xb8;
	[tilespmem:$0x1CC00] =	vst v63  }
0x11f: {  	_ =	swait.ge [sflag:s23], $0x2000  }
0x120: {  	[sflag:s23] =	ssyncset.done $0x0  }
0x121: {  	[sflag:s23] =	ssyncadd.s32 $0xFFFFE000  }
0x122: {  	[spmem:s2] =	stream.indirect.scatter.add.f32 [tilespmem:s19], [sflag:$0x5], $0x80, s30, s15, $0xb8;
	[tilespmem:$0x1CC00] =	vst v63  }
0x123: {  	_ =	swait.ge [sflag:s13], $0x2000  }
0x124: {  	[sflag:s13] =	ssyncset.done $0x0  }
0x125: {  	[sflag:s13] =	ssyncadd.s32 $0xFFFFE000  }
0x126: {  	[tilespmem:s19], [sflag:$0x4] =	stream.indirect.gather [hbm4b:s4+s15], $0x80, s31, s15, $0xb8;
	[tilespmem:$0x1CC00] =	vst v63  }
0x127: {  	_ =	swait.ge [sflag:s20], $0x2000  }
0x128: {  	[sflag:s20] =	ssyncset.done $0x0  }
0x129: {  	[sflag:s20] =	ssyncadd.s32 $0xFFFFE000  }
0x12a: {  	[spmem:s2] =	stream.indirect.scatter.add.f32 [tilespmem:s16], [sflag:$0x5], $0x80, s1, s15, $0xb8;
	[tilespmem:$0x1CC00] =	vst v63  }
0x12b: {  	_ =	swait.ge [sflag:s13], $0x2000  }
0x12c: {  	[sflag:s13] =	ssyncset.done $0x0  }
0x12d: {  	[sflag:s13] =	ssyncadd.s32 $0xFFFFE000  }
0x12e: {  	_ =	swait.ge [sflag:s21], $0x2000  }
0x12f: {  	[sflag:s21] =	ssyncset.done $0x0  }
0x130: {  	[sflag:s21] =	ssyncadd.s32 $0xFFFFE000  }
0x131: {  	[spmem:s2] =	stream.indirect.scatter.add.f32 [tilespmem:s17], [sflag:$0x5], $0x80, s0, s15, $0xb8;
	[tilespmem:$0x1CC00] =	vst v63  }
0x132: {  	_ =	swait.ge [sflag:s13], $0x2000  }
0x133: {  	[sflag:s13] =	ssyncset.done $0x0  }
0x134: {  	[sflag:s13] =	ssyncadd.s32 $0xFFFFE000  }
0x135: {  	_ =	swait.ge [sflag:s22], $0x2000  }
0x136: {  	[sflag:s22] =	ssyncset.done $0x0  }
0x137: {  	[sflag:s22] =	ssyncadd.s32 $0xFFFFE000  }
0x138: {  	[spmem:s2] =	stream.indirect.scatter.add.f32 [tilespmem:s18], [sflag:$0x5], $0x80, s5, s15, $0xb8;
	[tilespmem:$0x1CC00] =	vst v63  }
0x139: {  	_ =	swait.ge [sflag:s13], $0x2000  }
0x13a: {  	[sflag:s13] =	ssyncset.done $0x0  }
0x13b: {  	[sflag:s13] =	ssyncadd.s32 $0xFFFFE000  }
0x13c: {  	p0 =	sne.s32 s6, $0x1;
	_ =	swait.ge [sflag:s23], $0x2000  }
.Ltmp1:
0x13d: {  	[sflag:s23] =	ssyncset.done $0x0;
	(pc) =	sbr.rel @p0 .LBB2_2-.Ltmp1, $4  }
0x13e: {  	[sflag:s23] =	ssyncadd.s32 $0xFFFFE000  }
0x13f: {  	[spmem:s2] =	stream.indirect.scatter.add.f32 [tilespmem:s19], [sflag:$0x5], $0x80, s8, s15, $0xb8;
	[tilespmem:$0x1CC00] =	vst v63  }
0x140: {  	_ =	swait.ge [sflag:s13], $0x2000  }
0x141: {  	s6 =	sadd.s32 $0xFFFFFFFF, s6;
	[sflag:s13] =	ssyncset.done $0x0  }
.LBB2_3:
0x142: {  	[sflag:s13] =	ssyncadd.s32 $0xFFFFE000  }
0x143: {  	[bflag:$0x0] =	sbarrier.arrive $0xFFFF  }
0x144: {  	s11 =	rddreg [dreg:$0x17]  }
0x145: {  	s6 =	rddreg [dreg:$0x1a]  }
0x146: {  	s7 =	rddreg [dreg:$0x1d]  }
0x147: {  	[hbm:s6], [sflag:s11] =	dma.local [spmem:s7], $0x2780  }
0x148: {  	_ =	swait.ge [sflag:s13], $0x2780  }
0x149: {  	s9 =	sadd.s32 $0x1, s9;
	s12 =	rddreg [dreg:$0x19]  }
0x14a: {  	p0 =	sne.s32 s9, s12  }
.Ltmp2:
0x14b: {  	_ = 	snop;
	(pc) =	sbr.rel @p0 .LBB2_1-.Ltmp2, $3  }
0x14c: {  	_ =	sdelay $0x1  }
0x14d: {  	[sflag:s13] =	ssyncset.done $0x0  }
0x14e: {  	[sflag:s13] =	ssyncadd.s32 $0xFFFFD880  }
0x14f: {  	_ =	sfence.sel $0x180000  }
0x150: {  	[bflag:$0x0] =	sbarrier.arrive $0xFFFF  }
0x151: {  	_ =	strace $0x9000004D  }
0x152: {  	s0 =	stileid.u32;
	[bflag:$0x2] =	sbarrier.arrive $0xFFFF  }
0x153: {  	p0 =	sne.s32 s0, $0x0;
	s0 =	rddreg [dreg:$0x2]  }
0x154: {  	s0 =	sadd.s32 @!p0 $0x100000, s0  }
0x155: {  	[sflag:s0] =	ssyncadd.tile.s32 @!p0 $0x1;
	_ =	shalt  }
.Lfunc_end2:
_tile_overlayer_lowered:
.L_overlay_start_2:
0x156: {  	(tag) =	ssettag $0x2  }
0x157: {  	s0 =	rddreg [dreg:$0x0];
	s2 =	stileid.u32  }
0x158: {  	s1 =	rddreg [dreg:$0x1];
	p0 =	sne.s32 s2, $0x0  }
0x159: {  	s3 =	rddreg [dreg:$0x2];
	[bflag:$0x3] =	sbarrier.arrive $0xFFFF;
	s2 =	simm.s32 @!p0 $0x1C05  }
0x15a: {  	[timem:s3], [sflag:s2] =	dma.local @!p0 [hbm:s0], s1  }
0x15b: {  	s0 =	simm.s32 @!p0 $0x5  }
0x15c: {  	_ =	swait.ge @!p0 [sflag:s0], s1  }
0x15d: {  	s1 =	ssub.s32 @!p0 $0x0, s1;
	[sflag:s0] =	ssyncset.done @!p0 $0x0  }
0x15e: {  	[sflag:s0] =	ssyncadd.s32 @!p0 s1  }
0x15f: {  	[bflag:$0x3] =	sbarrier.arrive $0xFFFF  }
0x160: {  	_ =	shalt  }

// kernel: kernel.8.cloned.1.call-start
scs
__scs_entry_jumppad:
0x0: {  	(pc) =	sbr.rel $0x88, $3  }
0x1: {  	(tag) =	ssettag $0x0;
	lr =	simm.s32 $0x1  }
0x2: {  	[smem:$0x3F9B] =	sst lr;
	_ =	strace $0xD0000000  }
0x3: {  	_ = 	snop  }
0x4: {  	_ = 	snop  }
0x5: {  	_ = 	snop  }
0x6: {  	_ = 	snop  }
0x7: {  	_ = 	snop  }
__scs_overlays_trampoline_lowered:
0x8: {  	[smem:$0x3FAA] =	sst s0  }
0x9: {  	[smem:$0x3FAB] =	sst s1  }
0xa: {  	[smem:$0x3FAC] =	sst s2  }
0xb: {  	[smem:$0x3FAD] =	sst s3  }
0xc: {  	[smem:$0x3FAE] =	sst s4  }
0xd: {  	[smem:$0x3FAF] =	sst s5  }
0xe: {  	[smem:$0x3FB0] =	sst s6  }
0xf: {  	[smem:$0x3FB1] =	sst s7  }
0x10: {  	[smem:$0x3FB2] =	sst s8  }
0x11: {  	[smem:$0x3FB3] =	sst s9;
	s0 =	simm.s32 @!p0 $0x0  }
0x12: {  	s1 =	sld [smem:$0x3F99];
	s0 =	simm.s32 @p0 $0x1  }
0x13: {  	[smem:$0x3FB4] =	sst s0;
	s0 =	simm.s32 @!p1 $0x0  }
0x14: {  	s2 =	sld [smem:$0x3F98];
	s0 =	simm.s32 @p1 $0x1  }
0x15: {  	[smem:$0x3FB5] =	sst s0;
	s0 =	simm.s32 @!p2 $0x0  }
0x16: {  	s3 =	sld [smem:$0x3FDB];
	s0 =	simm.s32 @p2 $0x1  }
0x17: {  	s4 =	simm.s32 $0x1BF5;
	[smem:$0x3FB7] =	sst s0  }
0x18: {  	s0 =	sld [smem:$0x3F9A];
	_ =	swait.ge [sflag:s4], $0x0  }
0x19: {  	s7 =	sld [smem:$0x3F9B]  }
0x1a: {  	s8 =	sadd.s32 $0xFFFFE003, lr  }
0x1b: {  	s9 =	sadd.s32 $0xFFFFFEF7, lr;
	s5 =	simm.s32 $0xFFFFFFFF;
	p2 =	slt.u32 s8, $0xFFFFF086  }
0x1c: {  	p1 =	slt.u32 s9, $0xF7A;
	s5 =	simm.s32 @!p2 $0x0  }
0x1d: {  	s5 =	simm.s32 @p1 $0x1;
	p0 =	seq.s32 s7, s2  }
0x1e: {  	s7 =	smul.u32 @!p0 $0xF7A, s2;
	p2 =	seq.s32 @!p0 s5, $0x0  }
0x1f: {  	s9 =	smul.u32 $0xF7A, s1;
	s8 =	simm.s32 @!p0 $0x1BF5;
	p2 =	por !p2, p0  }
0x20: {  	[sflag:s8] =	ssyncset.s32 @!p0 $0xFFFFF086;
	s6 =	sadd.s32 @!p0 s3, s7;
	s7 =	simm.s32 @!p0 $0x108  }
0x21: {  	s3 =	sadd.s32 s3, s9;
	s6 =	sadd.s32 @!p0 $0x88, s6;
	s7 =	simm.s32 @p2 $0x1082  }
0x22: {  	[simem:s7], [sflag:s8] =	dma.local @!p0 [hbm:s6], $0xF7A  }
0x23: {  	s9 =	sor.u32 $0xD0000000, s2;
	s6 =	simm.s32 $0x108;
	_ =	swait.ge @!p0 [sflag:s8], $0x0  }
0x24: {  	s3 =	sadd.s32 $0x88, s3;
	s6 =	simm.s32 @!p1 $0x1082;
	[sflag:s4] =	ssyncset.s32 $0xFFFFF086  }
0x25: {  	[simem:s6], [sflag:s4] =	dma.local [hbm:s3], $0xF7A  }
0x26: {  	[smem:$0x3F9B] =	sst s1;
	(tag) =	ssettag s2;
	_ =	strace s9  }
0x27: {  	s1 =	sld [smem:$0x3FAB]  }
0x28: {  	s2 =	sld [smem:$0x3FAC]  }
0x29: {  	s4 =	sld [smem:$0x3FAE]  }
0x2a: {  	p0 =	seq.s32 s5, $0x0;
	s5 =	sld [smem:$0x3FAF]  }
0x2b: {  	s6 =	sld [smem:$0x3FB0]  }
0x2c: {  	s7 =	sld [smem:$0x3FB1]  }
0x2d: {  	s3 =	simm.s32 $0x108;
	s8 =	sld [smem:$0x3FB2]  }
0x2e: {  	s3 =	simm.s32 @!p0 $0x1082;
	s9 =	sld [smem:$0x3FB3]  }
0x2f: {  	lr =	sadd.s32 s0, s3;
	s0 =	sld [smem:$0x3FAA]  }
0x30: {  	s3 =	sld [smem:$0x3FAD]  }
0x31: {  	[smem:$0x3FB6] =	sst s10  }
0x32: {  	s10 =	sld [smem:$0x3FB4];
	_ =	sdelay $0x3  }
0x33: {  	p0 =	seq.s32 s10, $0x1;
	s10 =	sld [smem:$0x3FB6];
	_ =	sdelay $0x3  }
0x34: {  	[smem:$0x3FB6] =	sst s10  }
0x35: {  	s10 =	sld [smem:$0x3FB5];
	_ =	sdelay $0x3  }
0x36: {  	p1 =	seq.s32 s10, $0x1;
	s10 =	sld [smem:$0x3FB6];
	_ =	sdelay $0x3  }
0x37: {  	[smem:$0x3FB6] =	sst s10  }
0x38: {  	s10 =	sld [smem:$0x3FB7]  }
0x39: {  	_ = 	snop;
	(pc) =	sbr.ind lr, $3  }
0x3a: {  	_ = 	snop  }
0x3b: {  	_ = 	snop  }
0x3c: {  	p2 =	seq.s32 s10, $0x1;
	s10 =	sld [smem:$0x3FB6]  }
0x3d: {  	_ =	shalt  }
0x3e: {  	_ =	shalt  }
0x3f: {  	_ =	shalt  }
0x40: {  	_ =	shalt  }
0x41: {  	_ =	shalt  }
0x42: {  	_ =	shalt  }
0x43: {  	_ =	shalt  }
0x44: {  	_ =	shalt  }
0x45: {  	_ =	shalt  }
0x46: {  	_ =	shalt  }
0x47: {  	_ =	shalt  }
0x48: {  	_ =	shalt  }
0x49: {  	_ =	shalt  }
0x4a: {  	_ =	shalt  }
0x4b: {  	_ =	shalt  }
0x4c: {  	_ =	shalt  }
0x4d: {  	_ =	shalt  }
0x4e: {  	_ =	shalt  }
0x4f: {  	_ =	shalt  }
0x50: {  	_ =	shalt  }
0x51: {  	_ =	shalt  }
0x52: {  	_ =	shalt  }
0x53: {  	_ =	shalt  }
0x54: {  	_ =	shalt  }
0x55: {  	_ =	shalt  }
0x56: {  	_ =	shalt  }
0x57: {  	_ =	shalt  }
0x58: {  	_ =	shalt  }
0x59: {  	_ =	shalt  }
0x5a: {  	_ =	shalt  }
0x5b: {  	_ =	shalt  }
0x5c: {  	_ =	shalt  }
0x5d: {  	_ =	shalt  }
0x5e: {  	_ =	shalt  }
0x5f: {  	_ =	shalt  }
0x60: {  	_ =	shalt  }
0x61: {  	_ =	shalt  }
0x62: {  	_ =	shalt  }
0x63: {  	_ =	shalt  }
0x64: {  	_ =	shalt  }
0x65: {  	_ =	shalt  }
0x66: {  	_ =	shalt  }
0x67: {  	_ =	shalt  }
0x68: {  	_ =	shalt  }
0x69: {  	_ =	shalt  }
0x6a: {  	_ =	shalt  }
0x6b: {  	_ =	shalt  }
0x6c: {  	_ =	shalt  }
0x6d: {  	_ =	shalt  }
0x6e: {  	_ =	shalt  }
0x6f: {  	_ =	shalt  }
0x70: {  	_ =	shalt  }
0x71: {  	_ =	shalt  }
0x72: {  	_ =	shalt  }
0x73: {  	_ =	shalt  }
0x74: {  	_ =	shalt  }
0x75: {  	_ =	shalt  }
0x76: {  	_ =	shalt  }
0x77: {  	_ =	shalt  }
0x78: {  	_ =	shalt  }
0x79: {  	_ =	shalt  }
0x7a: {  	_ =	shalt  }
0x7b: {  	_ =	shalt  }
0x7c: {  	_ =	shalt  }
0x7d: {  	_ =	shalt  }
0x7e: {  	_ =	shalt  }
0x7f: {  	_ =	shalt  }
0x80: {  	_ =	shalt  }
0x81: {  	_ =	shalt  }
0x82: {  	_ =	shalt  }
0x83: {  	_ =	shalt  }
0x84: {  	_ =	shalt  }
0x85: {  	_ =	shalt  }
0x86: {  	_ =	shalt  }
0x87: {  	_ =	shalt  }
.Lfunc_end0:
.L_simem_size_0:
called_computation_lowered:
.L_overlay_start_0:
0x88: {  	s2 =	sld [smem:$0x3FD9]  }
0x89: {  	s3 =	sld [smem:$0x3FFE];
	_ =	sdelay $0x1  }
0x8a: {  	s1 =	srdreg.scid  }
0x8b: {  	s0 =	sand.u32 $0x1, s1  }
0x8c: {  	s17 =	sshll.u32 s0, $0xA;
	s2 =	sadd.s32 s3, s2  }
0x8d: {  	s2 =	sadd.s32 s2, s17  }
0x8e: {  	[smem:$0x3FC2] =	sst s2  }
0x8f: {  	_ = 	snop  }
0x90: {  	s2 =	sld [smem:$0x3FD0];
	(tm) =	ssettm $0x1  }
0x91: {  	s18 =	sld [smem:$0x3FFB];
	_ =	sdelay $0x3  }
0x92: {  	_ =	strace s18  }
0x93: {  	s3 =	sld [smem:$0x3FFC];
	_ =	sdelay $0x3  }
0x94: {  	_ =	strace s3  }
0x95: {  	s3 =	sld [smem:$0x3FFD];
	_ =	sdelay $0x3  }
0x96: {  	_ =	strace s3  }
0x97: {  	_ =	strace $0x8FFFFFFF  }
0x98: {  	s19 =	sld [smem:$0x3FDB];
	_ =	sdelay $0x1  }
0x99: {  	s4 =	simm.s32 $_scs_section_size  }
0x9a: {  	s5 =	simm.s32 $_size__tile_overlayer_lowered;
	s6 =	simm.s32 $_tile_overlayer_lowered  }
0x9b: {  	s22 =	simm.s32 $0x1BFF;
	s21 =	sshll.u32 s6, $0x1;
	s3 =	sadd.s32 s4, s19  }
0x9c: {  	s7 =	simm.s32 $0x0;
	s20 =	sshll.u32 s5, $0x1;
	s5 =	sadd.s32 s21, s3  }
0x9d: {  	[timem:s7], [sflag:s22] =	dma.local [hbm:s5], s20  }
0x9e: {  	_ =	swait.ge [sflag:s22], s20  }
0x9f: {  	s4 =	ssub.s32 $0x0, s20;
	[sflag:s22] =	ssyncset.done $0x0  }
0xa0: {  	[sflag:s22] =	ssyncadd.s32 s4;
	_ =	sdelay $0x1  }
0xa1: {  	s23 =	simm.s32 $0x1B8B  }
0xa2: {  	_ =	swait.ge [sflag:s23], $0x1  }
0xa3: {  	[sflag:s23] =	ssyncset.done $0x0  }
0xa4: {  	s25 =	simm.s32 $0x1B8E;
	s24 =	sld [smem:$0x3FFE];
	[sflag:s23] =	ssyncadd.s32 $0xFFFFFFFF  }
0xa5: {  	s26 =	simm.s32 $execute0_lowered;
	[smem:$0x3FD2] =	sst s25  }
0xa6: {  	s5 =	sshll.u32 s26, $0x1;
	_ =	strace $0x80000046;
	[dreg:$0x1] =	wrdreg $0xFFFFFFFF  }
0xa7: {  	s28 =	simm.s32 $_size_execute0_lowered;
	s3 =	sadd.s32 s3, s5;
	[dreg:$0x0] =	wrdreg $0x0  }
0xa8: {  	s5 =	sshll.u32 s28, $0x1;
	[dreg:$0x2] =	wrdreg s3  }
0xa9: {  	[dreg:$0x3] =	wrdreg s5  }
0xaa: {  	[dreg:$0x4] =	wrdreg $0xC0  }
0xab: {  	_ =	task [dreg:s7], $0x5FFFF  }
0xac: {  	[dreg:$0x1] =	wrdreg $0xFFFFFFFF  }
0xad: {  	[dreg:$0x0] =	wrdreg $0x60  }
0xae: {  	[dreg:$0x2] =	wrdreg s2  }
0xaf: {  	[dreg:$0x3] =	wrdreg s24  }
0xb0: {  	[dreg:$0x4] =	wrdreg $0x44000  }
0xb1: {  	[dreg:$0x5] =	wrdreg $0x9  }
0xb2: {  	_ =	task.clear_ibuf [dreg:s7], $0x6FFFF;
	_ =	strace $0x90000046  }
0xb3: {  	s29 =	simm.s32 $0x9;
	_ =	strace $0x80000048  }
0xb4: {  	_ =	swait.ge [sflag:s29], $0x1  }
0xb5: {  	[sflag:s29] =	ssyncadd.s32 $0xFFFFFFFF  }
0xb6: {  	_ =	strace $0x90000048  }
0xb7: {  	_ =	sfence  }
0xb8: {  	s30 =	sld [smem:$0x0];
	_ =	sdelay $0x2  }
0xb9: {  	s31 =	sshll.u32 s1, $0xD;
	s1 =	sshrl.u32 s1, $0x2  }
0xba: {  	s3 =	sand.u32 $0x4000, s31;
	s1 =	sadd.s32 s1, s30  }
0xbb: {  	s0 =	sor.u32 s3, s0;
	s1 =	sshll.u32 s1, $0x11  }
0xbc: {  	s0 =	sor.u32 s1, s0  }
0xbd: {  	s0 =	sadd.s32 $0x8F2B, s0  }
0xbe: {  	[sflag:s0] =	ssyncadd.remote.s32 $0x1  }
0xbf: {  	_ =	sfence.sel $0xFFFF  }
0xc0: {  	[dreg:$0x0] =	wrdreg $0xFFFFFFFF;
	(pc) =	sbr.abs _section_cstart, $3  }
0xc1: {  	[dreg:$0x1] =	wrdreg $0xFFFFFFFF  }
0xc2: {  	_ =	task.clear_ibuf [dreg:s7], $0x2FFFF;
	_ =	strace $0x9FFFFFFF  }
0xc3: {  	(tm) =	ssettm $0x7FFFFFFF  }
tec
execute0_lowered:
.L_overlay_start_1:
0x0: {  	(tag) =	ssettag $0x1  }
0x1: {  	s7 =	rddreg [dreg:$0x0]  }
0x2: {  	s6 =	rddreg [dreg:$0x1]  }
0x3: {  	s2 =	rddreg [dreg:$0x2]  }
0x4: {  	s0 =	rddreg [dreg:$0x3];
	s3 =	simm.s32 $0x0;
	s4 =	srdreg.scid  }
0x5: {  	s1 =	stileid.u32;
	s14 =	simm.s32 $0x4080;
	s15 =	simm.s32 $0x4100  }
0x6: {  	s16 =	simm.s32 $0x4180;
	s17 =	simm.s32 $0x4200;
	s18 =	simm.s32 $0x4280  }
0x7: {  	s19 =	simm.s32 $0x4300;
	s20 =	simm.s32 $0x4380;
	s9 =	smul.u32 $0x2780, s1  }
0x8: {  	s21 =	simm.s32 $0x0;
	[smem:$0x7FF] =	sst s3;
	s12 =	smul.u32 $0x4F000, s1  }
0x9: {  	s8 =	sand.u32 $0x1, s4;
	s4 =	sadd.s32 $0x3200, s6;
	s30 =	smul.u32 $0x500, s1  }
0xa: {  	s5 =	sadd.s32 $0x3A00, s6;
	s29 =	sshll.u32 s1, $0x6;
	s10 =	smul.u32 $0x27800, s8  }
0xb: {  	_ =	strace $0x80000047;
	s11 =	ssub.s32 $0x2, s8;
	s8 =	smul.u32 $0x5000, s8  }
0xc: {  	s26 =	sshrl.u32 s11, $0x1;
	s28 =	sshrl.u32 s12, $0x2;
	s12 =	simm.s32 $0x4000  }
0xd: {  	s9 =	sadd.s32 s9, s10;
	s10 =	ssub.s32 s11, s26;
	s13 =	sadd.s32 s28, s2  }
0xe: {  	s31 =	sadd.s32 s8, s7;
	s11 =	simm.s32 $0x1;
	s9 =	sadd.s32 s9, s6  }
0xf: {  	s6 =	sor.u32 $0x1C01, s29;
	s8 =	smax.u32 s10, $0x1;
	s10 =	sshrl.u32 s13, $0x3  }
0x10: {  	s13 =	simm.s32 $0x80;
	s7 =	sadd.s32 $0x6200, s9;
	s9 =	sadd.s32 s30, s31  }
.LBB2_1:
0x11: {  	[spmem:s10], [sflag:s6] =	dma.local [hbm:s5], $0x2780  }
0x12: {  	_ =	swait.ge [sflag:s11], $0x2780  }
0x13: {  	[sflag:s11] =	ssyncset.done $0x0  }
0x14: {  	[sflag:s11] =	ssyncadd.s32 $0xFFFFD880  }
0x15: {  	[tilespmem:s3], [sflag:$0x1] =	stream.linear.gather [hbm4b:s4+s3], $0x4000, $0x38;
	[tilespmem:$0x18000] =	vst v63  }
0x16: {  	_ =	swait.ge [sflag:s11], $0x4000  }
0x17: {  	[sflag:s11] =	ssyncset.done $0x0  }
0x18: {  	[sflag:s11] =	ssyncadd.s32 $0xFFFFC000  }
0x19: {  	s22 =	sadd.s32 $0x0, s9;
	[bflag:$0x0] =	sbarrier.arrive $0xFFFF  }
0x1a: {  	[tilespmem:s12], [sflag:$0x1] =	stream.linear.gather [hbm4b:s22+s3], $0x400, $0x38;
	[tilespmem:$0x18000] =	vst v63  }
0x1b: {  	_ =	swait.ge [sflag:s11], $0x400  }
0x1c: {  	[sflag:s11] =	ssyncset.done $0x0  }
0x1d: {  	[sflag:s11] =	ssyncadd.s32 $0xFFFFFC00  }
0x1e: {  	[spmem:s2] =	stream.indirect.scatter.add.f32 [tilespmem:s3], [sflag:$0x1], $0x80, s12, s13, $0xb8;
	[tilespmem:$0x18000] =	vst v63  }
0x1f: {  	_ =	swait.ge [sflag:s11], $0x4000  }
0x20: {  	[sflag:s11] =	ssyncset.done $0x0  }
0x21: {  	[sflag:s11] =	ssyncadd.s32 $0xFFFFC000  }
0x22: {  	[spmem:s2] =	stream.indirect.scatter.add.f32 [tilespmem:s3], [sflag:$0x1], $0x80, s14, s13, $0xb8;
	[tilespmem:$0x18000] =	vst v63  }
0x23: {  	_ =	swait.ge [sflag:s11], $0x4000  }
0x24: {  	[sflag:s11] =	ssyncset.done $0x0  }
0x25: {  	[sflag:s11] =	ssyncadd.s32 $0xFFFFC000  }
0x26: {  	[spmem:s2] =	stream.indirect.scatter.add.f32 [tilespmem:s3], [sflag:$0x1], $0x80, s15, s13, $0xb8;
	[tilespmem:$0x18000] =	vst v63  }
0x27: {  	_ =	swait.ge [sflag:s11], $0x4000  }
0x28: {  	[sflag:s11] =	ssyncset.done $0x0  }
0x29: {  	[sflag:s11] =	ssyncadd.s32 $0xFFFFC000  }
0x2a: {  	[spmem:s2] =	stream.indirect.scatter.add.f32 [tilespmem:s3], [sflag:$0x1], $0x80, s16, s13, $0xb8;
	[tilespmem:$0x18000] =	vst v63  }
0x2b: {  	_ =	swait.ge [sflag:s11], $0x4000  }
0x2c: {  	[sflag:s11] =	ssyncset.done $0x0  }
0x2d: {  	[sflag:s11] =	ssyncadd.s32 $0xFFFFC000  }
0x2e: {  	[spmem:s2] =	stream.indirect.scatter.add.f32 [tilespmem:s3], [sflag:$0x1], $0x80, s17, s13, $0xb8;
	[tilespmem:$0x18000] =	vst v63  }
0x2f: {  	_ =	swait.ge [sflag:s11], $0x4000  }
0x30: {  	[sflag:s11] =	ssyncset.done $0x0  }
0x31: {  	[sflag:s11] =	ssyncadd.s32 $0xFFFFC000  }
0x32: {  	[spmem:s2] =	stream.indirect.scatter.add.f32 [tilespmem:s3], [sflag:$0x1], $0x80, s18, s13, $0xb8;
	[tilespmem:$0x18000] =	vst v63  }
0x33: {  	_ =	swait.ge [sflag:s11], $0x4000  }
0x34: {  	[sflag:s11] =	ssyncset.done $0x0  }
0x35: {  	[sflag:s11] =	ssyncadd.s32 $0xFFFFC000  }
0x36: {  	[spmem:s2] =	stream.indirect.scatter.add.f32 [tilespmem:s3], [sflag:$0x1], $0x80, s19, s13, $0xb8;
	[tilespmem:$0x18000] =	vst v63  }
0x37: {  	_ =	swait.ge [sflag:s11], $0x4000  }
0x38: {  	[sflag:s11] =	ssyncset.done $0x0  }
0x39: {  	[sflag:s11] =	ssyncadd.s32 $0xFFFFC000  }
0x3a: {  	[spmem:s2] =	stream.indirect.scatter.add.f32 [tilespmem:s3], [sflag:$0x1], $0x80, s20, s13, $0xb8;
	[tilespmem:$0x18000] =	vst v63  }
0x3b: {  	_ =	swait.ge [sflag:s11], $0x4000  }
0x3c: {  	s24 =	simm.s32 $0x100;
	s22 =	simm.s32 $0x80;
	[sflag:s11] =	ssyncset.done $0x0  }
.LBB2_2:
0x3d: {  	s25 =	sadd.s32 s22, s9  }
0x3e: {  	[sflag:s11] =	ssyncadd.s32 $0xFFFFC000;
	s22 =	smov.u32 s24;
	s23 =	sadd.s32 $0x80, s24  }
0x3f: {  	[tilespmem:s12], [sflag:$0x1] =	stream.linear.gather [hbm4b:s25+s3], $0x400, $0x38;
	[tilespmem:$0x18000] =	vst v63  }
0x40: {  	p0 =	sne.s32 s24, $0x480;
	_ =	swait.ge [sflag:s11], $0x400  }
0x41: {  	[sflag:s11] =	ssyncset.done $0x0  }
0x42: {  	[sflag:s11] =	ssyncadd.s32 $0xFFFFFC00  }
0x43: {  	[spmem:s2] =	stream.indirect.scatter.add.f32 [tilespmem:s3], [sflag:$0x1], $0x80, s12, s13, $0xb8;
	[tilespmem:$0x18000] =	vst v63  }
0x44: {  	_ =	swait.ge [sflag:s11], $0x4000  }
0x45: {  	[sflag:s11] =	ssyncset.done $0x0  }
0x46: {  	[sflag:s11] =	ssyncadd.s32 $0xFFFFC000  }
0x47: {  	[spmem:s2] =	stream.indirect.scatter.add.f32 [tilespmem:s3], [sflag:$0x1], $0x80, s14, s13, $0xb8;
	[tilespmem:$0x18000] =	vst v63  }
0x48: {  	_ =	swait.ge [sflag:s11], $0x4000  }
0x49: {  	[sflag:s11] =	ssyncset.done $0x0  }
0x4a: {  	[sflag:s11] =	ssyncadd.s32 $0xFFFFC000  }
0x4b: {  	[spmem:s2] =	stream.indirect.scatter.add.f32 [tilespmem:s3], [sflag:$0x1], $0x80, s15, s13, $0xb8;
	[tilespmem:$0x18000] =	vst v63  }
0x4c: {  	_ =	swait.ge [sflag:s11], $0x4000  }
0x4d: {  	[sflag:s11] =	ssyncset.done $0x0  }
0x4e: {  	[sflag:s11] =	ssyncadd.s32 $0xFFFFC000  }
0x4f: {  	[spmem:s2] =	stream.indirect.scatter.add.f32 [tilespmem:s3], [sflag:$0x1], $0x80, s16, s13, $0xb8;
	[tilespmem:$0x18000] =	vst v63  }
0x50: {  	_ =	swait.ge [sflag:s11], $0x4000  }
0x51: {  	[sflag:s11] =	ssyncset.done $0x0  }
0x52: {  	[sflag:s11] =	ssyncadd.s32 $0xFFFFC000  }
0x53: {  	[spmem:s2] =	stream.indirect.scatter.add.f32 [tilespmem:s3], [sflag:$0x1], $0x80, s17, s13, $0xb8;
	[tilespmem:$0x18000] =	vst v63  }
0x54: {  	_ =	swait.ge [sflag:s11], $0x4000  }
0x55: {  	[sflag:s11] =	ssyncset.done $0x0  }
0x56: {  	[sflag:s11] =	ssyncadd.s32 $0xFFFFC000  }
0x57: {  	[spmem:s2] =	stream.indirect.scatter.add.f32 [tilespmem:s3], [sflag:$0x1], $0x80, s18, s13, $0xb8;
	[tilespmem:$0x18000] =	vst v63  }
0x58: {  	_ =	swait.ge [sflag:s11], $0x4000  }
0x59: {  	[sflag:s11] =	ssyncset.done $0x0  }
0x5a: {  	[sflag:s11] =	ssyncadd.s32 $0xFFFFC000  }
0x5b: {  	[spmem:s2] =	stream.indirect.scatter.add.f32 [tilespmem:s3], [sflag:$0x1], $0x80, s19, s13, $0xb8;
	[tilespmem:$0x18000] =	vst v63  }
0x5c: {  	_ =	swait.ge [sflag:s11], $0x4000  }
.Ltmp0:
0x5d: {  	[sflag:s11] =	ssyncset.done $0x0;
	(pc) =	sbr.rel @p0 .LBB2_2-.Ltmp0, $4  }
0x5e: {  	[sflag:s11] =	ssyncadd.s32 $0xFFFFC000  }
0x5f: {  	[spmem:s2] =	stream.indirect.scatter.add.f32 [tilespmem:s3], [sflag:$0x1], $0x80, s20, s13, $0xb8;
	[tilespmem:$0x18000] =	vst v63  }
0x60: {  	_ =	swait.ge [sflag:s11], $0x4000  }
0x61: {  	s24 =	smov.u32 s23;
	[sflag:s11] =	ssyncset.done $0x0  }
0x62: {  	s22 =	sadd.s32 s22, s9;
	[sflag:s11] =	ssyncadd.s32 $0xFFFFC000  }
0x63: {  	[tilespmem:s12], [sflag:$0x1] =	stream.linear.gather [hbm4b:s22+s3], $0x400, $0x38;
	[tilespmem:$0x18000] =	vst v63  }
0x64: {  	_ =	swait.ge [sflag:s11], $0x400  }
0x65: {  	[sflag:s11] =	ssyncset.done $0x0  }
0x66: {  	[sflag:s11] =	ssyncadd.s32 $0xFFFFFC00  }
0x67: {  	[spmem:s2] =	stream.indirect.scatter.add.f32 [tilespmem:s3], [sflag:$0x1], $0x80, s12, s13, $0xb8;
	[tilespmem:$0x18000] =	vst v63  }
0x68: {  	_ =	swait.ge [sflag:s11], $0x4000  }
0x69: {  	[sflag:s11] =	ssyncset.done $0x0  }
0x6a: {  	[sflag:s11] =	ssyncadd.s32 $0xFFFFC000  }
0x6b: {  	[spmem:s2] =	stream.indirect.scatter.add.f32 [tilespmem:s3], [sflag:$0x1], $0x80, s14, s13, $0xb8;
	[tilespmem:$0x18000] =	vst v63  }
0x6c: {  	_ =	swait.ge [sflag:s11], $0x4000  }
0x6d: {  	[sflag:s11] =	ssyncset.done $0x0  }
0x6e: {  	[sflag:s11] =	ssyncadd.s32 $0xFFFFC000  }
0x6f: {  	[spmem:s2] =	stream.indirect.scatter.add.f32 [tilespmem:s3], [sflag:$0x1], $0x80, s15, s13, $0xb8;
	[tilespmem:$0x18000] =	vst v63  }
0x70: {  	_ =	swait.ge [sflag:s11], $0x4000  }
0x71: {  	[sflag:s11] =	ssyncset.done $0x0  }
0x72: {  	[sflag:s11] =	ssyncadd.s32 $0xFFFFC000  }
0x73: {  	[spmem:s2] =	stream.indirect.scatter.add.f32 [tilespmem:s3], [sflag:$0x1], $0x80, s16, s13, $0xb8;
	[tilespmem:$0x18000] =	vst v63  }
0x74: {  	_ =	swait.ge [sflag:s11], $0x4000  }
0x75: {  	[sflag:s11] =	ssyncset.done $0x0  }
0x76: {  	[sflag:s11] =	ssyncadd.s32 $0xFFFFC000  }
0x77: {  	[spmem:s2] =	stream.indirect.scatter.add.f32 [tilespmem:s3], [sflag:$0x1], $0x80, s17, s13, $0xb8;
	[tilespmem:$0x18000] =	vst v63  }
0x78: {  	_ =	swait.ge [sflag:s11], $0x4000  }
0x79: {  	[sflag:s11] =	ssyncset.done $0x0  }
0x7a: {  	[sflag:s11] =	ssyncadd.s32 $0xFFFFC000  }
0x7b: {  	[spmem:s2] =	stream.indirect.scatter.add.f32 [tilespmem:s3], [sflag:$0x1], $0x80, s18, s13, $0xb8;
	[tilespmem:$0x18000] =	vst v63  }
0x7c: {  	_ =	swait.ge [sflag:s11], $0x4000  }
0x7d: {  	[sflag:s11] =	ssyncset.done $0x0  }
0x7e: {  	[sflag:s11] =	ssyncadd.s32 $0xFFFFC000  }
0x7f: {  	[spmem:s2] =	stream.indirect.scatter.add.f32 [tilespmem:s3], [sflag:$0x1], $0x80, s19, s13, $0xb8;
	[tilespmem:$0x18000] =	vst v63  }
0x80: {  	_ =	swait.ge [sflag:s11], $0x4000  }
0x81: {  	[sflag:s11] =	ssyncset.done $0x0  }
0x82: {  	[sflag:s11] =	ssyncadd.s32 $0xFFFFC000  }
0x83: {  	[spmem:s2] =	stream.indirect.scatter.add.f32 [tilespmem:s3], [sflag:$0x1], $0x80, s20, s13, $0xb8;
	[tilespmem:$0x18000] =	vst v63  }
0x84: {  	_ =	swait.ge [sflag:s11], $0x4000  }
0x85: {  	s21 =	sadd.s32 $0x1, s21;
	[sflag:s11] =	ssyncset.done $0x0  }
0x86: {  	p0 =	sne.s32 s21, s8;
	[sflag:s11] =	ssyncadd.s32 $0xFFFFC000  }
.Ltmp1:
0x87: {  	[bflag:$0x0] =	sbarrier.arrive $0xFFFF;
	(pc) =	sbr.rel @p0 .LBB2_1-.Ltmp1, $4  }
0x88: {  	[hbm:s7], [sflag:s6] =	dma.local [spmem:s10], $0x2780  }
0x89: {  	_ =	swait.ge [sflag:s11], $0x2780  }
0x8a: {  	[sflag:s11] =	ssyncset.done $0x0  }
0x8b: {  	[sflag:s11] =	ssyncadd.s32 $0xFFFFD880  }
0x8c: {  	_ =	sfence.sel $0x180000  }
0x8d: {  	[bflag:$0x0] =	sbarrier.arrive $0xFFFF  }
0x8e: {  	p0 =	sne.s32 s1, $0x0;
	_ =	strace $0x90000047  }
0x8f: {  	s0 =	sadd.s32 @!p0 $0x100000, s0;
	[bflag:$0x2] =	sbarrier.arrive $0xFFFF  }
0x90: {  	[sflag:s0] =	ssyncadd.tile.s32 @!p0 $0x1;
	_ =	shalt  }
.Lfunc_end2:
_tile_overlayer_lowered:
.L_overlay_start_2:
0x91: {  	(tag) =	ssettag $0x2  }
0x92: {  	s0 =	rddreg [dreg:$0x0];
	s2 =	stileid.u32  }
0x93: {  	s1 =	rddreg [dreg:$0x1];
	p0 =	sne.s32 s2, $0x0  }
0x94: {  	s3 =	rddreg [dreg:$0x2];
	[bflag:$0x3] =	sbarrier.arrive $0xFFFF;
	s2 =	simm.s32 @!p0 $0x1C01  }
0x95: {  	[timem:s3], [sflag:s2] =	dma.local @!p0 [hbm:s0], s1  }
0x96: {  	s0 =	simm.s32 @!p0 $0x1  }
0x97: {  	_ =	swait.ge @!p0 [sflag:s0], s1  }
0x98: {  	s1 =	ssub.s32 @!p0 $0x0, s1;
	[sflag:s0] =	ssyncset.done @!p0 $0x0  }
0x99: {  	[sflag:s0] =	ssyncadd.s32 @!p0 s1  }
0x9a: {  	[bflag:$0x3] =	sbarrier.arrive $0xFFFF  }
0x9b: {  	_ =	shalt  }

</sc_bundles>
